<compile_context>
chip_gen: v7x
topology: tpu7x:2x2x1
jax: 0.10.2.dev20260603
libtpu: 0.0.44.dev20260713+nightly
codegen_flags: <defaults>
</compile_context>

<pallas_src>
import functools
import jax
import jax.numpy as jnp
from jax import lax
from jax.experimental import pallas as pl
from jax.experimental.pallas import tpu as pltpu, tpu_sc as plsc

V_DIM = 32
NC, NS = 2, 16
NW = NC * NS
NBUF = 2
CB = 128


@functools.lru_cache(maxsize=None)
def _make_sc_kernel(B, L, DEG_ROWS):
    assert B == NW * CB
    mesh = plsc.VectorSubcoreMesh(core_axis_name="c", subcore_axis_name="s")

    @functools.partial(
        pl.kernel,
        out_type=jax.ShapeDtypeStruct((L, V_DIM, B), jnp.float32),
        mesh=mesh,
        scratch_types=[
            pltpu.VMEM((L, CB), jnp.int32),
            pltpu.VMEM((L, CB), jnp.int32),
            pltpu.VMEM((L, CB), jnp.int32),
            pltpu.VMEM((NBUF, CB, V_DIM), jnp.float32),
            pltpu.VMEM((NBUF, V_DIM, CB), jnp.float32),
            pltpu.VMEM((DEG_ROWS, V_DIM), jnp.float32),
            [pltpu.SemaphoreType.DMA] * NBUF,
            [pltpu.SemaphoreType.DMA] * NBUF,
        ],
        compiler_params=pltpu.CompilerParams(
            use_tc_tiling_on_sc=False, needs_layout_passes=False),
    )
    def k(vidx_hbm, pos_hbm, deg_hbm, Wv, Wp, Wd, out_hbm,
          iv, ip, idg, rows, tbuf, deg_tab, sa, sw):
        wid = lax.axis_index("s") * NC + lax.axis_index("c")
        base = wid * CB
        pltpu.sync_copy(Wd, deg_tab)
        pltpu.sync_copy(vidx_hbm.at[:, pl.ds(base, CB)], iv)
        pltpu.sync_copy(pos_hbm.at[:, pl.ds(base, CB)], ip)
        pltpu.sync_copy(deg_hbm.at[:, pl.ds(base, CB)], idg)

        def zero_rows(p):
            buf = rows.at[p]
            vz = jnp.zeros((16,), jnp.float32)

            def grp(g, carry):
                for j in range(8):
                    r = g * 4 + j // 2
                    buf[r, pl.ds((j % 2) * 16, 16)] = vz
                return carry

            lax.fori_loop(0, CB // 4, grp, 0)

        def transpose(s, p):
            src = rows.at[p]
            dst = tbuf.at[p]
            lanes = lax.iota(jnp.int32, 16)
            cvecs = [(c0 + lanes) & (V_DIM - 1) for c0 in range(V_DIM)]

            def grp(g, carry):
                bvec = g * 16 + lanes
                ixv = idg[s, pl.ds(g * 16, 16)]
                for c0 in range(V_DIM):
                    v = plsc.load_gather(src, [bvec, cvecs[c0]])
                    vd = plsc.load_gather(deg_tab, [ixv, cvecs[c0]])
                    plsc.store_scatter(dst, [cvecs[c0], bvec], v + vd)
                return carry

            lax.fori_loop(0, CB // 16, grp, 0)

        def fire_adds(s, p):
            dst = rows.at[p]
            pltpu.async_copy(Wv.at[iv.at[s]], dst, sa[p], add=True)
            pltpu.async_copy(Wp.at[ip.at[s]], dst, sa[p], add=True)

        def wait_adds(s, p):
            dst = rows.at[p]
            pltpu.make_async_copy(Wv.at[iv.at[s]], dst, sa[p]).wait()
            pltpu.make_async_copy(Wp.at[ip.at[s]], dst, sa[p]).wait()

        def fire_wb(s, p):
            pltpu.async_copy(tbuf.at[p], out_hbm.at[s, :, pl.ds(base, CB)],
                             sw[p])

        def wait_wb(p):
            pltpu.make_async_copy(
                tbuf.at[p], out_hbm.at[0, :, pl.ds(base, CB)], sw[p]).wait()

        def step(s, u):
            p = u % NBUF
            q = (u + NBUF - 1) % NBUF
            @pl.when(s >= NBUF)
            def _():
                wait_wb(p)

            zero_rows(p)
            fire_adds(s, p)
            @pl.when(s >= 1)
            def _():
                wait_adds(s - 1, q)
                transpose(s - 1, q)
                fire_wb(s - 1, q)

        def round_(g, carry):
            for u in range(NBUF):
                step(g * NBUF + u, u)
            return carry

        lax.fori_loop(0, L // NBUF, round_, 0)
        p_last = (L - 1) % NBUF
        wait_adds(L - 1, p_last)
        transpose(L - 1, p_last)
        fire_wb(L - 1, p_last)
        for p in range(NBUF):
            wait_wb(p)

    return k


def kernel(vidx, pos, deg, W_vidx, W_pos, W_deg):
    B, L = vidx.shape
    out_t = _make_sc_kernel(B, L, W_deg.shape[0])(
        vidx.T, pos.T, deg.T, W_vidx, W_pos, W_deg)
    return jnp.transpose(out_t, (2, 0, 1))

# --- scband reference (transcript-rebuilt; emitter-appended) ---
"""Pipeline reference for scband-v-feat-23347442221503 (READ-ONLY COPY).

The authoritative reference and input builder live on the scoring server;
editing this copy changes nothing except your own understanding.
"""

import jax, jax.numpy as jnp
import numpy as np

V_DIM = 32
NODE_NUM = 1000
BIN_NUM = 100000
MAX_POS = NODE_NUM * NODE_NUM // 2 + 50  # 500050; table size MAX_POS+1
B, L = 4096, 200


def setup_inputs(seed: int = 0) -> dict:
    key = jax.random.key(seed)
    k1, k2, k3, k4, k5, k6 = jax.random.split(key, 6)
    vidx = jax.random.randint(k1, (B, L), 0, BIN_NUM, dtype=jnp.int64 if jax.config.jax_enable_x64 else jnp.int32)
    pos = jax.random.randint(k2, (B, L), 0, MAX_POS + 1, dtype=jnp.int64 if jax.config.jax_enable_x64 else jnp.int32)
    deg = jax.random.randint(k3, (B, L), 0, NODE_NUM, dtype=jnp.int64 if jax.config.jax_enable_x64 else jnp.int32)
    # Embedding tables (nn.Embedding init ~ N(0,1))
    W_vidx = jax.random.normal(k4, (BIN_NUM, V_DIM), dtype=jnp.float32)
    W_pos = jax.random.normal(k5, (MAX_POS + 1, V_DIM), dtype=jnp.float32)
    W_deg = jax.random.normal(k6, (NODE_NUM, V_DIM), dtype=jnp.float32)
    return {"vidx": vidx, "pos": pos, "deg": deg, "W_vidx": W_vidx, "W_pos": W_pos, "W_deg": W_deg}


def reference(vidx, pos, deg, W_vidx, W_pos, W_deg):
    # Faithful translation of V_feat.forward: three embedding gathers + elementwise sum
    h_vidx = jnp.take(W_vidx, vidx, axis=0)
    h_pos = jnp.take(W_pos, pos, axis=0)
    h_deg = jnp.take(W_deg, deg, axis=0)
    H = h_vidx + h_pos + h_deg
    return H

if __name__ == "__main__":
    import jax
    _d = setup_inputs()
    print(jax.jit(kernel)(*tuple(_d.values())))

</pallas_src>

<mosaic_0001>
#map = affine_map<(d0, d1) -> (0, 0)>
#map1 = affine_map<(d0, d1) -> (0, 0, 0)>
module attributes {stable_mosaic.version = 14 : i64} {
  func.func @k(%arg0: i32, %arg1: i32, %arg2: memref<200x4096xi32, #tpu.memory_space<hbm>>, %arg3: memref<200x4096xi32, #tpu.memory_space<hbm>>, %arg4: memref<200x4096xi32, #tpu.memory_space<hbm>>, %arg5: memref<100000x32xf32, #tpu.memory_space<hbm>>, %arg6: memref<500051x32xf32, #tpu.memory_space<hbm>>, %arg7: memref<1000x32xf32, #tpu.memory_space<hbm>>, %arg8: memref<200x32x4096xf32, #tpu.memory_space<hbm>>, %arg9: memref<200x128xi32, #tpu.memory_space<vmem>>, %arg10: memref<200x128xi32, #tpu.memory_space<vmem>>, %arg11: memref<200x128xi32, #tpu.memory_space<vmem>>, %arg12: memref<2x128x32xf32, #tpu.memory_space<vmem>>, %arg13: memref<2x32x128xf32, #tpu.memory_space<vmem>>, %arg14: memref<1000x32xf32, #tpu.memory_space<vmem>>, %arg15: memref<!tpu.dma_semaphore, #tpu.memory_space<semaphore_mem>>, %arg16: memref<!tpu.dma_semaphore, #tpu.memory_space<semaphore_mem>>, %arg17: memref<!tpu.dma_semaphore, #tpu.memory_space<semaphore_mem>>, %arg18: memref<!tpu.dma_semaphore, #tpu.memory_space<semaphore_mem>>) attributes {dimension_semantics = [#tpu.dimension_semantics<core_parallel>, #tpu.dimension_semantics<subcore_parallel>], iteration_bounds = array<i64: 2, 16>, scalar_prefetch = 0 : i64, scratch_operands = 10 : i64, tpu.core_type = #tpu.core_type<sc_vector_subcore>, window_params = [{transform_indices = #map}, {transform_indices = #map}, {transform_indices = #map}, {transform_indices = #map}, {transform_indices = #map}, {transform_indices = #map}, {transform_indices = #map1}]} {
    %mul3A = arith.constant 2 : i32
    %mul3A_0 = arith.muli %arg1, %mul3A : i32
    %add3A = arith.addi %mul3A_0, %arg0 : i32
    %mul3A_1 = arith.constant 128 : i32
    %mul3A_2 = arith.muli %add3A, %mul3A_1 : i32
    "tpu.region"() ({
      %run_scoped3A = tpu.sem_alloc : memref<!tpu.dma_semaphore, #tpu.memory_space<semaphore_mem>>
      tpu.enqueue_dma source(%arg7 : memref<1000x32xf32, #tpu.memory_space<hbm>>) target(%arg14 : memref<1000x32xf32, #tpu.memory_space<vmem>>) target_semaphore(%run_scoped3A : memref<!tpu.dma_semaphore, #tpu.memory_space<semaphore_mem>>)
      tpu.wait_dma2 semaphore(%run_scoped3A : memref<!tpu.dma_semaphore, #tpu.memory_space<semaphore_mem>>) src(%arg7 : memref<1000x32xf32, #tpu.memory_space<hbm>>) dst(%arg14 : memref<1000x32xf32, #tpu.memory_space<vmem>>)
      tpu.yield
    }) : () -> ()
    "tpu.region"() ({
      %run_scoped3A = tpu.sem_alloc : memref<!tpu.dma_semaphore, #tpu.memory_space<semaphore_mem>>
      %dma_start3A_277 = arith.constant 0 : i32
      %dma_start3A_278 = tpu.memref_slice %arg2[%dma_start3A_277, %mul3A_2] : memref<200x4096xi32, #tpu.memory_space<hbm>> -> memref<200x128xi32, #tpu.memory_space<hbm>>
      %dma_start3A_279 = arith.constant 0 : i32
      %dma_start3A_280 = tpu.memref_slice %arg2[%dma_start3A_279, %mul3A_2] : memref<200x4096xi32, #tpu.memory_space<hbm>> -> memref<200x128xi32, #tpu.memory_space<hbm>>
      tpu.enqueue_dma source(%dma_start3A_280 : memref<200x128xi32, #tpu.memory_space<hbm>>) target(%arg9 : memref<200x128xi32, #tpu.memory_space<vmem>>) target_semaphore(%run_scoped3A : memref<!tpu.dma_semaphore, #tpu.memory_space<semaphore_mem>>)
      %dma_wait3A_281 = arith.constant 0 : i32
      %dma_wait3A_282 = tpu.memref_slice %arg2[%dma_wait3A_281, %mul3A_2] : memref<200x4096xi32, #tpu.memory_space<hbm>> -> memref<200x128xi32, #tpu.memory_space<hbm>>
      %dma_wait3A_283 = arith.constant 0 : i32
      %dma_wait3A_284 = tpu.memref_slice %arg2[%dma_wait3A_283, %mul3A_2] : memref<200x4096xi32, #tpu.memory_space<hbm>> -> memref<200x128xi32, #tpu.memory_space<hbm>>
      tpu.wait_dma2 semaphore(%run_scoped3A : memref<!tpu.dma_semaphore, #tpu.memory_space<semaphore_mem>>) src(%dma_wait3A_284 : memref<200x128xi32, #tpu.memory_space<hbm>>) dst(%arg9 : memref<200x128xi32, #tpu.memory_space<vmem>>)
      tpu.yield
    }) : () -> ()
    "tpu.region"() ({
      %run_scoped3A = tpu.sem_alloc : memref<!tpu.dma_semaphore, #tpu.memory_space<semaphore_mem>>
      %dma_start3A_277 = arith.constant 0 : i32
      %dma_start3A_278 = tpu.memref_slice %arg3[%dma_start3A_277, %mul3A_2] : memref<200x4096xi32, #tpu.memory_space<hbm>> -> memref<200x128xi32, #tpu.memory_space<hbm>>
      %dma_start3A_279 = arith.constant 0 : i32
      %dma_start3A_280 = tpu.memref_slice %arg3[%dma_start3A_279, %mul3A_2] : memref<200x4096xi32, #tpu.memory_space<hbm>> -> memref<200x128xi32, #tpu.memory_space<hbm>>
      tpu.enqueue_dma source(%dma_start3A_280 : memref<200x128xi32, #tpu.memory_space<hbm>>) target(%arg10 : memref<200x128xi32, #tpu.memory_space<vmem>>) target_semaphore(%run_scoped3A : memref<!tpu.dma_semaphore, #tpu.memory_space<semaphore_mem>>)
      %dma_wait3A_281 = arith.constant 0 : i32
      %dma_wait3A_282 = tpu.memref_slice %arg3[%dma_wait3A_281, %mul3A_2] : memref<200x4096xi32, #tpu.memory_space<hbm>> -> memref<200x128xi32, #tpu.memory_space<hbm>>
      %dma_wait3A_283 = arith.constant 0 : i32
      %dma_wait3A_284 = tpu.memref_slice %arg3[%dma_wait3A_283, %mul3A_2] : memref<200x4096xi32, #tpu.memory_space<hbm>> -> memref<200x128xi32, #tpu.memory_space<hbm>>
      tpu.wait_dma2 semaphore(%run_scoped3A : memref<!tpu.dma_semaphore, #tpu.memory_space<semaphore_mem>>) src(%dma_wait3A_284 : memref<200x128xi32, #tpu.memory_space<hbm>>) dst(%arg10 : memref<200x128xi32, #tpu.memory_space<vmem>>)
      tpu.yield
    }) : () -> ()
    "tpu.region"() ({
      %run_scoped3A = tpu.sem_alloc : memref<!tpu.dma_semaphore, #tpu.memory_space<semaphore_mem>>
      %dma_start3A_277 = arith.constant 0 : i32
      %dma_start3A_278 = tpu.memref_slice %arg4[%dma_start3A_277, %mul3A_2] : memref<200x4096xi32, #tpu.memory_space<hbm>> -> memref<200x128xi32, #tpu.memory_space<hbm>>
      %dma_start3A_279 = arith.constant 0 : i32
      %dma_start3A_280 = tpu.memref_slice %arg4[%dma_start3A_279, %mul3A_2] : memref<200x4096xi32, #tpu.memory_space<hbm>> -> memref<200x128xi32, #tpu.memory_space<hbm>>
      tpu.enqueue_dma source(%dma_start3A_280 : memref<200x128xi32, #tpu.memory_space<hbm>>) target(%arg11 : memref<200x128xi32, #tpu.memory_space<vmem>>) target_semaphore(%run_scoped3A : memref<!tpu.dma_semaphore, #tpu.memory_space<semaphore_mem>>)
      %dma_wait3A_281 = arith.constant 0 : i32
      %dma_wait3A_282 = tpu.memref_slice %arg4[%dma_wait3A_281, %mul3A_2] : memref<200x4096xi32, #tpu.memory_space<hbm>> -> memref<200x128xi32, #tpu.memory_space<hbm>>
      %dma_wait3A_283 = arith.constant 0 : i32
      %dma_wait3A_284 = tpu.memref_slice %arg4[%dma_wait3A_283, %mul3A_2] : memref<200x4096xi32, #tpu.memory_space<hbm>> -> memref<200x128xi32, #tpu.memory_space<hbm>>
      tpu.wait_dma2 semaphore(%run_scoped3A : memref<!tpu.dma_semaphore, #tpu.memory_space<semaphore_mem>>) src(%dma_wait3A_284 : memref<200x128xi32, #tpu.memory_space<hbm>>) dst(%arg11 : memref<200x128xi32, #tpu.memory_space<vmem>>)
      tpu.yield
    }) : () -> ()
    %scan3A = arith.constant 0 : i32
    %scan3A_3 = arith.constant 0 : i32
    %scan3A_4 = arith.constant 100 : i32
    %scan3A_5 = arith.addi %scan3A_3, %scan3A_4 : i32
    %scan3A_6 = arith.constant 1 : i32
    scf.for %scan3A_277 = %scan3A_3 to %scan3A_5 step %scan3A_6  : i32 {
      %mul3A_278 = arith.constant 2 : i32
      %mul3A_279 = arith.muli %scan3A_277, %mul3A_278 : i32
      %add3A_280 = arith.constant 0 : i32
      %add3A_281 = arith.addi %mul3A_279, %add3A_280 : i32
      %ge3A = arith.constant 2 : i32
      %ge3A_282 = arith.cmpi sge, %add3A_281, %ge3A : i32
      %convert_element_type3A = arith.extui %ge3A_282 : i1 to i32
      %cond3A = arith.constant 0 : i32
      %cond3A_283 = arith.cmpi ne, %convert_element_type3A, %cond3A : i32
      scf.if %cond3A_283 {
        %dma_wait3A_364 = arith.constant 0 : i32
        %dma_wait3A_365 = arith.constant 0 : i32
        %dma_wait3A_366 = arith.constant 0 : i32
        %dma_wait3A_367 = arith.constant 0 : i32
        %dma_wait3A_368 = tpu.memref_slice %arg13[%dma_wait3A_364, %dma_wait3A_366, %dma_wait3A_367] : memref<2x32x128xf32, #tpu.memory_space<vmem>> -> memref<1x32x128xf32, #tpu.memory_space<vmem>>
        %dma_wait3A_369 = tpu.memref_squeeze %dma_wait3A_368 : memref<1x32x128xf32, #tpu.memory_space<vmem>> -> memref<32x128xf32, #tpu.memory_space<vmem>>
        %dma_wait3A_370 = arith.constant 0 : i32
        %dma_wait3A_371 = tpu.memref_slice %arg8[%dma_wait3A_365, %dma_wait3A_370, %mul3A_2] : memref<200x32x4096xf32, #tpu.memory_space<hbm>> -> memref<1x32x128xf32, #tpu.memory_space<hbm>>
        %dma_wait3A_372 = tpu.memref_squeeze %dma_wait3A_371 : memref<1x32x128xf32, #tpu.memory_space<hbm>> -> memref<32x128xf32, #tpu.memory_space<hbm>>
        %dma_wait3A_373 = arith.constant 0 : i32
        %dma_wait3A_374 = tpu.memref_slice %arg8[%dma_wait3A_365, %dma_wait3A_373, %mul3A_2] : memref<200x32x4096xf32, #tpu.memory_space<hbm>> -> memref<1x32x128xf32, #tpu.memory_space<hbm>>
        %dma_wait3A_375 = tpu.memref_squeeze %dma_wait3A_374 : memref<1x32x128xf32, #tpu.memory_space<hbm>> -> memref<32x128xf32, #tpu.memory_space<hbm>>
        %dma_wait3A_376 = arith.constant 0 : i32
        %dma_wait3A_377 = arith.constant 0 : i32
        %dma_wait3A_378 = tpu.memref_slice %arg13[%dma_wait3A_364, %dma_wait3A_376, %dma_wait3A_377] : memref<2x32x128xf32, #tpu.memory_space<vmem>> -> memref<1x32x128xf32, #tpu.memory_space<vmem>>
        %dma_wait3A_379 = tpu.memref_squeeze %dma_wait3A_378 : memref<1x32x128xf32, #tpu.memory_space<vmem>> -> memref<32x128xf32, #tpu.memory_space<vmem>>
        tpu.wait_dma2 semaphore(%arg17 : memref<!tpu.dma_semaphore, #tpu.memory_space<semaphore_mem>>) src(%dma_wait3A_379 : memref<32x128xf32, #tpu.memory_space<vmem>>) dst(%dma_wait3A_375 : memref<32x128xf32, #tpu.memory_space<hbm>>)
      } else {
      }
      %broadcast_in_dim3A = arith.constant 0.000000e+00 : f32
      %broadcast_in_dim3A_284 = vector.broadcast %broadcast_in_dim3A : f32 to vector<16xf32>
      %scan3A_285 = arith.constant 0 : i32
      %scan3A_286 = arith.constant 0 : i32
      %scan3A_287 = arith.constant 0 : i32
      %scan3A_288 = arith.constant 32 : i32
      %scan3A_289 = arith.addi %scan3A_287, %scan3A_288 : i32
      %scan3A_290 = arith.constant 1 : i32
      scf.for %scan3A_364 = %scan3A_287 to %scan3A_289 step %scan3A_290  : i32 {
        %mul3A_365 = arith.constant 4 : i32
        %mul3A_366 = arith.muli %scan3A_364, %mul3A_365 : i32
        %add3A_367 = arith.constant 0 : i32
        %add3A_368 = arith.addi %mul3A_366, %add3A_367 : i32
        %swap3A = arith.constant 0 : i32
        %swap3A_369 = arith.constant 0 : i32
        %swap3A_370 = tpu.memref_slice %arg12[%scan3A_286, %swap3A, %swap3A_369] : memref<2x128x32xf32, #tpu.memory_space<vmem>> -> memref<1x128x32xf32, #tpu.memory_space<vmem>>
        %swap3A_371 = tpu.memref_squeeze %swap3A_370 : memref<1x128x32xf32, #tpu.memory_space<vmem>> -> memref<128x32xf32, #tpu.memory_space<vmem>>
        %swap3A_372 = arith.index_cast %add3A_368 : i32 to index
        %swap3A_373 = arith.constant 0 : index
        %swap3A_374 = tpu.vector_load %swap3A_371[%swap3A_372, %swap3A_373] {strides = array<i32>} : memref<128x32xf32, #tpu.memory_space<vmem>>, vector<16xf32>,
        tpu.vector_store %swap3A_371[%swap3A_372, %swap3A_373], %broadcast_in_dim3A_284 {strides = array<i32>} : memref<128x32xf32, #tpu.memory_space<vmem>>, vector<16xf32>,
        %mul3A_375 = arith.constant 4 : i32
        %mul3A_376 = arith.muli %scan3A_364, %mul3A_375 : i32
        %add3A_377 = arith.constant 0 : i32
        %add3A_378 = arith.addi %mul3A_376, %add3A_377 : i32
        %swap3A_379 = arith.constant 0 : i32
        %swap3A_380 = arith.constant 0 : i32
        %swap3A_381 = tpu.memref_slice %arg12[%scan3A_286, %swap3A_379, %swap3A_380] : memref<2x128x32xf32, #tpu.memory_space<vmem>> -> memref<1x128x32xf32, #tpu.memory_space<vmem>>
        %swap3A_382 = tpu.memref_squeeze %swap3A_381 : memref<1x128x32xf32, #tpu.memory_space<vmem>> -> memref<128x32xf32, #tpu.memory_space<vmem>>
        %swap3A_383 = arith.index_cast %add3A_378 : i32 to index
        %swap3A_384 = arith.constant 16 : index
        %swap3A_385 = tpu.vector_load %swap3A_382[%swap3A_383, %swap3A_384] {strides = array<i32>} : memref<128x32xf32, #tpu.memory_space<vmem>>, vector<16xf32>,
        tpu.vector_store %swap3A_382[%swap3A_383, %swap3A_384], %broadcast_in_dim3A_284 {strides = array<i32>} : memref<128x32xf32, #tpu.memory_space<vmem>>, vector<16xf32>,
        %mul3A_386 = arith.constant 4 : i32
        %mul3A_387 = arith.muli %scan3A_364, %mul3A_386 : i32
        %add3A_388 = arith.constant 1 : i32
        %add3A_389 = arith.addi %mul3A_387, %add3A_388 : i32
        %swap3A_390 = arith.constant 0 : i32
        %swap3A_391 = arith.constant 0 : i32
        %swap3A_392 = tpu.memref_slice %arg12[%scan3A_286, %swap3A_390, %swap3A_391] : memref<2x128x32xf32, #tpu.memory_space<vmem>> -> memref<1x128x32xf32, #tpu.memory_space<vmem>>
        %swap3A_393 = tpu.memref_squeeze %swap3A_392 : memref<1x128x32xf32, #tpu.memory_space<vmem>> -> memref<128x32xf32, #tpu.memory_space<vmem>>
        %swap3A_394 = arith.index_cast %add3A_389 : i32 to index
        %swap3A_395 = arith.constant 0 : index
        %swap3A_396 = tpu.vector_load %swap3A_393[%swap3A_394, %swap3A_395] {strides = array<i32>} : memref<128x32xf32, #tpu.memory_space<vmem>>, vector<16xf32>,
        tpu.vector_store %swap3A_393[%swap3A_394, %swap3A_395], %broadcast_in_dim3A_284 {strides = array<i32>} : memref<128x32xf32, #tpu.memory_space<vmem>>, vector<16xf32>,
        %mul3A_397 = arith.constant 4 : i32
        %mul3A_398 = arith.muli %scan3A_364, %mul3A_397 : i32
        %add3A_399 = arith.constant 1 : i32
        %add3A_400 = arith.addi %mul3A_398, %add3A_399 : i32
        %swap3A_401 = arith.constant 0 : i32
        %swap3A_402 = arith.constant 0 : i32
        %swap3A_403 = tpu.memref_slice %arg12[%scan3A_286, %swap3A_401, %swap3A_402] : memref<2x128x32xf32, #tpu.memory_space<vmem>> -> memref<1x128x32xf32, #tpu.memory_space<vmem>>
        %swap3A_404 = tpu.memref_squeeze %swap3A_403 : memref<1x128x32xf32, #tpu.memory_space<vmem>> -> memref<128x32xf32, #tpu.memory_space<vmem>>
        %swap3A_405 = arith.index_cast %add3A_400 : i32 to index
        %swap3A_406 = arith.constant 16 : index
        %swap3A_407 = tpu.vector_load %swap3A_404[%swap3A_405, %swap3A_406] {strides = array<i32>} : memref<128x32xf32, #tpu.memory_space<vmem>>, vector<16xf32>,
        tpu.vector_store %swap3A_404[%swap3A_405, %swap3A_406], %broadcast_in_dim3A_284 {strides = array<i32>} : memref<128x32xf32, #tpu.memory_space<vmem>>, vector<16xf32>,
        %mul3A_408 = arith.constant 4 : i32
        %mul3A_409 = arith.muli %scan3A_364, %mul3A_408 : i32
        %add3A_410 = arith.constant 2 : i32
        %add3A_411 = arith.addi %mul3A_409, %add3A_410 : i32
        %swap3A_412 = arith.constant 0 : i32
        %swap3A_413 = arith.constant 0 : i32
        %swap3A_414 = tpu.memref_slice %arg12[%scan3A_286, %swap3A_412, %swap3A_413] : memref<2x128x32xf32, #tpu.memory_space<vmem>> -> memref<1x128x32xf32, #tpu.memory_space<vmem>>
        %swap3A_415 = tpu.memref_squeeze %swap3A_414 : memref<1x128x32xf32, #tpu.memory_space<vmem>> -> memref<128x32xf32, #tpu.memory_space<vmem>>
        %swap3A_416 = arith.index_cast %add3A_411 : i32 to index
        %swap3A_417 = arith.constant 0 : index
        %swap3A_418 = tpu.vector_load %swap3A_415[%swap3A_416, %swap3A_417] {strides = array<i32>} : memref<128x32xf32, #tpu.memory_space<vmem>>, vector<16xf32>,
        tpu.vector_store %swap3A_415[%swap3A_416, %swap3A_417], %broadcast_in_dim3A_284 {strides = array<i32>} : memref<128x32xf32, #tpu.memory_space<vmem>>, vector<16xf32>,
        %mul3A_419 = arith.constant 4 : i32
        %mul3A_420 = arith.muli %scan3A_364, %mul3A_419 : i32
        %add3A_421 = arith.constant 2 : i32
        %add3A_422 = arith.addi %mul3A_420, %add3A_421 : i32
        %swap3A_423 = arith.constant 0 : i32
        %swap3A_424 = arith.constant 0 : i32
        %swap3A_425 = tpu.memref_slice %arg12[%scan3A_286, %swap3A_423, %swap3A_424] : memref<2x128x32xf32, #tpu.memory_space<vmem>> -> memref<1x128x32xf32, #tpu.memory_space<vmem>>
        %swap3A_426 = tpu.memref_squeeze %swap3A_425 : memref<1x128x32xf32, #tpu.memory_space<vmem>> -> memref<128x32xf32, #tpu.memory_space<vmem>>
        %swap3A_427 = arith.index_cast %add3A_422 : i32 to index
        %swap3A_428 = arith.constant 16 : index
        %swap3A_429 = tpu.vector_load %swap3A_426[%swap3A_427, %swap3A_428] {strides = array<i32>} : memref<128x32xf32, #tpu.memory_space<vmem>>, vector<16xf32>,
        tpu.vector_store %swap3A_426[%swap3A_427, %swap3A_428], %broadcast_in_dim3A_284 {strides = array<i32>} : memref<128x32xf32, #tpu.memory_space<vmem>>, vector<16xf32>,
        %mul3A_430 = arith.constant 4 : i32
        %mul3A_431 = arith.muli %scan3A_364, %mul3A_430 : i32
        %add3A_432 = arith.constant 3 : i32
        %add3A_433 = arith.addi %mul3A_431, %add3A_432 : i32
        %swap3A_434 = arith.constant 0 : i32
        %swap3A_435 = arith.constant 0 : i32
        %swap3A_436 = tpu.memref_slice %arg12[%scan3A_286, %swap3A_434, %swap3A_435] : memref<2x128x32xf32, #tpu.memory_space<vmem>> -> memref<1x128x32xf32, #tpu.memory_space<vmem>>
        %swap3A_437 = tpu.memref_squeeze %swap3A_436 : memref<1x128x32xf32, #tpu.memory_space<vmem>> -> memref<128x32xf32, #tpu.memory_space<vmem>>
        %swap3A_438 = arith.index_cast %add3A_433 : i32 to index
        %swap3A_439 = arith.constant 0 : index
        %swap3A_440 = tpu.vector_load %swap3A_437[%swap3A_438, %swap3A_439] {strides = array<i32>} : memref<128x32xf32, #tpu.memory_space<vmem>>, vector<16xf32>,
        tpu.vector_store %swap3A_437[%swap3A_438, %swap3A_439], %broadcast_in_dim3A_284 {strides = array<i32>} : memref<128x32xf32, #tpu.memory_space<vmem>>, vector<16xf32>,
        %mul3A_441 = arith.constant 4 : i32
        %mul3A_442 = arith.muli %scan3A_364, %mul3A_441 : i32
        %add3A_443 = arith.constant 3 : i32
        %add3A_444 = arith.addi %mul3A_442, %add3A_443 : i32
        %swap3A_445 = arith.constant 0 : i32
        %swap3A_446 = arith.constant 0 : i32
        %swap3A_447 = tpu.memref_slice %arg12[%scan3A_286, %swap3A_445, %swap3A_446] : memref<2x128x32xf32, #tpu.memory_space<vmem>> -> memref<1x128x32xf32, #tpu.memory_space<vmem>>
        %swap3A_448 = tpu.memref_squeeze %swap3A_447 : memref<1x128x32xf32, #tpu.memory_space<vmem>> -> memref<128x32xf32, #tpu.memory_space<vmem>>
        %swap3A_449 = arith.index_cast %add3A_444 : i32 to index
        %swap3A_450 = arith.constant 16 : index
        %swap3A_451 = tpu.vector_load %swap3A_448[%swap3A_449, %swap3A_450] {strides = array<i32>} : memref<128x32xf32, #tpu.memory_space<vmem>>, vector<16xf32>,
        tpu.vector_store %swap3A_448[%swap3A_449, %swap3A_450], %broadcast_in_dim3A_284 {strides = array<i32>} : memref<128x32xf32, #tpu.memory_space<vmem>>, vector<16xf32>,
      }
      %scan3A_291 = arith.constant 32 : i32
      %dma_start3A_292 = arith.constant 0 : i32
      %dma_start3A_293 = arith.constant 0 : i32
      %dma_start3A_294 = arith.constant 0 : i32
      %dma_start3A_295 = tpu.memref_slice %arg12[%dma_start3A_292, %dma_start3A_293, %dma_start3A_294] : memref<2x128x32xf32, #tpu.memory_space<vmem>> -> memref<1x128x32xf32, #tpu.memory_space<vmem>>
      %dma_start3A_296 = tpu.memref_squeeze %dma_start3A_295 : memref<1x128x32xf32, #tpu.memory_space<vmem>> -> memref<128x32xf32, #tpu.memory_space<vmem>>
      %dma_start3A_297 = arith.constant 0 : i32
      %dma_start3A_298 = tpu.memref_slice %arg9[%add3A_281, %dma_start3A_297] : memref<200x128xi32, #tpu.memory_space<vmem>> -> memref<1x128xi32, #tpu.memory_space<vmem>>
      %dma_start3A_299 = tpu.memref_squeeze %dma_start3A_298 : memref<1x128xi32, #tpu.memory_space<vmem>> -> memref<128xi32, #tpu.memory_space<vmem>>
      %dma_start3A_300 = arith.constant 0 : i32
      %dma_start3A_301 = arith.constant 0 : i32
      %dma_start3A_302 = tpu.memref_slice %arg5[%dma_start3A_300, %dma_start3A_301] : memref<100000x32xf32, #tpu.memory_space<hbm>> -> memref<100000x32xf32, #tpu.memory_space<hbm>>
      tpu.enqueue_indirect_dma source(%dma_start3A_302 : memref<100000x32xf32, #tpu.memory_space<hbm>>) target(%dma_start3A_296 : memref<128x32xf32, #tpu.memory_space<vmem>>) offsets(%dma_start3A_299 : memref<128xi32, #tpu.memory_space<vmem>>) semaphore(%arg15 : memref<!tpu.dma_semaphore, #tpu.memory_space<semaphore_mem>>) {add = true}
      %dma_start3A_303 = arith.constant 0 : i32
      %dma_start3A_304 = arith.constant 0 : i32
      %dma_start3A_305 = arith.constant 0 : i32
      %dma_start3A_306 = tpu.memref_slice %arg12[%dma_start3A_303, %dma_start3A_304, %dma_start3A_305] : memref<2x128x32xf32, #tpu.memory_space<vmem>> -> memref<1x128x32xf32, #tpu.memory_space<vmem>>
      %dma_start3A_307 = tpu.memref_squeeze %dma_start3A_306 : memref<1x128x32xf32, #tpu.memory_space<vmem>> -> memref<128x32xf32, #tpu.memory_space<vmem>>
      %dma_start3A_308 = arith.constant 0 : i32
      %dma_start3A_309 = tpu.memref_slice %arg10[%add3A_281, %dma_start3A_308] : memref<200x128xi32, #tpu.memory_space<vmem>> -> memref<1x128xi32, #tpu.memory_space<vmem>>
      %dma_start3A_310 = tpu.memref_squeeze %dma_start3A_309 : memref<1x128xi32, #tpu.memory_space<vmem>> -> memref<128xi32, #tpu.memory_space<vmem>>
      %dma_start3A_311 = arith.constant 0 : i32
      %dma_start3A_312 = arith.constant 0 : i32
      %dma_start3A_313 = tpu.memref_slice %arg6[%dma_start3A_311, %dma_start3A_312] : memref<500051x32xf32, #tpu.memory_space<hbm>> -> memref<500051x32xf32, #tpu.memory_space<hbm>>
      tpu.enqueue_indirect_dma source(%dma_start3A_313 : memref<500051x32xf32, #tpu.memory_space<hbm>>) target(%dma_start3A_307 : memref<128x32xf32, #tpu.memory_space<vmem>>) offsets(%dma_start3A_310 : memref<128xi32, #tpu.memory_space<vmem>>) semaphore(%arg15 : memref<!tpu.dma_semaphore, #tpu.memory_space<semaphore_mem>>) {add = true}
      %ge3A_314 = arith.constant 1 : i32
      %ge3A_315 = arith.cmpi sge, %add3A_281, %ge3A_314 : i32
      %convert_element_type3A_316 = arith.extui %ge3A_315 : i1 to i32
      %cond3A_317 = arith.constant 0 : i32
      %cond3A_318 = arith.cmpi ne, %convert_element_type3A_316, %cond3A_317 : i32
      scf.if %cond3A_318 {
        %sub3A = arith.constant 1 : i32
        %sub3A_364 = arith.subi %add3A_281, %sub3A : i32
        %dma_wait3A_365 = arith.constant 1 : i32
        %dma_wait3A_366 = arith.constant 0 : i32
        %dma_wait3A_367 = arith.constant 0 : i32
        %dma_wait3A_368 = tpu.memref_slice %arg12[%dma_wait3A_365, %dma_wait3A_366, %dma_wait3A_367] : memref<2x128x32xf32, #tpu.memory_space<vmem>> -> memref<1x128x32xf32, #tpu.memory_space<vmem>>
        %dma_wait3A_369 = tpu.memref_squeeze %dma_wait3A_368 : memref<1x128x32xf32, #tpu.memory_space<vmem>> -> memref<128x32xf32, #tpu.memory_space<vmem>>
        %dma_wait3A_370 = arith.constant 0 : i32
        %dma_wait3A_371 = tpu.memref_slice %arg9[%sub3A_364, %dma_wait3A_370] : memref<200x128xi32, #tpu.memory_space<vmem>> -> memref<1x128xi32, #tpu.memory_space<vmem>>
        %dma_wait3A_372 = tpu.memref_squeeze %dma_wait3A_371 : memref<1x128xi32, #tpu.memory_space<vmem>> -> memref<128xi32, #tpu.memory_space<vmem>>
        %dma_wait3A_373 = arith.constant 0 : i32
        %dma_wait3A_374 = arith.constant 0 : i32
        %dma_wait3A_375 = tpu.memref_slice %arg5[%dma_wait3A_373, %dma_wait3A_374] : memref<100000x32xf32, #tpu.memory_space<hbm>> -> memref<100000x32xf32, #tpu.memory_space<hbm>>
        tpu.wait_indirect_dma semaphore(%arg16 : memref<!tpu.dma_semaphore, #tpu.memory_space<semaphore_mem>>) src(%dma_wait3A_375 : memref<100000x32xf32, #tpu.memory_space<hbm>>) dst(%dma_wait3A_369 : memref<128x32xf32, #tpu.memory_space<vmem>>)
        %dma_wait3A_376 = arith.constant 1 : i32
        %dma_wait3A_377 = arith.constant 0 : i32
        %dma_wait3A_378 = arith.constant 0 : i32
        %dma_wait3A_379 = tpu.memref_slice %arg12[%dma_wait3A_376, %dma_wait3A_377, %dma_wait3A_378] : memref<2x128x32xf32, #tpu.memory_space<vmem>> -> memref<1x128x32xf32, #tpu.memory_space<vmem>>
        %dma_wait3A_380 = tpu.memref_squeeze %dma_wait3A_379 : memref<1x128x32xf32, #tpu.memory_space<vmem>> -> memref<128x32xf32, #tpu.memory_space<vmem>>
        %dma_wait3A_381 = arith.constant 0 : i32
        %dma_wait3A_382 = tpu.memref_slice %arg10[%sub3A_364, %dma_wait3A_381] : memref<200x128xi32, #tpu.memory_space<vmem>> -> memref<1x128xi32, #tpu.memory_space<vmem>>
        %dma_wait3A_383 = tpu.memref_squeeze %dma_wait3A_382 : memref<1x128xi32, #tpu.memory_space<vmem>> -> memref<128xi32, #tpu.memory_space<vmem>>
        %dma_wait3A_384 = arith.constant 0 : i32
        %dma_wait3A_385 = arith.constant 0 : i32
        %dma_wait3A_386 = tpu.memref_slice %arg6[%dma_wait3A_384, %dma_wait3A_385] : memref<500051x32xf32, #tpu.memory_space<hbm>> -> memref<500051x32xf32, #tpu.memory_space<hbm>>
        tpu.wait_indirect_dma semaphore(%arg16 : memref<!tpu.dma_semaphore, #tpu.memory_space<semaphore_mem>>) src(%dma_wait3A_386 : memref<500051x32xf32, #tpu.memory_space<hbm>>) dst(%dma_wait3A_380 : memref<128x32xf32, #tpu.memory_space<vmem>>)
        %sub3A_387 = arith.constant 1 : i32
        %sub3A_388 = arith.subi %add3A_281, %sub3A_387 : i32
        %iota3A_389 = tpu.iota {dimensions = array<i32: 0>} : vector<16xi32>
        %add3A_390 = arith.constant 0 : i32
        %add3A_391 = vector.broadcast %add3A_390 : i32 to vector<16xi32>
        %add3A_392 = arith.addi %add3A_391, %iota3A_389 : vector<16xi32>
        %and3A_393 = arith.constant 31 : i32
        %and3A_394 = vector.broadcast %and3A_393 : i32 to vector<16xi32>
        %and3A_395 = arith.andi %add3A_392, %and3A_394 : vector<16xi32>
        %add3A_396 = arith.constant 1 : i32
        %add3A_397 = vector.broadcast %add3A_396 : i32 to vector<16xi32>
        %add3A_398 = arith.addi %add3A_397, %iota3A_389 : vector<16xi32>
        %and3A_399 = arith.constant 31 : i32
        %and3A_400 = vector.broadcast %and3A_399 : i32 to vector<16xi32>
        %and3A_401 = arith.andi %add3A_398, %and3A_400 : vector<16xi32>
        %add3A_402 = arith.constant 2 : i32
        %add3A_403 = vector.broadcast %add3A_402 : i32 to vector<16xi32>
        %add3A_404 = arith.addi %add3A_403, %iota3A_389 : vector<16xi32>
        %and3A_405 = arith.constant 31 : i32
        %and3A_406 = vector.broadcast %and3A_405 : i32 to vector<16xi32>
        %and3A_407 = arith.andi %add3A_404, %and3A_406 : vector<16xi32>
        %add3A_408 = arith.constant 3 : i32
        %add3A_409 = vector.broadcast %add3A_408 : i32 to vector<16xi32>
        %add3A_410 = arith.addi %add3A_409, %iota3A_389 : vector<16xi32>
        %and3A_411 = arith.constant 31 : i32
        %and3A_412 = vector.broadcast %and3A_411 : i32 to vector<16xi32>
        %and3A_413 = arith.andi %add3A_410, %and3A_412 : vector<16xi32>
        %add3A_414 = arith.constant 4 : i32
        %add3A_415 = vector.broadcast %add3A_414 : i32 to vector<16xi32>
        %add3A_416 = arith.addi %add3A_415, %iota3A_389 : vector<16xi32>
        %and3A_417 = arith.constant 31 : i32
        %and3A_418 = vector.broadcast %and3A_417 : i32 to vector<16xi32>
        %and3A_419 = arith.andi %add3A_416, %and3A_418 : vector<16xi32>
        %add3A_420 = arith.constant 5 : i32
        %add3A_421 = vector.broadcast %add3A_420 : i32 to vector<16xi32>
        %add3A_422 = arith.addi %add3A_421, %iota3A_389 : vector<16xi32>
        %and3A_423 = arith.constant 31 : i32
        %and3A_424 = vector.broadcast %and3A_423 : i32 to vector<16xi32>
        %and3A_425 = arith.andi %add3A_422, %and3A_424 : vector<16xi32>
        %add3A_426 = arith.constant 6 : i32
        %add3A_427 = vector.broadcast %add3A_426 : i32 to vector<16xi32>
        %add3A_428 = arith.addi %add3A_427, %iota3A_389 : vector<16xi32>
        %and3A_429 = arith.constant 31 : i32
        %and3A_430 = vector.broadcast %and3A_429 : i32 to vector<16xi32>
        %and3A_431 = arith.andi %add3A_428, %and3A_430 : vector<16xi32>
        %add3A_432 = arith.constant 7 : i32
        %add3A_433 = vector.broadcast %add3A_432 : i32 to vector<16xi32>
        %add3A_434 = arith.addi %add3A_433, %iota3A_389 : vector<16xi32>
        %and3A_435 = arith.constant 31 : i32
        %and3A_436 = vector.broadcast %and3A_435 : i32 to vector<16xi32>
        %and3A_437 = arith.andi %add3A_434, %and3A_436 : vector<16xi32>
        %add3A_438 = arith.constant 8 : i32
        %add3A_439 = vector.broadcast %add3A_438 : i32 to vector<16xi32>
        %add3A_440 = arith.addi %add3A_439, %iota3A_389 : vector<16xi32>
        %and3A_441 = arith.constant 31 : i32
        %and3A_442 = vector.broadcast %and3A_441 : i32 to vector<16xi32>
        %and3A_443 = arith.andi %add3A_440, %and3A_442 : vector<16xi32>
        %add3A_444 = arith.constant 9 : i32
        %add3A_445 = vector.broadcast %add3A_444 : i32 to vector<16xi32>
        %add3A_446 = arith.addi %add3A_445, %iota3A_389 : vector<16xi32>
        %and3A_447 = arith.constant 31 : i32
        %and3A_448 = vector.broadcast %and3A_447 : i32 to vector<16xi32>
        %and3A_449 = arith.andi %add3A_446, %and3A_448 : vector<16xi32>
        %add3A_450 = arith.constant 10 : i32
        %add3A_451 = vector.broadcast %add3A_450 : i32 to vector<16xi32>
        %add3A_452 = arith.addi %add3A_451, %iota3A_389 : vector<16xi32>
        %and3A_453 = arith.constant 31 : i32
        %and3A_454 = vector.broadcast %and3A_453 : i32 to vector<16xi32>
        %and3A_455 = arith.andi %add3A_452, %and3A_454 : vector<16xi32>
        %add3A_456 = arith.constant 11 : i32
        %add3A_457 = vector.broadcast %add3A_456 : i32 to vector<16xi32>
        %add3A_458 = arith.addi %add3A_457, %iota3A_389 : vector<16xi32>
        %and3A_459 = arith.constant 31 : i32
        %and3A_460 = vector.broadcast %and3A_459 : i32 to vector<16xi32>
        %and3A_461 = arith.andi %add3A_458, %and3A_460 : vector<16xi32>
        %add3A_462 = arith.constant 12 : i32
        %add3A_463 = vector.broadcast %add3A_462 : i32 to vector<16xi32>
        %add3A_464 = arith.addi %add3A_463, %iota3A_389 : vector<16xi32>
        %and3A_465 = arith.constant 31 : i32
        %and3A_466 = vector.broadcast %and3A_465 : i32 to vector<16xi32>
        %and3A_467 = arith.andi %add3A_464, %and3A_466 : vector<16xi32>
        %add3A_468 = arith.constant 13 : i32
        %add3A_469 = vector.broadcast %add3A_468 : i32 to vector<16xi32>
        %add3A_470 = arith.addi %add3A_469, %iota3A_389 : vector<16xi32>
        %and3A_471 = arith.constant 31 : i32
        %and3A_472 = vector.broadcast %and3A_471 : i32 to vector<16xi32>
        %and3A_473 = arith.andi %add3A_470, %and3A_472 : vector<16xi32>
        %add3A_474 = arith.constant 14 : i32
        %add3A_475 = vector.broadcast %add3A_474 : i32 to vector<16xi32>
        %add3A_476 = arith.addi %add3A_475, %iota3A_389 : vector<16xi32>
        %and3A_477 = arith.constant 31 : i32
        %and3A_478 = vector.broadcast %and3A_477 : i32 to vector<16xi32>
        %and3A_479 = arith.andi %add3A_476, %and3A_478 : vector<16xi32>
        %add3A_480 = arith.constant 15 : i32
        %add3A_481 = vector.broadcast %add3A_480 : i32 to vector<16xi32>
        %add3A_482 = arith.addi %add3A_481, %iota3A_389 : vector<16xi32>
        %and3A_483 = arith.constant 31 : i32
        %and3A_484 = vector.broadcast %and3A_483 : i32 to vector<16xi32>
        %and3A_485 = arith.andi %add3A_482, %and3A_484 : vector<16xi32>
        %add3A_486 = arith.constant 16 : i32
        %add3A_487 = vector.broadcast %add3A_486 : i32 to vector<16xi32>
        %add3A_488 = arith.addi %add3A_487, %iota3A_389 : vector<16xi32>
        %and3A_489 = arith.constant 31 : i32
        %and3A_490 = vector.broadcast %and3A_489 : i32 to vector<16xi32>
        %and3A_491 = arith.andi %add3A_488, %and3A_490 : vector<16xi32>
        %add3A_492 = arith.constant 17 : i32
        %add3A_493 = vector.broadcast %add3A_492 : i32 to vector<16xi32>
        %add3A_494 = arith.addi %add3A_493, %iota3A_389 : vector<16xi32>
        %and3A_495 = arith.constant 31 : i32
        %and3A_496 = vector.broadcast %and3A_495 : i32 to vector<16xi32>
        %and3A_497 = arith.andi %add3A_494, %and3A_496 : vector<16xi32>
        %add3A_498 = arith.constant 18 : i32
        %add3A_499 = vector.broadcast %add3A_498 : i32 to vector<16xi32>
        %add3A_500 = arith.addi %add3A_499, %iota3A_389 : vector<16xi32>
        %and3A_501 = arith.constant 31 : i32
        %and3A_502 = vector.broadcast %and3A_501 : i32 to vector<16xi32>
        %and3A_503 = arith.andi %add3A_500, %and3A_502 : vector<16xi32>
        %add3A_504 = arith.constant 19 : i32
        %add3A_505 = vector.broadcast %add3A_504 : i32 to vector<16xi32>
        %add3A_506 = arith.addi %add3A_505, %iota3A_389 : vector<16xi32>
        %and3A_507 = arith.constant 31 : i32
        %and3A_508 = vector.broadcast %and3A_507 : i32 to vector<16xi32>
        %and3A_509 = arith.andi %add3A_506, %and3A_508 : vector<16xi32>
        %add3A_510 = arith.constant 20 : i32
        %add3A_511 = vector.broadcast %add3A_510 : i32 to vector<16xi32>
        %add3A_512 = arith.addi %add3A_511, %iota3A_389 : vector<16xi32>
        %and3A_513 = arith.constant 31 : i32
        %and3A_514 = vector.broadcast %and3A_513 : i32 to vector<16xi32>
        %and3A_515 = arith.andi %add3A_512, %and3A_514 : vector<16xi32>
        %add3A_516 = arith.constant 21 : i32
        %add3A_517 = vector.broadcast %add3A_516 : i32 to vector<16xi32>
        %add3A_518 = arith.addi %add3A_517, %iota3A_389 : vector<16xi32>
        %and3A_519 = arith.constant 31 : i32
        %and3A_520 = vector.broadcast %and3A_519 : i32 to vector<16xi32>
        %and3A_521 = arith.andi %add3A_518, %and3A_520 : vector<16xi32>
        %add3A_522 = arith.constant 22 : i32
        %add3A_523 = vector.broadcast %add3A_522 : i32 to vector<16xi32>
        %add3A_524 = arith.addi %add3A_523, %iota3A_389 : vector<16xi32>
        %and3A_525 = arith.constant 31 : i32
        %and3A_526 = vector.broadcast %and3A_525 : i32 to vector<16xi32>
        %and3A_527 = arith.andi %add3A_524, %and3A_526 : vector<16xi32>
        %add3A_528 = arith.constant 23 : i32
        %add3A_529 = vector.broadcast %add3A_528 : i32 to vector<16xi32>
        %add3A_530 = arith.addi %add3A_529, %iota3A_389 : vector<16xi32>
        %and3A_531 = arith.constant 31 : i32
        %and3A_532 = vector.broadcast %and3A_531 : i32 to vector<16xi32>
        %and3A_533 = arith.andi %add3A_530, %and3A_532 : vector<16xi32>
        %add3A_534 = arith.constant 24 : i32
        %add3A_535 = vector.broadcast %add3A_534 : i32 to vector<16xi32>
        %add3A_536 = arith.addi %add3A_535, %iota3A_389 : vector<16xi32>
        %and3A_537 = arith.constant 31 : i32
        %and3A_538 = vector.broadcast %and3A_537 : i32 to vector<16xi32>
        %and3A_539 = arith.andi %add3A_536, %and3A_538 : vector<16xi32>
        %add3A_540 = arith.constant 25 : i32
        %add3A_541 = vector.broadcast %add3A_540 : i32 to vector<16xi32>
        %add3A_542 = arith.addi %add3A_541, %iota3A_389 : vector<16xi32>
        %and3A_543 = arith.constant 31 : i32
        %and3A_544 = vector.broadcast %and3A_543 : i32 to vector<16xi32>
        %and3A_545 = arith.andi %add3A_542, %and3A_544 : vector<16xi32>
        %add3A_546 = arith.constant 26 : i32
        %add3A_547 = vector.broadcast %add3A_546 : i32 to vector<16xi32>
        %add3A_548 = arith.addi %add3A_547, %iota3A_389 : vector<16xi32>
        %and3A_549 = arith.constant 31 : i32
        %and3A_550 = vector.broadcast %and3A_549 : i32 to vector<16xi32>
        %and3A_551 = arith.andi %add3A_548, %and3A_550 : vector<16xi32>
        %add3A_552 = arith.constant 27 : i32
        %add3A_553 = vector.broadcast %add3A_552 : i32 to vector<16xi32>
        %add3A_554 = arith.addi %add3A_553, %iota3A_389 : vector<16xi32>
        %and3A_555 = arith.constant 31 : i32
        %and3A_556 = vector.broadcast %and3A_555 : i32 to vector<16xi32>
        %and3A_557 = arith.andi %add3A_554, %and3A_556 : vector<16xi32>
        %add3A_558 = arith.constant 28 : i32
        %add3A_559 = vector.broadcast %add3A_558 : i32 to vector<16xi32>
        %add3A_560 = arith.addi %add3A_559, %iota3A_389 : vector<16xi32>
        %and3A_561 = arith.constant 31 : i32
        %and3A_562 = vector.broadcast %and3A_561 : i32 to vector<16xi32>
        %and3A_563 = arith.andi %add3A_560, %and3A_562 : vector<16xi32>
        %add3A_564 = arith.constant 29 : i32
        %add3A_565 = vector.broadcast %add3A_564 : i32 to vector<16xi32>
        %add3A_566 = arith.addi %add3A_565, %iota3A_389 : vector<16xi32>
        %and3A_567 = arith.constant 31 : i32
        %and3A_568 = vector.broadcast %and3A_567 : i32 to vector<16xi32>
        %and3A_569 = arith.andi %add3A_566, %and3A_568 : vector<16xi32>
        %add3A_570 = arith.constant 30 : i32
        %add3A_571 = vector.broadcast %add3A_570 : i32 to vector<16xi32>
        %add3A_572 = arith.addi %add3A_571, %iota3A_389 : vector<16xi32>
        %and3A_573 = arith.constant 31 : i32
        %and3A_574 = vector.broadcast %and3A_573 : i32 to vector<16xi32>
        %and3A_575 = arith.andi %add3A_572, %and3A_574 : vector<16xi32>
        %add3A_576 = arith.constant 31 : i32
        %add3A_577 = vector.broadcast %add3A_576 : i32 to vector<16xi32>
        %add3A_578 = arith.addi %add3A_577, %iota3A_389 : vector<16xi32>
        %and3A_579 = arith.constant 31 : i32
        %and3A_580 = vector.broadcast %and3A_579 : i32 to vector<16xi32>
        %and3A_581 = arith.andi %add3A_578, %and3A_580 : vector<16xi32>
        %scan3A_582 = arith.constant 0 : i32
        %scan3A_583 = arith.constant 1 : i32
        %scan3A_584 = arith.constant 1 : i32
        %scan3A_585 = arith.constant 0 : i32
        %scan3A_586 = arith.constant 8 : i32
        %scan3A_587 = arith.addi %scan3A_585, %scan3A_586 : i32
        %scan3A_588 = arith.constant 1 : i32
        scf.for %scan3A_607 = %scan3A_585 to %scan3A_587 step %scan3A_588  : i32 {
          %mul3A_608 = arith.constant 16 : i32
          %mul3A_609 = arith.muli %scan3A_607, %mul3A_608 : i32
          %add3A_610 = vector.broadcast %mul3A_609 : i32 to vector<16xi32>
          %add3A_611 = arith.addi %add3A_610, %iota3A_389 : vector<16xi32>
          %mul3A_612 = arith.constant 16 : i32
          %mul3A_613 = arith.muli %scan3A_607, %mul3A_612 : i32
          %get3A = arith.index_cast %sub3A_388 : i32 to index
          %get3A_614 = arith.index_cast %mul3A_613 : i32 to index
          %get3A_615 = tpu.vector_load %arg11[%get3A, %get3A_614] {strides = array<i32>} : memref<200x128xi32, #tpu.memory_space<vmem>>, vector<16xi32>,
          %gather3A = arith.constant 0 : i32
          %gather3A_616 = arith.constant 0 : i32
          %gather3A_617 = tpu.memref_slice %arg12[%scan3A_583, %gather3A, %gather3A_616] : memref<2x128x32xf32, #tpu.memory_space<vmem>> -> memref<1x128x32xf32, #tpu.memory_space<vmem>>
          %gather3A_618 = tpu.memref_squeeze %gather3A_617 : memref<1x128x32xf32, #tpu.memory_space<vmem>> -> memref<128x32xf32, #tpu.memory_space<vmem>>
          %gather3A_619 = tpu.vector_load_idx %gather3A_618[%add3A_611, %and3A_395] : memref<128x32xf32, #tpu.memory_space<vmem>>[vector<16xi32>, vector<16xi32>], vector<16xf32>,
          %gather3A_620 = tpu.vector_load_idx %arg14[%get3A_615, %and3A_395] : memref<1000x32xf32, #tpu.memory_space<vmem>>[vector<16xi32>, vector<16xi32>], vector<16xf32>,
          %add3A_621 = arith.addf %gather3A_619, %gather3A_620 : vector<16xf32>
          %scatter3A = arith.constant 0 : i32
          %scatter3A_622 = arith.constant 0 : i32
          %scatter3A_623 = tpu.memref_slice %arg13[%scan3A_584, %scatter3A, %scatter3A_622] : memref<2x32x128xf32, #tpu.memory_space<vmem>> -> memref<1x32x128xf32, #tpu.memory_space<vmem>>
          %scatter3A_624 = tpu.memref_squeeze %scatter3A_623 : memref<1x32x128xf32, #tpu.memory_space<vmem>> -> memref<32x128xf32, #tpu.memory_space<vmem>>
          tpu.vector_store_idx %scatter3A_624[%and3A_395, %add3A_611], %add3A_621 : memref<32x128xf32, #tpu.memory_space<vmem>>[vector<16xi32>, vector<16xi32>], vector<16xf32>,
          %gather3A_625 = arith.constant 0 : i32
          %gather3A_626 = arith.constant 0 : i32
          %gather3A_627 = tpu.memref_slice %arg12[%scan3A_583, %gather3A_625, %gather3A_626] : memref<2x128x32xf32, #tpu.memory_space<vmem>> -> memref<1x128x32xf32, #tpu.memory_space<vmem>>
          %gather3A_628 = tpu.memref_squeeze %gather3A_627 : memref<1x128x32xf32, #tpu.memory_space<vmem>> -> memref<128x32xf32, #tpu.memory_space<vmem>>
          %gather3A_629 = tpu.vector_load_idx %gather3A_628[%add3A_611, %and3A_401] : memref<128x32xf32, #tpu.memory_space<vmem>>[vector<16xi32>, vector<16xi32>], vector<16xf32>,
          %gather3A_630 = tpu.vector_load_idx %arg14[%get3A_615, %and3A_401] : memref<1000x32xf32, #tpu.memory_space<vmem>>[vector<16xi32>, vector<16xi32>], vector<16xf32>,
          %add3A_631 = arith.addf %gather3A_629, %gather3A_630 : vector<16xf32>
          %scatter3A_632 = arith.constant 0 : i32
          %scatter3A_633 = arith.constant 0 : i32
          %scatter3A_634 = tpu.memref_slice %arg13[%scan3A_584, %scatter3A_632, %scatter3A_633] : memref<2x32x128xf32, #tpu.memory_space<vmem>> -> memref<1x32x128xf32, #tpu.memory_space<vmem>>
          %scatter3A_635 = tpu.memref_squeeze %scatter3A_634 : memref<1x32x128xf32, #tpu.memory_space<vmem>> -> memref<32x128xf32, #tpu.memory_space<vmem>>
          tpu.vector_store_idx %scatter3A_635[%and3A_401, %add3A_611], %add3A_631 : memref<32x128xf32, #tpu.memory_space<vmem>>[vector<16xi32>, vector<16xi32>], vector<16xf32>,
          %gather3A_636 = arith.constant 0 : i32
          %gather3A_637 = arith.constant 0 : i32
          %gather3A_638 = tpu.memref_slice %arg12[%scan3A_583, %gather3A_636, %gather3A_637] : memref<2x128x32xf32, #tpu.memory_space<vmem>> -> memref<1x128x32xf32, #tpu.memory_space<vmem>>
          %gather3A_639 = tpu.memref_squeeze %gather3A_638 : memref<1x128x32xf32, #tpu.memory_space<vmem>> -> memref<128x32xf32, #tpu.memory_space<vmem>>
          %gather3A_640 = tpu.vector_load_idx %gather3A_639[%add3A_611, %and3A_407] : memref<128x32xf32, #tpu.memory_space<vmem>>[vector<16xi32>, vector<16xi32>], vector<16xf32>,
          %gather3A_641 = tpu.vector_load_idx %arg14[%get3A_615, %and3A_407] : memref<1000x32xf32, #tpu.memory_space<vmem>>[vector<16xi32>, vector<16xi32>], vector<16xf32>,
          %add3A_642 = arith.addf %gather3A_640, %gather3A_641 : vector<16xf32>
          %scatter3A_643 = arith.constant 0 : i32
          %scatter3A_644 = arith.constant 0 : i32
          %scatter3A_645 = tpu.memref_slice %arg13[%scan3A_584, %scatter3A_643, %scatter3A_644] : memref<2x32x128xf32, #tpu.memory_space<vmem>> -> memref<1x32x128xf32, #tpu.memory_space<vmem>>
          %scatter3A_646 = tpu.memref_squeeze %scatter3A_645 : memref<1x32x128xf32, #tpu.memory_space<vmem>> -> memref<32x128xf32, #tpu.memory_space<vmem>>
          tpu.vector_store_idx %scatter3A_646[%and3A_407, %add3A_611], %add3A_642 : memref<32x128xf32, #tpu.memory_space<vmem>>[vector<16xi32>, vector<16xi32>], vector<16xf32>,
          %gather3A_647 = arith.constant 0 : i32
          %gather3A_648 = arith.constant 0 : i32
          %gather3A_649 = tpu.memref_slice %arg12[%scan3A_583, %gather3A_647, %gather3A_648] : memref<2x128x32xf32, #tpu.memory_space<vmem>> -> memref<1x128x32xf32, #tpu.memory_space<vmem>>
          %gather3A_650 = tpu.memref_squeeze %gather3A_649 : memref<1x128x32xf32, #tpu.memory_space<vmem>> -> memref<128x32xf32, #tpu.memory_space<vmem>>
          %gather3A_651 = tpu.vector_load_idx %gather3A_650[%add3A_611, %and3A_413] : memref<128x32xf32, #tpu.memory_space<vmem>>[vector<16xi32>, vector<16xi32>], vector<16xf32>,
          %gather3A_652 = tpu.vector_load_idx %arg14[%get3A_615, %and3A_413] : memref<1000x32xf32, #tpu.memory_space<vmem>>[vector<16xi32>, vector<16xi32>], vector<16xf32>,
          %add3A_653 = arith.addf %gather3A_651, %gather3A_652 : vector<16xf32>
          %scatter3A_654 = arith.constant 0 : i32
          %scatter3A_655 = arith.constant 0 : i32
          %scatter3A_656 = tpu.memref_slice %arg13[%scan3A_584, %scatter3A_654, %scatter3A_655] : memref<2x32x128xf32, #tpu.memory_space<vmem>> -> memref<1x32x128xf32, #tpu.memory_space<vmem>>
          %scatter3A_657 = tpu.memref_squeeze %scatter3A_656 : memref<1x32x128xf32, #tpu.memory_space<vmem>> -> memref<32x128xf32, #tpu.memory_space<vmem>>
          tpu.vector_store_idx %scatter3A_657[%and3A_413, %add3A_611], %add3A_653 : memref<32x128xf32, #tpu.memory_space<vmem>>[vector<16xi32>, vector<16xi32>], vector<16xf32>,
          %gather3A_658 = arith.constant 0 : i32
          %gather3A_659 = arith.constant 0 : i32
          %gather3A_660 = tpu.memref_slice %arg12[%scan3A_583, %gather3A_658, %gather3A_659] : memref<2x128x32xf32, #tpu.memory_space<vmem>> -> memref<1x128x32xf32, #tpu.memory_space<vmem>>
          %gather3A_661 = tpu.memref_squeeze %gather3A_660 : memref<1x128x32xf32, #tpu.memory_space<vmem>> -> memref<128x32xf32, #tpu.memory_space<vmem>>
          %gather3A_662 = tpu.vector_load_idx %gather3A_661[%add3A_611, %and3A_419] : memref<128x32xf32, #tpu.memory_space<vmem>>[vector<16xi32>, vector<16xi32>], vector<16xf32>,
          %gather3A_663 = tpu.vector_load_idx %arg14[%get3A_615, %and3A_419] : memref<1000x32xf32, #tpu.memory_space<vmem>>[vector<16xi32>, vector<16xi32>], vector<16xf32>,
          %add3A_664 = arith.addf %gather3A_662, %gather3A_663 : vector<16xf32>
          %scatter3A_665 = arith.constant 0 : i32
          %scatter3A_666 = arith.constant 0 : i32
          %scatter3A_667 = tpu.memref_slice %arg13[%scan3A_584, %scatter3A_665, %scatter3A_666] : memref<2x32x128xf32, #tpu.memory_space<vmem>> -> memref<1x32x128xf32, #tpu.memory_space<vmem>>
          %scatter3A_668 = tpu.memref_squeeze %scatter3A_667 : memref<1x32x128xf32, #tpu.memory_space<vmem>> -> memref<32x128xf32, #tpu.memory_space<vmem>>
          tpu.vector_store_idx %scatter3A_668[%and3A_419, %add3A_611], %add3A_664 : memref<32x128xf32, #tpu.memory_space<vmem>>[vector<16xi32>, vector<16xi32>], vector<16xf32>,
          %gather3A_669 = arith.constant 0 : i32
          %gather3A_670 = arith.constant 0 : i32
          %gather3A_671 = tpu.memref_slice %arg12[%scan3A_583, %gather3A_669, %gather3A_670] : memref<2x128x32xf32, #tpu.memory_space<vmem>> -> memref<1x128x32xf32, #tpu.memory_space<vmem>>
          %gather3A_672 = tpu.memref_squeeze %gather3A_671 : memref<1x128x32xf32, #tpu.memory_space<vmem>> -> memref<128x32xf32, #tpu.memory_space<vmem>>
          %gather3A_673 = tpu.vector_load_idx %gather3A_672[%add3A_611, %and3A_425] : memref<128x32xf32, #tpu.memory_space<vmem>>[vector<16xi32>, vector<16xi32>], vector<16xf32>,
          %gather3A_674 = tpu.vector_load_idx %arg14[%get3A_615, %and3A_425] : memref<1000x32xf32, #tpu.memory_space<vmem>>[vector<16xi32>, vector<16xi32>], vector<16xf32>,
          %add3A_675 = arith.addf %gather3A_673, %gather3A_674 : vector<16xf32>
          %scatter3A_676 = arith.constant 0 : i32
          %scatter3A_677 = arith.constant 0 : i32
          %scatter3A_678 = tpu.memref_slice %arg13[%scan3A_584, %scatter3A_676, %scatter3A_677] : memref<2x32x128xf32, #tpu.memory_space<vmem>> -> memref<1x32x128xf32, #tpu.memory_space<vmem>>
          %scatter3A_679 = tpu.memref_squeeze %scatter3A_678 : memref<1x32x128xf32, #tpu.memory_space<vmem>> -> memref<32x128xf32, #tpu.memory_space<vmem>>
          tpu.vector_store_idx %scatter3A_679[%and3A_425, %add3A_611], %add3A_675 : memref<32x128xf32, #tpu.memory_space<vmem>>[vector<16xi32>, vector<16xi32>], vector<16xf32>,
          %gather3A_680 = arith.constant 0 : i32
          %gather3A_681 = arith.constant 0 : i32
          %gather3A_682 = tpu.memref_slice %arg12[%scan3A_583, %gather3A_680, %gather3A_681] : memref<2x128x32xf32, #tpu.memory_space<vmem>> -> memref<1x128x32xf32, #tpu.memory_space<vmem>>
          %gather3A_683 = tpu.memref_squeeze %gather3A_682 : memref<1x128x32xf32, #tpu.memory_space<vmem>> -> memref<128x32xf32, #tpu.memory_space<vmem>>
          %gather3A_684 = tpu.vector_load_idx %gather3A_683[%add3A_611, %and3A_431] : memref<128x32xf32, #tpu.memory_space<vmem>>[vector<16xi32>, vector<16xi32>], vector<16xf32>,
          %gather3A_685 = tpu.vector_load_idx %arg14[%get3A_615, %and3A_431] : memref<1000x32xf32, #tpu.memory_space<vmem>>[vector<16xi32>, vector<16xi32>], vector<16xf32>,
          %add3A_686 = arith.addf %gather3A_684, %gather3A_685 : vector<16xf32>
          %scatter3A_687 = arith.constant 0 : i32
          %scatter3A_688 = arith.constant 0 : i32
          %scatter3A_689 = tpu.memref_slice %arg13[%scan3A_584, %scatter3A_687, %scatter3A_688] : memref<2x32x128xf32, #tpu.memory_space<vmem>> -> memref<1x32x128xf32, #tpu.memory_space<vmem>>
          %scatter3A_690 = tpu.memref_squeeze %scatter3A_689 : memref<1x32x128xf32, #tpu.memory_space<vmem>> -> memref<32x128xf32, #tpu.memory_space<vmem>>
          tpu.vector_store_idx %scatter3A_690[%and3A_431, %add3A_611], %add3A_686 : memref<32x128xf32, #tpu.memory_space<vmem>>[vector<16xi32>, vector<16xi32>], vector<16xf32>,
          %gather3A_691 = arith.constant 0 : i32
          %gather3A_692 = arith.constant 0 : i32
          %gather3A_693 = tpu.memref_slice %arg12[%scan3A_583, %gather3A_691, %gather3A_692] : memref<2x128x32xf32, #tpu.memory_space<vmem>> -> memref<1x128x32xf32, #tpu.memory_space<vmem>>
          %gather3A_694 = tpu.memref_squeeze %gather3A_693 : memref<1x128x32xf32, #tpu.memory_space<vmem>> -> memref<128x32xf32, #tpu.memory_space<vmem>>
          %gather3A_695 = tpu.vector_load_idx %gather3A_694[%add3A_611, %and3A_437] : memref<128x32xf32, #tpu.memory_space<vmem>>[vector<16xi32>, vector<16xi32>], vector<16xf32>,
          %gather3A_696 = tpu.vector_load_idx %arg14[%get3A_615, %and3A_437] : memref<1000x32xf32, #tpu.memory_space<vmem>>[vector<16xi32>, vector<16xi32>], vector<16xf32>,
          %add3A_697 = arith.addf %gather3A_695, %gather3A_696 : vector<16xf32>
          %scatter3A_698 = arith.constant 0 : i32
          %scatter3A_699 = arith.constant 0 : i32
          %scatter3A_700 = tpu.memref_slice %arg13[%scan3A_584, %scatter3A_698, %scatter3A_699] : memref<2x32x128xf32, #tpu.memory_space<vmem>> -> memref<1x32x128xf32, #tpu.memory_space<vmem>>
          %scatter3A_701 = tpu.memref_squeeze %scatter3A_700 : memref<1x32x128xf32, #tpu.memory_space<vmem>> -> memref<32x128xf32, #tpu.memory_space<vmem>>
          tpu.vector_store_idx %scatter3A_701[%and3A_437, %add3A_611], %add3A_697 : memref<32x128xf32, #tpu.memory_space<vmem>>[vector<16xi32>, vector<16xi32>], vector<16xf32>,
          %gather3A_702 = arith.constant 0 : i32
          %gather3A_703 = arith.constant 0 : i32
          %gather3A_704 = tpu.memref_slice %arg12[%scan3A_583, %gather3A_702, %gather3A_703] : memref<2x128x32xf32, #tpu.memory_space<vmem>> -> memref<1x128x32xf32, #tpu.memory_space<vmem>>
          %gather3A_705 = tpu.memref_squeeze %gather3A_704 : memref<1x128x32xf32, #tpu.memory_space<vmem>> -> memref<128x32xf32, #tpu.memory_space<vmem>>
          %gather3A_706 = tpu.vector_load_idx %gather3A_705[%add3A_611, %and3A_443] : memref<128x32xf32, #tpu.memory_space<vmem>>[vector<16xi32>, vector<16xi32>], vector<16xf32>,
          %gather3A_707 = tpu.vector_load_idx %arg14[%get3A_615, %and3A_443] : memref<1000x32xf32, #tpu.memory_space<vmem>>[vector<16xi32>, vector<16xi32>], vector<16xf32>,
          %add3A_708 = arith.addf %gather3A_706, %gather3A_707 : vector<16xf32>
          %scatter3A_709 = arith.constant 0 : i32
          %scatter3A_710 = arith.constant 0 : i32
          %scatter3A_711 = tpu.memref_slice %arg13[%scan3A_584, %scatter3A_709, %scatter3A_710] : memref<2x32x128xf32, #tpu.memory_space<vmem>> -> memref<1x32x128xf32, #tpu.memory_space<vmem>>
          %scatter3A_712 = tpu.memref_squeeze %scatter3A_711 : memref<1x32x128xf32, #tpu.memory_space<vmem>> -> memref<32x128xf32, #tpu.memory_space<vmem>>
          tpu.vector_store_idx %scatter3A_712[%and3A_443, %add3A_611], %add3A_708 : memref<32x128xf32, #tpu.memory_space<vmem>>[vector<16xi32>, vector<16xi32>], vector<16xf32>,
          %gather3A_713 = arith.constant 0 : i32
          %gather3A_714 = arith.constant 0 : i32
          %gather3A_715 = tpu.memref_slice %arg12[%scan3A_583, %gather3A_713, %gather3A_714] : memref<2x128x32xf32, #tpu.memory_space<vmem>> -> memref<1x128x32xf32, #tpu.memory_space<vmem>>
          %gather3A_716 = tpu.memref_squeeze %gather3A_715 : memref<1x128x32xf32, #tpu.memory_space<vmem>> -> memref<128x32xf32, #tpu.memory_space<vmem>>
          %gather3A_717 = tpu.vector_load_idx %gather3A_716[%add3A_611, %and3A_449] : memref<128x32xf32, #tpu.memory_space<vmem>>[vector<16xi32>, vector<16xi32>], vector<16xf32>,
          %gather3A_718 = tpu.vector_load_idx %arg14[%get3A_615, %and3A_449] : memref<1000x32xf32, #tpu.memory_space<vmem>>[vector<16xi32>, vector<16xi32>], vector<16xf32>,
          %add3A_719 = arith.addf %gather3A_717, %gather3A_718 : vector<16xf32>
          %scatter3A_720 = arith.constant 0 : i32
          %scatter3A_721 = arith.constant 0 : i32
          %scatter3A_722 = tpu.memref_slice %arg13[%scan3A_584, %scatter3A_720, %scatter3A_721] : memref<2x32x128xf32, #tpu.memory_space<vmem>> -> memref<1x32x128xf32, #tpu.memory_space<vmem>>
          %scatter3A_723 = tpu.memref_squeeze %scatter3A_722 : memref<1x32x128xf32, #tpu.memory_space<vmem>> -> memref<32x128xf32, #tpu.memory_space<vmem>>
          tpu.vector_store_idx %scatter3A_723[%and3A_449, %add3A_611], %add3A_719 : memref<32x128xf32, #tpu.memory_space<vmem>>[vector<16xi32>, vector<16xi32>], vector<16xf32>,
          %gather3A_724 = arith.constant 0 : i32
          %gather3A_725 = arith.constant 0 : i32
          %gather3A_726 = tpu.memref_slice %arg12[%scan3A_583, %gather3A_724, %gather3A_725] : memref<2x128x32xf32, #tpu.memory_space<vmem>> -> memref<1x128x32xf32, #tpu.memory_space<vmem>>
          %gather3A_727 = tpu.memref_squeeze %gather3A_726 : memref<1x128x32xf32, #tpu.memory_space<vmem>> -> memref<128x32xf32, #tpu.memory_space<vmem>>
          %gather3A_728 = tpu.vector_load_idx %gather3A_727[%add3A_611, %and3A_455] : memref<128x32xf32, #tpu.memory_space<vmem>>[vector<16xi32>, vector<16xi32>], vector<16xf32>,
          %gather3A_729 = tpu.vector_load_idx %arg14[%get3A_615, %and3A_455] : memref<1000x32xf32, #tpu.memory_space<vmem>>[vector<16xi32>, vector<16xi32>], vector<16xf32>,
          %add3A_730 = arith.addf %gather3A_728, %gather3A_729 : vector<16xf32>
          %scatter3A_731 = arith.constant 0 : i32
          %scatter3A_732 = arith.constant 0 : i32
          %scatter3A_733 = tpu.memref_slice %arg13[%scan3A_584, %scatter3A_731, %scatter3A_732] : memref<2x32x128xf32, #tpu.memory_space<vmem>> -> memref<1x32x128xf32, #tpu.memory_space<vmem>>
          %scatter3A_734 = tpu.memref_squeeze %scatter3A_733 : memref<1x32x128xf32, #tpu.memory_space<vmem>> -> memref<32x128xf32, #tpu.memory_space<vmem>>
          tpu.vector_store_idx %scatter3A_734[%and3A_455, %add3A_611], %add3A_730 : memref<32x128xf32, #tpu.memory_space<vmem>>[vector<16xi32>, vector<16xi32>], vector<16xf32>,
          %gather3A_735 = arith.constant 0 : i32
          %gather3A_736 = arith.constant 0 : i32
          %gather3A_737 = tpu.memref_slice %arg12[%scan3A_583, %gather3A_735, %gather3A_736] : memref<2x128x32xf32, #tpu.memory_space<vmem>> -> memref<1x128x32xf32, #tpu.memory_space<vmem>>
          %gather3A_738 = tpu.memref_squeeze %gather3A_737 : memref<1x128x32xf32, #tpu.memory_space<vmem>> -> memref<128x32xf32, #tpu.memory_space<vmem>>
          %gather3A_739 = tpu.vector_load_idx %gather3A_738[%add3A_611, %and3A_461] : memref<128x32xf32, #tpu.memory_space<vmem>>[vector<16xi32>, vector<16xi32>], vector<16xf32>,
          %gather3A_740 = tpu.vector_load_idx %arg14[%get3A_615, %and3A_461] : memref<1000x32xf32, #tpu.memory_space<vmem>>[vector<16xi32>, vector<16xi32>], vector<16xf32>,
          %add3A_741 = arith.addf %gather3A_739, %gather3A_740 : vector<16xf32>
          %scatter3A_742 = arith.constant 0 : i32
          %scatter3A_743 = arith.constant 0 : i32
          %scatter3A_744 = tpu.memref_slice %arg13[%scan3A_584, %scatter3A_742, %scatter3A_743] : memref<2x32x128xf32, #tpu.memory_space<vmem>> -> memref<1x32x128xf32, #tpu.memory_space<vmem>>
          %scatter3A_745 = tpu.memref_squeeze %scatter3A_744 : memref<1x32x128xf32, #tpu.memory_space<vmem>> -> memref<32x128xf32, #tpu.memory_space<vmem>>
          tpu.vector_store_idx %scatter3A_745[%and3A_461, %add3A_611], %add3A_741 : memref<32x128xf32, #tpu.memory_space<vmem>>[vector<16xi32>, vector<16xi32>], vector<16xf32>,
          %gather3A_746 = arith.constant 0 : i32
          %gather3A_747 = arith.constant 0 : i32
          %gather3A_748 = tpu.memref_slice %arg12[%scan3A_583, %gather3A_746, %gather3A_747] : memref<2x128x32xf32, #tpu.memory_space<vmem>> -> memref<1x128x32xf32, #tpu.memory_space<vmem>>
          %gather3A_749 = tpu.memref_squeeze %gather3A_748 : memref<1x128x32xf32, #tpu.memory_space<vmem>> -> memref<128x32xf32, #tpu.memory_space<vmem>>
          %gather3A_750 = tpu.vector_load_idx %gather3A_749[%add3A_611, %and3A_467] : memref<128x32xf32, #tpu.memory_space<vmem>>[vector<16xi32>, vector<16xi32>], vector<16xf32>,
          %gather3A_751 = tpu.vector_load_idx %arg14[%get3A_615, %and3A_467] : memref<1000x32xf32, #tpu.memory_space<vmem>>[vector<16xi32>, vector<16xi32>], vector<16xf32>,
          %add3A_752 = arith.addf %gather3A_750, %gather3A_751 : vector<16xf32>
          %scatter3A_753 = arith.constant 0 : i32
          %scatter3A_754 = arith.constant 0 : i32
          %scatter3A_755 = tpu.memref_slice %arg13[%scan3A_584, %scatter3A_753, %scatter3A_754] : memref<2x32x128xf32, #tpu.memory_space<vmem>> -> memref<1x32x128xf32, #tpu.memory_space<vmem>>
          %scatter3A_756 = tpu.memref_squeeze %scatter3A_755 : memref<1x32x128xf32, #tpu.memory_space<vmem>> -> memref<32x128xf32, #tpu.memory_space<vmem>>
          tpu.vector_store_idx %scatter3A_756[%and3A_467, %add3A_611], %add3A_752 : memref<32x128xf32, #tpu.memory_space<vmem>>[vector<16xi32>, vector<16xi32>], vector<16xf32>,
          %gather3A_757 = arith.constant 0 : i32
          %gather3A_758 = arith.constant 0 : i32
          %gather3A_759 = tpu.memref_slice %arg12[%scan3A_583, %gather3A_757, %gather3A_758] : memref<2x128x32xf32, #tpu.memory_space<vmem>> -> memref<1x128x32xf32, #tpu.memory_space<vmem>>
          %gather3A_760 = tpu.memref_squeeze %gather3A_759 : memref<1x128x32xf32, #tpu.memory_space<vmem>> -> memref<128x32xf32, #tpu.memory_space<vmem>>
          %gather3A_761 = tpu.vector_load_idx %gather3A_760[%add3A_611, %and3A_473] : memref<128x32xf32, #tpu.memory_space<vmem>>[vector<16xi32>, vector<16xi32>], vector<16xf32>,
          %gather3A_762 = tpu.vector_load_idx %arg14[%get3A_615, %and3A_473] : memref<1000x32xf32, #tpu.memory_space<vmem>>[vector<16xi32>, vector<16xi32>], vector<16xf32>,
          %add3A_763 = arith.addf %gather3A_761, %gather3A_762 : vector<16xf32>
          %scatter3A_764 = arith.constant 0 : i32
          %scatter3A_765 = arith.constant 0 : i32
          %scatter3A_766 = tpu.memref_slice %arg13[%scan3A_584, %scatter3A_764, %scatter3A_765] : memref<2x32x128xf32, #tpu.memory_space<vmem>> -> memref<1x32x128xf32, #tpu.memory_space<vmem>>
          %scatter3A_767 = tpu.memref_squeeze %scatter3A_766 : memref<1x32x128xf32, #tpu.memory_space<vmem>> -> memref<32x128xf32, #tpu.memory_space<vmem>>
          tpu.vector_store_idx %scatter3A_767[%and3A_473, %add3A_611], %add3A_763 : memref<32x128xf32, #tpu.memory_space<vmem>>[vector<16xi32>, vector<16xi32>], vector<16xf32>,
          %gather3A_768 = arith.constant 0 : i32
          %gather3A_769 = arith.constant 0 : i32
          %gather3A_770 = tpu.memref_slice %arg12[%scan3A_583, %gather3A_768, %gather3A_769] : memref<2x128x32xf32, #tpu.memory_space<vmem>> -> memref<1x128x32xf32, #tpu.memory_space<vmem>>
          %gather3A_771 = tpu.memref_squeeze %gather3A_770 : memref<1x128x32xf32, #tpu.memory_space<vmem>> -> memref<128x32xf32, #tpu.memory_space<vmem>>
          %gather3A_772 = tpu.vector_load_idx %gather3A_771[%add3A_611, %and3A_479] : memref<128x32xf32, #tpu.memory_space<vmem>>[vector<16xi32>, vector<16xi32>], vector<16xf32>,
          %gather3A_773 = tpu.vector_load_idx %arg14[%get3A_615, %and3A_479] : memref<1000x32xf32, #tpu.memory_space<vmem>>[vector<16xi32>, vector<16xi32>], vector<16xf32>,
          %add3A_774 = arith.addf %gather3A_772, %gather3A_773 : vector<16xf32>
          %scatter3A_775 = arith.constant 0 : i32
          %scatter3A_776 = arith.constant 0 : i32
          %scatter3A_777 = tpu.memref_slice %arg13[%scan3A_584, %scatter3A_775, %scatter3A_776] : memref<2x32x128xf32, #tpu.memory_space<vmem>> -> memref<1x32x128xf32, #tpu.memory_space<vmem>>
          %scatter3A_778 = tpu.memref_squeeze %scatter3A_777 : memref<1x32x128xf32, #tpu.memory_space<vmem>> -> memref<32x128xf32, #tpu.memory_space<vmem>>
          tpu.vector_store_idx %scatter3A_778[%and3A_479, %add3A_611], %add3A_774 : memref<32x128xf32, #tpu.memory_space<vmem>>[vector<16xi32>, vector<16xi32>], vector<16xf32>,
          %gather3A_779 = arith.constant 0 : i32
          %gather3A_780 = arith.constant 0 : i32
          %gather3A_781 = tpu.memref_slice %arg12[%scan3A_583, %gather3A_779, %gather3A_780] : memref<2x128x32xf32, #tpu.memory_space<vmem>> -> memref<1x128x32xf32, #tpu.memory_space<vmem>>
          %gather3A_782 = tpu.memref_squeeze %gather3A_781 : memref<1x128x32xf32, #tpu.memory_space<vmem>> -> memref<128x32xf32, #tpu.memory_space<vmem>>
          %gather3A_783 = tpu.vector_load_idx %gather3A_782[%add3A_611, %and3A_485] : memref<128x32xf32, #tpu.memory_space<vmem>>[vector<16xi32>, vector<16xi32>], vector<16xf32>,
          %gather3A_784 = tpu.vector_load_idx %arg14[%get3A_615, %and3A_485] : memref<1000x32xf32, #tpu.memory_space<vmem>>[vector<16xi32>, vector<16xi32>], vector<16xf32>,
          %add3A_785 = arith.addf %gather3A_783, %gather3A_784 : vector<16xf32>
          %scatter3A_786 = arith.constant 0 : i32
          %scatter3A_787 = arith.constant 0 : i32
          %scatter3A_788 = tpu.memref_slice %arg13[%scan3A_584, %scatter3A_786, %scatter3A_787] : memref<2x32x128xf32, #tpu.memory_space<vmem>> -> memref<1x32x128xf32, #tpu.memory_space<vmem>>
          %scatter3A_789 = tpu.memref_squeeze %scatter3A_788 : memref<1x32x128xf32, #tpu.memory_space<vmem>> -> memref<32x128xf32, #tpu.memory_space<vmem>>
          tpu.vector_store_idx %scatter3A_789[%and3A_485, %add3A_611], %add3A_785 : memref<32x128xf32, #tpu.memory_space<vmem>>[vector<16xi32>, vector<16xi32>], vector<16xf32>,
          %gather3A_790 = arith.constant 0 : i32
          %gather3A_791 = arith.constant 0 : i32
          %gather3A_792 = tpu.memref_slice %arg12[%scan3A_583, %gather3A_790, %gather3A_791] : memref<2x128x32xf32, #tpu.memory_space<vmem>> -> memref<1x128x32xf32, #tpu.memory_space<vmem>>
          %gather3A_793 = tpu.memref_squeeze %gather3A_792 : memref<1x128x32xf32, #tpu.memory_space<vmem>> -> memref<128x32xf32, #tpu.memory_space<vmem>>
          %gather3A_794 = tpu.vector_load_idx %gather3A_793[%add3A_611, %and3A_491] : memref<128x32xf32, #tpu.memory_space<vmem>>[vector<16xi32>, vector<16xi32>], vector<16xf32>,
          %gather3A_795 = tpu.vector_load_idx %arg14[%get3A_615, %and3A_491] : memref<1000x32xf32, #tpu.memory_space<vmem>>[vector<16xi32>, vector<16xi32>], vector<16xf32>,
          %add3A_796 = arith.addf %gather3A_794, %gather3A_795 : vector<16xf32>
          %scatter3A_797 = arith.constant 0 : i32
          %scatter3A_798 = arith.constant 0 : i32
          %scatter3A_799 = tpu.memref_slice %arg13[%scan3A_584, %scatter3A_797, %scatter3A_798] : memref<2x32x128xf32, #tpu.memory_space<vmem>> -> memref<1x32x128xf32, #tpu.memory_space<vmem>>
          %scatter3A_800 = tpu.memref_squeeze %scatter3A_799 : memref<1x32x128xf32, #tpu.memory_space<vmem>> -> memref<32x128xf32, #tpu.memory_space<vmem>>
          tpu.vector_store_idx %scatter3A_800[%and3A_491, %add3A_611], %add3A_796 : memref<32x128xf32, #tpu.memory_space<vmem>>[vector<16xi32>, vector<16xi32>], vector<16xf32>,
          %gather3A_801 = arith.constant 0 : i32
          %gather3A_802 = arith.constant 0 : i32
          %gather3A_803 = tpu.memref_slice %arg12[%scan3A_583, %gather3A_801, %gather3A_802] : memref<2x128x32xf32, #tpu.memory_space<vmem>> -> memref<1x128x32xf32, #tpu.memory_space<vmem>>
          %gather3A_804 = tpu.memref_squeeze %gather3A_803 : memref<1x128x32xf32, #tpu.memory_space<vmem>> -> memref<128x32xf32, #tpu.memory_space<vmem>>
          %gather3A_805 = tpu.vector_load_idx %gather3A_804[%add3A_611, %and3A_497] : memref<128x32xf32, #tpu.memory_space<vmem>>[vector<16xi32>, vector<16xi32>], vector<16xf32>,
          %gather3A_806 = tpu.vector_load_idx %arg14[%get3A_615, %and3A_497] : memref<1000x32xf32, #tpu.memory_space<vmem>>[vector<16xi32>, vector<16xi32>], vector<16xf32>,
          %add3A_807 = arith.addf %gather3A_805, %gather3A_806 : vector<16xf32>
          %scatter3A_808 = arith.constant 0 : i32
          %scatter3A_809 = arith.constant 0 : i32
          %scatter3A_810 = tpu.memref_slice %arg13[%scan3A_584, %scatter3A_808, %scatter3A_809] : memref<2x32x128xf32, #tpu.memory_space<vmem>> -> memref<1x32x128xf32, #tpu.memory_space<vmem>>
          %scatter3A_811 = tpu.memref_squeeze %scatter3A_810 : memref<1x32x128xf32, #tpu.memory_space<vmem>> -> memref<32x128xf32, #tpu.memory_space<vmem>>
          tpu.vector_store_idx %scatter3A_811[%and3A_497, %add3A_611], %add3A_807 : memref<32x128xf32, #tpu.memory_space<vmem>>[vector<16xi32>, vector<16xi32>], vector<16xf32>,
          %gather3A_812 = arith.constant 0 : i32
          %gather3A_813 = arith.constant 0 : i32
          %gather3A_814 = tpu.memref_slice %arg12[%scan3A_583, %gather3A_812, %gather3A_813] : memref<2x128x32xf32, #tpu.memory_space<vmem>> -> memref<1x128x32xf32, #tpu.memory_space<vmem>>
          %gather3A_815 = tpu.memref_squeeze %gather3A_814 : memref<1x128x32xf32, #tpu.memory_space<vmem>> -> memref<128x32xf32, #tpu.memory_space<vmem>>
          %gather3A_816 = tpu.vector_load_idx %gather3A_815[%add3A_611, %and3A_503] : memref<128x32xf32, #tpu.memory_space<vmem>>[vector<16xi32>, vector<16xi32>], vector<16xf32>,
          %gather3A_817 = tpu.vector_load_idx %arg14[%get3A_615, %and3A_503] : memref<1000x32xf32, #tpu.memory_space<vmem>>[vector<16xi32>, vector<16xi32>], vector<16xf32>,
          %add3A_818 = arith.addf %gather3A_816, %gather3A_817 : vector<16xf32>
          %scatter3A_819 = arith.constant 0 : i32
          %scatter3A_820 = arith.constant 0 : i32
          %scatter3A_821 = tpu.memref_slice %arg13[%scan3A_584, %scatter3A_819, %scatter3A_820] : memref<2x32x128xf32, #tpu.memory_space<vmem>> -> memref<1x32x128xf32, #tpu.memory_space<vmem>>
          %scatter3A_822 = tpu.memref_squeeze %scatter3A_821 : memref<1x32x128xf32, #tpu.memory_space<vmem>> -> memref<32x128xf32, #tpu.memory_space<vmem>>
          tpu.vector_store_idx %scatter3A_822[%and3A_503, %add3A_611], %add3A_818 : memref<32x128xf32, #tpu.memory_space<vmem>>[vector<16xi32>, vector<16xi32>], vector<16xf32>,
          %gather3A_823 = arith.constant 0 : i32
          %gather3A_824 = arith.constant 0 : i32
          %gather3A_825 = tpu.memref_slice %arg12[%scan3A_583, %gather3A_823, %gather3A_824] : memref<2x128x32xf32, #tpu.memory_space<vmem>> -> memref<1x128x32xf32, #tpu.memory_space<vmem>>
          %gather3A_826 = tpu.memref_squeeze %gather3A_825 : memref<1x128x32xf32, #tpu.memory_space<vmem>> -> memref<128x32xf32, #tpu.memory_space<vmem>>
          %gather3A_827 = tpu.vector_load_idx %gather3A_826[%add3A_611, %and3A_509] : memref<128x32xf32, #tpu.memory_space<vmem>>[vector<16xi32>, vector<16xi32>], vector<16xf32>,
          %gather3A_828 = tpu.vector_load_idx %arg14[%get3A_615, %and3A_509] : memref<1000x32xf32, #tpu.memory_space<vmem>>[vector<16xi32>, vector<16xi32>], vector<16xf32>,
          %add3A_829 = arith.addf %gather3A_827, %gather3A_828 : vector<16xf32>
          %scatter3A_830 = arith.constant 0 : i32
          %scatter3A_831 = arith.constant 0 : i32
          %scatter3A_832 = tpu.memref_slice %arg13[%scan3A_584, %scatter3A_830, %scatter3A_831] : memref<2x32x128xf32, #tpu.memory_space<vmem>> -> memref<1x32x128xf32, #tpu.memory_space<vmem>>
          %scatter3A_833 = tpu.memref_squeeze %scatter3A_832 : memref<1x32x128xf32, #tpu.memory_space<vmem>> -> memref<32x128xf32, #tpu.memory_space<vmem>>
          tpu.vector_store_idx %scatter3A_833[%and3A_509, %add3A_611], %add3A_829 : memref<32x128xf32, #tpu.memory_space<vmem>>[vector<16xi32>, vector<16xi32>], vector<16xf32>,
          %gather3A_834 = arith.constant 0 : i32
          %gather3A_835 = arith.constant 0 : i32
          %gather3A_836 = tpu.memref_slice %arg12[%scan3A_583, %gather3A_834, %gather3A_835] : memref<2x128x32xf32, #tpu.memory_space<vmem>> -> memref<1x128x32xf32, #tpu.memory_space<vmem>>
          %gather3A_837 = tpu.memref_squeeze %gather3A_836 : memref<1x128x32xf32, #tpu.memory_space<vmem>> -> memref<128x32xf32, #tpu.memory_space<vmem>>
          %gather3A_838 = tpu.vector_load_idx %gather3A_837[%add3A_611, %and3A_515] : memref<128x32xf32, #tpu.memory_space<vmem>>[vector<16xi32>, vector<16xi32>], vector<16xf32>,
          %gather3A_839 = tpu.vector_load_idx %arg14[%get3A_615, %and3A_515] : memref<1000x32xf32, #tpu.memory_space<vmem>>[vector<16xi32>, vector<16xi32>], vector<16xf32>,
          %add3A_840 = arith.addf %gather3A_838, %gather3A_839 : vector<16xf32>
          %scatter3A_841 = arith.constant 0 : i32
          %scatter3A_842 = arith.constant 0 : i32
          %scatter3A_843 = tpu.memref_slice %arg13[%scan3A_584, %scatter3A_841, %scatter3A_842] : memref<2x32x128xf32, #tpu.memory_space<vmem>> -> memref<1x32x128xf32, #tpu.memory_space<vmem>>
          %scatter3A_844 = tpu.memref_squeeze %scatter3A_843 : memref<1x32x128xf32, #tpu.memory_space<vmem>> -> memref<32x128xf32, #tpu.memory_space<vmem>>
          tpu.vector_store_idx %scatter3A_844[%and3A_515, %add3A_611], %add3A_840 : memref<32x128xf32, #tpu.memory_space<vmem>>[vector<16xi32>, vector<16xi32>], vector<16xf32>,
          %gather3A_845 = arith.constant 0 : i32
          %gather3A_846 = arith.constant 0 : i32
          %gather3A_847 = tpu.memref_slice %arg12[%scan3A_583, %gather3A_845, %gather3A_846] : memref<2x128x32xf32, #tpu.memory_space<vmem>> -> memref<1x128x32xf32, #tpu.memory_space<vmem>>
          %gather3A_848 = tpu.memref_squeeze %gather3A_847 : memref<1x128x32xf32, #tpu.memory_space<vmem>> -> memref<128x32xf32, #tpu.memory_space<vmem>>
          %gather3A_849 = tpu.vector_load_idx %gather3A_848[%add3A_611, %and3A_521] : memref<128x32xf32, #tpu.memory_space<vmem>>[vector<16xi32>, vector<16xi32>], vector<16xf32>,
          %gather3A_850 = tpu.vector_load_idx %arg14[%get3A_615, %and3A_521] : memref<1000x32xf32, #tpu.memory_space<vmem>>[vector<16xi32>, vector<16xi32>], vector<16xf32>,
          %add3A_851 = arith.addf %gather3A_849, %gather3A_850 : vector<16xf32>
          %scatter3A_852 = arith.constant 0 : i32
          %scatter3A_853 = arith.constant 0 : i32
          %scatter3A_854 = tpu.memref_slice %arg13[%scan3A_584, %scatter3A_852, %scatter3A_853] : memref<2x32x128xf32, #tpu.memory_space<vmem>> -> memref<1x32x128xf32, #tpu.memory_space<vmem>>
          %scatter3A_855 = tpu.memref_squeeze %scatter3A_854 : memref<1x32x128xf32, #tpu.memory_space<vmem>> -> memref<32x128xf32, #tpu.memory_space<vmem>>
          tpu.vector_store_idx %scatter3A_855[%and3A_521, %add3A_611], %add3A_851 : memref<32x128xf32, #tpu.memory_space<vmem>>[vector<16xi32>, vector<16xi32>], vector<16xf32>,
          %gather3A_856 = arith.constant 0 : i32
          %gather3A_857 = arith.constant 0 : i32
          %gather3A_858 = tpu.memref_slice %arg12[%scan3A_583, %gather3A_856, %gather3A_857] : memref<2x128x32xf32, #tpu.memory_space<vmem>> -> memref<1x128x32xf32, #tpu.memory_space<vmem>>
          %gather3A_859 = tpu.memref_squeeze %gather3A_858 : memref<1x128x32xf32, #tpu.memory_space<vmem>> -> memref<128x32xf32, #tpu.memory_space<vmem>>
          %gather3A_860 = tpu.vector_load_idx %gather3A_859[%add3A_611, %and3A_527] : memref<128x32xf32, #tpu.memory_space<vmem>>[vector<16xi32>, vector<16xi32>], vector<16xf32>,
          %gather3A_861 = tpu.vector_load_idx %arg14[%get3A_615, %and3A_527] : memref<1000x32xf32, #tpu.memory_space<vmem>>[vector<16xi32>, vector<16xi32>], vector<16xf32>,
          %add3A_862 = arith.addf %gather3A_860, %gather3A_861 : vector<16xf32>
          %scatter3A_863 = arith.constant 0 : i32
          %scatter3A_864 = arith.constant 0 : i32
          %scatter3A_865 = tpu.memref_slice %arg13[%scan3A_584, %scatter3A_863, %scatter3A_864] : memref<2x32x128xf32, #tpu.memory_space<vmem>> -> memref<1x32x128xf32, #tpu.memory_space<vmem>>
          %scatter3A_866 = tpu.memref_squeeze %scatter3A_865 : memref<1x32x128xf32, #tpu.memory_space<vmem>> -> memref<32x128xf32, #tpu.memory_space<vmem>>
          tpu.vector_store_idx %scatter3A_866[%and3A_527, %add3A_611], %add3A_862 : memref<32x128xf32, #tpu.memory_space<vmem>>[vector<16xi32>, vector<16xi32>], vector<16xf32>,
          %gather3A_867 = arith.constant 0 : i32
          %gather3A_868 = arith.constant 0 : i32
          %gather3A_869 = tpu.memref_slice %arg12[%scan3A_583, %gather3A_867, %gather3A_868] : memref<2x128x32xf32, #tpu.memory_space<vmem>> -> memref<1x128x32xf32, #tpu.memory_space<vmem>>
          %gather3A_870 = tpu.memref_squeeze %gather3A_869 : memref<1x128x32xf32, #tpu.memory_space<vmem>> -> memref<128x32xf32, #tpu.memory_space<vmem>>
          %gather3A_871 = tpu.vector_load_idx %gather3A_870[%add3A_611, %and3A_533] : memref<128x32xf32, #tpu.memory_space<vmem>>[vector<16xi32>, vector<16xi32>], vector<16xf32>,
          %gather3A_872 = tpu.vector_load_idx %arg14[%get3A_615, %and3A_533] : memref<1000x32xf32, #tpu.memory_space<vmem>>[vector<16xi32>, vector<16xi32>], vector<16xf32>,
          %add3A_873 = arith.addf %gather3A_871, %gather3A_872 : vector<16xf32>
          %scatter3A_874 = arith.constant 0 : i32
          %scatter3A_875 = arith.constant 0 : i32
          %scatter3A_876 = tpu.memref_slice %arg13[%scan3A_584, %scatter3A_874, %scatter3A_875] : memref<2x32x128xf32, #tpu.memory_space<vmem>> -> memref<1x32x128xf32, #tpu.memory_space<vmem>>
          %scatter3A_877 = tpu.memref_squeeze %scatter3A_876 : memref<1x32x128xf32, #tpu.memory_space<vmem>> -> memref<32x128xf32, #tpu.memory_space<vmem>>
          tpu.vector_store_idx %scatter3A_877[%and3A_533, %add3A_611], %add3A_873 : memref<32x128xf32, #tpu.memory_space<vmem>>[vector<16xi32>, vector<16xi32>], vector<16xf32>,
          %gather3A_878 = arith.constant 0 : i32
          %gather3A_879 = arith.constant 0 : i32
          %gather3A_880 = tpu.memref_slice %arg12[%scan3A_583, %gather3A_878, %gather3A_879] : memref<2x128x32xf32, #tpu.memory_space<vmem>> -> memref<1x128x32xf32, #tpu.memory_space<vmem>>
          %gather3A_881 = tpu.memref_squeeze %gather3A_880 : memref<1x128x32xf32, #tpu.memory_space<vmem>> -> memref<128x32xf32, #tpu.memory_space<vmem>>
          %gather3A_882 = tpu.vector_load_idx %gather3A_881[%add3A_611, %and3A_539] : memref<128x32xf32, #tpu.memory_space<vmem>>[vector<16xi32>, vector<16xi32>], vector<16xf32>,
          %gather3A_883 = tpu.vector_load_idx %arg14[%get3A_615, %and3A_539] : memref<1000x32xf32, #tpu.memory_space<vmem>>[vector<16xi32>, vector<16xi32>], vector<16xf32>,
          %add3A_884 = arith.addf %gather3A_882, %gather3A_883 : vector<16xf32>
          %scatter3A_885 = arith.constant 0 : i32
          %scatter3A_886 = arith.constant 0 : i32
          %scatter3A_887 = tpu.memref_slice %arg13[%scan3A_584, %scatter3A_885, %scatter3A_886] : memref<2x32x128xf32, #tpu.memory_space<vmem>> -> memref<1x32x128xf32, #tpu.memory_space<vmem>>
          %scatter3A_888 = tpu.memref_squeeze %scatter3A_887 : memref<1x32x128xf32, #tpu.memory_space<vmem>> -> memref<32x128xf32, #tpu.memory_space<vmem>>
          tpu.vector_store_idx %scatter3A_888[%and3A_539, %add3A_611], %add3A_884 : memref<32x128xf32, #tpu.memory_space<vmem>>[vector<16xi32>, vector<16xi32>], vector<16xf32>,
          %gather3A_889 = arith.constant 0 : i32
          %gather3A_890 = arith.constant 0 : i32
          %gather3A_891 = tpu.memref_slice %arg12[%scan3A_583, %gather3A_889, %gather3A_890] : memref<2x128x32xf32, #tpu.memory_space<vmem>> -> memref<1x128x32xf32, #tpu.memory_space<vmem>>
          %gather3A_892 = tpu.memref_squeeze %gather3A_891 : memref<1x128x32xf32, #tpu.memory_space<vmem>> -> memref<128x32xf32, #tpu.memory_space<vmem>>
          %gather3A_893 = tpu.vector_load_idx %gather3A_892[%add3A_611, %and3A_545] : memref<128x32xf32, #tpu.memory_space<vmem>>[vector<16xi32>, vector<16xi32>], vector<16xf32>,
          %gather3A_894 = tpu.vector_load_idx %arg14[%get3A_615, %and3A_545] : memref<1000x32xf32, #tpu.memory_space<vmem>>[vector<16xi32>, vector<16xi32>], vector<16xf32>,
          %add3A_895 = arith.addf %gather3A_893, %gather3A_894 : vector<16xf32>
          %scatter3A_896 = arith.constant 0 : i32
          %scatter3A_897 = arith.constant 0 : i32
          %scatter3A_898 = tpu.memref_slice %arg13[%scan3A_584, %scatter3A_896, %scatter3A_897] : memref<2x32x128xf32, #tpu.memory_space<vmem>> -> memref<1x32x128xf32, #tpu.memory_space<vmem>>
          %scatter3A_899 = tpu.memref_squeeze %scatter3A_898 : memref<1x32x128xf32, #tpu.memory_space<vmem>> -> memref<32x128xf32, #tpu.memory_space<vmem>>
          tpu.vector_store_idx %scatter3A_899[%and3A_545, %add3A_611], %add3A_895 : memref<32x128xf32, #tpu.memory_space<vmem>>[vector<16xi32>, vector<16xi32>], vector<16xf32>,
          %gather3A_900 = arith.constant 0 : i32
          %gather3A_901 = arith.constant 0 : i32
          %gather3A_902 = tpu.memref_slice %arg12[%scan3A_583, %gather3A_900, %gather3A_901] : memref<2x128x32xf32, #tpu.memory_space<vmem>> -> memref<1x128x32xf32, #tpu.memory_space<vmem>>
          %gather3A_903 = tpu.memref_squeeze %gather3A_902 : memref<1x128x32xf32, #tpu.memory_space<vmem>> -> memref<128x32xf32, #tpu.memory_space<vmem>>
          %gather3A_904 = tpu.vector_load_idx %gather3A_903[%add3A_611, %and3A_551] : memref<128x32xf32, #tpu.memory_space<vmem>>[vector<16xi32>, vector<16xi32>], vector<16xf32>,
          %gather3A_905 = tpu.vector_load_idx %arg14[%get3A_615, %and3A_551] : memref<1000x32xf32, #tpu.memory_space<vmem>>[vector<16xi32>, vector<16xi32>], vector<16xf32>,
          %add3A_906 = arith.addf %gather3A_904, %gather3A_905 : vector<16xf32>
          %scatter3A_907 = arith.constant 0 : i32
          %scatter3A_908 = arith.constant 0 : i32
          %scatter3A_909 = tpu.memref_slice %arg13[%scan3A_584, %scatter3A_907, %scatter3A_908] : memref<2x32x128xf32, #tpu.memory_space<vmem>> -> memref<1x32x128xf32, #tpu.memory_space<vmem>>
          %scatter3A_910 = tpu.memref_squeeze %scatter3A_909 : memref<1x32x128xf32, #tpu.memory_space<vmem>> -> memref<32x128xf32, #tpu.memory_space<vmem>>
          tpu.vector_store_idx %scatter3A_910[%and3A_551, %add3A_611], %add3A_906 : memref<32x128xf32, #tpu.memory_space<vmem>>[vector<16xi32>, vector<16xi32>], vector<16xf32>,
          %gather3A_911 = arith.constant 0 : i32
          %gather3A_912 = arith.constant 0 : i32
          %gather3A_913 = tpu.memref_slice %arg12[%scan3A_583, %gather3A_911, %gather3A_912] : memref<2x128x32xf32, #tpu.memory_space<vmem>> -> memref<1x128x32xf32, #tpu.memory_space<vmem>>
          %gather3A_914 = tpu.memref_squeeze %gather3A_913 : memref<1x128x32xf32, #tpu.memory_space<vmem>> -> memref<128x32xf32, #tpu.memory_space<vmem>>
          %gather3A_915 = tpu.vector_load_idx %gather3A_914[%add3A_611, %and3A_557] : memref<128x32xf32, #tpu.memory_space<vmem>>[vector<16xi32>, vector<16xi32>], vector<16xf32>,
          %gather3A_916 = tpu.vector_load_idx %arg14[%get3A_615, %and3A_557] : memref<1000x32xf32, #tpu.memory_space<vmem>>[vector<16xi32>, vector<16xi32>], vector<16xf32>,
          %add3A_917 = arith.addf %gather3A_915, %gather3A_916 : vector<16xf32>
          %scatter3A_918 = arith.constant 0 : i32
          %scatter3A_919 = arith.constant 0 : i32
          %scatter3A_920 = tpu.memref_slice %arg13[%scan3A_584, %scatter3A_918, %scatter3A_919] : memref<2x32x128xf32, #tpu.memory_space<vmem>> -> memref<1x32x128xf32, #tpu.memory_space<vmem>>
          %scatter3A_921 = tpu.memref_squeeze %scatter3A_920 : memref<1x32x128xf32, #tpu.memory_space<vmem>> -> memref<32x128xf32, #tpu.memory_space<vmem>>
          tpu.vector_store_idx %scatter3A_921[%and3A_557, %add3A_611], %add3A_917 : memref<32x128xf32, #tpu.memory_space<vmem>>[vector<16xi32>, vector<16xi32>], vector<16xf32>,
          %gather3A_922 = arith.constant 0 : i32
          %gather3A_923 = arith.constant 0 : i32
          %gather3A_924 = tpu.memref_slice %arg12[%scan3A_583, %gather3A_922, %gather3A_923] : memref<2x128x32xf32, #tpu.memory_space<vmem>> -> memref<1x128x32xf32, #tpu.memory_space<vmem>>
          %gather3A_925 = tpu.memref_squeeze %gather3A_924 : memref<1x128x32xf32, #tpu.memory_space<vmem>> -> memref<128x32xf32, #tpu.memory_space<vmem>>
          %gather3A_926 = tpu.vector_load_idx %gather3A_925[%add3A_611, %and3A_563] : memref<128x32xf32, #tpu.memory_space<vmem>>[vector<16xi32>, vector<16xi32>], vector<16xf32>,
          %gather3A_927 = tpu.vector_load_idx %arg14[%get3A_615, %and3A_563] : memref<1000x32xf32, #tpu.memory_space<vmem>>[vector<16xi32>, vector<16xi32>], vector<16xf32>,
          %add3A_928 = arith.addf %gather3A_926, %gather3A_927 : vector<16xf32>
          %scatter3A_929 = arith.constant 0 : i32
          %scatter3A_930 = arith.constant 0 : i32
          %scatter3A_931 = tpu.memref_slice %arg13[%scan3A_584, %scatter3A_929, %scatter3A_930] : memref<2x32x128xf32, #tpu.memory_space<vmem>> -> memref<1x32x128xf32, #tpu.memory_space<vmem>>
          %scatter3A_932 = tpu.memref_squeeze %scatter3A_931 : memref<1x32x128xf32, #tpu.memory_space<vmem>> -> memref<32x128xf32, #tpu.memory_space<vmem>>
          tpu.vector_store_idx %scatter3A_932[%and3A_563, %add3A_611], %add3A_928 : memref<32x128xf32, #tpu.memory_space<vmem>>[vector<16xi32>, vector<16xi32>], vector<16xf32>,
          %gather3A_933 = arith.constant 0 : i32
          %gather3A_934 = arith.constant 0 : i32
          %gather3A_935 = tpu.memref_slice %arg12[%scan3A_583, %gather3A_933, %gather3A_934] : memref<2x128x32xf32, #tpu.memory_space<vmem>> -> memref<1x128x32xf32, #tpu.memory_space<vmem>>
          %gather3A_936 = tpu.memref_squeeze %gather3A_935 : memref<1x128x32xf32, #tpu.memory_space<vmem>> -> memref<128x32xf32, #tpu.memory_space<vmem>>
          %gather3A_937 = tpu.vector_load_idx %gather3A_936[%add3A_611, %and3A_569] : memref<128x32xf32, #tpu.memory_space<vmem>>[vector<16xi32>, vector<16xi32>], vector<16xf32>,
          %gather3A_938 = tpu.vector_load_idx %arg14[%get3A_615, %and3A_569] : memref<1000x32xf32, #tpu.memory_space<vmem>>[vector<16xi32>, vector<16xi32>], vector<16xf32>,
          %add3A_939 = arith.addf %gather3A_937, %gather3A_938 : vector<16xf32>
          %scatter3A_940 = arith.constant 0 : i32
          %scatter3A_941 = arith.constant 0 : i32
          %scatter3A_942 = tpu.memref_slice %arg13[%scan3A_584, %scatter3A_940, %scatter3A_941] : memref<2x32x128xf32, #tpu.memory_space<vmem>> -> memref<1x32x128xf32, #tpu.memory_space<vmem>>
          %scatter3A_943 = tpu.memref_squeeze %scatter3A_942 : memref<1x32x128xf32, #tpu.memory_space<vmem>> -> memref<32x128xf32, #tpu.memory_space<vmem>>
          tpu.vector_store_idx %scatter3A_943[%and3A_569, %add3A_611], %add3A_939 : memref<32x128xf32, #tpu.memory_space<vmem>>[vector<16xi32>, vector<16xi32>], vector<16xf32>,
          %gather3A_944 = arith.constant 0 : i32
          %gather3A_945 = arith.constant 0 : i32
          %gather3A_946 = tpu.memref_slice %arg12[%scan3A_583, %gather3A_944, %gather3A_945] : memref<2x128x32xf32, #tpu.memory_space<vmem>> -> memref<1x128x32xf32, #tpu.memory_space<vmem>>
          %gather3A_947 = tpu.memref_squeeze %gather3A_946 : memref<1x128x32xf32, #tpu.memory_space<vmem>> -> memref<128x32xf32, #tpu.memory_space<vmem>>
          %gather3A_948 = tpu.vector_load_idx %gather3A_947[%add3A_611, %and3A_575] : memref<128x32xf32, #tpu.memory_space<vmem>>[vector<16xi32>, vector<16xi32>], vector<16xf32>,
          %gather3A_949 = tpu.vector_load_idx %arg14[%get3A_615, %and3A_575] : memref<1000x32xf32, #tpu.memory_space<vmem>>[vector<16xi32>, vector<16xi32>], vector<16xf32>,
          %add3A_950 = arith.addf %gather3A_948, %gather3A_949 : vector<16xf32>
          %scatter3A_951 = arith.constant 0 : i32
          %scatter3A_952 = arith.constant 0 : i32
          %scatter3A_953 = tpu.memref_slice %arg13[%scan3A_584, %scatter3A_951, %scatter3A_952] : memref<2x32x128xf32, #tpu.memory_space<vmem>> -> memref<1x32x128xf32, #tpu.memory_space<vmem>>
          %scatter3A_954 = tpu.memref_squeeze %scatter3A_953 : memref<1x32x128xf32, #tpu.memory_space<vmem>> -> memref<32x128xf32, #tpu.memory_space<vmem>>
          tpu.vector_store_idx %scatter3A_954[%and3A_575, %add3A_611], %add3A_950 : memref<32x128xf32, #tpu.memory_space<vmem>>[vector<16xi32>, vector<16xi32>], vector<16xf32>,
          %gather3A_955 = arith.constant 0 : i32
          %gather3A_956 = arith.constant 0 : i32
          %gather3A_957 = tpu.memref_slice %arg12[%scan3A_583, %gather3A_955, %gather3A_956] : memref<2x128x32xf32, #tpu.memory_space<vmem>> -> memref<1x128x32xf32, #tpu.memory_space<vmem>>
          %gather3A_958 = tpu.memref_squeeze %gather3A_957 : memref<1x128x32xf32, #tpu.memory_space<vmem>> -> memref<128x32xf32, #tpu.memory_space<vmem>>
          %gather3A_959 = tpu.vector_load_idx %gather3A_958[%add3A_611, %and3A_581] : memref<128x32xf32, #tpu.memory_space<vmem>>[vector<16xi32>, vector<16xi32>], vector<16xf32>,
          %gather3A_960 = tpu.vector_load_idx %arg14[%get3A_615, %and3A_581] : memref<1000x32xf32, #tpu.memory_space<vmem>>[vector<16xi32>, vector<16xi32>], vector<16xf32>,
          %add3A_961 = arith.addf %gather3A_959, %gather3A_960 : vector<16xf32>
          %scatter3A_962 = arith.constant 0 : i32
          %scatter3A_963 = arith.constant 0 : i32
          %scatter3A_964 = tpu.memref_slice %arg13[%scan3A_584, %scatter3A_962, %scatter3A_963] : memref<2x32x128xf32, #tpu.memory_space<vmem>> -> memref<1x32x128xf32, #tpu.memory_space<vmem>>
          %scatter3A_965 = tpu.memref_squeeze %scatter3A_964 : memref<1x32x128xf32, #tpu.memory_space<vmem>> -> memref<32x128xf32, #tpu.memory_space<vmem>>
          tpu.vector_store_idx %scatter3A_965[%and3A_581, %add3A_611], %add3A_961 : memref<32x128xf32, #tpu.memory_space<vmem>>[vector<16xi32>, vector<16xi32>], vector<16xf32>,
        }
        %scan3A_589 = arith.constant 8 : i32
        %sub3A_590 = arith.constant 1 : i32
        %sub3A_591 = arith.subi %add3A_281, %sub3A_590 : i32
        %dma_start3A_592 = arith.constant 1 : i32
        %dma_start3A_593 = arith.constant 0 : i32
        %dma_start3A_594 = arith.constant 0 : i32
        %dma_start3A_595 = tpu.memref_slice %arg13[%dma_start3A_592, %dma_start3A_593, %dma_start3A_594] : memref<2x32x128xf32, #tpu.memory_space<vmem>> -> memref<1x32x128xf32, #tpu.memory_space<vmem>>
        %dma_start3A_596 = tpu.memref_squeeze %dma_start3A_595 : memref<1x32x128xf32, #tpu.memory_space<vmem>> -> memref<32x128xf32, #tpu.memory_space<vmem>>
        %dma_start3A_597 = arith.constant 0 : i32
        %dma_start3A_598 = tpu.memref_slice %arg8[%sub3A_591, %dma_start3A_597, %mul3A_2] : memref<200x32x4096xf32, #tpu.memory_space<hbm>> -> memref<1x32x128xf32, #tpu.memory_space<hbm>>
        %dma_start3A_599 = tpu.memref_squeeze %dma_start3A_598 : memref<1x32x128xf32, #tpu.memory_space<hbm>> -> memref<32x128xf32, #tpu.memory_space<hbm>>
        %dma_start3A_600 = arith.constant 0 : i32
        %dma_start3A_601 = tpu.memref_slice %arg8[%sub3A_591, %dma_start3A_600, %mul3A_2] : memref<200x32x4096xf32, #tpu.memory_space<hbm>> -> memref<1x32x128xf32, #tpu.memory_space<hbm>>
        %dma_start3A_602 = tpu.memref_squeeze %dma_start3A_601 : memref<1x32x128xf32, #tpu.memory_space<hbm>> -> memref<32x128xf32, #tpu.memory_space<hbm>>
        %dma_start3A_603 = arith.constant 0 : i32
        %dma_start3A_604 = arith.constant 0 : i32
        %dma_start3A_605 = tpu.memref_slice %arg13[%dma_start3A_592, %dma_start3A_603, %dma_start3A_604] : memref<2x32x128xf32, #tpu.memory_space<vmem>> -> memref<1x32x128xf32, #tpu.memory_space<vmem>>
        %dma_start3A_606 = tpu.memref_squeeze %dma_start3A_605 : memref<1x32x128xf32, #tpu.memory_space<vmem>> -> memref<32x128xf32, #tpu.memory_space<vmem>>
        tpu.enqueue_dma source(%dma_start3A_606 : memref<32x128xf32, #tpu.memory_space<vmem>>) target(%dma_start3A_602 : memref<32x128xf32, #tpu.memory_space<hbm>>) target_semaphore(%arg18 : memref<!tpu.dma_semaphore, #tpu.memory_space<semaphore_mem>>)
      } else {
      }
      %mul3A_319 = arith.constant 2 : i32
      %mul3A_320 = arith.muli %scan3A_277, %mul3A_319 : i32
      %add3A_321 = arith.constant 1 : i32
      %add3A_322 = arith.addi %mul3A_320, %add3A_321 : i32
      %ge3A_323 = arith.constant 2 : i32
      %ge3A_324 = arith.cmpi sge, %add3A_322, %ge3A_323 : i32
      %convert_element_type3A_325 = arith.extui %ge3A_324 : i1 to i32
      %cond3A_326 = arith.constant 0 : i32
      %cond3A_327 = arith.cmpi ne, %convert_element_type3A_325, %cond3A_326 : i32
      scf.if %cond3A_327 {
        %dma_wait3A_364 = arith.constant 1 : i32
        %dma_wait3A_365 = arith.constant 0 : i32
        %dma_wait3A_366 = arith.constant 0 : i32
        %dma_wait3A_367 = arith.constant 0 : i32
        %dma_wait3A_368 = tpu.memref_slice %arg13[%dma_wait3A_364, %dma_wait3A_366, %dma_wait3A_367] : memref<2x32x128xf32, #tpu.memory_space<vmem>> -> memref<1x32x128xf32, #tpu.memory_space<vmem>>
        %dma_wait3A_369 = tpu.memref_squeeze %dma_wait3A_368 : memref<1x32x128xf32, #tpu.memory_space<vmem>> -> memref<32x128xf32, #tpu.memory_space<vmem>>
        %dma_wait3A_370 = arith.constant 0 : i32
        %dma_wait3A_371 = tpu.memref_slice %arg8[%dma_wait3A_365, %dma_wait3A_370, %mul3A_2] : memref<200x32x4096xf32, #tpu.memory_space<hbm>> -> memref<1x32x128xf32, #tpu.memory_space<hbm>>
        %dma_wait3A_372 = tpu.memref_squeeze %dma_wait3A_371 : memref<1x32x128xf32, #tpu.memory_space<hbm>> -> memref<32x128xf32, #tpu.memory_space<hbm>>
        %dma_wait3A_373 = arith.constant 0 : i32
        %dma_wait3A_374 = tpu.memref_slice %arg8[%dma_wait3A_365, %dma_wait3A_373, %mul3A_2] : memref<200x32x4096xf32, #tpu.memory_space<hbm>> -> memref<1x32x128xf32, #tpu.memory_space<hbm>>
        %dma_wait3A_375 = tpu.memref_squeeze %dma_wait3A_374 : memref<1x32x128xf32, #tpu.memory_space<hbm>> -> memref<32x128xf32, #tpu.memory_space<hbm>>
        %dma_wait3A_376 = arith.constant 0 : i32
        %dma_wait3A_377 = arith.constant 0 : i32
        %dma_wait3A_378 = tpu.memref_slice %arg13[%dma_wait3A_364, %dma_wait3A_376, %dma_wait3A_377] : memref<2x32x128xf32, #tpu.memory_space<vmem>> -> memref<1x32x128xf32, #tpu.memory_space<vmem>>
        %dma_wait3A_379 = tpu.memref_squeeze %dma_wait3A_378 : memref<1x32x128xf32, #tpu.memory_space<vmem>> -> memref<32x128xf32, #tpu.memory_space<vmem>>
        tpu.wait_dma2 semaphore(%arg18 : memref<!tpu.dma_semaphore, #tpu.memory_space<semaphore_mem>>) src(%dma_wait3A_379 : memref<32x128xf32, #tpu.memory_space<vmem>>) dst(%dma_wait3A_375 : memref<32x128xf32, #tpu.memory_space<hbm>>)
      } else {
      }
      %broadcast_in_dim3A_328 = arith.constant 0.000000e+00 : f32
      %broadcast_in_dim3A_329 = vector.broadcast %broadcast_in_dim3A_328 : f32 to vector<16xf32>
      %scan3A_330 = arith.constant 0 : i32
      %scan3A_331 = arith.constant 1 : i32
      %scan3A_332 = arith.constant 0 : i32
      %scan3A_333 = arith.constant 32 : i32
      %scan3A_334 = arith.addi %scan3A_332, %scan3A_333 : i32
      %scan3A_335 = arith.constant 1 : i32
      scf.for %scan3A_364 = %scan3A_332 to %scan3A_334 step %scan3A_335  : i32 {
        %mul3A_365 = arith.constant 4 : i32
        %mul3A_366 = arith.muli %scan3A_364, %mul3A_365 : i32
        %add3A_367 = arith.constant 0 : i32
        %add3A_368 = arith.addi %mul3A_366, %add3A_367 : i32
        %swap3A = arith.constant 0 : i32
        %swap3A_369 = arith.constant 0 : i32
        %swap3A_370 = tpu.memref_slice %arg12[%scan3A_331, %swap3A, %swap3A_369] : memref<2x128x32xf32, #tpu.memory_space<vmem>> -> memref<1x128x32xf32, #tpu.memory_space<vmem>>
        %swap3A_371 = tpu.memref_squeeze %swap3A_370 : memref<1x128x32xf32, #tpu.memory_space<vmem>> -> memref<128x32xf32, #tpu.memory_space<vmem>>
        %swap3A_372 = arith.index_cast %add3A_368 : i32 to index
        %swap3A_373 = arith.constant 0 : index
        %swap3A_374 = tpu.vector_load %swap3A_371[%swap3A_372, %swap3A_373] {strides = array<i32>} : memref<128x32xf32, #tpu.memory_space<vmem>>, vector<16xf32>,
        tpu.vector_store %swap3A_371[%swap3A_372, %swap3A_373], %broadcast_in_dim3A_329 {strides = array<i32>} : memref<128x32xf32, #tpu.memory_space<vmem>>, vector<16xf32>,
        %mul3A_375 = arith.constant 4 : i32
        %mul3A_376 = arith.muli %scan3A_364, %mul3A_375 : i32
        %add3A_377 = arith.constant 0 : i32
        %add3A_378 = arith.addi %mul3A_376, %add3A_377 : i32
        %swap3A_379 = arith.constant 0 : i32
        %swap3A_380 = arith.constant 0 : i32
        %swap3A_381 = tpu.memref_slice %arg12[%scan3A_331, %swap3A_379, %swap3A_380] : memref<2x128x32xf32, #tpu.memory_space<vmem>> -> memref<1x128x32xf32, #tpu.memory_space<vmem>>
        %swap3A_382 = tpu.memref_squeeze %swap3A_381 : memref<1x128x32xf32, #tpu.memory_space<vmem>> -> memref<128x32xf32, #tpu.memory_space<vmem>>
        %swap3A_383 = arith.index_cast %add3A_378 : i32 to index
        %swap3A_384 = arith.constant 16 : index
        %swap3A_385 = tpu.vector_load %swap3A_382[%swap3A_383, %swap3A_384] {strides = array<i32>} : memref<128x32xf32, #tpu.memory_space<vmem>>, vector<16xf32>,
        tpu.vector_store %swap3A_382[%swap3A_383, %swap3A_384], %broadcast_in_dim3A_329 {strides = array<i32>} : memref<128x32xf32, #tpu.memory_space<vmem>>, vector<16xf32>,
        %mul3A_386 = arith.constant 4 : i32
        %mul3A_387 = arith.muli %scan3A_364, %mul3A_386 : i32
        %add3A_388 = arith.constant 1 : i32
        %add3A_389 = arith.addi %mul3A_387, %add3A_388 : i32
        %swap3A_390 = arith.constant 0 : i32
        %swap3A_391 = arith.constant 0 : i32
        %swap3A_392 = tpu.memref_slice %arg12[%scan3A_331, %swap3A_390, %swap3A_391] : memref<2x128x32xf32, #tpu.memory_space<vmem>> -> memref<1x128x32xf32, #tpu.memory_space<vmem>>
        %swap3A_393 = tpu.memref_squeeze %swap3A_392 : memref<1x128x32xf32, #tpu.memory_space<vmem>> -> memref<128x32xf32, #tpu.memory_space<vmem>>
        %swap3A_394 = arith.index_cast %add3A_389 : i32 to index
        %swap3A_395 = arith.constant 0 : index
        %swap3A_396 = tpu.vector_load %swap3A_393[%swap3A_394, %swap3A_395] {strides = array<i32>} : memref<128x32xf32, #tpu.memory_space<vmem>>, vector<16xf32>,
        tpu.vector_store %swap3A_393[%swap3A_394, %swap3A_395], %broadcast_in_dim3A_329 {strides = array<i32>} : memref<128x32xf32, #tpu.memory_space<vmem>>, vector<16xf32>,
        %mul3A_397 = arith.constant 4 : i32
        %mul3A_398 = arith.muli %scan3A_364, %mul3A_397 : i32
        %add3A_399 = arith.constant 1 : i32
        %add3A_400 = arith.addi %mul3A_398, %add3A_399 : i32
        %swap3A_401 = arith.constant 0 : i32
        %swap3A_402 = arith.constant 0 : i32
        %swap3A_403 = tpu.memref_slice %arg12[%scan3A_331, %swap3A_401, %swap3A_402] : memref<2x128x32xf32, #tpu.memory_space<vmem>> -> memref<1x128x32xf32, #tpu.memory_space<vmem>>
        %swap3A_404 = tpu.memref_squeeze %swap3A_403 : memref<1x128x32xf32, #tpu.memory_space<vmem>> -> memref<128x32xf32, #tpu.memory_space<vmem>>
        %swap3A_405 = arith.index_cast %add3A_400 : i32 to index
        %swap3A_406 = arith.constant 16 : index
        %swap3A_407 = tpu.vector_load %swap3A_404[%swap3A_405, %swap3A_406] {strides = array<i32>} : memref<128x32xf32, #tpu.memory_space<vmem>>, vector<16xf32>,
        tpu.vector_store %swap3A_404[%swap3A_405, %swap3A_406], %broadcast_in_dim3A_329 {strides = array<i32>} : memref<128x32xf32, #tpu.memory_space<vmem>>, vector<16xf32>,
        %mul3A_408 = arith.constant 4 : i32
        %mul3A_409 = arith.muli %scan3A_364, %mul3A_408 : i32
        %add3A_410 = arith.constant 2 : i32
        %add3A_411 = arith.addi %mul3A_409, %add3A_410 : i32
        %swap3A_412 = arith.constant 0 : i32
        %swap3A_413 = arith.constant 0 : i32
        %swap3A_414 = tpu.memref_slice %arg12[%scan3A_331, %swap3A_412, %swap3A_413] : memref<2x128x32xf32, #tpu.memory_space<vmem>> -> memref<1x128x32xf32, #tpu.memory_space<vmem>>
        %swap3A_415 = tpu.memref_squeeze %swap3A_414 : memref<1x128x32xf32, #tpu.memory_space<vmem>> -> memref<128x32xf32, #tpu.memory_space<vmem>>
        %swap3A_416 = arith.index_cast %add3A_411 : i32 to index
        %swap3A_417 = arith.constant 0 : index
        %swap3A_418 = tpu.vector_load %swap3A_415[%swap3A_416, %swap3A_417] {strides = array<i32>} : memref<128x32xf32, #tpu.memory_space<vmem>>, vector<16xf32>,
        tpu.vector_store %swap3A_415[%swap3A_416, %swap3A_417], %broadcast_in_dim3A_329 {strides = array<i32>} : memref<128x32xf32, #tpu.memory_space<vmem>>, vector<16xf32>,
        %mul3A_419 = arith.constant 4 : i32
        %mul3A_420 = arith.muli %scan3A_364, %mul3A_419 : i32
        %add3A_421 = arith.constant 2 : i32
        %add3A_422 = arith.addi %mul3A_420, %add3A_421 : i32
        %swap3A_423 = arith.constant 0 : i32
        %swap3A_424 = arith.constant 0 : i32
        %swap3A_425 = tpu.memref_slice %arg12[%scan3A_331, %swap3A_423, %swap3A_424] : memref<2x128x32xf32, #tpu.memory_space<vmem>> -> memref<1x128x32xf32, #tpu.memory_space<vmem>>
        %swap3A_426 = tpu.memref_squeeze %swap3A_425 : memref<1x128x32xf32, #tpu.memory_space<vmem>> -> memref<128x32xf32, #tpu.memory_space<vmem>>
        %swap3A_427 = arith.index_cast %add3A_422 : i32 to index
        %swap3A_428 = arith.constant 16 : index
        %swap3A_429 = tpu.vector_load %swap3A_426[%swap3A_427, %swap3A_428] {strides = array<i32>} : memref<128x32xf32, #tpu.memory_space<vmem>>, vector<16xf32>,
        tpu.vector_store %swap3A_426[%swap3A_427, %swap3A_428], %broadcast_in_dim3A_329 {strides = array<i32>} : memref<128x32xf32, #tpu.memory_space<vmem>>, vector<16xf32>,
        %mul3A_430 = arith.constant 4 : i32
        %mul3A_431 = arith.muli %scan3A_364, %mul3A_430 : i32
        %add3A_432 = arith.constant 3 : i32
        %add3A_433 = arith.addi %mul3A_431, %add3A_432 : i32
        %swap3A_434 = arith.constant 0 : i32
        %swap3A_435 = arith.constant 0 : i32
        %swap3A_436 = tpu.memref_slice %arg12[%scan3A_331, %swap3A_434, %swap3A_435] : memref<2x128x32xf32, #tpu.memory_space<vmem>> -> memref<1x128x32xf32, #tpu.memory_space<vmem>>
        %swap3A_437 = tpu.memref_squeeze %swap3A_436 : memref<1x128x32xf32, #tpu.memory_space<vmem>> -> memref<128x32xf32, #tpu.memory_space<vmem>>
        %swap3A_438 = arith.index_cast %add3A_433 : i32 to index
        %swap3A_439 = arith.constant 0 : index
        %swap3A_440 = tpu.vector_load %swap3A_437[%swap3A_438, %swap3A_439] {strides = array<i32>} : memref<128x32xf32, #tpu.memory_space<vmem>>, vector<16xf32>,
        tpu.vector_store %swap3A_437[%swap3A_438, %swap3A_439], %broadcast_in_dim3A_329 {strides = array<i32>} : memref<128x32xf32, #tpu.memory_space<vmem>>, vector<16xf32>,
        %mul3A_441 = arith.constant 4 : i32
        %mul3A_442 = arith.muli %scan3A_364, %mul3A_441 : i32
        %add3A_443 = arith.constant 3 : i32
        %add3A_444 = arith.addi %mul3A_442, %add3A_443 : i32
        %swap3A_445 = arith.constant 0 : i32
        %swap3A_446 = arith.constant 0 : i32
        %swap3A_447 = tpu.memref_slice %arg12[%scan3A_331, %swap3A_445, %swap3A_446] : memref<2x128x32xf32, #tpu.memory_space<vmem>> -> memref<1x128x32xf32, #tpu.memory_space<vmem>>
        %swap3A_448 = tpu.memref_squeeze %swap3A_447 : memref<1x128x32xf32, #tpu.memory_space<vmem>> -> memref<128x32xf32, #tpu.memory_space<vmem>>
        %swap3A_449 = arith.index_cast %add3A_444 : i32 to index
        %swap3A_450 = arith.constant 16 : index
        %swap3A_451 = tpu.vector_load %swap3A_448[%swap3A_449, %swap3A_450] {strides = array<i32>} : memref<128x32xf32, #tpu.memory_space<vmem>>, vector<16xf32>,
        tpu.vector_store %swap3A_448[%swap3A_449, %swap3A_450], %broadcast_in_dim3A_329 {strides = array<i32>} : memref<128x32xf32, #tpu.memory_space<vmem>>, vector<16xf32>,
      }
      %scan3A_336 = arith.constant 32 : i32
      %dma_start3A_337 = arith.constant 1 : i32
      %dma_start3A_338 = arith.constant 0 : i32
      %dma_start3A_339 = arith.constant 0 : i32
      %dma_start3A_340 = tpu.memref_slice %arg12[%dma_start3A_337, %dma_start3A_338, %dma_start3A_339] : memref<2x128x32xf32, #tpu.memory_space<vmem>> -> memref<1x128x32xf32, #tpu.memory_space<vmem>>
      %dma_start3A_341 = tpu.memref_squeeze %dma_start3A_340 : memref<1x128x32xf32, #tpu.memory_space<vmem>> -> memref<128x32xf32, #tpu.memory_space<vmem>>
      %dma_start3A_342 = arith.constant 0 : i32
      %dma_start3A_343 = tpu.memref_slice %arg9[%add3A_322, %dma_start3A_342] : memref<200x128xi32, #tpu.memory_space<vmem>> -> memref<1x128xi32, #tpu.memory_space<vmem>>
      %dma_start3A_344 = tpu.memref_squeeze %dma_start3A_343 : memref<1x128xi32, #tpu.memory_space<vmem>> -> memref<128xi32, #tpu.memory_space<vmem>>
      %dma_start3A_345 = arith.constant 0 : i32
      %dma_start3A_346 = arith.constant 0 : i32
      %dma_start3A_347 = tpu.memref_slice %arg5[%dma_start3A_345, %dma_start3A_346] : memref<100000x32xf32, #tpu.memory_space<hbm>> -> memref<100000x32xf32, #tpu.memory_space<hbm>>
      tpu.enqueue_indirect_dma source(%dma_start3A_347 : memref<100000x32xf32, #tpu.memory_space<hbm>>) target(%dma_start3A_341 : memref<128x32xf32, #tpu.memory_space<vmem>>) offsets(%dma_start3A_344 : memref<128xi32, #tpu.memory_space<vmem>>) semaphore(%arg16 : memref<!tpu.dma_semaphore, #tpu.memory_space<semaphore_mem>>) {add = true}
      %dma_start3A_348 = arith.constant 1 : i32
      %dma_start3A_349 = arith.constant 0 : i32
      %dma_start3A_350 = arith.constant 0 : i32
      %dma_start3A_351 = tpu.memref_slice %arg12[%dma_start3A_348, %dma_start3A_349, %dma_start3A_350] : memref<2x128x32xf32, #tpu.memory_space<vmem>> -> memref<1x128x32xf32, #tpu.memory_space<vmem>>
      %dma_start3A_352 = tpu.memref_squeeze %dma_start3A_351 : memref<1x128x32xf32, #tpu.memory_space<vmem>> -> memref<128x32xf32, #tpu.memory_space<vmem>>
      %dma_start3A_353 = arith.constant 0 : i32
      %dma_start3A_354 = tpu.memref_slice %arg10[%add3A_322, %dma_start3A_353] : memref<200x128xi32, #tpu.memory_space<vmem>> -> memref<1x128xi32, #tpu.memory_space<vmem>>
      %dma_start3A_355 = tpu.memref_squeeze %dma_start3A_354 : memref<1x128xi32, #tpu.memory_space<vmem>> -> memref<128xi32, #tpu.memory_space<vmem>>
      %dma_start3A_356 = arith.constant 0 : i32
      %dma_start3A_357 = arith.constant 0 : i32
      %dma_start3A_358 = tpu.memref_slice %arg6[%dma_start3A_356, %dma_start3A_357] : memref<500051x32xf32, #tpu.memory_space<hbm>> -> memref<500051x32xf32, #tpu.memory_space<hbm>>
      tpu.enqueue_indirect_dma source(%dma_start3A_358 : memref<500051x32xf32, #tpu.memory_space<hbm>>) target(%dma_start3A_352 : memref<128x32xf32, #tpu.memory_space<vmem>>) offsets(%dma_start3A_355 : memref<128xi32, #tpu.memory_space<vmem>>) semaphore(%arg16 : memref<!tpu.dma_semaphore, #tpu.memory_space<semaphore_mem>>) {add = true}
      %ge3A_359 = arith.constant 1 : i32
      %ge3A_360 = arith.cmpi sge, %add3A_322, %ge3A_359 : i32
      %convert_element_type3A_361 = arith.extui %ge3A_360 : i1 to i32
      %cond3A_362 = arith.constant 0 : i32
      %cond3A_363 = arith.cmpi ne, %convert_element_type3A_361, %cond3A_362 : i32
      scf.if %cond3A_363 {
        %sub3A = arith.constant 1 : i32
        %sub3A_364 = arith.subi %add3A_322, %sub3A : i32
        %dma_wait3A_365 = arith.constant 0 : i32
        %dma_wait3A_366 = arith.constant 0 : i32
        %dma_wait3A_367 = arith.constant 0 : i32
        %dma_wait3A_368 = tpu.memref_slice %arg12[%dma_wait3A_365, %dma_wait3A_366, %dma_wait3A_367] : memref<2x128x32xf32, #tpu.memory_space<vmem>> -> memref<1x128x32xf32, #tpu.memory_space<vmem>>
        %dma_wait3A_369 = tpu.memref_squeeze %dma_wait3A_368 : memref<1x128x32xf32, #tpu.memory_space<vmem>> -> memref<128x32xf32, #tpu.memory_space<vmem>>
        %dma_wait3A_370 = arith.constant 0 : i32
        %dma_wait3A_371 = tpu.memref_slice %arg9[%sub3A_364, %dma_wait3A_370] : memref<200x128xi32, #tpu.memory_space<vmem>> -> memref<1x128xi32, #tpu.memory_space<vmem>>
        %dma_wait3A_372 = tpu.memref_squeeze %dma_wait3A_371 : memref<1x128xi32, #tpu.memory_space<vmem>> -> memref<128xi32, #tpu.memory_space<vmem>>
        %dma_wait3A_373 = arith.constant 0 : i32
        %dma_wait3A_374 = arith.constant 0 : i32
        %dma_wait3A_375 = tpu.memref_slice %arg5[%dma_wait3A_373, %dma_wait3A_374] : memref<100000x32xf32, #tpu.memory_space<hbm>> -> memref<100000x32xf32, #tpu.memory_space<hbm>>
        tpu.wait_indirect_dma semaphore(%arg15 : memref<!tpu.dma_semaphore, #tpu.memory_space<semaphore_mem>>) src(%dma_wait3A_375 : memref<100000x32xf32, #tpu.memory_space<hbm>>) dst(%dma_wait3A_369 : memref<128x32xf32, #tpu.memory_space<vmem>>)
        %dma_wait3A_376 = arith.constant 0 : i32
        %dma_wait3A_377 = arith.constant 0 : i32
        %dma_wait3A_378 = arith.constant 0 : i32
        %dma_wait3A_379 = tpu.memref_slice %arg12[%dma_wait3A_376, %dma_wait3A_377, %dma_wait3A_378] : memref<2x128x32xf32, #tpu.memory_space<vmem>> -> memref<1x128x32xf32, #tpu.memory_space<vmem>>
        %dma_wait3A_380 = tpu.memref_squeeze %dma_wait3A_379 : memref<1x128x32xf32, #tpu.memory_space<vmem>> -> memref<128x32xf32, #tpu.memory_space<vmem>>
        %dma_wait3A_381 = arith.constant 0 : i32
        %dma_wait3A_382 = tpu.memref_slice %arg10[%sub3A_364, %dma_wait3A_381] : memref<200x128xi32, #tpu.memory_space<vmem>> -> memref<1x128xi32, #tpu.memory_space<vmem>>
        %dma_wait3A_383 = tpu.memref_squeeze %dma_wait3A_382 : memref<1x128xi32, #tpu.memory_space<vmem>> -> memref<128xi32, #tpu.memory_space<vmem>>
        %dma_wait3A_384 = arith.constant 0 : i32
        %dma_wait3A_385 = arith.constant 0 : i32
        %dma_wait3A_386 = tpu.memref_slice %arg6[%dma_wait3A_384, %dma_wait3A_385] : memref<500051x32xf32, #tpu.memory_space<hbm>> -> memref<500051x32xf32, #tpu.memory_space<hbm>>
        tpu.wait_indirect_dma semaphore(%arg15 : memref<!tpu.dma_semaphore, #tpu.memory_space<semaphore_mem>>) src(%dma_wait3A_386 : memref<500051x32xf32, #tpu.memory_space<hbm>>) dst(%dma_wait3A_380 : memref<128x32xf32, #tpu.memory_space<vmem>>)
        %sub3A_387 = arith.constant 1 : i32
        %sub3A_388 = arith.subi %add3A_322, %sub3A_387 : i32
        %iota3A_389 = tpu.iota {dimensions = array<i32: 0>} : vector<16xi32>
        %add3A_390 = arith.constant 0 : i32
        %add3A_391 = vector.broadcast %add3A_390 : i32 to vector<16xi32>
        %add3A_392 = arith.addi %add3A_391, %iota3A_389 : vector<16xi32>
        %and3A_393 = arith.constant 31 : i32
        %and3A_394 = vector.broadcast %and3A_393 : i32 to vector<16xi32>
        %and3A_395 = arith.andi %add3A_392, %and3A_394 : vector<16xi32>
        %add3A_396 = arith.constant 1 : i32
        %add3A_397 = vector.broadcast %add3A_396 : i32 to vector<16xi32>
        %add3A_398 = arith.addi %add3A_397, %iota3A_389 : vector<16xi32>
        %and3A_399 = arith.constant 31 : i32
        %and3A_400 = vector.broadcast %and3A_399 : i32 to vector<16xi32>
        %and3A_401 = arith.andi %add3A_398, %and3A_400 : vector<16xi32>
        %add3A_402 = arith.constant 2 : i32
        %add3A_403 = vector.broadcast %add3A_402 : i32 to vector<16xi32>
        %add3A_404 = arith.addi %add3A_403, %iota3A_389 : vector<16xi32>
        %and3A_405 = arith.constant 31 : i32
        %and3A_406 = vector.broadcast %and3A_405 : i32 to vector<16xi32>
        %and3A_407 = arith.andi %add3A_404, %and3A_406 : vector<16xi32>
        %add3A_408 = arith.constant 3 : i32
        %add3A_409 = vector.broadcast %add3A_408 : i32 to vector<16xi32>
        %add3A_410 = arith.addi %add3A_409, %iota3A_389 : vector<16xi32>
        %and3A_411 = arith.constant 31 : i32
        %and3A_412 = vector.broadcast %and3A_411 : i32 to vector<16xi32>
        %and3A_413 = arith.andi %add3A_410, %and3A_412 : vector<16xi32>
        %add3A_414 = arith.constant 4 : i32
        %add3A_415 = vector.broadcast %add3A_414 : i32 to vector<16xi32>
        %add3A_416 = arith.addi %add3A_415, %iota3A_389 : vector<16xi32>
        %and3A_417 = arith.constant 31 : i32
        %and3A_418 = vector.broadcast %and3A_417 : i32 to vector<16xi32>
        %and3A_419 = arith.andi %add3A_416, %and3A_418 : vector<16xi32>
        %add3A_420 = arith.constant 5 : i32
        %add3A_421 = vector.broadcast %add3A_420 : i32 to vector<16xi32>
        %add3A_422 = arith.addi %add3A_421, %iota3A_389 : vector<16xi32>
        %and3A_423 = arith.constant 31 : i32
        %and3A_424 = vector.broadcast %and3A_423 : i32 to vector<16xi32>
        %and3A_425 = arith.andi %add3A_422, %and3A_424 : vector<16xi32>
        %add3A_426 = arith.constant 6 : i32
        %add3A_427 = vector.broadcast %add3A_426 : i32 to vector<16xi32>
        %add3A_428 = arith.addi %add3A_427, %iota3A_389 : vector<16xi32>
        %and3A_429 = arith.constant 31 : i32
        %and3A_430 = vector.broadcast %and3A_429 : i32 to vector<16xi32>
        %and3A_431 = arith.andi %add3A_428, %and3A_430 : vector<16xi32>
        %add3A_432 = arith.constant 7 : i32
        %add3A_433 = vector.broadcast %add3A_432 : i32 to vector<16xi32>
        %add3A_434 = arith.addi %add3A_433, %iota3A_389 : vector<16xi32>
        %and3A_435 = arith.constant 31 : i32
        %and3A_436 = vector.broadcast %and3A_435 : i32 to vector<16xi32>
        %and3A_437 = arith.andi %add3A_434, %and3A_436 : vector<16xi32>
        %add3A_438 = arith.constant 8 : i32
        %add3A_439 = vector.broadcast %add3A_438 : i32 to vector<16xi32>
        %add3A_440 = arith.addi %add3A_439, %iota3A_389 : vector<16xi32>
        %and3A_441 = arith.constant 31 : i32
        %and3A_442 = vector.broadcast %and3A_441 : i32 to vector<16xi32>
        %and3A_443 = arith.andi %add3A_440, %and3A_442 : vector<16xi32>
        %add3A_444 = arith.constant 9 : i32
        %add3A_445 = vector.broadcast %add3A_444 : i32 to vector<16xi32>
        %add3A_446 = arith.addi %add3A_445, %iota3A_389 : vector<16xi32>
        %and3A_447 = arith.constant 31 : i32
        %and3A_448 = vector.broadcast %and3A_447 : i32 to vector<16xi32>
        %and3A_449 = arith.andi %add3A_446, %and3A_448 : vector<16xi32>
        %add3A_450 = arith.constant 10 : i32
        %add3A_451 = vector.broadcast %add3A_450 : i32 to vector<16xi32>
        %add3A_452 = arith.addi %add3A_451, %iota3A_389 : vector<16xi32>
        %and3A_453 = arith.constant 31 : i32
        %and3A_454 = vector.broadcast %and3A_453 : i32 to vector<16xi32>
        %and3A_455 = arith.andi %add3A_452, %and3A_454 : vector<16xi32>
        %add3A_456 = arith.constant 11 : i32
        %add3A_457 = vector.broadcast %add3A_456 : i32 to vector<16xi32>
        %add3A_458 = arith.addi %add3A_457, %iota3A_389 : vector<16xi32>
        %and3A_459 = arith.constant 31 : i32
        %and3A_460 = vector.broadcast %and3A_459 : i32 to vector<16xi32>
        %and3A_461 = arith.andi %add3A_458, %and3A_460 : vector<16xi32>
        %add3A_462 = arith.constant 12 : i32
        %add3A_463 = vector.broadcast %add3A_462 : i32 to vector<16xi32>
        %add3A_464 = arith.addi %add3A_463, %iota3A_389 : vector<16xi32>
        %and3A_465 = arith.constant 31 : i32
        %and3A_466 = vector.broadcast %and3A_465 : i32 to vector<16xi32>
        %and3A_467 = arith.andi %add3A_464, %and3A_466 : vector<16xi32>
        %add3A_468 = arith.constant 13 : i32
        %add3A_469 = vector.broadcast %add3A_468 : i32 to vector<16xi32>
        %add3A_470 = arith.addi %add3A_469, %iota3A_389 : vector<16xi32>
        %and3A_471 = arith.constant 31 : i32
        %and3A_472 = vector.broadcast %and3A_471 : i32 to vector<16xi32>
        %and3A_473 = arith.andi %add3A_470, %and3A_472 : vector<16xi32>
        %add3A_474 = arith.constant 14 : i32
        %add3A_475 = vector.broadcast %add3A_474 : i32 to vector<16xi32>
        %add3A_476 = arith.addi %add3A_475, %iota3A_389 : vector<16xi32>
        %and3A_477 = arith.constant 31 : i32
        %and3A_478 = vector.broadcast %and3A_477 : i32 to vector<16xi32>
        %and3A_479 = arith.andi %add3A_476, %and3A_478 : vector<16xi32>
        %add3A_480 = arith.constant 15 : i32
        %add3A_481 = vector.broadcast %add3A_480 : i32 to vector<16xi32>
        %add3A_482 = arith.addi %add3A_481, %iota3A_389 : vector<16xi32>
        %and3A_483 = arith.constant 31 : i32
        %and3A_484 = vector.broadcast %and3A_483 : i32 to vector<16xi32>
        %and3A_485 = arith.andi %add3A_482, %and3A_484 : vector<16xi32>
        %add3A_486 = arith.constant 16 : i32
        %add3A_487 = vector.broadcast %add3A_486 : i32 to vector<16xi32>
        %add3A_488 = arith.addi %add3A_487, %iota3A_389 : vector<16xi32>
        %and3A_489 = arith.constant 31 : i32
        %and3A_490 = vector.broadcast %and3A_489 : i32 to vector<16xi32>
        %and3A_491 = arith.andi %add3A_488, %and3A_490 : vector<16xi32>
        %add3A_492 = arith.constant 17 : i32
        %add3A_493 = vector.broadcast %add3A_492 : i32 to vector<16xi32>
        %add3A_494 = arith.addi %add3A_493, %iota3A_389 : vector<16xi32>
        %and3A_495 = arith.constant 31 : i32
        %and3A_496 = vector.broadcast %and3A_495 : i32 to vector<16xi32>
        %and3A_497 = arith.andi %add3A_494, %and3A_496 : vector<16xi32>
        %add3A_498 = arith.constant 18 : i32
        %add3A_499 = vector.broadcast %add3A_498 : i32 to vector<16xi32>
        %add3A_500 = arith.addi %add3A_499, %iota3A_389 : vector<16xi32>
        %and3A_501 = arith.constant 31 : i32
        %and3A_502 = vector.broadcast %and3A_501 : i32 to vector<16xi32>
        %and3A_503 = arith.andi %add3A_500, %and3A_502 : vector<16xi32>
        %add3A_504 = arith.constant 19 : i32
        %add3A_505 = vector.broadcast %add3A_504 : i32 to vector<16xi32>
        %add3A_506 = arith.addi %add3A_505, %iota3A_389 : vector<16xi32>
        %and3A_507 = arith.constant 31 : i32
        %and3A_508 = vector.broadcast %and3A_507 : i32 to vector<16xi32>
        %and3A_509 = arith.andi %add3A_506, %and3A_508 : vector<16xi32>
        %add3A_510 = arith.constant 20 : i32
        %add3A_511 = vector.broadcast %add3A_510 : i32 to vector<16xi32>
        %add3A_512 = arith.addi %add3A_511, %iota3A_389 : vector<16xi32>
        %and3A_513 = arith.constant 31 : i32
        %and3A_514 = vector.broadcast %and3A_513 : i32 to vector<16xi32>
        %and3A_515 = arith.andi %add3A_512, %and3A_514 : vector<16xi32>
        %add3A_516 = arith.constant 21 : i32
        %add3A_517 = vector.broadcast %add3A_516 : i32 to vector<16xi32>
        %add3A_518 = arith.addi %add3A_517, %iota3A_389 : vector<16xi32>
        %and3A_519 = arith.constant 31 : i32
        %and3A_520 = vector.broadcast %and3A_519 : i32 to vector<16xi32>
        %and3A_521 = arith.andi %add3A_518, %and3A_520 : vector<16xi32>
        %add3A_522 = arith.constant 22 : i32
        %add3A_523 = vector.broadcast %add3A_522 : i32 to vector<16xi32>
        %add3A_524 = arith.addi %add3A_523, %iota3A_389 : vector<16xi32>
        %and3A_525 = arith.constant 31 : i32
        %and3A_526 = vector.broadcast %and3A_525 : i32 to vector<16xi32>
        %and3A_527 = arith.andi %add3A_524, %and3A_526 : vector<16xi32>
        %add3A_528 = arith.constant 23 : i32
        %add3A_529 = vector.broadcast %add3A_528 : i32 to vector<16xi32>
        %add3A_530 = arith.addi %add3A_529, %iota3A_389 : vector<16xi32>
        %and3A_531 = arith.constant 31 : i32
        %and3A_532 = vector.broadcast %and3A_531 : i32 to vector<16xi32>
        %and3A_533 = arith.andi %add3A_530, %and3A_532 : vector<16xi32>
        %add3A_534 = arith.constant 24 : i32
        %add3A_535 = vector.broadcast %add3A_534 : i32 to vector<16xi32>
        %add3A_536 = arith.addi %add3A_535, %iota3A_389 : vector<16xi32>
        %and3A_537 = arith.constant 31 : i32
        %and3A_538 = vector.broadcast %and3A_537 : i32 to vector<16xi32>
        %and3A_539 = arith.andi %add3A_536, %and3A_538 : vector<16xi32>
        %add3A_540 = arith.constant 25 : i32
        %add3A_541 = vector.broadcast %add3A_540 : i32 to vector<16xi32>
        %add3A_542 = arith.addi %add3A_541, %iota3A_389 : vector<16xi32>
        %and3A_543 = arith.constant 31 : i32
        %and3A_544 = vector.broadcast %and3A_543 : i32 to vector<16xi32>
        %and3A_545 = arith.andi %add3A_542, %and3A_544 : vector<16xi32>
        %add3A_546 = arith.constant 26 : i32
        %add3A_547 = vector.broadcast %add3A_546 : i32 to vector<16xi32>
        %add3A_548 = arith.addi %add3A_547, %iota3A_389 : vector<16xi32>
        %and3A_549 = arith.constant 31 : i32
        %and3A_550 = vector.broadcast %and3A_549 : i32 to vector<16xi32>
        %and3A_551 = arith.andi %add3A_548, %and3A_550 : vector<16xi32>
        %add3A_552 = arith.constant 27 : i32
        %add3A_553 = vector.broadcast %add3A_552 : i32 to vector<16xi32>
        %add3A_554 = arith.addi %add3A_553, %iota3A_389 : vector<16xi32>
        %and3A_555 = arith.constant 31 : i32
        %and3A_556 = vector.broadcast %and3A_555 : i32 to vector<16xi32>
        %and3A_557 = arith.andi %add3A_554, %and3A_556 : vector<16xi32>
        %add3A_558 = arith.constant 28 : i32
        %add3A_559 = vector.broadcast %add3A_558 : i32 to vector<16xi32>
        %add3A_560 = arith.addi %add3A_559, %iota3A_389 : vector<16xi32>
        %and3A_561 = arith.constant 31 : i32
        %and3A_562 = vector.broadcast %and3A_561 : i32 to vector<16xi32>
        %and3A_563 = arith.andi %add3A_560, %and3A_562 : vector<16xi32>
        %add3A_564 = arith.constant 29 : i32
        %add3A_565 = vector.broadcast %add3A_564 : i32 to vector<16xi32>
        %add3A_566 = arith.addi %add3A_565, %iota3A_389 : vector<16xi32>
        %and3A_567 = arith.constant 31 : i32
        %and3A_568 = vector.broadcast %and3A_567 : i32 to vector<16xi32>
        %and3A_569 = arith.andi %add3A_566, %and3A_568 : vector<16xi32>
        %add3A_570 = arith.constant 30 : i32
        %add3A_571 = vector.broadcast %add3A_570 : i32 to vector<16xi32>
        %add3A_572 = arith.addi %add3A_571, %iota3A_389 : vector<16xi32>
        %and3A_573 = arith.constant 31 : i32
        %and3A_574 = vector.broadcast %and3A_573 : i32 to vector<16xi32>
        %and3A_575 = arith.andi %add3A_572, %and3A_574 : vector<16xi32>
        %add3A_576 = arith.constant 31 : i32
        %add3A_577 = vector.broadcast %add3A_576 : i32 to vector<16xi32>
        %add3A_578 = arith.addi %add3A_577, %iota3A_389 : vector<16xi32>
        %and3A_579 = arith.constant 31 : i32
        %and3A_580 = vector.broadcast %and3A_579 : i32 to vector<16xi32>
        %and3A_581 = arith.andi %add3A_578, %and3A_580 : vector<16xi32>
        %scan3A_582 = arith.constant 0 : i32
        %scan3A_583 = arith.constant 0 : i32
        %scan3A_584 = arith.constant 0 : i32
        %scan3A_585 = arith.constant 0 : i32
        %scan3A_586 = arith.constant 8 : i32
        %scan3A_587 = arith.addi %scan3A_585, %scan3A_586 : i32
        %scan3A_588 = arith.constant 1 : i32
        scf.for %scan3A_607 = %scan3A_585 to %scan3A_587 step %scan3A_588  : i32 {
          %mul3A_608 = arith.constant 16 : i32
          %mul3A_609 = arith.muli %scan3A_607, %mul3A_608 : i32
          %add3A_610 = vector.broadcast %mul3A_609 : i32 to vector<16xi32>
          %add3A_611 = arith.addi %add3A_610, %iota3A_389 : vector<16xi32>
          %mul3A_612 = arith.constant 16 : i32
          %mul3A_613 = arith.muli %scan3A_607, %mul3A_612 : i32
          %get3A = arith.index_cast %sub3A_388 : i32 to index
          %get3A_614 = arith.index_cast %mul3A_613 : i32 to index
          %get3A_615 = tpu.vector_load %arg11[%get3A, %get3A_614] {strides = array<i32>} : memref<200x128xi32, #tpu.memory_space<vmem>>, vector<16xi32>,
          %gather3A = arith.constant 0 : i32
          %gather3A_616 = arith.constant 0 : i32
          %gather3A_617 = tpu.memref_slice %arg12[%scan3A_583, %gather3A, %gather3A_616] : memref<2x128x32xf32, #tpu.memory_space<vmem>> -> memref<1x128x32xf32, #tpu.memory_space<vmem>>
          %gather3A_618 = tpu.memref_squeeze %gather3A_617 : memref<1x128x32xf32, #tpu.memory_space<vmem>> -> memref<128x32xf32, #tpu.memory_space<vmem>>
          %gather3A_619 = tpu.vector_load_idx %gather3A_618[%add3A_611, %and3A_395] : memref<128x32xf32, #tpu.memory_space<vmem>>[vector<16xi32>, vector<16xi32>], vector<16xf32>,
          %gather3A_620 = tpu.vector_load_idx %arg14[%get3A_615, %and3A_395] : memref<1000x32xf32, #tpu.memory_space<vmem>>[vector<16xi32>, vector<16xi32>], vector<16xf32>,
          %add3A_621 = arith.addf %gather3A_619, %gather3A_620 : vector<16xf32>
          %scatter3A = arith.constant 0 : i32
          %scatter3A_622 = arith.constant 0 : i32
          %scatter3A_623 = tpu.memref_slice %arg13[%scan3A_584, %scatter3A, %scatter3A_622] : memref<2x32x128xf32, #tpu.memory_space<vmem>> -> memref<1x32x128xf32, #tpu.memory_space<vmem>>
          %scatter3A_624 = tpu.memref_squeeze %scatter3A_623 : memref<1x32x128xf32, #tpu.memory_space<vmem>> -> memref<32x128xf32, #tpu.memory_space<vmem>>
          tpu.vector_store_idx %scatter3A_624[%and3A_395, %add3A_611], %add3A_621 : memref<32x128xf32, #tpu.memory_space<vmem>>[vector<16xi32>, vector<16xi32>], vector<16xf32>,
          %gather3A_625 = arith.constant 0 : i32
          %gather3A_626 = arith.constant 0 : i32
          %gather3A_627 = tpu.memref_slice %arg12[%scan3A_583, %gather3A_625, %gather3A_626] : memref<2x128x32xf32, #tpu.memory_space<vmem>> -> memref<1x128x32xf32, #tpu.memory_space<vmem>>
          %gather3A_628 = tpu.memref_squeeze %gather3A_627 : memref<1x128x32xf32, #tpu.memory_space<vmem>> -> memref<128x32xf32, #tpu.memory_space<vmem>>
          %gather3A_629 = tpu.vector_load_idx %gather3A_628[%add3A_611, %and3A_401] : memref<128x32xf32, #tpu.memory_space<vmem>>[vector<16xi32>, vector<16xi32>], vector<16xf32>,
          %gather3A_630 = tpu.vector_load_idx %arg14[%get3A_615, %and3A_401] : memref<1000x32xf32, #tpu.memory_space<vmem>>[vector<16xi32>, vector<16xi32>], vector<16xf32>,
          %add3A_631 = arith.addf %gather3A_629, %gather3A_630 : vector<16xf32>
          %scatter3A_632 = arith.constant 0 : i32
          %scatter3A_633 = arith.constant 0 : i32
          %scatter3A_634 = tpu.memref_slice %arg13[%scan3A_584, %scatter3A_632, %scatter3A_633] : memref<2x32x128xf32, #tpu.memory_space<vmem>> -> memref<1x32x128xf32, #tpu.memory_space<vmem>>
          %scatter3A_635 = tpu.memref_squeeze %scatter3A_634 : memref<1x32x128xf32, #tpu.memory_space<vmem>> -> memref<32x128xf32, #tpu.memory_space<vmem>>
          tpu.vector_store_idx %scatter3A_635[%and3A_401, %add3A_611], %add3A_631 : memref<32x128xf32, #tpu.memory_space<vmem>>[vector<16xi32>, vector<16xi32>], vector<16xf32>,
          %gather3A_636 = arith.constant 0 : i32
          %gather3A_637 = arith.constant 0 : i32
          %gather3A_638 = tpu.memref_slice %arg12[%scan3A_583, %gather3A_636, %gather3A_637] : memref<2x128x32xf32, #tpu.memory_space<vmem>> -> memref<1x128x32xf32, #tpu.memory_space<vmem>>
          %gather3A_639 = tpu.memref_squeeze %gather3A_638 : memref<1x128x32xf32, #tpu.memory_space<vmem>> -> memref<128x32xf32, #tpu.memory_space<vmem>>
          %gather3A_640 = tpu.vector_load_idx %gather3A_639[%add3A_611, %and3A_407] : memref<128x32xf32, #tpu.memory_space<vmem>>[vector<16xi32>, vector<16xi32>], vector<16xf32>,
          %gather3A_641 = tpu.vector_load_idx %arg14[%get3A_615, %and3A_407] : memref<1000x32xf32, #tpu.memory_space<vmem>>[vector<16xi32>, vector<16xi32>], vector<16xf32>,
          %add3A_642 = arith.addf %gather3A_640, %gather3A_641 : vector<16xf32>
          %scatter3A_643 = arith.constant 0 : i32
          %scatter3A_644 = arith.constant 0 : i32
          %scatter3A_645 = tpu.memref_slice %arg13[%scan3A_584, %scatter3A_643, %scatter3A_644] : memref<2x32x128xf32, #tpu.memory_space<vmem>> -> memref<1x32x128xf32, #tpu.memory_space<vmem>>
          %scatter3A_646 = tpu.memref_squeeze %scatter3A_645 : memref<1x32x128xf32, #tpu.memory_space<vmem>> -> memref<32x128xf32, #tpu.memory_space<vmem>>
          tpu.vector_store_idx %scatter3A_646[%and3A_407, %add3A_611], %add3A_642 : memref<32x128xf32, #tpu.memory_space<vmem>>[vector<16xi32>, vector<16xi32>], vector<16xf32>,
          %gather3A_647 = arith.constant 0 : i32
          %gather3A_648 = arith.constant 0 : i32
          %gather3A_649 = tpu.memref_slice %arg12[%scan3A_583, %gather3A_647, %gather3A_648] : memref<2x128x32xf32, #tpu.memory_space<vmem>> -> memref<1x128x32xf32, #tpu.memory_space<vmem>>
          %gather3A_650 = tpu.memref_squeeze %gather3A_649 : memref<1x128x32xf32, #tpu.memory_space<vmem>> -> memref<128x32xf32, #tpu.memory_space<vmem>>
          %gather3A_651 = tpu.vector_load_idx %gather3A_650[%add3A_611, %and3A_413] : memref<128x32xf32, #tpu.memory_space<vmem>>[vector<16xi32>, vector<16xi32>], vector<16xf32>,
          %gather3A_652 = tpu.vector_load_idx %arg14[%get3A_615, %and3A_413] : memref<1000x32xf32, #tpu.memory_space<vmem>>[vector<16xi32>, vector<16xi32>], vector<16xf32>,
          %add3A_653 = arith.addf %gather3A_651, %gather3A_652 : vector<16xf32>
          %scatter3A_654 = arith.constant 0 : i32
          %scatter3A_655 = arith.constant 0 : i32
          %scatter3A_656 = tpu.memref_slice %arg13[%scan3A_584, %scatter3A_654, %scatter3A_655] : memref<2x32x128xf32, #tpu.memory_space<vmem>> -> memref<1x32x128xf32, #tpu.memory_space<vmem>>
          %scatter3A_657 = tpu.memref_squeeze %scatter3A_656 : memref<1x32x128xf32, #tpu.memory_space<vmem>> -> memref<32x128xf32, #tpu.memory_space<vmem>>
          tpu.vector_store_idx %scatter3A_657[%and3A_413, %add3A_611], %add3A_653 : memref<32x128xf32, #tpu.memory_space<vmem>>[vector<16xi32>, vector<16xi32>], vector<16xf32>,
          %gather3A_658 = arith.constant 0 : i32
          %gather3A_659 = arith.constant 0 : i32
          %gather3A_660 = tpu.memref_slice %arg12[%scan3A_583, %gather3A_658, %gather3A_659] : memref<2x128x32xf32, #tpu.memory_space<vmem>> -> memref<1x128x32xf32, #tpu.memory_space<vmem>>
          %gather3A_661 = tpu.memref_squeeze %gather3A_660 : memref<1x128x32xf32, #tpu.memory_space<vmem>> -> memref<128x32xf32, #tpu.memory_space<vmem>>
          %gather3A_662 = tpu.vector_load_idx %gather3A_661[%add3A_611, %and3A_419] : memref<128x32xf32, #tpu.memory_space<vmem>>[vector<16xi32>, vector<16xi32>], vector<16xf32>,
          %gather3A_663 = tpu.vector_load_idx %arg14[%get3A_615, %and3A_419] : memref<1000x32xf32, #tpu.memory_space<vmem>>[vector<16xi32>, vector<16xi32>], vector<16xf32>,
          %add3A_664 = arith.addf %gather3A_662, %gather3A_663 : vector<16xf32>
          %scatter3A_665 = arith.constant 0 : i32
          %scatter3A_666 = arith.constant 0 : i32
          %scatter3A_667 = tpu.memref_slice %arg13[%scan3A_584, %scatter3A_665, %scatter3A_666] : memref<2x32x128xf32, #tpu.memory_space<vmem>> -> memref<1x32x128xf32, #tpu.memory_space<vmem>>
          %scatter3A_668 = tpu.memref_squeeze %scatter3A_667 : memref<1x32x128xf32, #tpu.memory_space<vmem>> -> memref<32x128xf32, #tpu.memory_space<vmem>>
          tpu.vector_store_idx %scatter3A_668[%and3A_419, %add3A_611], %add3A_664 : memref<32x128xf32, #tpu.memory_space<vmem>>[vector<16xi32>, vector<16xi32>], vector<16xf32>,
          %gather3A_669 = arith.constant 0 : i32
          %gather3A_670 = arith.constant 0 : i32
          %gather3A_671 = tpu.memref_slice %arg12[%scan3A_583, %gather3A_669, %gather3A_670] : memref<2x128x32xf32, #tpu.memory_space<vmem>> -> memref<1x128x32xf32, #tpu.memory_space<vmem>>
          %gather3A_672 = tpu.memref_squeeze %gather3A_671 : memref<1x128x32xf32, #tpu.memory_space<vmem>> -> memref<128x32xf32, #tpu.memory_space<vmem>>
          %gather3A_673 = tpu.vector_load_idx %gather3A_672[%add3A_611, %and3A_425] : memref<128x32xf32, #tpu.memory_space<vmem>>[vector<16xi32>, vector<16xi32>], vector<16xf32>,
          %gather3A_674 = tpu.vector_load_idx %arg14[%get3A_615, %and3A_425] : memref<1000x32xf32, #tpu.memory_space<vmem>>[vector<16xi32>, vector<16xi32>], vector<16xf32>,
          %add3A_675 = arith.addf %gather3A_673, %gather3A_674 : vector<16xf32>
          %scatter3A_676 = arith.constant 0 : i32
          %scatter3A_677 = arith.constant 0 : i32
          %scatter3A_678 = tpu.memref_slice %arg13[%scan3A_584, %scatter3A_676, %scatter3A_677] : memref<2x32x128xf32, #tpu.memory_space<vmem>> -> memref<1x32x128xf32, #tpu.memory_space<vmem>>
          %scatter3A_679 = tpu.memref_squeeze %scatter3A_678 : memref<1x32x128xf32, #tpu.memory_space<vmem>> -> memref<32x128xf32, #tpu.memory_space<vmem>>
          tpu.vector_store_idx %scatter3A_679[%and3A_425, %add3A_611], %add3A_675 : memref<32x128xf32, #tpu.memory_space<vmem>>[vector<16xi32>, vector<16xi32>], vector<16xf32>,
          %gather3A_680 = arith.constant 0 : i32
          %gather3A_681 = arith.constant 0 : i32
          %gather3A_682 = tpu.memref_slice %arg12[%scan3A_583, %gather3A_680, %gather3A_681] : memref<2x128x32xf32, #tpu.memory_space<vmem>> -> memref<1x128x32xf32, #tpu.memory_space<vmem>>
          %gather3A_683 = tpu.memref_squeeze %gather3A_682 : memref<1x128x32xf32, #tpu.memory_space<vmem>> -> memref<128x32xf32, #tpu.memory_space<vmem>>
          %gather3A_684 = tpu.vector_load_idx %gather3A_683[%add3A_611, %and3A_431] : memref<128x32xf32, #tpu.memory_space<vmem>>[vector<16xi32>, vector<16xi32>], vector<16xf32>,
          %gather3A_685 = tpu.vector_load_idx %arg14[%get3A_615, %and3A_431] : memref<1000x32xf32, #tpu.memory_space<vmem>>[vector<16xi32>, vector<16xi32>], vector<16xf32>,
          %add3A_686 = arith.addf %gather3A_684, %gather3A_685 : vector<16xf32>
          %scatter3A_687 = arith.constant 0 : i32
          %scatter3A_688 = arith.constant 0 : i32
          %scatter3A_689 = tpu.memref_slice %arg13[%scan3A_584, %scatter3A_687, %scatter3A_688] : memref<2x32x128xf32, #tpu.memory_space<vmem>> -> memref<1x32x128xf32, #tpu.memory_space<vmem>>
          %scatter3A_690 = tpu.memref_squeeze %scatter3A_689 : memref<1x32x128xf32, #tpu.memory_space<vmem>> -> memref<32x128xf32, #tpu.memory_space<vmem>>
          tpu.vector_store_idx %scatter3A_690[%and3A_431, %add3A_611], %add3A_686 : memref<32x128xf32, #tpu.memory_space<vmem>>[vector<16xi32>, vector<16xi32>], vector<16xf32>,
          %gather3A_691 = arith.constant 0 : i32
          %gather3A_692 = arith.constant 0 : i32
          %gather3A_693 = tpu.memref_slice %arg12[%scan3A_583, %gather3A_691, %gather3A_692] : memref<2x128x32xf32, #tpu.memory_space<vmem>> -> memref<1x128x32xf32, #tpu.memory_space<vmem>>
          %gather3A_694 = tpu.memref_squeeze %gather3A_693 : memref<1x128x32xf32, #tpu.memory_space<vmem>> -> memref<128x32xf32, #tpu.memory_space<vmem>>
          %gather3A_695 = tpu.vector_load_idx %gather3A_694[%add3A_611, %and3A_437] : memref<128x32xf32, #tpu.memory_space<vmem>>[vector<16xi32>, vector<16xi32>], vector<16xf32>,
          %gather3A_696 = tpu.vector_load_idx %arg14[%get3A_615, %and3A_437] : memref<1000x32xf32, #tpu.memory_space<vmem>>[vector<16xi32>, vector<16xi32>], vector<16xf32>,
          %add3A_697 = arith.addf %gather3A_695, %gather3A_696 : vector<16xf32>
          %scatter3A_698 = arith.constant 0 : i32
          %scatter3A_699 = arith.constant 0 : i32
          %scatter3A_700 = tpu.memref_slice %arg13[%scan3A_584, %scatter3A_698, %scatter3A_699] : memref<2x32x128xf32, #tpu.memory_space<vmem>> -> memref<1x32x128xf32, #tpu.memory_space<vmem>>
          %scatter3A_701 = tpu.memref_squeeze %scatter3A_700 : memref<1x32x128xf32, #tpu.memory_space<vmem>> -> memref<32x128xf32, #tpu.memory_space<vmem>>
          tpu.vector_store_idx %scatter3A_701[%and3A_437, %add3A_611], %add3A_697 : memref<32x128xf32, #tpu.memory_space<vmem>>[vector<16xi32>, vector<16xi32>], vector<16xf32>,
          %gather3A_702 = arith.constant 0 : i32
          %gather3A_703 = arith.constant 0 : i32
          %gather3A_704 = tpu.memref_slice %arg12[%scan3A_583, %gather3A_702, %gather3A_703] : memref<2x128x32xf32, #tpu.memory_space<vmem>> -> memref<1x128x32xf32, #tpu.memory_space<vmem>>
          %gather3A_705 = tpu.memref_squeeze %gather3A_704 : memref<1x128x32xf32, #tpu.memory_space<vmem>> -> memref<128x32xf32, #tpu.memory_space<vmem>>
          %gather3A_706 = tpu.vector_load_idx %gather3A_705[%add3A_611, %and3A_443] : memref<128x32xf32, #tpu.memory_space<vmem>>[vector<16xi32>, vector<16xi32>], vector<16xf32>,
          %gather3A_707 = tpu.vector_load_idx %arg14[%get3A_615, %and3A_443] : memref<1000x32xf32, #tpu.memory_space<vmem>>[vector<16xi32>, vector<16xi32>], vector<16xf32>,
          %add3A_708 = arith.addf %gather3A_706, %gather3A_707 : vector<16xf32>
          %scatter3A_709 = arith.constant 0 : i32
          %scatter3A_710 = arith.constant 0 : i32
          %scatter3A_711 = tpu.memref_slice %arg13[%scan3A_584, %scatter3A_709, %scatter3A_710] : memref<2x32x128xf32, #tpu.memory_space<vmem>> -> memref<1x32x128xf32, #tpu.memory_space<vmem>>
          %scatter3A_712 = tpu.memref_squeeze %scatter3A_711 : memref<1x32x128xf32, #tpu.memory_space<vmem>> -> memref<32x128xf32, #tpu.memory_space<vmem>>
          tpu.vector_store_idx %scatter3A_712[%and3A_443, %add3A_611], %add3A_708 : memref<32x128xf32, #tpu.memory_space<vmem>>[vector<16xi32>, vector<16xi32>], vector<16xf32>,
          %gather3A_713 = arith.constant 0 : i32
          %gather3A_714 = arith.constant 0 : i32
          %gather3A_715 = tpu.memref_slice %arg12[%scan3A_583, %gather3A_713, %gather3A_714] : memref<2x128x32xf32, #tpu.memory_space<vmem>> -> memref<1x128x32xf32, #tpu.memory_space<vmem>>
          %gather3A_716 = tpu.memref_squeeze %gather3A_715 : memref<1x128x32xf32, #tpu.memory_space<vmem>> -> memref<128x32xf32, #tpu.memory_space<vmem>>
          %gather3A_717 = tpu.vector_load_idx %gather3A_716[%add3A_611, %and3A_449] : memref<128x32xf32, #tpu.memory_space<vmem>>[vector<16xi32>, vector<16xi32>], vector<16xf32>,
          %gather3A_718 = tpu.vector_load_idx %arg14[%get3A_615, %and3A_449] : memref<1000x32xf32, #tpu.memory_space<vmem>>[vector<16xi32>, vector<16xi32>], vector<16xf32>,
          %add3A_719 = arith.addf %gather3A_717, %gather3A_718 : vector<16xf32>
          %scatter3A_720 = arith.constant 0 : i32
          %scatter3A_721 = arith.constant 0 : i32
          %scatter3A_722 = tpu.memref_slice %arg13[%scan3A_584, %scatter3A_720, %scatter3A_721] : memref<2x32x128xf32, #tpu.memory_space<vmem>> -> memref<1x32x128xf32, #tpu.memory_space<vmem>>
          %scatter3A_723 = tpu.memref_squeeze %scatter3A_722 : memref<1x32x128xf32, #tpu.memory_space<vmem>> -> memref<32x128xf32, #tpu.memory_space<vmem>>
          tpu.vector_store_idx %scatter3A_723[%and3A_449, %add3A_611], %add3A_719 : memref<32x128xf32, #tpu.memory_space<vmem>>[vector<16xi32>, vector<16xi32>], vector<16xf32>,
          %gather3A_724 = arith.constant 0 : i32
          %gather3A_725 = arith.constant 0 : i32
          %gather3A_726 = tpu.memref_slice %arg12[%scan3A_583, %gather3A_724, %gather3A_725] : memref<2x128x32xf32, #tpu.memory_space<vmem>> -> memref<1x128x32xf32, #tpu.memory_space<vmem>>
          %gather3A_727 = tpu.memref_squeeze %gather3A_726 : memref<1x128x32xf32, #tpu.memory_space<vmem>> -> memref<128x32xf32, #tpu.memory_space<vmem>>
          %gather3A_728 = tpu.vector_load_idx %gather3A_727[%add3A_611, %and3A_455] : memref<128x32xf32, #tpu.memory_space<vmem>>[vector<16xi32>, vector<16xi32>], vector<16xf32>,
          %gather3A_729 = tpu.vector_load_idx %arg14[%get3A_615, %and3A_455] : memref<1000x32xf32, #tpu.memory_space<vmem>>[vector<16xi32>, vector<16xi32>], vector<16xf32>,
          %add3A_730 = arith.addf %gather3A_728, %gather3A_729 : vector<16xf32>
          %scatter3A_731 = arith.constant 0 : i32
          %scatter3A_732 = arith.constant 0 : i32
          %scatter3A_733 = tpu.memref_slice %arg13[%scan3A_584, %scatter3A_731, %scatter3A_732] : memref<2x32x128xf32, #tpu.memory_space<vmem>> -> memref<1x32x128xf32, #tpu.memory_space<vmem>>
          %scatter3A_734 = tpu.memref_squeeze %scatter3A_733 : memref<1x32x128xf32, #tpu.memory_space<vmem>> -> memref<32x128xf32, #tpu.memory_space<vmem>>
          tpu.vector_store_idx %scatter3A_734[%and3A_455, %add3A_611], %add3A_730 : memref<32x128xf32, #tpu.memory_space<vmem>>[vector<16xi32>, vector<16xi32>], vector<16xf32>,
          %gather3A_735 = arith.constant 0 : i32
          %gather3A_736 = arith.constant 0 : i32
          %gather3A_737 = tpu.memref_slice %arg12[%scan3A_583, %gather3A_735, %gather3A_736] : memref<2x128x32xf32, #tpu.memory_space<vmem>> -> memref<1x128x32xf32, #tpu.memory_space<vmem>>
          %gather3A_738 = tpu.memref_squeeze %gather3A_737 : memref<1x128x32xf32, #tpu.memory_space<vmem>> -> memref<128x32xf32, #tpu.memory_space<vmem>>
          %gather3A_739 = tpu.vector_load_idx %gather3A_738[%add3A_611, %and3A_461] : memref<128x32xf32, #tpu.memory_space<vmem>>[vector<16xi32>, vector<16xi32>], vector<16xf32>,
          %gather3A_740 = tpu.vector_load_idx %arg14[%get3A_615, %and3A_461] : memref<1000x32xf32, #tpu.memory_space<vmem>>[vector<16xi32>, vector<16xi32>], vector<16xf32>,
          %add3A_741 = arith.addf %gather3A_739, %gather3A_740 : vector<16xf32>
          %scatter3A_742 = arith.constant 0 : i32
          %scatter3A_743 = arith.constant 0 : i32
          %scatter3A_744 = tpu.memref_slice %arg13[%scan3A_584, %scatter3A_742, %scatter3A_743] : memref<2x32x128xf32, #tpu.memory_space<vmem>> -> memref<1x32x128xf32, #tpu.memory_space<vmem>>
          %scatter3A_745 = tpu.memref_squeeze %scatter3A_744 : memref<1x32x128xf32, #tpu.memory_space<vmem>> -> memref<32x128xf32, #tpu.memory_space<vmem>>
          tpu.vector_store_idx %scatter3A_745[%and3A_461, %add3A_611], %add3A_741 : memref<32x128xf32, #tpu.memory_space<vmem>>[vector<16xi32>, vector<16xi32>], vector<16xf32>,
          %gather3A_746 = arith.constant 0 : i32
          %gather3A_747 = arith.constant 0 : i32
          %gather3A_748 = tpu.memref_slice %arg12[%scan3A_583, %gather3A_746, %gather3A_747] : memref<2x128x32xf32, #tpu.memory_space<vmem>> -> memref<1x128x32xf32, #tpu.memory_space<vmem>>
          %gather3A_749 = tpu.memref_squeeze %gather3A_748 : memref<1x128x32xf32, #tpu.memory_space<vmem>> -> memref<128x32xf32, #tpu.memory_space<vmem>>
          %gather3A_750 = tpu.vector_load_idx %gather3A_749[%add3A_611, %and3A_467] : memref<128x32xf32, #tpu.memory_space<vmem>>[vector<16xi32>, vector<16xi32>], vector<16xf32>,
          %gather3A_751 = tpu.vector_load_idx %arg14[%get3A_615, %and3A_467] : memref<1000x32xf32, #tpu.memory_space<vmem>>[vector<16xi32>, vector<16xi32>], vector<16xf32>,
          %add3A_752 = arith.addf %gather3A_750, %gather3A_751 : vector<16xf32>
          %scatter3A_753 = arith.constant 0 : i32
          %scatter3A_754 = arith.constant 0 : i32
          %scatter3A_755 = tpu.memref_slice %arg13[%scan3A_584, %scatter3A_753, %scatter3A_754] : memref<2x32x128xf32, #tpu.memory_space<vmem>> -> memref<1x32x128xf32, #tpu.memory_space<vmem>>
          %scatter3A_756 = tpu.memref_squeeze %scatter3A_755 : memref<1x32x128xf32, #tpu.memory_space<vmem>> -> memref<32x128xf32, #tpu.memory_space<vmem>>
          tpu.vector_store_idx %scatter3A_756[%and3A_467, %add3A_611], %add3A_752 : memref<32x128xf32, #tpu.memory_space<vmem>>[vector<16xi32>, vector<16xi32>], vector<16xf32>,
          %gather3A_757 = arith.constant 0 : i32
          %gather3A_758 = arith.constant 0 : i32
          %gather3A_759 = tpu.memref_slice %arg12[%scan3A_583, %gather3A_757, %gather3A_758] : memref<2x128x32xf32, #tpu.memory_space<vmem>> -> memref<1x128x32xf32, #tpu.memory_space<vmem>>
          %gather3A_760 = tpu.memref_squeeze %gather3A_759 : memref<1x128x32xf32, #tpu.memory_space<vmem>> -> memref<128x32xf32, #tpu.memory_space<vmem>>
          %gather3A_761 = tpu.vector_load_idx %gather3A_760[%add3A_611, %and3A_473] : memref<128x32xf32, #tpu.memory_space<vmem>>[vector<16xi32>, vector<16xi32>], vector<16xf32>,
          %gather3A_762 = tpu.vector_load_idx %arg14[%get3A_615, %and3A_473] : memref<1000x32xf32, #tpu.memory_space<vmem>>[vector<16xi32>, vector<16xi32>], vector<16xf32>,
          %add3A_763 = arith.addf %gather3A_761, %gather3A_762 : vector<16xf32>
          %scatter3A_764 = arith.constant 0 : i32
          %scatter3A_765 = arith.constant 0 : i32
          %scatter3A_766 = tpu.memref_slice %arg13[%scan3A_584, %scatter3A_764, %scatter3A_765] : memref<2x32x128xf32, #tpu.memory_space<vmem>> -> memref<1x32x128xf32, #tpu.memory_space<vmem>>
          %scatter3A_767 = tpu.memref_squeeze %scatter3A_766 : memref<1x32x128xf32, #tpu.memory_space<vmem>> -> memref<32x128xf32, #tpu.memory_space<vmem>>
          tpu.vector_store_idx %scatter3A_767[%and3A_473, %add3A_611], %add3A_763 : memref<32x128xf32, #tpu.memory_space<vmem>>[vector<16xi32>, vector<16xi32>], vector<16xf32>,
          %gather3A_768 = arith.constant 0 : i32
          %gather3A_769 = arith.constant 0 : i32
          %gather3A_770 = tpu.memref_slice %arg12[%scan3A_583, %gather3A_768, %gather3A_769] : memref<2x128x32xf32, #tpu.memory_space<vmem>> -> memref<1x128x32xf32, #tpu.memory_space<vmem>>
          %gather3A_771 = tpu.memref_squeeze %gather3A_770 : memref<1x128x32xf32, #tpu.memory_space<vmem>> -> memref<128x32xf32, #tpu.memory_space<vmem>>
          %gather3A_772 = tpu.vector_load_idx %gather3A_771[%add3A_611, %and3A_479] : memref<128x32xf32, #tpu.memory_space<vmem>>[vector<16xi32>, vector<16xi32>], vector<16xf32>,
          %gather3A_773 = tpu.vector_load_idx %arg14[%get3A_615, %and3A_479] : memref<1000x32xf32, #tpu.memory_space<vmem>>[vector<16xi32>, vector<16xi32>], vector<16xf32>,
          %add3A_774 = arith.addf %gather3A_772, %gather3A_773 : vector<16xf32>
          %scatter3A_775 = arith.constant 0 : i32
          %scatter3A_776 = arith.constant 0 : i32
          %scatter3A_777 = tpu.memref_slice %arg13[%scan3A_584, %scatter3A_775, %scatter3A_776] : memref<2x32x128xf32, #tpu.memory_space<vmem>> -> memref<1x32x128xf32, #tpu.memory_space<vmem>>
          %scatter3A_778 = tpu.memref_squeeze %scatter3A_777 : memref<1x32x128xf32, #tpu.memory_space<vmem>> -> memref<32x128xf32, #tpu.memory_space<vmem>>
          tpu.vector_store_idx %scatter3A_778[%and3A_479, %add3A_611], %add3A_774 : memref<32x128xf32, #tpu.memory_space<vmem>>[vector<16xi32>, vector<16xi32>], vector<16xf32>,
          %gather3A_779 = arith.constant 0 : i32
          %gather3A_780 = arith.constant 0 : i32
          %gather3A_781 = tpu.memref_slice %arg12[%scan3A_583, %gather3A_779, %gather3A_780] : memref<2x128x32xf32, #tpu.memory_space<vmem>> -> memref<1x128x32xf32, #tpu.memory_space<vmem>>
          %gather3A_782 = tpu.memref_squeeze %gather3A_781 : memref<1x128x32xf32, #tpu.memory_space<vmem>> -> memref<128x32xf32, #tpu.memory_space<vmem>>
          %gather3A_783 = tpu.vector_load_idx %gather3A_782[%add3A_611, %and3A_485] : memref<128x32xf32, #tpu.memory_space<vmem>>[vector<16xi32>, vector<16xi32>], vector<16xf32>,
          %gather3A_784 = tpu.vector_load_idx %arg14[%get3A_615, %and3A_485] : memref<1000x32xf32, #tpu.memory_space<vmem>>[vector<16xi32>, vector<16xi32>], vector<16xf32>,
          %add3A_785 = arith.addf %gather3A_783, %gather3A_784 : vector<16xf32>
          %scatter3A_786 = arith.constant 0 : i32
          %scatter3A_787 = arith.constant 0 : i32
          %scatter3A_788 = tpu.memref_slice %arg13[%scan3A_584, %scatter3A_786, %scatter3A_787] : memref<2x32x128xf32, #tpu.memory_space<vmem>> -> memref<1x32x128xf32, #tpu.memory_space<vmem>>
          %scatter3A_789 = tpu.memref_squeeze %scatter3A_788 : memref<1x32x128xf32, #tpu.memory_space<vmem>> -> memref<32x128xf32, #tpu.memory_space<vmem>>
          tpu.vector_store_idx %scatter3A_789[%and3A_485, %add3A_611], %add3A_785 : memref<32x128xf32, #tpu.memory_space<vmem>>[vector<16xi32>, vector<16xi32>], vector<16xf32>,
          %gather3A_790 = arith.constant 0 : i32
          %gather3A_791 = arith.constant 0 : i32
          %gather3A_792 = tpu.memref_slice %arg12[%scan3A_583, %gather3A_790, %gather3A_791] : memref<2x128x32xf32, #tpu.memory_space<vmem>> -> memref<1x128x32xf32, #tpu.memory_space<vmem>>
          %gather3A_793 = tpu.memref_squeeze %gather3A_792 : memref<1x128x32xf32, #tpu.memory_space<vmem>> -> memref<128x32xf32, #tpu.memory_space<vmem>>
          %gather3A_794 = tpu.vector_load_idx %gather3A_793[%add3A_611, %and3A_491] : memref<128x32xf32, #tpu.memory_space<vmem>>[vector<16xi32>, vector<16xi32>], vector<16xf32>,
          %gather3A_795 = tpu.vector_load_idx %arg14[%get3A_615, %and3A_491] : memref<1000x32xf32, #tpu.memory_space<vmem>>[vector<16xi32>, vector<16xi32>], vector<16xf32>,
          %add3A_796 = arith.addf %gather3A_794, %gather3A_795 : vector<16xf32>
          %scatter3A_797 = arith.constant 0 : i32
          %scatter3A_798 = arith.constant 0 : i32
          %scatter3A_799 = tpu.memref_slice %arg13[%scan3A_584, %scatter3A_797, %scatter3A_798] : memref<2x32x128xf32, #tpu.memory_space<vmem>> -> memref<1x32x128xf32, #tpu.memory_space<vmem>>
          %scatter3A_800 = tpu.memref_squeeze %scatter3A_799 : memref<1x32x128xf32, #tpu.memory_space<vmem>> -> memref<32x128xf32, #tpu.memory_space<vmem>>
          tpu.vector_store_idx %scatter3A_800[%and3A_491, %add3A_611], %add3A_796 : memref<32x128xf32, #tpu.memory_space<vmem>>[vector<16xi32>, vector<16xi32>], vector<16xf32>,
          %gather3A_801 = arith.constant 0 : i32
          %gather3A_802 = arith.constant 0 : i32
          %gather3A_803 = tpu.memref_slice %arg12[%scan3A_583, %gather3A_801, %gather3A_802] : memref<2x128x32xf32, #tpu.memory_space<vmem>> -> memref<1x128x32xf32, #tpu.memory_space<vmem>>
          %gather3A_804 = tpu.memref_squeeze %gather3A_803 : memref<1x128x32xf32, #tpu.memory_space<vmem>> -> memref<128x32xf32, #tpu.memory_space<vmem>>
          %gather3A_805 = tpu.vector_load_idx %gather3A_804[%add3A_611, %and3A_497] : memref<128x32xf32, #tpu.memory_space<vmem>>[vector<16xi32>, vector<16xi32>], vector<16xf32>,
          %gather3A_806 = tpu.vector_load_idx %arg14[%get3A_615, %and3A_497] : memref<1000x32xf32, #tpu.memory_space<vmem>>[vector<16xi32>, vector<16xi32>], vector<16xf32>,
          %add3A_807 = arith.addf %gather3A_805, %gather3A_806 : vector<16xf32>
          %scatter3A_808 = arith.constant 0 : i32
          %scatter3A_809 = arith.constant 0 : i32
          %scatter3A_810 = tpu.memref_slice %arg13[%scan3A_584, %scatter3A_808, %scatter3A_809] : memref<2x32x128xf32, #tpu.memory_space<vmem>> -> memref<1x32x128xf32, #tpu.memory_space<vmem>>
          %scatter3A_811 = tpu.memref_squeeze %scatter3A_810 : memref<1x32x128xf32, #tpu.memory_space<vmem>> -> memref<32x128xf32, #tpu.memory_space<vmem>>
          tpu.vector_store_idx %scatter3A_811[%and3A_497, %add3A_611], %add3A_807 : memref<32x128xf32, #tpu.memory_space<vmem>>[vector<16xi32>, vector<16xi32>], vector<16xf32>,
          %gather3A_812 = arith.constant 0 : i32
          %gather3A_813 = arith.constant 0 : i32
          %gather3A_814 = tpu.memref_slice %arg12[%scan3A_583, %gather3A_812, %gather3A_813] : memref<2x128x32xf32, #tpu.memory_space<vmem>> -> memref<1x128x32xf32, #tpu.memory_space<vmem>>
          %gather3A_815 = tpu.memref_squeeze %gather3A_814 : memref<1x128x32xf32, #tpu.memory_space<vmem>> -> memref<128x32xf32, #tpu.memory_space<vmem>>
          %gather3A_816 = tpu.vector_load_idx %gather3A_815[%add3A_611, %and3A_503] : memref<128x32xf32, #tpu.memory_space<vmem>>[vector<16xi32>, vector<16xi32>], vector<16xf32>,
          %gather3A_817 = tpu.vector_load_idx %arg14[%get3A_615, %and3A_503] : memref<1000x32xf32, #tpu.memory_space<vmem>>[vector<16xi32>, vector<16xi32>], vector<16xf32>,
          %add3A_818 = arith.addf %gather3A_816, %gather3A_817 : vector<16xf32>
          %scatter3A_819 = arith.constant 0 : i32
          %scatter3A_820 = arith.constant 0 : i32
          %scatter3A_821 = tpu.memref_slice %arg13[%scan3A_584, %scatter3A_819, %scatter3A_820] : memref<2x32x128xf32, #tpu.memory_space<vmem>> -> memref<1x32x128xf32, #tpu.memory_space<vmem>>
          %scatter3A_822 = tpu.memref_squeeze %scatter3A_821 : memref<1x32x128xf32, #tpu.memory_space<vmem>> -> memref<32x128xf32, #tpu.memory_space<vmem>>
          tpu.vector_store_idx %scatter3A_822[%and3A_503, %add3A_611], %add3A_818 : memref<32x128xf32, #tpu.memory_space<vmem>>[vector<16xi32>, vector<16xi32>], vector<16xf32>,
          %gather3A_823 = arith.constant 0 : i32
          %gather3A_824 = arith.constant 0 : i32
          %gather3A_825 = tpu.memref_slice %arg12[%scan3A_583, %gather3A_823, %gather3A_824] : memref<2x128x32xf32, #tpu.memory_space<vmem>> -> memref<1x128x32xf32, #tpu.memory_space<vmem>>
          %gather3A_826 = tpu.memref_squeeze %gather3A_825 : memref<1x128x32xf32, #tpu.memory_space<vmem>> -> memref<128x32xf32, #tpu.memory_space<vmem>>
          %gather3A_827 = tpu.vector_load_idx %gather3A_826[%add3A_611, %and3A_509] : memref<128x32xf32, #tpu.memory_space<vmem>>[vector<16xi32>, vector<16xi32>], vector<16xf32>,
          %gather3A_828 = tpu.vector_load_idx %arg14[%get3A_615, %and3A_509] : memref<1000x32xf32, #tpu.memory_space<vmem>>[vector<16xi32>, vector<16xi32>], vector<16xf32>,
          %add3A_829 = arith.addf %gather3A_827, %gather3A_828 : vector<16xf32>
          %scatter3A_830 = arith.constant 0 : i32
          %scatter3A_831 = arith.constant 0 : i32
          %scatter3A_832 = tpu.memref_slice %arg13[%scan3A_584, %scatter3A_830, %scatter3A_831] : memref<2x32x128xf32, #tpu.memory_space<vmem>> -> memref<1x32x128xf32, #tpu.memory_space<vmem>>
          %scatter3A_833 = tpu.memref_squeeze %scatter3A_832 : memref<1x32x128xf32, #tpu.memory_space<vmem>> -> memref<32x128xf32, #tpu.memory_space<vmem>>
          tpu.vector_store_idx %scatter3A_833[%and3A_509, %add3A_611], %add3A_829 : memref<32x128xf32, #tpu.memory_space<vmem>>[vector<16xi32>, vector<16xi32>], vector<16xf32>,
          %gather3A_834 = arith.constant 0 : i32
          %gather3A_835 = arith.constant 0 : i32
          %gather3A_836 = tpu.memref_slice %arg12[%scan3A_583, %gather3A_834, %gather3A_835] : memref<2x128x32xf32, #tpu.memory_space<vmem>> -> memref<1x128x32xf32, #tpu.memory_space<vmem>>
          %gather3A_837 = tpu.memref_squeeze %gather3A_836 : memref<1x128x32xf32, #tpu.memory_space<vmem>> -> memref<128x32xf32, #tpu.memory_space<vmem>>
          %gather3A_838 = tpu.vector_load_idx %gather3A_837[%add3A_611, %and3A_515] : memref<128x32xf32, #tpu.memory_space<vmem>>[vector<16xi32>, vector<16xi32>], vector<16xf32>,
          %gather3A_839 = tpu.vector_load_idx %arg14[%get3A_615, %and3A_515] : memref<1000x32xf32, #tpu.memory_space<vmem>>[vector<16xi32>, vector<16xi32>], vector<16xf32>,
          %add3A_840 = arith.addf %gather3A_838, %gather3A_839 : vector<16xf32>
          %scatter3A_841 = arith.constant 0 : i32
          %scatter3A_842 = arith.constant 0 : i32
          %scatter3A_843 = tpu.memref_slice %arg13[%scan3A_584, %scatter3A_841, %scatter3A_842] : memref<2x32x128xf32, #tpu.memory_space<vmem>> -> memref<1x32x128xf32, #tpu.memory_space<vmem>>
          %scatter3A_844 = tpu.memref_squeeze %scatter3A_843 : memref<1x32x128xf32, #tpu.memory_space<vmem>> -> memref<32x128xf32, #tpu.memory_space<vmem>>
          tpu.vector_store_idx %scatter3A_844[%and3A_515, %add3A_611], %add3A_840 : memref<32x128xf32, #tpu.memory_space<vmem>>[vector<16xi32>, vector<16xi32>], vector<16xf32>,
          %gather3A_845 = arith.constant 0 : i32
          %gather3A_846 = arith.constant 0 : i32
          %gather3A_847 = tpu.memref_slice %arg12[%scan3A_583, %gather3A_845, %gather3A_846] : memref<2x128x32xf32, #tpu.memory_space<vmem>> -> memref<1x128x32xf32, #tpu.memory_space<vmem>>
          %gather3A_848 = tpu.memref_squeeze %gather3A_847 : memref<1x128x32xf32, #tpu.memory_space<vmem>> -> memref<128x32xf32, #tpu.memory_space<vmem>>
          %gather3A_849 = tpu.vector_load_idx %gather3A_848[%add3A_611, %and3A_521] : memref<128x32xf32, #tpu.memory_space<vmem>>[vector<16xi32>, vector<16xi32>], vector<16xf32>,
          %gather3A_850 = tpu.vector_load_idx %arg14[%get3A_615, %and3A_521] : memref<1000x32xf32, #tpu.memory_space<vmem>>[vector<16xi32>, vector<16xi32>], vector<16xf32>,
          %add3A_851 = arith.addf %gather3A_849, %gather3A_850 : vector<16xf32>
          %scatter3A_852 = arith.constant 0 : i32
          %scatter3A_853 = arith.constant 0 : i32
          %scatter3A_854 = tpu.memref_slice %arg13[%scan3A_584, %scatter3A_852, %scatter3A_853] : memref<2x32x128xf32, #tpu.memory_space<vmem>> -> memref<1x32x128xf32, #tpu.memory_space<vmem>>
          %scatter3A_855 = tpu.memref_squeeze %scatter3A_854 : memref<1x32x128xf32, #tpu.memory_space<vmem>> -> memref<32x128xf32, #tpu.memory_space<vmem>>
          tpu.vector_store_idx %scatter3A_855[%and3A_521, %add3A_611], %add3A_851 : memref<32x128xf32, #tpu.memory_space<vmem>>[vector<16xi32>, vector<16xi32>], vector<16xf32>,
          %gather3A_856 = arith.constant 0 : i32
          %gather3A_857 = arith.constant 0 : i32
          %gather3A_858 = tpu.memref_slice %arg12[%scan3A_583, %gather3A_856, %gather3A_857] : memref<2x128x32xf32, #tpu.memory_space<vmem>> -> memref<1x128x32xf32, #tpu.memory_space<vmem>>
          %gather3A_859 = tpu.memref_squeeze %gather3A_858 : memref<1x128x32xf32, #tpu.memory_space<vmem>> -> memref<128x32xf32, #tpu.memory_space<vmem>>
          %gather3A_860 = tpu.vector_load_idx %gather3A_859[%add3A_611, %and3A_527] : memref<128x32xf32, #tpu.memory_space<vmem>>[vector<16xi32>, vector<16xi32>], vector<16xf32>,
          %gather3A_861 = tpu.vector_load_idx %arg14[%get3A_615, %and3A_527] : memref<1000x32xf32, #tpu.memory_space<vmem>>[vector<16xi32>, vector<16xi32>], vector<16xf32>,
          %add3A_862 = arith.addf %gather3A_860, %gather3A_861 : vector<16xf32>
          %scatter3A_863 = arith.constant 0 : i32
          %scatter3A_864 = arith.constant 0 : i32
          %scatter3A_865 = tpu.memref_slice %arg13[%scan3A_584, %scatter3A_863, %scatter3A_864] : memref<2x32x128xf32, #tpu.memory_space<vmem>> -> memref<1x32x128xf32, #tpu.memory_space<vmem>>
          %scatter3A_866 = tpu.memref_squeeze %scatter3A_865 : memref<1x32x128xf32, #tpu.memory_space<vmem>> -> memref<32x128xf32, #tpu.memory_space<vmem>>
          tpu.vector_store_idx %scatter3A_866[%and3A_527, %add3A_611], %add3A_862 : memref<32x128xf32, #tpu.memory_space<vmem>>[vector<16xi32>, vector<16xi32>], vector<16xf32>,
          %gather3A_867 = arith.constant 0 : i32
          %gather3A_868 = arith.constant 0 : i32
          %gather3A_869 = tpu.memref_slice %arg12[%scan3A_583, %gather3A_867, %gather3A_868] : memref<2x128x32xf32, #tpu.memory_space<vmem>> -> memref<1x128x32xf32, #tpu.memory_space<vmem>>
          %gather3A_870 = tpu.memref_squeeze %gather3A_869 : memref<1x128x32xf32, #tpu.memory_space<vmem>> -> memref<128x32xf32, #tpu.memory_space<vmem>>
          %gather3A_871 = tpu.vector_load_idx %gather3A_870[%add3A_611, %and3A_533] : memref<128x32xf32, #tpu.memory_space<vmem>>[vector<16xi32>, vector<16xi32>], vector<16xf32>,
          %gather3A_872 = tpu.vector_load_idx %arg14[%get3A_615, %and3A_533] : memref<1000x32xf32, #tpu.memory_space<vmem>>[vector<16xi32>, vector<16xi32>], vector<16xf32>,
          %add3A_873 = arith.addf %gather3A_871, %gather3A_872 : vector<16xf32>
          %scatter3A_874 = arith.constant 0 : i32
          %scatter3A_875 = arith.constant 0 : i32
          %scatter3A_876 = tpu.memref_slice %arg13[%scan3A_584, %scatter3A_874, %scatter3A_875] : memref<2x32x128xf32, #tpu.memory_space<vmem>> -> memref<1x32x128xf32, #tpu.memory_space<vmem>>
          %scatter3A_877 = tpu.memref_squeeze %scatter3A_876 : memref<1x32x128xf32, #tpu.memory_space<vmem>> -> memref<32x128xf32, #tpu.memory_space<vmem>>
          tpu.vector_store_idx %scatter3A_877[%and3A_533, %add3A_611], %add3A_873 : memref<32x128xf32, #tpu.memory_space<vmem>>[vector<16xi32>, vector<16xi32>], vector<16xf32>,
          %gather3A_878 = arith.constant 0 : i32
          %gather3A_879 = arith.constant 0 : i32
          %gather3A_880 = tpu.memref_slice %arg12[%scan3A_583, %gather3A_878, %gather3A_879] : memref<2x128x32xf32, #tpu.memory_space<vmem>> -> memref<1x128x32xf32, #tpu.memory_space<vmem>>
          %gather3A_881 = tpu.memref_squeeze %gather3A_880 : memref<1x128x32xf32, #tpu.memory_space<vmem>> -> memref<128x32xf32, #tpu.memory_space<vmem>>
          %gather3A_882 = tpu.vector_load_idx %gather3A_881[%add3A_611, %and3A_539] : memref<128x32xf32, #tpu.memory_space<vmem>>[vector<16xi32>, vector<16xi32>], vector<16xf32>,
          %gather3A_883 = tpu.vector_load_idx %arg14[%get3A_615, %and3A_539] : memref<1000x32xf32, #tpu.memory_space<vmem>>[vector<16xi32>, vector<16xi32>], vector<16xf32>,
          %add3A_884 = arith.addf %gather3A_882, %gather3A_883 : vector<16xf32>
          %scatter3A_885 = arith.constant 0 : i32
          %scatter3A_886 = arith.constant 0 : i32
          %scatter3A_887 = tpu.memref_slice %arg13[%scan3A_584, %scatter3A_885, %scatter3A_886] : memref<2x32x128xf32, #tpu.memory_space<vmem>> -> memref<1x32x128xf32, #tpu.memory_space<vmem>>
          %scatter3A_888 = tpu.memref_squeeze %scatter3A_887 : memref<1x32x128xf32, #tpu.memory_space<vmem>> -> memref<32x128xf32, #tpu.memory_space<vmem>>
          tpu.vector_store_idx %scatter3A_888[%and3A_539, %add3A_611], %add3A_884 : memref<32x128xf32, #tpu.memory_space<vmem>>[vector<16xi32>, vector<16xi32>], vector<16xf32>,
          %gather3A_889 = arith.constant 0 : i32
          %gather3A_890 = arith.constant 0 : i32
          %gather3A_891 = tpu.memref_slice %arg12[%scan3A_583, %gather3A_889, %gather3A_890] : memref<2x128x32xf32, #tpu.memory_space<vmem>> -> memref<1x128x32xf32, #tpu.memory_space<vmem>>
          %gather3A_892 = tpu.memref_squeeze %gather3A_891 : memref<1x128x32xf32, #tpu.memory_space<vmem>> -> memref<128x32xf32, #tpu.memory_space<vmem>>
          %gather3A_893 = tpu.vector_load_idx %gather3A_892[%add3A_611, %and3A_545] : memref<128x32xf32, #tpu.memory_space<vmem>>[vector<16xi32>, vector<16xi32>], vector<16xf32>,
          %gather3A_894 = tpu.vector_load_idx %arg14[%get3A_615, %and3A_545] : memref<1000x32xf32, #tpu.memory_space<vmem>>[vector<16xi32>, vector<16xi32>], vector<16xf32>,
          %add3A_895 = arith.addf %gather3A_893, %gather3A_894 : vector<16xf32>
          %scatter3A_896 = arith.constant 0 : i32
          %scatter3A_897 = arith.constant 0 : i32
          %scatter3A_898 = tpu.memref_slice %arg13[%scan3A_584, %scatter3A_896, %scatter3A_897] : memref<2x32x128xf32, #tpu.memory_space<vmem>> -> memref<1x32x128xf32, #tpu.memory_space<vmem>>
          %scatter3A_899 = tpu.memref_squeeze %scatter3A_898 : memref<1x32x128xf32, #tpu.memory_space<vmem>> -> memref<32x128xf32, #tpu.memory_space<vmem>>
          tpu.vector_store_idx %scatter3A_899[%and3A_545, %add3A_611], %add3A_895 : memref<32x128xf32, #tpu.memory_space<vmem>>[vector<16xi32>, vector<16xi32>], vector<16xf32>,
          %gather3A_900 = arith.constant 0 : i32
          %gather3A_901 = arith.constant 0 : i32
          %gather3A_902 = tpu.memref_slice %arg12[%scan3A_583, %gather3A_900, %gather3A_901] : memref<2x128x32xf32, #tpu.memory_space<vmem>> -> memref<1x128x32xf32, #tpu.memory_space<vmem>>
          %gather3A_903 = tpu.memref_squeeze %gather3A_902 : memref<1x128x32xf32, #tpu.memory_space<vmem>> -> memref<128x32xf32, #tpu.memory_space<vmem>>
          %gather3A_904 = tpu.vector_load_idx %gather3A_903[%add3A_611, %and3A_551] : memref<128x32xf32, #tpu.memory_space<vmem>>[vector<16xi32>, vector<16xi32>], vector<16xf32>,
          %gather3A_905 = tpu.vector_load_idx %arg14[%get3A_615, %and3A_551] : memref<1000x32xf32, #tpu.memory_space<vmem>>[vector<16xi32>, vector<16xi32>], vector<16xf32>,
          %add3A_906 = arith.addf %gather3A_904, %gather3A_905 : vector<16xf32>
          %scatter3A_907 = arith.constant 0 : i32
          %scatter3A_908 = arith.constant 0 : i32
          %scatter3A_909 = tpu.memref_slice %arg13[%scan3A_584, %scatter3A_907, %scatter3A_908] : memref<2x32x128xf32, #tpu.memory_space<vmem>> -> memref<1x32x128xf32, #tpu.memory_space<vmem>>
          %scatter3A_910 = tpu.memref_squeeze %scatter3A_909 : memref<1x32x128xf32, #tpu.memory_space<vmem>> -> memref<32x128xf32, #tpu.memory_space<vmem>>
          tpu.vector_store_idx %scatter3A_910[%and3A_551, %add3A_611], %add3A_906 : memref<32x128xf32, #tpu.memory_space<vmem>>[vector<16xi32>, vector<16xi32>], vector<16xf32>,
          %gather3A_911 = arith.constant 0 : i32
          %gather3A_912 = arith.constant 0 : i32
          %gather3A_913 = tpu.memref_slice %arg12[%scan3A_583, %gather3A_911, %gather3A_912] : memref<2x128x32xf32, #tpu.memory_space<vmem>> -> memref<1x128x32xf32, #tpu.memory_space<vmem>>
          %gather3A_914 = tpu.memref_squeeze %gather3A_913 : memref<1x128x32xf32, #tpu.memory_space<vmem>> -> memref<128x32xf32, #tpu.memory_space<vmem>>
          %gather3A_915 = tpu.vector_load_idx %gather3A_914[%add3A_611, %and3A_557] : memref<128x32xf32, #tpu.memory_space<vmem>>[vector<16xi32>, vector<16xi32>], vector<16xf32>,
          %gather3A_916 = tpu.vector_load_idx %arg14[%get3A_615, %and3A_557] : memref<1000x32xf32, #tpu.memory_space<vmem>>[vector<16xi32>, vector<16xi32>], vector<16xf32>,
          %add3A_917 = arith.addf %gather3A_915, %gather3A_916 : vector<16xf32>
          %scatter3A_918 = arith.constant 0 : i32
          %scatter3A_919 = arith.constant 0 : i32
          %scatter3A_920 = tpu.memref_slice %arg13[%scan3A_584, %scatter3A_918, %scatter3A_919] : memref<2x32x128xf32, #tpu.memory_space<vmem>> -> memref<1x32x128xf32, #tpu.memory_space<vmem>>
          %scatter3A_921 = tpu.memref_squeeze %scatter3A_920 : memref<1x32x128xf32, #tpu.memory_space<vmem>> -> memref<32x128xf32, #tpu.memory_space<vmem>>
          tpu.vector_store_idx %scatter3A_921[%and3A_557, %add3A_611], %add3A_917 : memref<32x128xf32, #tpu.memory_space<vmem>>[vector<16xi32>, vector<16xi32>], vector<16xf32>,
          %gather3A_922 = arith.constant 0 : i32
          %gather3A_923 = arith.constant 0 : i32
          %gather3A_924 = tpu.memref_slice %arg12[%scan3A_583, %gather3A_922, %gather3A_923] : memref<2x128x32xf32, #tpu.memory_space<vmem>> -> memref<1x128x32xf32, #tpu.memory_space<vmem>>
          %gather3A_925 = tpu.memref_squeeze %gather3A_924 : memref<1x128x32xf32, #tpu.memory_space<vmem>> -> memref<128x32xf32, #tpu.memory_space<vmem>>
          %gather3A_926 = tpu.vector_load_idx %gather3A_925[%add3A_611, %and3A_563] : memref<128x32xf32, #tpu.memory_space<vmem>>[vector<16xi32>, vector<16xi32>], vector<16xf32>,
          %gather3A_927 = tpu.vector_load_idx %arg14[%get3A_615, %and3A_563] : memref<1000x32xf32, #tpu.memory_space<vmem>>[vector<16xi32>, vector<16xi32>], vector<16xf32>,
          %add3A_928 = arith.addf %gather3A_926, %gather3A_927 : vector<16xf32>
          %scatter3A_929 = arith.constant 0 : i32
          %scatter3A_930 = arith.constant 0 : i32
          %scatter3A_931 = tpu.memref_slice %arg13[%scan3A_584, %scatter3A_929, %scatter3A_930] : memref<2x32x128xf32, #tpu.memory_space<vmem>> -> memref<1x32x128xf32, #tpu.memory_space<vmem>>
          %scatter3A_932 = tpu.memref_squeeze %scatter3A_931 : memref<1x32x128xf32, #tpu.memory_space<vmem>> -> memref<32x128xf32, #tpu.memory_space<vmem>>
          tpu.vector_store_idx %scatter3A_932[%and3A_563, %add3A_611], %add3A_928 : memref<32x128xf32, #tpu.memory_space<vmem>>[vector<16xi32>, vector<16xi32>], vector<16xf32>,
          %gather3A_933 = arith.constant 0 : i32
          %gather3A_934 = arith.constant 0 : i32
          %gather3A_935 = tpu.memref_slice %arg12[%scan3A_583, %gather3A_933, %gather3A_934] : memref<2x128x32xf32, #tpu.memory_space<vmem>> -> memref<1x128x32xf32, #tpu.memory_space<vmem>>
          %gather3A_936 = tpu.memref_squeeze %gather3A_935 : memref<1x128x32xf32, #tpu.memory_space<vmem>> -> memref<128x32xf32, #tpu.memory_space<vmem>>
          %gather3A_937 = tpu.vector_load_idx %gather3A_936[%add3A_611, %and3A_569] : memref<128x32xf32, #tpu.memory_space<vmem>>[vector<16xi32>, vector<16xi32>], vector<16xf32>,
          %gather3A_938 = tpu.vector_load_idx %arg14[%get3A_615, %and3A_569] : memref<1000x32xf32, #tpu.memory_space<vmem>>[vector<16xi32>, vector<16xi32>], vector<16xf32>,
          %add3A_939 = arith.addf %gather3A_937, %gather3A_938 : vector<16xf32>
          %scatter3A_940 = arith.constant 0 : i32
          %scatter3A_941 = arith.constant 0 : i32
          %scatter3A_942 = tpu.memref_slice %arg13[%scan3A_584, %scatter3A_940, %scatter3A_941] : memref<2x32x128xf32, #tpu.memory_space<vmem>> -> memref<1x32x128xf32, #tpu.memory_space<vmem>>
          %scatter3A_943 = tpu.memref_squeeze %scatter3A_942 : memref<1x32x128xf32, #tpu.memory_space<vmem>> -> memref<32x128xf32, #tpu.memory_space<vmem>>
          tpu.vector_store_idx %scatter3A_943[%and3A_569, %add3A_611], %add3A_939 : memref<32x128xf32, #tpu.memory_space<vmem>>[vector<16xi32>, vector<16xi32>], vector<16xf32>,
          %gather3A_944 = arith.constant 0 : i32
          %gather3A_945 = arith.constant 0 : i32
          %gather3A_946 = tpu.memref_slice %arg12[%scan3A_583, %gather3A_944, %gather3A_945] : memref<2x128x32xf32, #tpu.memory_space<vmem>> -> memref<1x128x32xf32, #tpu.memory_space<vmem>>
          %gather3A_947 = tpu.memref_squeeze %gather3A_946 : memref<1x128x32xf32, #tpu.memory_space<vmem>> -> memref<128x32xf32, #tpu.memory_space<vmem>>
          %gather3A_948 = tpu.vector_load_idx %gather3A_947[%add3A_611, %and3A_575] : memref<128x32xf32, #tpu.memory_space<vmem>>[vector<16xi32>, vector<16xi32>], vector<16xf32>,
          %gather3A_949 = tpu.vector_load_idx %arg14[%get3A_615, %and3A_575] : memref<1000x32xf32, #tpu.memory_space<vmem>>[vector<16xi32>, vector<16xi32>], vector<16xf32>,
          %add3A_950 = arith.addf %gather3A_948, %gather3A_949 : vector<16xf32>
          %scatter3A_951 = arith.constant 0 : i32
          %scatter3A_952 = arith.constant 0 : i32
          %scatter3A_953 = tpu.memref_slice %arg13[%scan3A_584, %scatter3A_951, %scatter3A_952] : memref<2x32x128xf32, #tpu.memory_space<vmem>> -> memref<1x32x128xf32, #tpu.memory_space<vmem>>
          %scatter3A_954 = tpu.memref_squeeze %scatter3A_953 : memref<1x32x128xf32, #tpu.memory_space<vmem>> -> memref<32x128xf32, #tpu.memory_space<vmem>>
          tpu.vector_store_idx %scatter3A_954[%and3A_575, %add3A_611], %add3A_950 : memref<32x128xf32, #tpu.memory_space<vmem>>[vector<16xi32>, vector<16xi32>], vector<16xf32>,
          %gather3A_955 = arith.constant 0 : i32
          %gather3A_956 = arith.constant 0 : i32
          %gather3A_957 = tpu.memref_slice %arg12[%scan3A_583, %gather3A_955, %gather3A_956] : memref<2x128x32xf32, #tpu.memory_space<vmem>> -> memref<1x128x32xf32, #tpu.memory_space<vmem>>
          %gather3A_958 = tpu.memref_squeeze %gather3A_957 : memref<1x128x32xf32, #tpu.memory_space<vmem>> -> memref<128x32xf32, #tpu.memory_space<vmem>>
          %gather3A_959 = tpu.vector_load_idx %gather3A_958[%add3A_611, %and3A_581] : memref<128x32xf32, #tpu.memory_space<vmem>>[vector<16xi32>, vector<16xi32>], vector<16xf32>,
          %gather3A_960 = tpu.vector_load_idx %arg14[%get3A_615, %and3A_581] : memref<1000x32xf32, #tpu.memory_space<vmem>>[vector<16xi32>, vector<16xi32>], vector<16xf32>,
          %add3A_961 = arith.addf %gather3A_959, %gather3A_960 : vector<16xf32>
          %scatter3A_962 = arith.constant 0 : i32
          %scatter3A_963 = arith.constant 0 : i32
          %scatter3A_964 = tpu.memref_slice %arg13[%scan3A_584, %scatter3A_962, %scatter3A_963] : memref<2x32x128xf32, #tpu.memory_space<vmem>> -> memref<1x32x128xf32, #tpu.memory_space<vmem>>
          %scatter3A_965 = tpu.memref_squeeze %scatter3A_964 : memref<1x32x128xf32, #tpu.memory_space<vmem>> -> memref<32x128xf32, #tpu.memory_space<vmem>>
          tpu.vector_store_idx %scatter3A_965[%and3A_581, %add3A_611], %add3A_961 : memref<32x128xf32, #tpu.memory_space<vmem>>[vector<16xi32>, vector<16xi32>], vector<16xf32>,
        }
        %scan3A_589 = arith.constant 8 : i32
        %sub3A_590 = arith.constant 1 : i32
        %sub3A_591 = arith.subi %add3A_322, %sub3A_590 : i32
        %dma_start3A_592 = arith.constant 0 : i32
        %dma_start3A_593 = arith.constant 0 : i32
        %dma_start3A_594 = arith.constant 0 : i32
        %dma_start3A_595 = tpu.memref_slice %arg13[%dma_start3A_592, %dma_start3A_593, %dma_start3A_594] : memref<2x32x128xf32, #tpu.memory_space<vmem>> -> memref<1x32x128xf32, #tpu.memory_space<vmem>>
        %dma_start3A_596 = tpu.memref_squeeze %dma_start3A_595 : memref<1x32x128xf32, #tpu.memory_space<vmem>> -> memref<32x128xf32, #tpu.memory_space<vmem>>
        %dma_start3A_597 = arith.constant 0 : i32
        %dma_start3A_598 = tpu.memref_slice %arg8[%sub3A_591, %dma_start3A_597, %mul3A_2] : memref<200x32x4096xf32, #tpu.memory_space<hbm>> -> memref<1x32x128xf32, #tpu.memory_space<hbm>>
        %dma_start3A_599 = tpu.memref_squeeze %dma_start3A_598 : memref<1x32x128xf32, #tpu.memory_space<hbm>> -> memref<32x128xf32, #tpu.memory_space<hbm>>
        %dma_start3A_600 = arith.constant 0 : i32
        %dma_start3A_601 = tpu.memref_slice %arg8[%sub3A_591, %dma_start3A_600, %mul3A_2] : memref<200x32x4096xf32, #tpu.memory_space<hbm>> -> memref<1x32x128xf32, #tpu.memory_space<hbm>>
        %dma_start3A_602 = tpu.memref_squeeze %dma_start3A_601 : memref<1x32x128xf32, #tpu.memory_space<hbm>> -> memref<32x128xf32, #tpu.memory_space<hbm>>
        %dma_start3A_603 = arith.constant 0 : i32
        %dma_start3A_604 = arith.constant 0 : i32
        %dma_start3A_605 = tpu.memref_slice %arg13[%dma_start3A_592, %dma_start3A_603, %dma_start3A_604] : memref<2x32x128xf32, #tpu.memory_space<vmem>> -> memref<1x32x128xf32, #tpu.memory_space<vmem>>
        %dma_start3A_606 = tpu.memref_squeeze %dma_start3A_605 : memref<1x32x128xf32, #tpu.memory_space<vmem>> -> memref<32x128xf32, #tpu.memory_space<vmem>>
        tpu.enqueue_dma source(%dma_start3A_606 : memref<32x128xf32, #tpu.memory_space<vmem>>) target(%dma_start3A_602 : memref<32x128xf32, #tpu.memory_space<hbm>>) target_semaphore(%arg17 : memref<!tpu.dma_semaphore, #tpu.memory_space<semaphore_mem>>)
      } else {
      }
    }
    %scan3A_7 = arith.constant 100 : i32
    %dma_wait3A = arith.constant 199 : i32
    %dma_wait3A_8 = arith.constant 1 : i32
    %dma_wait3A_9 = arith.constant 0 : i32
    %dma_wait3A_10 = arith.constant 0 : i32
    %dma_wait3A_11 = tpu.memref_slice %arg12[%dma_wait3A_8, %dma_wait3A_9, %dma_wait3A_10] : memref<2x128x32xf32, #tpu.memory_space<vmem>> -> memref<1x128x32xf32, #tpu.memory_space<vmem>>
    %dma_wait3A_12 = tpu.memref_squeeze %dma_wait3A_11 : memref<1x128x32xf32, #tpu.memory_space<vmem>> -> memref<128x32xf32, #tpu.memory_space<vmem>>
    %dma_wait3A_13 = arith.constant 0 : i32
    %dma_wait3A_14 = tpu.memref_slice %arg9[%dma_wait3A, %dma_wait3A_13] : memref<200x128xi32, #tpu.memory_space<vmem>> -> memref<1x128xi32, #tpu.memory_space<vmem>>
    %dma_wait3A_15 = tpu.memref_squeeze %dma_wait3A_14 : memref<1x128xi32, #tpu.memory_space<vmem>> -> memref<128xi32, #tpu.memory_space<vmem>>
    %dma_wait3A_16 = arith.constant 0 : i32
    %dma_wait3A_17 = arith.constant 0 : i32
    %dma_wait3A_18 = tpu.memref_slice %arg5[%dma_wait3A_16, %dma_wait3A_17] : memref<100000x32xf32, #tpu.memory_space<hbm>> -> memref<100000x32xf32, #tpu.memory_space<hbm>>
    tpu.wait_indirect_dma semaphore(%arg16 : memref<!tpu.dma_semaphore, #tpu.memory_space<semaphore_mem>>) src(%dma_wait3A_18 : memref<100000x32xf32, #tpu.memory_space<hbm>>) dst(%dma_wait3A_12 : memref<128x32xf32, #tpu.memory_space<vmem>>)
    %dma_wait3A_19 = arith.constant 199 : i32
    %dma_wait3A_20 = arith.constant 1 : i32
    %dma_wait3A_21 = arith.constant 0 : i32
    %dma_wait3A_22 = arith.constant 0 : i32
    %dma_wait3A_23 = tpu.memref_slice %arg12[%dma_wait3A_20, %dma_wait3A_21, %dma_wait3A_22] : memref<2x128x32xf32, #tpu.memory_space<vmem>> -> memref<1x128x32xf32, #tpu.memory_space<vmem>>
    %dma_wait3A_24 = tpu.memref_squeeze %dma_wait3A_23 : memref<1x128x32xf32, #tpu.memory_space<vmem>> -> memref<128x32xf32, #tpu.memory_space<vmem>>
    %dma_wait3A_25 = arith.constant 0 : i32
    %dma_wait3A_26 = tpu.memref_slice %arg10[%dma_wait3A_19, %dma_wait3A_25] : memref<200x128xi32, #tpu.memory_space<vmem>> -> memref<1x128xi32, #tpu.memory_space<vmem>>
    %dma_wait3A_27 = tpu.memref_squeeze %dma_wait3A_26 : memref<1x128xi32, #tpu.memory_space<vmem>> -> memref<128xi32, #tpu.memory_space<vmem>>
    %dma_wait3A_28 = arith.constant 0 : i32
    %dma_wait3A_29 = arith.constant 0 : i32
    %dma_wait3A_30 = tpu.memref_slice %arg6[%dma_wait3A_28, %dma_wait3A_29] : memref<500051x32xf32, #tpu.memory_space<hbm>> -> memref<500051x32xf32, #tpu.memory_space<hbm>>
    tpu.wait_indirect_dma semaphore(%arg16 : memref<!tpu.dma_semaphore, #tpu.memory_space<semaphore_mem>>) src(%dma_wait3A_30 : memref<500051x32xf32, #tpu.memory_space<hbm>>) dst(%dma_wait3A_24 : memref<128x32xf32, #tpu.memory_space<vmem>>)
    %iota3A = tpu.iota {dimensions = array<i32: 0>} : vector<16xi32>
    %add3A_31 = arith.constant 0 : i32
    %add3A_32 = vector.broadcast %add3A_31 : i32 to vector<16xi32>
    %add3A_33 = arith.addi %add3A_32, %iota3A : vector<16xi32>
    %and3A = arith.constant 31 : i32
    %and3A_34 = vector.broadcast %and3A : i32 to vector<16xi32>
    %and3A_35 = arith.andi %add3A_33, %and3A_34 : vector<16xi32>
    %add3A_36 = arith.constant 1 : i32
    %add3A_37 = vector.broadcast %add3A_36 : i32 to vector<16xi32>
    %add3A_38 = arith.addi %add3A_37, %iota3A : vector<16xi32>
    %and3A_39 = arith.constant 31 : i32
    %and3A_40 = vector.broadcast %and3A_39 : i32 to vector<16xi32>
    %and3A_41 = arith.andi %add3A_38, %and3A_40 : vector<16xi32>
    %add3A_42 = arith.constant 2 : i32
    %add3A_43 = vector.broadcast %add3A_42 : i32 to vector<16xi32>
    %add3A_44 = arith.addi %add3A_43, %iota3A : vector<16xi32>
    %and3A_45 = arith.constant 31 : i32
    %and3A_46 = vector.broadcast %and3A_45 : i32 to vector<16xi32>
    %and3A_47 = arith.andi %add3A_44, %and3A_46 : vector<16xi32>
    %add3A_48 = arith.constant 3 : i32
    %add3A_49 = vector.broadcast %add3A_48 : i32 to vector<16xi32>
    %add3A_50 = arith.addi %add3A_49, %iota3A : vector<16xi32>
    %and3A_51 = arith.constant 31 : i32
    %and3A_52 = vector.broadcast %and3A_51 : i32 to vector<16xi32>
    %and3A_53 = arith.andi %add3A_50, %and3A_52 : vector<16xi32>
    %add3A_54 = arith.constant 4 : i32
    %add3A_55 = vector.broadcast %add3A_54 : i32 to vector<16xi32>
    %add3A_56 = arith.addi %add3A_55, %iota3A : vector<16xi32>
    %and3A_57 = arith.constant 31 : i32
    %and3A_58 = vector.broadcast %and3A_57 : i32 to vector<16xi32>
    %and3A_59 = arith.andi %add3A_56, %and3A_58 : vector<16xi32>
    %add3A_60 = arith.constant 5 : i32
    %add3A_61 = vector.broadcast %add3A_60 : i32 to vector<16xi32>
    %add3A_62 = arith.addi %add3A_61, %iota3A : vector<16xi32>
    %and3A_63 = arith.constant 31 : i32
    %and3A_64 = vector.broadcast %and3A_63 : i32 to vector<16xi32>
    %and3A_65 = arith.andi %add3A_62, %and3A_64 : vector<16xi32>
    %add3A_66 = arith.constant 6 : i32
    %add3A_67 = vector.broadcast %add3A_66 : i32 to vector<16xi32>
    %add3A_68 = arith.addi %add3A_67, %iota3A : vector<16xi32>
    %and3A_69 = arith.constant 31 : i32
    %and3A_70 = vector.broadcast %and3A_69 : i32 to vector<16xi32>
    %and3A_71 = arith.andi %add3A_68, %and3A_70 : vector<16xi32>
    %add3A_72 = arith.constant 7 : i32
    %add3A_73 = vector.broadcast %add3A_72 : i32 to vector<16xi32>
    %add3A_74 = arith.addi %add3A_73, %iota3A : vector<16xi32>
    %and3A_75 = arith.constant 31 : i32
    %and3A_76 = vector.broadcast %and3A_75 : i32 to vector<16xi32>
    %and3A_77 = arith.andi %add3A_74, %and3A_76 : vector<16xi32>
    %add3A_78 = arith.constant 8 : i32
    %add3A_79 = vector.broadcast %add3A_78 : i32 to vector<16xi32>
    %add3A_80 = arith.addi %add3A_79, %iota3A : vector<16xi32>
    %and3A_81 = arith.constant 31 : i32
    %and3A_82 = vector.broadcast %and3A_81 : i32 to vector<16xi32>
    %and3A_83 = arith.andi %add3A_80, %and3A_82 : vector<16xi32>
    %add3A_84 = arith.constant 9 : i32
    %add3A_85 = vector.broadcast %add3A_84 : i32 to vector<16xi32>
    %add3A_86 = arith.addi %add3A_85, %iota3A : vector<16xi32>
    %and3A_87 = arith.constant 31 : i32
    %and3A_88 = vector.broadcast %and3A_87 : i32 to vector<16xi32>
    %and3A_89 = arith.andi %add3A_86, %and3A_88 : vector<16xi32>
    %add3A_90 = arith.constant 10 : i32
    %add3A_91 = vector.broadcast %add3A_90 : i32 to vector<16xi32>
    %add3A_92 = arith.addi %add3A_91, %iota3A : vector<16xi32>
    %and3A_93 = arith.constant 31 : i32
    %and3A_94 = vector.broadcast %and3A_93 : i32 to vector<16xi32>
    %and3A_95 = arith.andi %add3A_92, %and3A_94 : vector<16xi32>
    %add3A_96 = arith.constant 11 : i32
    %add3A_97 = vector.broadcast %add3A_96 : i32 to vector<16xi32>
    %add3A_98 = arith.addi %add3A_97, %iota3A : vector<16xi32>
    %and3A_99 = arith.constant 31 : i32
    %and3A_100 = vector.broadcast %and3A_99 : i32 to vector<16xi32>
    %and3A_101 = arith.andi %add3A_98, %and3A_100 : vector<16xi32>
    %add3A_102 = arith.constant 12 : i32
    %add3A_103 = vector.broadcast %add3A_102 : i32 to vector<16xi32>
    %add3A_104 = arith.addi %add3A_103, %iota3A : vector<16xi32>
    %and3A_105 = arith.constant 31 : i32
    %and3A_106 = vector.broadcast %and3A_105 : i32 to vector<16xi32>
    %and3A_107 = arith.andi %add3A_104, %and3A_106 : vector<16xi32>
    %add3A_108 = arith.constant 13 : i32
    %add3A_109 = vector.broadcast %add3A_108 : i32 to vector<16xi32>
    %add3A_110 = arith.addi %add3A_109, %iota3A : vector<16xi32>
    %and3A_111 = arith.constant 31 : i32
    %and3A_112 = vector.broadcast %and3A_111 : i32 to vector<16xi32>
    %and3A_113 = arith.andi %add3A_110, %and3A_112 : vector<16xi32>
    %add3A_114 = arith.constant 14 : i32
    %add3A_115 = vector.broadcast %add3A_114 : i32 to vector<16xi32>
    %add3A_116 = arith.addi %add3A_115, %iota3A : vector<16xi32>
    %and3A_117 = arith.constant 31 : i32
    %and3A_118 = vector.broadcast %and3A_117 : i32 to vector<16xi32>
    %and3A_119 = arith.andi %add3A_116, %and3A_118 : vector<16xi32>
    %add3A_120 = arith.constant 15 : i32
    %add3A_121 = vector.broadcast %add3A_120 : i32 to vector<16xi32>
    %add3A_122 = arith.addi %add3A_121, %iota3A : vector<16xi32>
    %and3A_123 = arith.constant 31 : i32
    %and3A_124 = vector.broadcast %and3A_123 : i32 to vector<16xi32>
    %and3A_125 = arith.andi %add3A_122, %and3A_124 : vector<16xi32>
    %add3A_126 = arith.constant 16 : i32
    %add3A_127 = vector.broadcast %add3A_126 : i32 to vector<16xi32>
    %add3A_128 = arith.addi %add3A_127, %iota3A : vector<16xi32>
    %and3A_129 = arith.constant 31 : i32
    %and3A_130 = vector.broadcast %and3A_129 : i32 to vector<16xi32>
    %and3A_131 = arith.andi %add3A_128, %and3A_130 : vector<16xi32>
    %add3A_132 = arith.constant 17 : i32
    %add3A_133 = vector.broadcast %add3A_132 : i32 to vector<16xi32>
    %add3A_134 = arith.addi %add3A_133, %iota3A : vector<16xi32>
    %and3A_135 = arith.constant 31 : i32
    %and3A_136 = vector.broadcast %and3A_135 : i32 to vector<16xi32>
    %and3A_137 = arith.andi %add3A_134, %and3A_136 : vector<16xi32>
    %add3A_138 = arith.constant 18 : i32
    %add3A_139 = vector.broadcast %add3A_138 : i32 to vector<16xi32>
    %add3A_140 = arith.addi %add3A_139, %iota3A : vector<16xi32>
    %and3A_141 = arith.constant 31 : i32
    %and3A_142 = vector.broadcast %and3A_141 : i32 to vector<16xi32>
    %and3A_143 = arith.andi %add3A_140, %and3A_142 : vector<16xi32>
    %add3A_144 = arith.constant 19 : i32
    %add3A_145 = vector.broadcast %add3A_144 : i32 to vector<16xi32>
    %add3A_146 = arith.addi %add3A_145, %iota3A : vector<16xi32>
    %and3A_147 = arith.constant 31 : i32
    %and3A_148 = vector.broadcast %and3A_147 : i32 to vector<16xi32>
    %and3A_149 = arith.andi %add3A_146, %and3A_148 : vector<16xi32>
    %add3A_150 = arith.constant 20 : i32
    %add3A_151 = vector.broadcast %add3A_150 : i32 to vector<16xi32>
    %add3A_152 = arith.addi %add3A_151, %iota3A : vector<16xi32>
    %and3A_153 = arith.constant 31 : i32
    %and3A_154 = vector.broadcast %and3A_153 : i32 to vector<16xi32>
    %and3A_155 = arith.andi %add3A_152, %and3A_154 : vector<16xi32>
    %add3A_156 = arith.constant 21 : i32
    %add3A_157 = vector.broadcast %add3A_156 : i32 to vector<16xi32>
    %add3A_158 = arith.addi %add3A_157, %iota3A : vector<16xi32>
    %and3A_159 = arith.constant 31 : i32
    %and3A_160 = vector.broadcast %and3A_159 : i32 to vector<16xi32>
    %and3A_161 = arith.andi %add3A_158, %and3A_160 : vector<16xi32>
    %add3A_162 = arith.constant 22 : i32
    %add3A_163 = vector.broadcast %add3A_162 : i32 to vector<16xi32>
    %add3A_164 = arith.addi %add3A_163, %iota3A : vector<16xi32>
    %and3A_165 = arith.constant 31 : i32
    %and3A_166 = vector.broadcast %and3A_165 : i32 to vector<16xi32>
    %and3A_167 = arith.andi %add3A_164, %and3A_166 : vector<16xi32>
    %add3A_168 = arith.constant 23 : i32
    %add3A_169 = vector.broadcast %add3A_168 : i32 to vector<16xi32>
    %add3A_170 = arith.addi %add3A_169, %iota3A : vector<16xi32>
    %and3A_171 = arith.constant 31 : i32
    %and3A_172 = vector.broadcast %and3A_171 : i32 to vector<16xi32>
    %and3A_173 = arith.andi %add3A_170, %and3A_172 : vector<16xi32>
    %add3A_174 = arith.constant 24 : i32
    %add3A_175 = vector.broadcast %add3A_174 : i32 to vector<16xi32>
    %add3A_176 = arith.addi %add3A_175, %iota3A : vector<16xi32>
    %and3A_177 = arith.constant 31 : i32
    %and3A_178 = vector.broadcast %and3A_177 : i32 to vector<16xi32>
    %and3A_179 = arith.andi %add3A_176, %and3A_178 : vector<16xi32>
    %add3A_180 = arith.constant 25 : i32
    %add3A_181 = vector.broadcast %add3A_180 : i32 to vector<16xi32>
    %add3A_182 = arith.addi %add3A_181, %iota3A : vector<16xi32>
    %and3A_183 = arith.constant 31 : i32
    %and3A_184 = vector.broadcast %and3A_183 : i32 to vector<16xi32>
    %and3A_185 = arith.andi %add3A_182, %and3A_184 : vector<16xi32>
    %add3A_186 = arith.constant 26 : i32
    %add3A_187 = vector.broadcast %add3A_186 : i32 to vector<16xi32>
    %add3A_188 = arith.addi %add3A_187, %iota3A : vector<16xi32>
    %and3A_189 = arith.constant 31 : i32
    %and3A_190 = vector.broadcast %and3A_189 : i32 to vector<16xi32>
    %and3A_191 = arith.andi %add3A_188, %and3A_190 : vector<16xi32>
    %add3A_192 = arith.constant 27 : i32
    %add3A_193 = vector.broadcast %add3A_192 : i32 to vector<16xi32>
    %add3A_194 = arith.addi %add3A_193, %iota3A : vector<16xi32>
    %and3A_195 = arith.constant 31 : i32
    %and3A_196 = vector.broadcast %and3A_195 : i32 to vector<16xi32>
    %and3A_197 = arith.andi %add3A_194, %and3A_196 : vector<16xi32>
    %add3A_198 = arith.constant 28 : i32
    %add3A_199 = vector.broadcast %add3A_198 : i32 to vector<16xi32>
    %add3A_200 = arith.addi %add3A_199, %iota3A : vector<16xi32>
    %and3A_201 = arith.constant 31 : i32
    %and3A_202 = vector.broadcast %and3A_201 : i32 to vector<16xi32>
    %and3A_203 = arith.andi %add3A_200, %and3A_202 : vector<16xi32>
    %add3A_204 = arith.constant 29 : i32
    %add3A_205 = vector.broadcast %add3A_204 : i32 to vector<16xi32>
    %add3A_206 = arith.addi %add3A_205, %iota3A : vector<16xi32>
    %and3A_207 = arith.constant 31 : i32
    %and3A_208 = vector.broadcast %and3A_207 : i32 to vector<16xi32>
    %and3A_209 = arith.andi %add3A_206, %and3A_208 : vector<16xi32>
    %add3A_210 = arith.constant 30 : i32
    %add3A_211 = vector.broadcast %add3A_210 : i32 to vector<16xi32>
    %add3A_212 = arith.addi %add3A_211, %iota3A : vector<16xi32>
    %and3A_213 = arith.constant 31 : i32
    %and3A_214 = vector.broadcast %and3A_213 : i32 to vector<16xi32>
    %and3A_215 = arith.andi %add3A_212, %and3A_214 : vector<16xi32>
    %add3A_216 = arith.constant 31 : i32
    %add3A_217 = vector.broadcast %add3A_216 : i32 to vector<16xi32>
    %add3A_218 = arith.addi %add3A_217, %iota3A : vector<16xi32>
    %and3A_219 = arith.constant 31 : i32
    %and3A_220 = vector.broadcast %and3A_219 : i32 to vector<16xi32>
    %and3A_221 = arith.andi %add3A_218, %and3A_220 : vector<16xi32>
    %scan3A_222 = arith.constant 0 : i32
    %scan3A_223 = arith.constant 1 : i32
    %scan3A_224 = arith.constant 1 : i32
    %scan3A_225 = arith.constant 0 : i32
    %scan3A_226 = arith.constant 8 : i32
    %scan3A_227 = arith.addi %scan3A_225, %scan3A_226 : i32
    %scan3A_228 = arith.constant 1 : i32
    scf.for %scan3A_277 = %scan3A_225 to %scan3A_227 step %scan3A_228  : i32 {
      %mul3A_278 = arith.constant 16 : i32
      %mul3A_279 = arith.muli %scan3A_277, %mul3A_278 : i32
      %add3A_280 = vector.broadcast %mul3A_279 : i32 to vector<16xi32>
      %add3A_281 = arith.addi %add3A_280, %iota3A : vector<16xi32>
      %mul3A_282 = arith.constant 16 : i32
      %mul3A_283 = arith.muli %scan3A_277, %mul3A_282 : i32
      %get3A = arith.constant 199 : i32
      %get3A_284 = arith.index_cast %get3A : i32 to index
      %get3A_285 = arith.index_cast %mul3A_283 : i32 to index
      %get3A_286 = tpu.vector_load %arg11[%get3A_284, %get3A_285] {strides = array<i32>} : memref<200x128xi32, #tpu.memory_space<vmem>>, vector<16xi32>,
      %gather3A = arith.constant 0 : i32
      %gather3A_287 = arith.constant 0 : i32
      %gather3A_288 = tpu.memref_slice %arg12[%scan3A_223, %gather3A, %gather3A_287] : memref<2x128x32xf32, #tpu.memory_space<vmem>> -> memref<1x128x32xf32, #tpu.memory_space<vmem>>
      %gather3A_289 = tpu.memref_squeeze %gather3A_288 : memref<1x128x32xf32, #tpu.memory_space<vmem>> -> memref<128x32xf32, #tpu.memory_space<vmem>>
      %gather3A_290 = tpu.vector_load_idx %gather3A_289[%add3A_281, %and3A_35] : memref<128x32xf32, #tpu.memory_space<vmem>>[vector<16xi32>, vector<16xi32>], vector<16xf32>,
      %gather3A_291 = tpu.vector_load_idx %arg14[%get3A_286, %and3A_35] : memref<1000x32xf32, #tpu.memory_space<vmem>>[vector<16xi32>, vector<16xi32>], vector<16xf32>,
      %add3A_292 = arith.addf %gather3A_290, %gather3A_291 : vector<16xf32>
      %scatter3A = arith.constant 0 : i32
      %scatter3A_293 = arith.constant 0 : i32
      %scatter3A_294 = tpu.memref_slice %arg13[%scan3A_224, %scatter3A, %scatter3A_293] : memref<2x32x128xf32, #tpu.memory_space<vmem>> -> memref<1x32x128xf32, #tpu.memory_space<vmem>>
      %scatter3A_295 = tpu.memref_squeeze %scatter3A_294 : memref<1x32x128xf32, #tpu.memory_space<vmem>> -> memref<32x128xf32, #tpu.memory_space<vmem>>
      tpu.vector_store_idx %scatter3A_295[%and3A_35, %add3A_281], %add3A_292 : memref<32x128xf32, #tpu.memory_space<vmem>>[vector<16xi32>, vector<16xi32>], vector<16xf32>,
      %gather3A_296 = arith.constant 0 : i32
      %gather3A_297 = arith.constant 0 : i32
      %gather3A_298 = tpu.memref_slice %arg12[%scan3A_223, %gather3A_296, %gather3A_297] : memref<2x128x32xf32, #tpu.memory_space<vmem>> -> memref<1x128x32xf32, #tpu.memory_space<vmem>>
      %gather3A_299 = tpu.memref_squeeze %gather3A_298 : memref<1x128x32xf32, #tpu.memory_space<vmem>> -> memref<128x32xf32, #tpu.memory_space<vmem>>
      %gather3A_300 = tpu.vector_load_idx %gather3A_299[%add3A_281, %and3A_41] : memref<128x32xf32, #tpu.memory_space<vmem>>[vector<16xi32>, vector<16xi32>], vector<16xf32>,
      %gather3A_301 = tpu.vector_load_idx %arg14[%get3A_286, %and3A_41] : memref<1000x32xf32, #tpu.memory_space<vmem>>[vector<16xi32>, vector<16xi32>], vector<16xf32>,
      %add3A_302 = arith.addf %gather3A_300, %gather3A_301 : vector<16xf32>
      %scatter3A_303 = arith.constant 0 : i32
      %scatter3A_304 = arith.constant 0 : i32
      %scatter3A_305 = tpu.memref_slice %arg13[%scan3A_224, %scatter3A_303, %scatter3A_304] : memref<2x32x128xf32, #tpu.memory_space<vmem>> -> memref<1x32x128xf32, #tpu.memory_space<vmem>>
      %scatter3A_306 = tpu.memref_squeeze %scatter3A_305 : memref<1x32x128xf32, #tpu.memory_space<vmem>> -> memref<32x128xf32, #tpu.memory_space<vmem>>
      tpu.vector_store_idx %scatter3A_306[%and3A_41, %add3A_281], %add3A_302 : memref<32x128xf32, #tpu.memory_space<vmem>>[vector<16xi32>, vector<16xi32>], vector<16xf32>,
      %gather3A_307 = arith.constant 0 : i32
      %gather3A_308 = arith.constant 0 : i32
      %gather3A_309 = tpu.memref_slice %arg12[%scan3A_223, %gather3A_307, %gather3A_308] : memref<2x128x32xf32, #tpu.memory_space<vmem>> -> memref<1x128x32xf32, #tpu.memory_space<vmem>>
      %gather3A_310 = tpu.memref_squeeze %gather3A_309 : memref<1x128x32xf32, #tpu.memory_space<vmem>> -> memref<128x32xf32, #tpu.memory_space<vmem>>
      %gather3A_311 = tpu.vector_load_idx %gather3A_310[%add3A_281, %and3A_47] : memref<128x32xf32, #tpu.memory_space<vmem>>[vector<16xi32>, vector<16xi32>], vector<16xf32>,
      %gather3A_312 = tpu.vector_load_idx %arg14[%get3A_286, %and3A_47] : memref<1000x32xf32, #tpu.memory_space<vmem>>[vector<16xi32>, vector<16xi32>], vector<16xf32>,
      %add3A_313 = arith.addf %gather3A_311, %gather3A_312 : vector<16xf32>
      %scatter3A_314 = arith.constant 0 : i32
      %scatter3A_315 = arith.constant 0 : i32
      %scatter3A_316 = tpu.memref_slice %arg13[%scan3A_224, %scatter3A_314, %scatter3A_315] : memref<2x32x128xf32, #tpu.memory_space<vmem>> -> memref<1x32x128xf32, #tpu.memory_space<vmem>>
      %scatter3A_317 = tpu.memref_squeeze %scatter3A_316 : memref<1x32x128xf32, #tpu.memory_space<vmem>> -> memref<32x128xf32, #tpu.memory_space<vmem>>
      tpu.vector_store_idx %scatter3A_317[%and3A_47, %add3A_281], %add3A_313 : memref<32x128xf32, #tpu.memory_space<vmem>>[vector<16xi32>, vector<16xi32>], vector<16xf32>,
      %gather3A_318 = arith.constant 0 : i32
      %gather3A_319 = arith.constant 0 : i32
      %gather3A_320 = tpu.memref_slice %arg12[%scan3A_223, %gather3A_318, %gather3A_319] : memref<2x128x32xf32, #tpu.memory_space<vmem>> -> memref<1x128x32xf32, #tpu.memory_space<vmem>>
      %gather3A_321 = tpu.memref_squeeze %gather3A_320 : memref<1x128x32xf32, #tpu.memory_space<vmem>> -> memref<128x32xf32, #tpu.memory_space<vmem>>
      %gather3A_322 = tpu.vector_load_idx %gather3A_321[%add3A_281, %and3A_53] : memref<128x32xf32, #tpu.memory_space<vmem>>[vector<16xi32>, vector<16xi32>], vector<16xf32>,
      %gather3A_323 = tpu.vector_load_idx %arg14[%get3A_286, %and3A_53] : memref<1000x32xf32, #tpu.memory_space<vmem>>[vector<16xi32>, vector<16xi32>], vector<16xf32>,
      %add3A_324 = arith.addf %gather3A_322, %gather3A_323 : vector<16xf32>
      %scatter3A_325 = arith.constant 0 : i32
      %scatter3A_326 = arith.constant 0 : i32
      %scatter3A_327 = tpu.memref_slice %arg13[%scan3A_224, %scatter3A_325, %scatter3A_326] : memref<2x32x128xf32, #tpu.memory_space<vmem>> -> memref<1x32x128xf32, #tpu.memory_space<vmem>>
      %scatter3A_328 = tpu.memref_squeeze %scatter3A_327 : memref<1x32x128xf32, #tpu.memory_space<vmem>> -> memref<32x128xf32, #tpu.memory_space<vmem>>
      tpu.vector_store_idx %scatter3A_328[%and3A_53, %add3A_281], %add3A_324 : memref<32x128xf32, #tpu.memory_space<vmem>>[vector<16xi32>, vector<16xi32>], vector<16xf32>,
      %gather3A_329 = arith.constant 0 : i32
      %gather3A_330 = arith.constant 0 : i32
      %gather3A_331 = tpu.memref_slice %arg12[%scan3A_223, %gather3A_329, %gather3A_330] : memref<2x128x32xf32, #tpu.memory_space<vmem>> -> memref<1x128x32xf32, #tpu.memory_space<vmem>>
      %gather3A_332 = tpu.memref_squeeze %gather3A_331 : memref<1x128x32xf32, #tpu.memory_space<vmem>> -> memref<128x32xf32, #tpu.memory_space<vmem>>
      %gather3A_333 = tpu.vector_load_idx %gather3A_332[%add3A_281, %and3A_59] : memref<128x32xf32, #tpu.memory_space<vmem>>[vector<16xi32>, vector<16xi32>], vector<16xf32>,
      %gather3A_334 = tpu.vector_load_idx %arg14[%get3A_286, %and3A_59] : memref<1000x32xf32, #tpu.memory_space<vmem>>[vector<16xi32>, vector<16xi32>], vector<16xf32>,
      %add3A_335 = arith.addf %gather3A_333, %gather3A_334 : vector<16xf32>
      %scatter3A_336 = arith.constant 0 : i32
      %scatter3A_337 = arith.constant 0 : i32
      %scatter3A_338 = tpu.memref_slice %arg13[%scan3A_224, %scatter3A_336, %scatter3A_337] : memref<2x32x128xf32, #tpu.memory_space<vmem>> -> memref<1x32x128xf32, #tpu.memory_space<vmem>>
      %scatter3A_339 = tpu.memref_squeeze %scatter3A_338 : memref<1x32x128xf32, #tpu.memory_space<vmem>> -> memref<32x128xf32, #tpu.memory_space<vmem>>
      tpu.vector_store_idx %scatter3A_339[%and3A_59, %add3A_281], %add3A_335 : memref<32x128xf32, #tpu.memory_space<vmem>>[vector<16xi32>, vector<16xi32>], vector<16xf32>,
      %gather3A_340 = arith.constant 0 : i32
      %gather3A_341 = arith.constant 0 : i32
      %gather3A_342 = tpu.memref_slice %arg12[%scan3A_223, %gather3A_340, %gather3A_341] : memref<2x128x32xf32, #tpu.memory_space<vmem>> -> memref<1x128x32xf32, #tpu.memory_space<vmem>>
      %gather3A_343 = tpu.memref_squeeze %gather3A_342 : memref<1x128x32xf32, #tpu.memory_space<vmem>> -> memref<128x32xf32, #tpu.memory_space<vmem>>
      %gather3A_344 = tpu.vector_load_idx %gather3A_343[%add3A_281, %and3A_65] : memref<128x32xf32, #tpu.memory_space<vmem>>[vector<16xi32>, vector<16xi32>], vector<16xf32>,
      %gather3A_345 = tpu.vector_load_idx %arg14[%get3A_286, %and3A_65] : memref<1000x32xf32, #tpu.memory_space<vmem>>[vector<16xi32>, vector<16xi32>], vector<16xf32>,
      %add3A_346 = arith.addf %gather3A_344, %gather3A_345 : vector<16xf32>
      %scatter3A_347 = arith.constant 0 : i32
      %scatter3A_348 = arith.constant 0 : i32
      %scatter3A_349 = tpu.memref_slice %arg13[%scan3A_224, %scatter3A_347, %scatter3A_348] : memref<2x32x128xf32, #tpu.memory_space<vmem>> -> memref<1x32x128xf32, #tpu.memory_space<vmem>>
      %scatter3A_350 = tpu.memref_squeeze %scatter3A_349 : memref<1x32x128xf32, #tpu.memory_space<vmem>> -> memref<32x128xf32, #tpu.memory_space<vmem>>
      tpu.vector_store_idx %scatter3A_350[%and3A_65, %add3A_281], %add3A_346 : memref<32x128xf32, #tpu.memory_space<vmem>>[vector<16xi32>, vector<16xi32>], vector<16xf32>,
      %gather3A_351 = arith.constant 0 : i32
      %gather3A_352 = arith.constant 0 : i32
      %gather3A_353 = tpu.memref_slice %arg12[%scan3A_223, %gather3A_351, %gather3A_352] : memref<2x128x32xf32, #tpu.memory_space<vmem>> -> memref<1x128x32xf32, #tpu.memory_space<vmem>>
      %gather3A_354 = tpu.memref_squeeze %gather3A_353 : memref<1x128x32xf32, #tpu.memory_space<vmem>> -> memref<128x32xf32, #tpu.memory_space<vmem>>
      %gather3A_355 = tpu.vector_load_idx %gather3A_354[%add3A_281, %and3A_71] : memref<128x32xf32, #tpu.memory_space<vmem>>[vector<16xi32>, vector<16xi32>], vector<16xf32>,
      %gather3A_356 = tpu.vector_load_idx %arg14[%get3A_286, %and3A_71] : memref<1000x32xf32, #tpu.memory_space<vmem>>[vector<16xi32>, vector<16xi32>], vector<16xf32>,
      %add3A_357 = arith.addf %gather3A_355, %gather3A_356 : vector<16xf32>
      %scatter3A_358 = arith.constant 0 : i32
      %scatter3A_359 = arith.constant 0 : i32
      %scatter3A_360 = tpu.memref_slice %arg13[%scan3A_224, %scatter3A_358, %scatter3A_359] : memref<2x32x128xf32, #tpu.memory_space<vmem>> -> memref<1x32x128xf32, #tpu.memory_space<vmem>>
      %scatter3A_361 = tpu.memref_squeeze %scatter3A_360 : memref<1x32x128xf32, #tpu.memory_space<vmem>> -> memref<32x128xf32, #tpu.memory_space<vmem>>
      tpu.vector_store_idx %scatter3A_361[%and3A_71, %add3A_281], %add3A_357 : memref<32x128xf32, #tpu.memory_space<vmem>>[vector<16xi32>, vector<16xi32>], vector<16xf32>,
      %gather3A_362 = arith.constant 0 : i32
      %gather3A_363 = arith.constant 0 : i32
      %gather3A_364 = tpu.memref_slice %arg12[%scan3A_223, %gather3A_362, %gather3A_363] : memref<2x128x32xf32, #tpu.memory_space<vmem>> -> memref<1x128x32xf32, #tpu.memory_space<vmem>>
      %gather3A_365 = tpu.memref_squeeze %gather3A_364 : memref<1x128x32xf32, #tpu.memory_space<vmem>> -> memref<128x32xf32, #tpu.memory_space<vmem>>
      %gather3A_366 = tpu.vector_load_idx %gather3A_365[%add3A_281, %and3A_77] : memref<128x32xf32, #tpu.memory_space<vmem>>[vector<16xi32>, vector<16xi32>], vector<16xf32>,
      %gather3A_367 = tpu.vector_load_idx %arg14[%get3A_286, %and3A_77] : memref<1000x32xf32, #tpu.memory_space<vmem>>[vector<16xi32>, vector<16xi32>], vector<16xf32>,
      %add3A_368 = arith.addf %gather3A_366, %gather3A_367 : vector<16xf32>
      %scatter3A_369 = arith.constant 0 : i32
      %scatter3A_370 = arith.constant 0 : i32
      %scatter3A_371 = tpu.memref_slice %arg13[%scan3A_224, %scatter3A_369, %scatter3A_370] : memref<2x32x128xf32, #tpu.memory_space<vmem>> -> memref<1x32x128xf32, #tpu.memory_space<vmem>>
      %scatter3A_372 = tpu.memref_squeeze %scatter3A_371 : memref<1x32x128xf32, #tpu.memory_space<vmem>> -> memref<32x128xf32, #tpu.memory_space<vmem>>
      tpu.vector_store_idx %scatter3A_372[%and3A_77, %add3A_281], %add3A_368 : memref<32x128xf32, #tpu.memory_space<vmem>>[vector<16xi32>, vector<16xi32>], vector<16xf32>,
      %gather3A_373 = arith.constant 0 : i32
      %gather3A_374 = arith.constant 0 : i32
      %gather3A_375 = tpu.memref_slice %arg12[%scan3A_223, %gather3A_373, %gather3A_374] : memref<2x128x32xf32, #tpu.memory_space<vmem>> -> memref<1x128x32xf32, #tpu.memory_space<vmem>>
      %gather3A_376 = tpu.memref_squeeze %gather3A_375 : memref<1x128x32xf32, #tpu.memory_space<vmem>> -> memref<128x32xf32, #tpu.memory_space<vmem>>
      %gather3A_377 = tpu.vector_load_idx %gather3A_376[%add3A_281, %and3A_83] : memref<128x32xf32, #tpu.memory_space<vmem>>[vector<16xi32>, vector<16xi32>], vector<16xf32>,
      %gather3A_378 = tpu.vector_load_idx %arg14[%get3A_286, %and3A_83] : memref<1000x32xf32, #tpu.memory_space<vmem>>[vector<16xi32>, vector<16xi32>], vector<16xf32>,
      %add3A_379 = arith.addf %gather3A_377, %gather3A_378 : vector<16xf32>
      %scatter3A_380 = arith.constant 0 : i32
      %scatter3A_381 = arith.constant 0 : i32
      %scatter3A_382 = tpu.memref_slice %arg13[%scan3A_224, %scatter3A_380, %scatter3A_381] : memref<2x32x128xf32, #tpu.memory_space<vmem>> -> memref<1x32x128xf32, #tpu.memory_space<vmem>>
      %scatter3A_383 = tpu.memref_squeeze %scatter3A_382 : memref<1x32x128xf32, #tpu.memory_space<vmem>> -> memref<32x128xf32, #tpu.memory_space<vmem>>
      tpu.vector_store_idx %scatter3A_383[%and3A_83, %add3A_281], %add3A_379 : memref<32x128xf32, #tpu.memory_space<vmem>>[vector<16xi32>, vector<16xi32>], vector<16xf32>,
      %gather3A_384 = arith.constant 0 : i32
      %gather3A_385 = arith.constant 0 : i32
      %gather3A_386 = tpu.memref_slice %arg12[%scan3A_223, %gather3A_384, %gather3A_385] : memref<2x128x32xf32, #tpu.memory_space<vmem>> -> memref<1x128x32xf32, #tpu.memory_space<vmem>>
      %gather3A_387 = tpu.memref_squeeze %gather3A_386 : memref<1x128x32xf32, #tpu.memory_space<vmem>> -> memref<128x32xf32, #tpu.memory_space<vmem>>
      %gather3A_388 = tpu.vector_load_idx %gather3A_387[%add3A_281, %and3A_89] : memref<128x32xf32, #tpu.memory_space<vmem>>[vector<16xi32>, vector<16xi32>], vector<16xf32>,
      %gather3A_389 = tpu.vector_load_idx %arg14[%get3A_286, %and3A_89] : memref<1000x32xf32, #tpu.memory_space<vmem>>[vector<16xi32>, vector<16xi32>], vector<16xf32>,
      %add3A_390 = arith.addf %gather3A_388, %gather3A_389 : vector<16xf32>
      %scatter3A_391 = arith.constant 0 : i32
      %scatter3A_392 = arith.constant 0 : i32
      %scatter3A_393 = tpu.memref_slice %arg13[%scan3A_224, %scatter3A_391, %scatter3A_392] : memref<2x32x128xf32, #tpu.memory_space<vmem>> -> memref<1x32x128xf32, #tpu.memory_space<vmem>>
      %scatter3A_394 = tpu.memref_squeeze %scatter3A_393 : memref<1x32x128xf32, #tpu.memory_space<vmem>> -> memref<32x128xf32, #tpu.memory_space<vmem>>
      tpu.vector_store_idx %scatter3A_394[%and3A_89, %add3A_281], %add3A_390 : memref<32x128xf32, #tpu.memory_space<vmem>>[vector<16xi32>, vector<16xi32>], vector<16xf32>,
      %gather3A_395 = arith.constant 0 : i32
      %gather3A_396 = arith.constant 0 : i32
      %gather3A_397 = tpu.memref_slice %arg12[%scan3A_223, %gather3A_395, %gather3A_396] : memref<2x128x32xf32, #tpu.memory_space<vmem>> -> memref<1x128x32xf32, #tpu.memory_space<vmem>>
      %gather3A_398 = tpu.memref_squeeze %gather3A_397 : memref<1x128x32xf32, #tpu.memory_space<vmem>> -> memref<128x32xf32, #tpu.memory_space<vmem>>
      %gather3A_399 = tpu.vector_load_idx %gather3A_398[%add3A_281, %and3A_95] : memref<128x32xf32, #tpu.memory_space<vmem>>[vector<16xi32>, vector<16xi32>], vector<16xf32>,
      %gather3A_400 = tpu.vector_load_idx %arg14[%get3A_286, %and3A_95] : memref<1000x32xf32, #tpu.memory_space<vmem>>[vector<16xi32>, vector<16xi32>], vector<16xf32>,
      %add3A_401 = arith.addf %gather3A_399, %gather3A_400 : vector<16xf32>
      %scatter3A_402 = arith.constant 0 : i32
      %scatter3A_403 = arith.constant 0 : i32
      %scatter3A_404 = tpu.memref_slice %arg13[%scan3A_224, %scatter3A_402, %scatter3A_403] : memref<2x32x128xf32, #tpu.memory_space<vmem>> -> memref<1x32x128xf32, #tpu.memory_space<vmem>>
      %scatter3A_405 = tpu.memref_squeeze %scatter3A_404 : memref<1x32x128xf32, #tpu.memory_space<vmem>> -> memref<32x128xf32, #tpu.memory_space<vmem>>
      tpu.vector_store_idx %scatter3A_405[%and3A_95, %add3A_281], %add3A_401 : memref<32x128xf32, #tpu.memory_space<vmem>>[vector<16xi32>, vector<16xi32>], vector<16xf32>,
      %gather3A_406 = arith.constant 0 : i32
      %gather3A_407 = arith.constant 0 : i32
      %gather3A_408 = tpu.memref_slice %arg12[%scan3A_223, %gather3A_406, %gather3A_407] : memref<2x128x32xf32, #tpu.memory_space<vmem>> -> memref<1x128x32xf32, #tpu.memory_space<vmem>>
      %gather3A_409 = tpu.memref_squeeze %gather3A_408 : memref<1x128x32xf32, #tpu.memory_space<vmem>> -> memref<128x32xf32, #tpu.memory_space<vmem>>
      %gather3A_410 = tpu.vector_load_idx %gather3A_409[%add3A_281, %and3A_101] : memref<128x32xf32, #tpu.memory_space<vmem>>[vector<16xi32>, vector<16xi32>], vector<16xf32>,
      %gather3A_411 = tpu.vector_load_idx %arg14[%get3A_286, %and3A_101] : memref<1000x32xf32, #tpu.memory_space<vmem>>[vector<16xi32>, vector<16xi32>], vector<16xf32>,
      %add3A_412 = arith.addf %gather3A_410, %gather3A_411 : vector<16xf32>
      %scatter3A_413 = arith.constant 0 : i32
      %scatter3A_414 = arith.constant 0 : i32
      %scatter3A_415 = tpu.memref_slice %arg13[%scan3A_224, %scatter3A_413, %scatter3A_414] : memref<2x32x128xf32, #tpu.memory_space<vmem>> -> memref<1x32x128xf32, #tpu.memory_space<vmem>>
      %scatter3A_416 = tpu.memref_squeeze %scatter3A_415 : memref<1x32x128xf32, #tpu.memory_space<vmem>> -> memref<32x128xf32, #tpu.memory_space<vmem>>
      tpu.vector_store_idx %scatter3A_416[%and3A_101, %add3A_281], %add3A_412 : memref<32x128xf32, #tpu.memory_space<vmem>>[vector<16xi32>, vector<16xi32>], vector<16xf32>,
      %gather3A_417 = arith.constant 0 : i32
      %gather3A_418 = arith.constant 0 : i32
      %gather3A_419 = tpu.memref_slice %arg12[%scan3A_223, %gather3A_417, %gather3A_418] : memref<2x128x32xf32, #tpu.memory_space<vmem>> -> memref<1x128x32xf32, #tpu.memory_space<vmem>>
      %gather3A_420 = tpu.memref_squeeze %gather3A_419 : memref<1x128x32xf32, #tpu.memory_space<vmem>> -> memref<128x32xf32, #tpu.memory_space<vmem>>
      %gather3A_421 = tpu.vector_load_idx %gather3A_420[%add3A_281, %and3A_107] : memref<128x32xf32, #tpu.memory_space<vmem>>[vector<16xi32>, vector<16xi32>], vector<16xf32>,
      %gather3A_422 = tpu.vector_load_idx %arg14[%get3A_286, %and3A_107] : memref<1000x32xf32, #tpu.memory_space<vmem>>[vector<16xi32>, vector<16xi32>], vector<16xf32>,
      %add3A_423 = arith.addf %gather3A_421, %gather3A_422 : vector<16xf32>
      %scatter3A_424 = arith.constant 0 : i32
      %scatter3A_425 = arith.constant 0 : i32
      %scatter3A_426 = tpu.memref_slice %arg13[%scan3A_224, %scatter3A_424, %scatter3A_425] : memref<2x32x128xf32, #tpu.memory_space<vmem>> -> memref<1x32x128xf32, #tpu.memory_space<vmem>>
      %scatter3A_427 = tpu.memref_squeeze %scatter3A_426 : memref<1x32x128xf32, #tpu.memory_space<vmem>> -> memref<32x128xf32, #tpu.memory_space<vmem>>
      tpu.vector_store_idx %scatter3A_427[%and3A_107, %add3A_281], %add3A_423 : memref<32x128xf32, #tpu.memory_space<vmem>>[vector<16xi32>, vector<16xi32>], vector<16xf32>,
      %gather3A_428 = arith.constant 0 : i32
      %gather3A_429 = arith.constant 0 : i32
      %gather3A_430 = tpu.memref_slice %arg12[%scan3A_223, %gather3A_428, %gather3A_429] : memref<2x128x32xf32, #tpu.memory_space<vmem>> -> memref<1x128x32xf32, #tpu.memory_space<vmem>>
      %gather3A_431 = tpu.memref_squeeze %gather3A_430 : memref<1x128x32xf32, #tpu.memory_space<vmem>> -> memref<128x32xf32, #tpu.memory_space<vmem>>
      %gather3A_432 = tpu.vector_load_idx %gather3A_431[%add3A_281, %and3A_113] : memref<128x32xf32, #tpu.memory_space<vmem>>[vector<16xi32>, vector<16xi32>], vector<16xf32>,
      %gather3A_433 = tpu.vector_load_idx %arg14[%get3A_286, %and3A_113] : memref<1000x32xf32, #tpu.memory_space<vmem>>[vector<16xi32>, vector<16xi32>], vector<16xf32>,
      %add3A_434 = arith.addf %gather3A_432, %gather3A_433 : vector<16xf32>
      %scatter3A_435 = arith.constant 0 : i32
      %scatter3A_436 = arith.constant 0 : i32
      %scatter3A_437 = tpu.memref_slice %arg13[%scan3A_224, %scatter3A_435, %scatter3A_436] : memref<2x32x128xf32, #tpu.memory_space<vmem>> -> memref<1x32x128xf32, #tpu.memory_space<vmem>>
      %scatter3A_438 = tpu.memref_squeeze %scatter3A_437 : memref<1x32x128xf32, #tpu.memory_space<vmem>> -> memref<32x128xf32, #tpu.memory_space<vmem>>
      tpu.vector_store_idx %scatter3A_438[%and3A_113, %add3A_281], %add3A_434 : memref<32x128xf32, #tpu.memory_space<vmem>>[vector<16xi32>, vector<16xi32>], vector<16xf32>,
      %gather3A_439 = arith.constant 0 : i32
      %gather3A_440 = arith.constant 0 : i32
      %gather3A_441 = tpu.memref_slice %arg12[%scan3A_223, %gather3A_439, %gather3A_440] : memref<2x128x32xf32, #tpu.memory_space<vmem>> -> memref<1x128x32xf32, #tpu.memory_space<vmem>>
      %gather3A_442 = tpu.memref_squeeze %gather3A_441 : memref<1x128x32xf32, #tpu.memory_space<vmem>> -> memref<128x32xf32, #tpu.memory_space<vmem>>
      %gather3A_443 = tpu.vector_load_idx %gather3A_442[%add3A_281, %and3A_119] : memref<128x32xf32, #tpu.memory_space<vmem>>[vector<16xi32>, vector<16xi32>], vector<16xf32>,
      %gather3A_444 = tpu.vector_load_idx %arg14[%get3A_286, %and3A_119] : memref<1000x32xf32, #tpu.memory_space<vmem>>[vector<16xi32>, vector<16xi32>], vector<16xf32>,
      %add3A_445 = arith.addf %gather3A_443, %gather3A_444 : vector<16xf32>
      %scatter3A_446 = arith.constant 0 : i32
      %scatter3A_447 = arith.constant 0 : i32
      %scatter3A_448 = tpu.memref_slice %arg13[%scan3A_224, %scatter3A_446, %scatter3A_447] : memref<2x32x128xf32, #tpu.memory_space<vmem>> -> memref<1x32x128xf32, #tpu.memory_space<vmem>>
      %scatter3A_449 = tpu.memref_squeeze %scatter3A_448 : memref<1x32x128xf32, #tpu.memory_space<vmem>> -> memref<32x128xf32, #tpu.memory_space<vmem>>
      tpu.vector_store_idx %scatter3A_449[%and3A_119, %add3A_281], %add3A_445 : memref<32x128xf32, #tpu.memory_space<vmem>>[vector<16xi32>, vector<16xi32>], vector<16xf32>,
      %gather3A_450 = arith.constant 0 : i32
      %gather3A_451 = arith.constant 0 : i32
      %gather3A_452 = tpu.memref_slice %arg12[%scan3A_223, %gather3A_450, %gather3A_451] : memref<2x128x32xf32, #tpu.memory_space<vmem>> -> memref<1x128x32xf32, #tpu.memory_space<vmem>>
      %gather3A_453 = tpu.memref_squeeze %gather3A_452 : memref<1x128x32xf32, #tpu.memory_space<vmem>> -> memref<128x32xf32, #tpu.memory_space<vmem>>
      %gather3A_454 = tpu.vector_load_idx %gather3A_453[%add3A_281, %and3A_125] : memref<128x32xf32, #tpu.memory_space<vmem>>[vector<16xi32>, vector<16xi32>], vector<16xf32>,
      %gather3A_455 = tpu.vector_load_idx %arg14[%get3A_286, %and3A_125] : memref<1000x32xf32, #tpu.memory_space<vmem>>[vector<16xi32>, vector<16xi32>], vector<16xf32>,
      %add3A_456 = arith.addf %gather3A_454, %gather3A_455 : vector<16xf32>
      %scatter3A_457 = arith.constant 0 : i32
      %scatter3A_458 = arith.constant 0 : i32
      %scatter3A_459 = tpu.memref_slice %arg13[%scan3A_224, %scatter3A_457, %scatter3A_458] : memref<2x32x128xf32, #tpu.memory_space<vmem>> -> memref<1x32x128xf32, #tpu.memory_space<vmem>>
      %scatter3A_460 = tpu.memref_squeeze %scatter3A_459 : memref<1x32x128xf32, #tpu.memory_space<vmem>> -> memref<32x128xf32, #tpu.memory_space<vmem>>
      tpu.vector_store_idx %scatter3A_460[%and3A_125, %add3A_281], %add3A_456 : memref<32x128xf32, #tpu.memory_space<vmem>>[vector<16xi32>, vector<16xi32>], vector<16xf32>,
      %gather3A_461 = arith.constant 0 : i32
      %gather3A_462 = arith.constant 0 : i32
      %gather3A_463 = tpu.memref_slice %arg12[%scan3A_223, %gather3A_461, %gather3A_462] : memref<2x128x32xf32, #tpu.memory_space<vmem>> -> memref<1x128x32xf32, #tpu.memory_space<vmem>>
      %gather3A_464 = tpu.memref_squeeze %gather3A_463 : memref<1x128x32xf32, #tpu.memory_space<vmem>> -> memref<128x32xf32, #tpu.memory_space<vmem>>
      %gather3A_465 = tpu.vector_load_idx %gather3A_464[%add3A_281, %and3A_131] : memref<128x32xf32, #tpu.memory_space<vmem>>[vector<16xi32>, vector<16xi32>], vector<16xf32>,
      %gather3A_466 = tpu.vector_load_idx %arg14[%get3A_286, %and3A_131] : memref<1000x32xf32, #tpu.memory_space<vmem>>[vector<16xi32>, vector<16xi32>], vector<16xf32>,
      %add3A_467 = arith.addf %gather3A_465, %gather3A_466 : vector<16xf32>
      %scatter3A_468 = arith.constant 0 : i32
      %scatter3A_469 = arith.constant 0 : i32
      %scatter3A_470 = tpu.memref_slice %arg13[%scan3A_224, %scatter3A_468, %scatter3A_469] : memref<2x32x128xf32, #tpu.memory_space<vmem>> -> memref<1x32x128xf32, #tpu.memory_space<vmem>>
      %scatter3A_471 = tpu.memref_squeeze %scatter3A_470 : memref<1x32x128xf32, #tpu.memory_space<vmem>> -> memref<32x128xf32, #tpu.memory_space<vmem>>
      tpu.vector_store_idx %scatter3A_471[%and3A_131, %add3A_281], %add3A_467 : memref<32x128xf32, #tpu.memory_space<vmem>>[vector<16xi32>, vector<16xi32>], vector<16xf32>,
      %gather3A_472 = arith.constant 0 : i32
      %gather3A_473 = arith.constant 0 : i32
      %gather3A_474 = tpu.memref_slice %arg12[%scan3A_223, %gather3A_472, %gather3A_473] : memref<2x128x32xf32, #tpu.memory_space<vmem>> -> memref<1x128x32xf32, #tpu.memory_space<vmem>>
      %gather3A_475 = tpu.memref_squeeze %gather3A_474 : memref<1x128x32xf32, #tpu.memory_space<vmem>> -> memref<128x32xf32, #tpu.memory_space<vmem>>
      %gather3A_476 = tpu.vector_load_idx %gather3A_475[%add3A_281, %and3A_137] : memref<128x32xf32, #tpu.memory_space<vmem>>[vector<16xi32>, vector<16xi32>], vector<16xf32>,
      %gather3A_477 = tpu.vector_load_idx %arg14[%get3A_286, %and3A_137] : memref<1000x32xf32, #tpu.memory_space<vmem>>[vector<16xi32>, vector<16xi32>], vector<16xf32>,
      %add3A_478 = arith.addf %gather3A_476, %gather3A_477 : vector<16xf32>
      %scatter3A_479 = arith.constant 0 : i32
      %scatter3A_480 = arith.constant 0 : i32
      %scatter3A_481 = tpu.memref_slice %arg13[%scan3A_224, %scatter3A_479, %scatter3A_480] : memref<2x32x128xf32, #tpu.memory_space<vmem>> -> memref<1x32x128xf32, #tpu.memory_space<vmem>>
      %scatter3A_482 = tpu.memref_squeeze %scatter3A_481 : memref<1x32x128xf32, #tpu.memory_space<vmem>> -> memref<32x128xf32, #tpu.memory_space<vmem>>
      tpu.vector_store_idx %scatter3A_482[%and3A_137, %add3A_281], %add3A_478 : memref<32x128xf32, #tpu.memory_space<vmem>>[vector<16xi32>, vector<16xi32>], vector<16xf32>,
      %gather3A_483 = arith.constant 0 : i32
      %gather3A_484 = arith.constant 0 : i32
      %gather3A_485 = tpu.memref_slice %arg12[%scan3A_223, %gather3A_483, %gather3A_484] : memref<2x128x32xf32, #tpu.memory_space<vmem>> -> memref<1x128x32xf32, #tpu.memory_space<vmem>>
      %gather3A_486 = tpu.memref_squeeze %gather3A_485 : memref<1x128x32xf32, #tpu.memory_space<vmem>> -> memref<128x32xf32, #tpu.memory_space<vmem>>
      %gather3A_487 = tpu.vector_load_idx %gather3A_486[%add3A_281, %and3A_143] : memref<128x32xf32, #tpu.memory_space<vmem>>[vector<16xi32>, vector<16xi32>], vector<16xf32>,
      %gather3A_488 = tpu.vector_load_idx %arg14[%get3A_286, %and3A_143] : memref<1000x32xf32, #tpu.memory_space<vmem>>[vector<16xi32>, vector<16xi32>], vector<16xf32>,
      %add3A_489 = arith.addf %gather3A_487, %gather3A_488 : vector<16xf32>
      %scatter3A_490 = arith.constant 0 : i32
      %scatter3A_491 = arith.constant 0 : i32
      %scatter3A_492 = tpu.memref_slice %arg13[%scan3A_224, %scatter3A_490, %scatter3A_491] : memref<2x32x128xf32, #tpu.memory_space<vmem>> -> memref<1x32x128xf32, #tpu.memory_space<vmem>>
      %scatter3A_493 = tpu.memref_squeeze %scatter3A_492 : memref<1x32x128xf32, #tpu.memory_space<vmem>> -> memref<32x128xf32, #tpu.memory_space<vmem>>
      tpu.vector_store_idx %scatter3A_493[%and3A_143, %add3A_281], %add3A_489 : memref<32x128xf32, #tpu.memory_space<vmem>>[vector<16xi32>, vector<16xi32>], vector<16xf32>,
      %gather3A_494 = arith.constant 0 : i32
      %gather3A_495 = arith.constant 0 : i32
      %gather3A_496 = tpu.memref_slice %arg12[%scan3A_223, %gather3A_494, %gather3A_495] : memref<2x128x32xf32, #tpu.memory_space<vmem>> -> memref<1x128x32xf32, #tpu.memory_space<vmem>>
      %gather3A_497 = tpu.memref_squeeze %gather3A_496 : memref<1x128x32xf32, #tpu.memory_space<vmem>> -> memref<128x32xf32, #tpu.memory_space<vmem>>
      %gather3A_498 = tpu.vector_load_idx %gather3A_497[%add3A_281, %and3A_149] : memref<128x32xf32, #tpu.memory_space<vmem>>[vector<16xi32>, vector<16xi32>], vector<16xf32>,
      %gather3A_499 = tpu.vector_load_idx %arg14[%get3A_286, %and3A_149] : memref<1000x32xf32, #tpu.memory_space<vmem>>[vector<16xi32>, vector<16xi32>], vector<16xf32>,
      %add3A_500 = arith.addf %gather3A_498, %gather3A_499 : vector<16xf32>
      %scatter3A_501 = arith.constant 0 : i32
      %scatter3A_502 = arith.constant 0 : i32
      %scatter3A_503 = tpu.memref_slice %arg13[%scan3A_224, %scatter3A_501, %scatter3A_502] : memref<2x32x128xf32, #tpu.memory_space<vmem>> -> memref<1x32x128xf32, #tpu.memory_space<vmem>>
      %scatter3A_504 = tpu.memref_squeeze %scatter3A_503 : memref<1x32x128xf32, #tpu.memory_space<vmem>> -> memref<32x128xf32, #tpu.memory_space<vmem>>
      tpu.vector_store_idx %scatter3A_504[%and3A_149, %add3A_281], %add3A_500 : memref<32x128xf32, #tpu.memory_space<vmem>>[vector<16xi32>, vector<16xi32>], vector<16xf32>,
      %gather3A_505 = arith.constant 0 : i32
      %gather3A_506 = arith.constant 0 : i32
      %gather3A_507 = tpu.memref_slice %arg12[%scan3A_223, %gather3A_505, %gather3A_506] : memref<2x128x32xf32, #tpu.memory_space<vmem>> -> memref<1x128x32xf32, #tpu.memory_space<vmem>>
      %gather3A_508 = tpu.memref_squeeze %gather3A_507 : memref<1x128x32xf32, #tpu.memory_space<vmem>> -> memref<128x32xf32, #tpu.memory_space<vmem>>
      %gather3A_509 = tpu.vector_load_idx %gather3A_508[%add3A_281, %and3A_155] : memref<128x32xf32, #tpu.memory_space<vmem>>[vector<16xi32>, vector<16xi32>], vector<16xf32>,
      %gather3A_510 = tpu.vector_load_idx %arg14[%get3A_286, %and3A_155] : memref<1000x32xf32, #tpu.memory_space<vmem>>[vector<16xi32>, vector<16xi32>], vector<16xf32>,
      %add3A_511 = arith.addf %gather3A_509, %gather3A_510 : vector<16xf32>
      %scatter3A_512 = arith.constant 0 : i32
      %scatter3A_513 = arith.constant 0 : i32
      %scatter3A_514 = tpu.memref_slice %arg13[%scan3A_224, %scatter3A_512, %scatter3A_513] : memref<2x32x128xf32, #tpu.memory_space<vmem>> -> memref<1x32x128xf32, #tpu.memory_space<vmem>>
      %scatter3A_515 = tpu.memref_squeeze %scatter3A_514 : memref<1x32x128xf32, #tpu.memory_space<vmem>> -> memref<32x128xf32, #tpu.memory_space<vmem>>
      tpu.vector_store_idx %scatter3A_515[%and3A_155, %add3A_281], %add3A_511 : memref<32x128xf32, #tpu.memory_space<vmem>>[vector<16xi32>, vector<16xi32>], vector<16xf32>,
      %gather3A_516 = arith.constant 0 : i32
      %gather3A_517 = arith.constant 0 : i32
      %gather3A_518 = tpu.memref_slice %arg12[%scan3A_223, %gather3A_516, %gather3A_517] : memref<2x128x32xf32, #tpu.memory_space<vmem>> -> memref<1x128x32xf32, #tpu.memory_space<vmem>>
      %gather3A_519 = tpu.memref_squeeze %gather3A_518 : memref<1x128x32xf32, #tpu.memory_space<vmem>> -> memref<128x32xf32, #tpu.memory_space<vmem>>
      %gather3A_520 = tpu.vector_load_idx %gather3A_519[%add3A_281, %and3A_161] : memref<128x32xf32, #tpu.memory_space<vmem>>[vector<16xi32>, vector<16xi32>], vector<16xf32>,
      %gather3A_521 = tpu.vector_load_idx %arg14[%get3A_286, %and3A_161] : memref<1000x32xf32, #tpu.memory_space<vmem>>[vector<16xi32>, vector<16xi32>], vector<16xf32>,
      %add3A_522 = arith.addf %gather3A_520, %gather3A_521 : vector<16xf32>
      %scatter3A_523 = arith.constant 0 : i32
      %scatter3A_524 = arith.constant 0 : i32
      %scatter3A_525 = tpu.memref_slice %arg13[%scan3A_224, %scatter3A_523, %scatter3A_524] : memref<2x32x128xf32, #tpu.memory_space<vmem>> -> memref<1x32x128xf32, #tpu.memory_space<vmem>>
      %scatter3A_526 = tpu.memref_squeeze %scatter3A_525 : memref<1x32x128xf32, #tpu.memory_space<vmem>> -> memref<32x128xf32, #tpu.memory_space<vmem>>
      tpu.vector_store_idx %scatter3A_526[%and3A_161, %add3A_281], %add3A_522 : memref<32x128xf32, #tpu.memory_space<vmem>>[vector<16xi32>, vector<16xi32>], vector<16xf32>,
      %gather3A_527 = arith.constant 0 : i32
      %gather3A_528 = arith.constant 0 : i32
      %gather3A_529 = tpu.memref_slice %arg12[%scan3A_223, %gather3A_527, %gather3A_528] : memref<2x128x32xf32, #tpu.memory_space<vmem>> -> memref<1x128x32xf32, #tpu.memory_space<vmem>>
      %gather3A_530 = tpu.memref_squeeze %gather3A_529 : memref<1x128x32xf32, #tpu.memory_space<vmem>> -> memref<128x32xf32, #tpu.memory_space<vmem>>
      %gather3A_531 = tpu.vector_load_idx %gather3A_530[%add3A_281, %and3A_167] : memref<128x32xf32, #tpu.memory_space<vmem>>[vector<16xi32>, vector<16xi32>], vector<16xf32>,
      %gather3A_532 = tpu.vector_load_idx %arg14[%get3A_286, %and3A_167] : memref<1000x32xf32, #tpu.memory_space<vmem>>[vector<16xi32>, vector<16xi32>], vector<16xf32>,
      %add3A_533 = arith.addf %gather3A_531, %gather3A_532 : vector<16xf32>
      %scatter3A_534 = arith.constant 0 : i32
      %scatter3A_535 = arith.constant 0 : i32
      %scatter3A_536 = tpu.memref_slice %arg13[%scan3A_224, %scatter3A_534, %scatter3A_535] : memref<2x32x128xf32, #tpu.memory_space<vmem>> -> memref<1x32x128xf32, #tpu.memory_space<vmem>>
      %scatter3A_537 = tpu.memref_squeeze %scatter3A_536 : memref<1x32x128xf32, #tpu.memory_space<vmem>> -> memref<32x128xf32, #tpu.memory_space<vmem>>
      tpu.vector_store_idx %scatter3A_537[%and3A_167, %add3A_281], %add3A_533 : memref<32x128xf32, #tpu.memory_space<vmem>>[vector<16xi32>, vector<16xi32>], vector<16xf32>,
      %gather3A_538 = arith.constant 0 : i32
      %gather3A_539 = arith.constant 0 : i32
      %gather3A_540 = tpu.memref_slice %arg12[%scan3A_223, %gather3A_538, %gather3A_539] : memref<2x128x32xf32, #tpu.memory_space<vmem>> -> memref<1x128x32xf32, #tpu.memory_space<vmem>>
      %gather3A_541 = tpu.memref_squeeze %gather3A_540 : memref<1x128x32xf32, #tpu.memory_space<vmem>> -> memref<128x32xf32, #tpu.memory_space<vmem>>
      %gather3A_542 = tpu.vector_load_idx %gather3A_541[%add3A_281, %and3A_173] : memref<128x32xf32, #tpu.memory_space<vmem>>[vector<16xi32>, vector<16xi32>], vector<16xf32>,
      %gather3A_543 = tpu.vector_load_idx %arg14[%get3A_286, %and3A_173] : memref<1000x32xf32, #tpu.memory_space<vmem>>[vector<16xi32>, vector<16xi32>], vector<16xf32>,
      %add3A_544 = arith.addf %gather3A_542, %gather3A_543 : vector<16xf32>
      %scatter3A_545 = arith.constant 0 : i32
      %scatter3A_546 = arith.constant 0 : i32
      %scatter3A_547 = tpu.memref_slice %arg13[%scan3A_224, %scatter3A_545, %scatter3A_546] : memref<2x32x128xf32, #tpu.memory_space<vmem>> -> memref<1x32x128xf32, #tpu.memory_space<vmem>>
      %scatter3A_548 = tpu.memref_squeeze %scatter3A_547 : memref<1x32x128xf32, #tpu.memory_space<vmem>> -> memref<32x128xf32, #tpu.memory_space<vmem>>
      tpu.vector_store_idx %scatter3A_548[%and3A_173, %add3A_281], %add3A_544 : memref<32x128xf32, #tpu.memory_space<vmem>>[vector<16xi32>, vector<16xi32>], vector<16xf32>,
      %gather3A_549 = arith.constant 0 : i32
      %gather3A_550 = arith.constant 0 : i32
      %gather3A_551 = tpu.memref_slice %arg12[%scan3A_223, %gather3A_549, %gather3A_550] : memref<2x128x32xf32, #tpu.memory_space<vmem>> -> memref<1x128x32xf32, #tpu.memory_space<vmem>>
      %gather3A_552 = tpu.memref_squeeze %gather3A_551 : memref<1x128x32xf32, #tpu.memory_space<vmem>> -> memref<128x32xf32, #tpu.memory_space<vmem>>
      %gather3A_553 = tpu.vector_load_idx %gather3A_552[%add3A_281, %and3A_179] : memref<128x32xf32, #tpu.memory_space<vmem>>[vector<16xi32>, vector<16xi32>], vector<16xf32>,
      %gather3A_554 = tpu.vector_load_idx %arg14[%get3A_286, %and3A_179] : memref<1000x32xf32, #tpu.memory_space<vmem>>[vector<16xi32>, vector<16xi32>], vector<16xf32>,
      %add3A_555 = arith.addf %gather3A_553, %gather3A_554 : vector<16xf32>
      %scatter3A_556 = arith.constant 0 : i32
      %scatter3A_557 = arith.constant 0 : i32
      %scatter3A_558 = tpu.memref_slice %arg13[%scan3A_224, %scatter3A_556, %scatter3A_557] : memref<2x32x128xf32, #tpu.memory_space<vmem>> -> memref<1x32x128xf32, #tpu.memory_space<vmem>>
      %scatter3A_559 = tpu.memref_squeeze %scatter3A_558 : memref<1x32x128xf32, #tpu.memory_space<vmem>> -> memref<32x128xf32, #tpu.memory_space<vmem>>
      tpu.vector_store_idx %scatter3A_559[%and3A_179, %add3A_281], %add3A_555 : memref<32x128xf32, #tpu.memory_space<vmem>>[vector<16xi32>, vector<16xi32>], vector<16xf32>,
      %gather3A_560 = arith.constant 0 : i32
      %gather3A_561 = arith.constant 0 : i32
      %gather3A_562 = tpu.memref_slice %arg12[%scan3A_223, %gather3A_560, %gather3A_561] : memref<2x128x32xf32, #tpu.memory_space<vmem>> -> memref<1x128x32xf32, #tpu.memory_space<vmem>>
      %gather3A_563 = tpu.memref_squeeze %gather3A_562 : memref<1x128x32xf32, #tpu.memory_space<vmem>> -> memref<128x32xf32, #tpu.memory_space<vmem>>
      %gather3A_564 = tpu.vector_load_idx %gather3A_563[%add3A_281, %and3A_185] : memref<128x32xf32, #tpu.memory_space<vmem>>[vector<16xi32>, vector<16xi32>], vector<16xf32>,
      %gather3A_565 = tpu.vector_load_idx %arg14[%get3A_286, %and3A_185] : memref<1000x32xf32, #tpu.memory_space<vmem>>[vector<16xi32>, vector<16xi32>], vector<16xf32>,
      %add3A_566 = arith.addf %gather3A_564, %gather3A_565 : vector<16xf32>
      %scatter3A_567 = arith.constant 0 : i32
      %scatter3A_568 = arith.constant 0 : i32
      %scatter3A_569 = tpu.memref_slice %arg13[%scan3A_224, %scatter3A_567, %scatter3A_568] : memref<2x32x128xf32, #tpu.memory_space<vmem>> -> memref<1x32x128xf32, #tpu.memory_space<vmem>>
      %scatter3A_570 = tpu.memref_squeeze %scatter3A_569 : memref<1x32x128xf32, #tpu.memory_space<vmem>> -> memref<32x128xf32, #tpu.memory_space<vmem>>
      tpu.vector_store_idx %scatter3A_570[%and3A_185, %add3A_281], %add3A_566 : memref<32x128xf32, #tpu.memory_space<vmem>>[vector<16xi32>, vector<16xi32>], vector<16xf32>,
      %gather3A_571 = arith.constant 0 : i32
      %gather3A_572 = arith.constant 0 : i32
      %gather3A_573 = tpu.memref_slice %arg12[%scan3A_223, %gather3A_571, %gather3A_572] : memref<2x128x32xf32, #tpu.memory_space<vmem>> -> memref<1x128x32xf32, #tpu.memory_space<vmem>>
      %gather3A_574 = tpu.memref_squeeze %gather3A_573 : memref<1x128x32xf32, #tpu.memory_space<vmem>> -> memref<128x32xf32, #tpu.memory_space<vmem>>
      %gather3A_575 = tpu.vector_load_idx %gather3A_574[%add3A_281, %and3A_191] : memref<128x32xf32, #tpu.memory_space<vmem>>[vector<16xi32>, vector<16xi32>], vector<16xf32>,
      %gather3A_576 = tpu.vector_load_idx %arg14[%get3A_286, %and3A_191] : memref<1000x32xf32, #tpu.memory_space<vmem>>[vector<16xi32>, vector<16xi32>], vector<16xf32>,
      %add3A_577 = arith.addf %gather3A_575, %gather3A_576 : vector<16xf32>
      %scatter3A_578 = arith.constant 0 : i32
      %scatter3A_579 = arith.constant 0 : i32
      %scatter3A_580 = tpu.memref_slice %arg13[%scan3A_224, %scatter3A_578, %scatter3A_579] : memref<2x32x128xf32, #tpu.memory_space<vmem>> -> memref<1x32x128xf32, #tpu.memory_space<vmem>>
      %scatter3A_581 = tpu.memref_squeeze %scatter3A_580 : memref<1x32x128xf32, #tpu.memory_space<vmem>> -> memref<32x128xf32, #tpu.memory_space<vmem>>
      tpu.vector_store_idx %scatter3A_581[%and3A_191, %add3A_281], %add3A_577 : memref<32x128xf32, #tpu.memory_space<vmem>>[vector<16xi32>, vector<16xi32>], vector<16xf32>,
      %gather3A_582 = arith.constant 0 : i32
      %gather3A_583 = arith.constant 0 : i32
      %gather3A_584 = tpu.memref_slice %arg12[%scan3A_223, %gather3A_582, %gather3A_583] : memref<2x128x32xf32, #tpu.memory_space<vmem>> -> memref<1x128x32xf32, #tpu.memory_space<vmem>>
      %gather3A_585 = tpu.memref_squeeze %gather3A_584 : memref<1x128x32xf32, #tpu.memory_space<vmem>> -> memref<128x32xf32, #tpu.memory_space<vmem>>
      %gather3A_586 = tpu.vector_load_idx %gather3A_585[%add3A_281, %and3A_197] : memref<128x32xf32, #tpu.memory_space<vmem>>[vector<16xi32>, vector<16xi32>], vector<16xf32>,
      %gather3A_587 = tpu.vector_load_idx %arg14[%get3A_286, %and3A_197] : memref<1000x32xf32, #tpu.memory_space<vmem>>[vector<16xi32>, vector<16xi32>], vector<16xf32>,
      %add3A_588 = arith.addf %gather3A_586, %gather3A_587 : vector<16xf32>
      %scatter3A_589 = arith.constant 0 : i32
      %scatter3A_590 = arith.constant 0 : i32
      %scatter3A_591 = tpu.memref_slice %arg13[%scan3A_224, %scatter3A_589, %scatter3A_590] : memref<2x32x128xf32, #tpu.memory_space<vmem>> -> memref<1x32x128xf32, #tpu.memory_space<vmem>>
      %scatter3A_592 = tpu.memref_squeeze %scatter3A_591 : memref<1x32x128xf32, #tpu.memory_space<vmem>> -> memref<32x128xf32, #tpu.memory_space<vmem>>
      tpu.vector_store_idx %scatter3A_592[%and3A_197, %add3A_281], %add3A_588 : memref<32x128xf32, #tpu.memory_space<vmem>>[vector<16xi32>, vector<16xi32>], vector<16xf32>,
      %gather3A_593 = arith.constant 0 : i32
      %gather3A_594 = arith.constant 0 : i32
      %gather3A_595 = tpu.memref_slice %arg12[%scan3A_223, %gather3A_593, %gather3A_594] : memref<2x128x32xf32, #tpu.memory_space<vmem>> -> memref<1x128x32xf32, #tpu.memory_space<vmem>>
      %gather3A_596 = tpu.memref_squeeze %gather3A_595 : memref<1x128x32xf32, #tpu.memory_space<vmem>> -> memref<128x32xf32, #tpu.memory_space<vmem>>
      %gather3A_597 = tpu.vector_load_idx %gather3A_596[%add3A_281, %and3A_203] : memref<128x32xf32, #tpu.memory_space<vmem>>[vector<16xi32>, vector<16xi32>], vector<16xf32>,
      %gather3A_598 = tpu.vector_load_idx %arg14[%get3A_286, %and3A_203] : memref<1000x32xf32, #tpu.memory_space<vmem>>[vector<16xi32>, vector<16xi32>], vector<16xf32>,
      %add3A_599 = arith.addf %gather3A_597, %gather3A_598 : vector<16xf32>
      %scatter3A_600 = arith.constant 0 : i32
      %scatter3A_601 = arith.constant 0 : i32
      %scatter3A_602 = tpu.memref_slice %arg13[%scan3A_224, %scatter3A_600, %scatter3A_601] : memref<2x32x128xf32, #tpu.memory_space<vmem>> -> memref<1x32x128xf32, #tpu.memory_space<vmem>>
      %scatter3A_603 = tpu.memref_squeeze %scatter3A_602 : memref<1x32x128xf32, #tpu.memory_space<vmem>> -> memref<32x128xf32, #tpu.memory_space<vmem>>
      tpu.vector_store_idx %scatter3A_603[%and3A_203, %add3A_281], %add3A_599 : memref<32x128xf32, #tpu.memory_space<vmem>>[vector<16xi32>, vector<16xi32>], vector<16xf32>,
      %gather3A_604 = arith.constant 0 : i32
      %gather3A_605 = arith.constant 0 : i32
      %gather3A_606 = tpu.memref_slice %arg12[%scan3A_223, %gather3A_604, %gather3A_605] : memref<2x128x32xf32, #tpu.memory_space<vmem>> -> memref<1x128x32xf32, #tpu.memory_space<vmem>>
      %gather3A_607 = tpu.memref_squeeze %gather3A_606 : memref<1x128x32xf32, #tpu.memory_space<vmem>> -> memref<128x32xf32, #tpu.memory_space<vmem>>
      %gather3A_608 = tpu.vector_load_idx %gather3A_607[%add3A_281, %and3A_209] : memref<128x32xf32, #tpu.memory_space<vmem>>[vector<16xi32>, vector<16xi32>], vector<16xf32>,
      %gather3A_609 = tpu.vector_load_idx %arg14[%get3A_286, %and3A_209] : memref<1000x32xf32, #tpu.memory_space<vmem>>[vector<16xi32>, vector<16xi32>], vector<16xf32>,
      %add3A_610 = arith.addf %gather3A_608, %gather3A_609 : vector<16xf32>
      %scatter3A_611 = arith.constant 0 : i32
      %scatter3A_612 = arith.constant 0 : i32
      %scatter3A_613 = tpu.memref_slice %arg13[%scan3A_224, %scatter3A_611, %scatter3A_612] : memref<2x32x128xf32, #tpu.memory_space<vmem>> -> memref<1x32x128xf32, #tpu.memory_space<vmem>>
      %scatter3A_614 = tpu.memref_squeeze %scatter3A_613 : memref<1x32x128xf32, #tpu.memory_space<vmem>> -> memref<32x128xf32, #tpu.memory_space<vmem>>
      tpu.vector_store_idx %scatter3A_614[%and3A_209, %add3A_281], %add3A_610 : memref<32x128xf32, #tpu.memory_space<vmem>>[vector<16xi32>, vector<16xi32>], vector<16xf32>,
      %gather3A_615 = arith.constant 0 : i32
      %gather3A_616 = arith.constant 0 : i32
      %gather3A_617 = tpu.memref_slice %arg12[%scan3A_223, %gather3A_615, %gather3A_616] : memref<2x128x32xf32, #tpu.memory_space<vmem>> -> memref<1x128x32xf32, #tpu.memory_space<vmem>>
      %gather3A_618 = tpu.memref_squeeze %gather3A_617 : memref<1x128x32xf32, #tpu.memory_space<vmem>> -> memref<128x32xf32, #tpu.memory_space<vmem>>
      %gather3A_619 = tpu.vector_load_idx %gather3A_618[%add3A_281, %and3A_215] : memref<128x32xf32, #tpu.memory_space<vmem>>[vector<16xi32>, vector<16xi32>], vector<16xf32>,
      %gather3A_620 = tpu.vector_load_idx %arg14[%get3A_286, %and3A_215] : memref<1000x32xf32, #tpu.memory_space<vmem>>[vector<16xi32>, vector<16xi32>], vector<16xf32>,
      %add3A_621 = arith.addf %gather3A_619, %gather3A_620 : vector<16xf32>
      %scatter3A_622 = arith.constant 0 : i32
      %scatter3A_623 = arith.constant 0 : i32
      %scatter3A_624 = tpu.memref_slice %arg13[%scan3A_224, %scatter3A_622, %scatter3A_623] : memref<2x32x128xf32, #tpu.memory_space<vmem>> -> memref<1x32x128xf32, #tpu.memory_space<vmem>>
      %scatter3A_625 = tpu.memref_squeeze %scatter3A_624 : memref<1x32x128xf32, #tpu.memory_space<vmem>> -> memref<32x128xf32, #tpu.memory_space<vmem>>
      tpu.vector_store_idx %scatter3A_625[%and3A_215, %add3A_281], %add3A_621 : memref<32x128xf32, #tpu.memory_space<vmem>>[vector<16xi32>, vector<16xi32>], vector<16xf32>,
      %gather3A_626 = arith.constant 0 : i32
      %gather3A_627 = arith.constant 0 : i32
      %gather3A_628 = tpu.memref_slice %arg12[%scan3A_223, %gather3A_626, %gather3A_627] : memref<2x128x32xf32, #tpu.memory_space<vmem>> -> memref<1x128x32xf32, #tpu.memory_space<vmem>>
      %gather3A_629 = tpu.memref_squeeze %gather3A_628 : memref<1x128x32xf32, #tpu.memory_space<vmem>> -> memref<128x32xf32, #tpu.memory_space<vmem>>
      %gather3A_630 = tpu.vector_load_idx %gather3A_629[%add3A_281, %and3A_221] : memref<128x32xf32, #tpu.memory_space<vmem>>[vector<16xi32>, vector<16xi32>], vector<16xf32>,
      %gather3A_631 = tpu.vector_load_idx %arg14[%get3A_286, %and3A_221] : memref<1000x32xf32, #tpu.memory_space<vmem>>[vector<16xi32>, vector<16xi32>], vector<16xf32>,
      %add3A_632 = arith.addf %gather3A_630, %gather3A_631 : vector<16xf32>
      %scatter3A_633 = arith.constant 0 : i32
      %scatter3A_634 = arith.constant 0 : i32
      %scatter3A_635 = tpu.memref_slice %arg13[%scan3A_224, %scatter3A_633, %scatter3A_634] : memref<2x32x128xf32, #tpu.memory_space<vmem>> -> memref<1x32x128xf32, #tpu.memory_space<vmem>>
      %scatter3A_636 = tpu.memref_squeeze %scatter3A_635 : memref<1x32x128xf32, #tpu.memory_space<vmem>> -> memref<32x128xf32, #tpu.memory_space<vmem>>
      tpu.vector_store_idx %scatter3A_636[%and3A_221, %add3A_281], %add3A_632 : memref<32x128xf32, #tpu.memory_space<vmem>>[vector<16xi32>, vector<16xi32>], vector<16xf32>,
    }
    %scan3A_229 = arith.constant 8 : i32
    %dma_start3A = arith.constant 1 : i32
    %dma_start3A_230 = arith.constant 199 : i32
    %dma_start3A_231 = arith.constant 0 : i32
    %dma_start3A_232 = arith.constant 0 : i32
    %dma_start3A_233 = tpu.memref_slice %arg13[%dma_start3A, %dma_start3A_231, %dma_start3A_232] : memref<2x32x128xf32, #tpu.memory_space<vmem>> -> memref<1x32x128xf32, #tpu.memory_space<vmem>>
    %dma_start3A_234 = tpu.memref_squeeze %dma_start3A_233 : memref<1x32x128xf32, #tpu.memory_space<vmem>> -> memref<32x128xf32, #tpu.memory_space<vmem>>
    %dma_start3A_235 = arith.constant 0 : i32
    %dma_start3A_236 = tpu.memref_slice %arg8[%dma_start3A_230, %dma_start3A_235, %mul3A_2] : memref<200x32x4096xf32, #tpu.memory_space<hbm>> -> memref<1x32x128xf32, #tpu.memory_space<hbm>>
    %dma_start3A_237 = tpu.memref_squeeze %dma_start3A_236 : memref<1x32x128xf32, #tpu.memory_space<hbm>> -> memref<32x128xf32, #tpu.memory_space<hbm>>
    %dma_start3A_238 = arith.constant 0 : i32
    %dma_start3A_239 = tpu.memref_slice %arg8[%dma_start3A_230, %dma_start3A_238, %mul3A_2] : memref<200x32x4096xf32, #tpu.memory_space<hbm>> -> memref<1x32x128xf32, #tpu.memory_space<hbm>>
    %dma_start3A_240 = tpu.memref_squeeze %dma_start3A_239 : memref<1x32x128xf32, #tpu.memory_space<hbm>> -> memref<32x128xf32, #tpu.memory_space<hbm>>
    %dma_start3A_241 = arith.constant 0 : i32
    %dma_start3A_242 = arith.constant 0 : i32
    %dma_start3A_243 = tpu.memref_slice %arg13[%dma_start3A, %dma_start3A_241, %dma_start3A_242] : memref<2x32x128xf32, #tpu.memory_space<vmem>> -> memref<1x32x128xf32, #tpu.memory_space<vmem>>
    %dma_start3A_244 = tpu.memref_squeeze %dma_start3A_243 : memref<1x32x128xf32, #tpu.memory_space<vmem>> -> memref<32x128xf32, #tpu.memory_space<vmem>>
    tpu.enqueue_dma source(%dma_start3A_244 : memref<32x128xf32, #tpu.memory_space<vmem>>) target(%dma_start3A_240 : memref<32x128xf32, #tpu.memory_space<hbm>>) target_semaphore(%arg18 : memref<!tpu.dma_semaphore, #tpu.memory_space<semaphore_mem>>)
    %dma_wait3A_245 = arith.constant 0 : i32
    %dma_wait3A_246 = arith.constant 0 : i32
    %dma_wait3A_247 = arith.constant 0 : i32
    %dma_wait3A_248 = arith.constant 0 : i32
    %dma_wait3A_249 = tpu.memref_slice %arg13[%dma_wait3A_245, %dma_wait3A_247, %dma_wait3A_248] : memref<2x32x128xf32, #tpu.memory_space<vmem>> -> memref<1x32x128xf32, #tpu.memory_space<vmem>>
    %dma_wait3A_250 = tpu.memref_squeeze %dma_wait3A_249 : memref<1x32x128xf32, #tpu.memory_space<vmem>> -> memref<32x128xf32, #tpu.memory_space<vmem>>
    %dma_wait3A_251 = arith.constant 0 : i32
    %dma_wait3A_252 = tpu.memref_slice %arg8[%dma_wait3A_246, %dma_wait3A_251, %mul3A_2] : memref<200x32x4096xf32, #tpu.memory_space<hbm>> -> memref<1x32x128xf32, #tpu.memory_space<hbm>>
    %dma_wait3A_253 = tpu.memref_squeeze %dma_wait3A_252 : memref<1x32x128xf32, #tpu.memory_space<hbm>> -> memref<32x128xf32, #tpu.memory_space<hbm>>
    %dma_wait3A_254 = arith.constant 0 : i32
    %dma_wait3A_255 = tpu.memref_slice %arg8[%dma_wait3A_246, %dma_wait3A_254, %mul3A_2] : memref<200x32x4096xf32, #tpu.memory_space<hbm>> -> memref<1x32x128xf32, #tpu.memory_space<hbm>>
    %dma_wait3A_256 = tpu.memref_squeeze %dma_wait3A_255 : memref<1x32x128xf32, #tpu.memory_space<hbm>> -> memref<32x128xf32, #tpu.memory_space<hbm>>
    %dma_wait3A_257 = arith.constant 0 : i32
    %dma_wait3A_258 = arith.constant 0 : i32
    %dma_wait3A_259 = tpu.memref_slice %arg13[%dma_wait3A_245, %dma_wait3A_257, %dma_wait3A_258] : memref<2x32x128xf32, #tpu.memory_space<vmem>> -> memref<1x32x128xf32, #tpu.memory_space<vmem>>
    %dma_wait3A_260 = tpu.memref_squeeze %dma_wait3A_259 : memref<1x32x128xf32, #tpu.memory_space<vmem>> -> memref<32x128xf32, #tpu.memory_space<vmem>>
    tpu.wait_dma2 semaphore(%arg17 : memref<!tpu.dma_semaphore, #tpu.memory_space<semaphore_mem>>) src(%dma_wait3A_260 : memref<32x128xf32, #tpu.memory_space<vmem>>) dst(%dma_wait3A_256 : memref<32x128xf32, #tpu.memory_space<hbm>>)
    %dma_wait3A_261 = arith.constant 1 : i32
    %dma_wait3A_262 = arith.constant 0 : i32
    %dma_wait3A_263 = arith.constant 0 : i32
    %dma_wait3A_264 = arith.constant 0 : i32
    %dma_wait3A_265 = tpu.memref_slice %arg13[%dma_wait3A_261, %dma_wait3A_263, %dma_wait3A_264] : memref<2x32x128xf32, #tpu.memory_space<vmem>> -> memref<1x32x128xf32, #tpu.memory_space<vmem>>
    %dma_wait3A_266 = tpu.memref_squeeze %dma_wait3A_265 : memref<1x32x128xf32, #tpu.memory_space<vmem>> -> memref<32x128xf32, #tpu.memory_space<vmem>>
    %dma_wait3A_267 = arith.constant 0 : i32
    %dma_wait3A_268 = tpu.memref_slice %arg8[%dma_wait3A_262, %dma_wait3A_267, %mul3A_2] : memref<200x32x4096xf32, #tpu.memory_space<hbm>> -> memref<1x32x128xf32, #tpu.memory_space<hbm>>
    %dma_wait3A_269 = tpu.memref_squeeze %dma_wait3A_268 : memref<1x32x128xf32, #tpu.memory_space<hbm>> -> memref<32x128xf32, #tpu.memory_space<hbm>>
    %dma_wait3A_270 = arith.constant 0 : i32
    %dma_wait3A_271 = tpu.memref_slice %arg8[%dma_wait3A_262, %dma_wait3A_270, %mul3A_2] : memref<200x32x4096xf32, #tpu.memory_space<hbm>> -> memref<1x32x128xf32, #tpu.memory_space<hbm>>
    %dma_wait3A_272 = tpu.memref_squeeze %dma_wait3A_271 : memref<1x32x128xf32, #tpu.memory_space<hbm>> -> memref<32x128xf32, #tpu.memory_space<hbm>>
    %dma_wait3A_273 = arith.constant 0 : i32
    %dma_wait3A_274 = arith.constant 0 : i32
    %dma_wait3A_275 = tpu.memref_slice %arg13[%dma_wait3A_261, %dma_wait3A_273, %dma_wait3A_274] : memref<2x32x128xf32, #tpu.memory_space<vmem>> -> memref<1x32x128xf32, #tpu.memory_space<vmem>>
    %dma_wait3A_276 = tpu.memref_squeeze %dma_wait3A_275 : memref<1x32x128xf32, #tpu.memory_space<vmem>> -> memref<32x128xf32, #tpu.memory_space<vmem>>
    tpu.wait_dma2 semaphore(%arg18 : memref<!tpu.dma_semaphore, #tpu.memory_space<semaphore_mem>>) src(%dma_wait3A_276 : memref<32x128xf32, #tpu.memory_space<vmem>>) dst(%dma_wait3A_272 : memref<32x128xf32, #tpu.memory_space<hbm>>)
    return
  }
}

</mosaic_0001>

<sc_bundles>
// kernel: kernel.3.cloned.1.call-start
scs
__scs_entry_jumppad:
0x0: {  	(pc) =	sbr.rel $0x88, $3  }
0x1: {  	(tag) =	ssettag $0x0;
	lr =	simm.s32 $0x1  }
0x2: {  	[smem:$0x3F9B] =	sst lr;
	_ =	strace $0xD0000000  }
0x3: {  	_ = 	snop  }
0x4: {  	_ = 	snop  }
0x5: {  	_ = 	snop  }
0x6: {  	_ = 	snop  }
0x7: {  	_ = 	snop  }
__scs_overlays_trampoline_lowered:
0x8: {  	[smem:$0x3FAA] =	sst s0  }
0x9: {  	[smem:$0x3FAB] =	sst s1  }
0xa: {  	[smem:$0x3FAC] =	sst s2  }
0xb: {  	[smem:$0x3FAD] =	sst s3  }
0xc: {  	[smem:$0x3FAE] =	sst s4  }
0xd: {  	[smem:$0x3FAF] =	sst s5  }
0xe: {  	[smem:$0x3FB0] =	sst s6  }
0xf: {  	[smem:$0x3FB1] =	sst s7  }
0x10: {  	[smem:$0x3FB2] =	sst s8  }
0x11: {  	[smem:$0x3FB3] =	sst s9;
	s0 =	simm.s32 @!p0 $0x0  }
0x12: {  	s1 =	sld [smem:$0x3F99];
	s0 =	simm.s32 @p0 $0x1  }
0x13: {  	[smem:$0x3FB4] =	sst s0;
	s0 =	simm.s32 @!p1 $0x0  }
0x14: {  	s2 =	sld [smem:$0x3F98];
	s0 =	simm.s32 @p1 $0x1  }
0x15: {  	[smem:$0x3FB5] =	sst s0;
	s0 =	simm.s32 @!p2 $0x0  }
0x16: {  	s3 =	sld [smem:$0x3FDB];
	s0 =	simm.s32 @p2 $0x1  }
0x17: {  	s4 =	simm.s32 $0x1BF5;
	[smem:$0x3FB7] =	sst s0  }
0x18: {  	s0 =	sld [smem:$0x3F9A];
	_ =	swait.ge [sflag:s4], $0x0  }
0x19: {  	s7 =	sld [smem:$0x3F9B]  }
0x1a: {  	s8 =	sadd.s32 $0xFFFFE003, lr  }
0x1b: {  	s9 =	sadd.s32 $0xFFFFFEF7, lr;
	s5 =	simm.s32 $0xFFFFFFFF;
	p2 =	slt.u32 s8, $0xFFFFF086  }
0x1c: {  	p1 =	slt.u32 s9, $0xF7A;
	s5 =	simm.s32 @!p2 $0x0  }
0x1d: {  	s5 =	simm.s32 @p1 $0x1;
	p0 =	seq.s32 s7, s2  }
0x1e: {  	s7 =	smul.u32 @!p0 $0xF7A, s2;
	p2 =	seq.s32 @!p0 s5, $0x0  }
0x1f: {  	s9 =	smul.u32 $0xF7A, s1;
	s8 =	simm.s32 @!p0 $0x1BF5;
	p2 =	por !p2, p0  }
0x20: {  	[sflag:s8] =	ssyncset.s32 @!p0 $0xFFFFF086;
	s6 =	sadd.s32 @!p0 s3, s7;
	s7 =	simm.s32 @!p0 $0x108  }
0x21: {  	s3 =	sadd.s32 s3, s9;
	s6 =	sadd.s32 @!p0 $0x88, s6;
	s7 =	simm.s32 @p2 $0x1082  }
0x22: {  	[simem:s7], [sflag:s8] =	dma.local @!p0 [hbm:s6], $0xF7A  }
0x23: {  	s9 =	sor.u32 $0xD0000000, s2;
	s6 =	simm.s32 $0x108;
	_ =	swait.ge @!p0 [sflag:s8], $0x0  }
0x24: {  	s3 =	sadd.s32 $0x88, s3;
	s6 =	simm.s32 @!p1 $0x1082;
	[sflag:s4] =	ssyncset.s32 $0xFFFFF086  }
0x25: {  	[simem:s6], [sflag:s4] =	dma.local [hbm:s3], $0xF7A  }
0x26: {  	[smem:$0x3F9B] =	sst s1;
	(tag) =	ssettag s2;
	_ =	strace s9  }
0x27: {  	s1 =	sld [smem:$0x3FAB]  }
0x28: {  	s2 =	sld [smem:$0x3FAC]  }
0x29: {  	s4 =	sld [smem:$0x3FAE]  }
0x2a: {  	p0 =	seq.s32 s5, $0x0;
	s5 =	sld [smem:$0x3FAF]  }
0x2b: {  	s6 =	sld [smem:$0x3FB0]  }
0x2c: {  	s7 =	sld [smem:$0x3FB1]  }
0x2d: {  	s3 =	simm.s32 $0x108;
	s8 =	sld [smem:$0x3FB2]  }
0x2e: {  	s3 =	simm.s32 @!p0 $0x1082;
	s9 =	sld [smem:$0x3FB3]  }
0x2f: {  	lr =	sadd.s32 s0, s3;
	s0 =	sld [smem:$0x3FAA]  }
0x30: {  	s3 =	sld [smem:$0x3FAD]  }
0x31: {  	[smem:$0x3FB6] =	sst s10  }
0x32: {  	s10 =	sld [smem:$0x3FB4];
	_ =	sdelay $0x3  }
0x33: {  	p0 =	seq.s32 s10, $0x1;
	s10 =	sld [smem:$0x3FB6];
	_ =	sdelay $0x3  }
0x34: {  	[smem:$0x3FB6] =	sst s10  }
0x35: {  	s10 =	sld [smem:$0x3FB5];
	_ =	sdelay $0x3  }
0x36: {  	p1 =	seq.s32 s10, $0x1;
	s10 =	sld [smem:$0x3FB6];
	_ =	sdelay $0x3  }
0x37: {  	[smem:$0x3FB6] =	sst s10  }
0x38: {  	s10 =	sld [smem:$0x3FB7]  }
0x39: {  	_ = 	snop;
	(pc) =	sbr.ind lr, $3  }
0x3a: {  	_ = 	snop  }
0x3b: {  	_ = 	snop  }
0x3c: {  	p2 =	seq.s32 s10, $0x1;
	s10 =	sld [smem:$0x3FB6]  }
0x3d: {  	_ =	shalt  }
0x3e: {  	_ =	shalt  }
0x3f: {  	_ =	shalt  }
0x40: {  	_ =	shalt  }
0x41: {  	_ =	shalt  }
0x42: {  	_ =	shalt  }
0x43: {  	_ =	shalt  }
0x44: {  	_ =	shalt  }
0x45: {  	_ =	shalt  }
0x46: {  	_ =	shalt  }
0x47: {  	_ =	shalt  }
0x48: {  	_ =	shalt  }
0x49: {  	_ =	shalt  }
0x4a: {  	_ =	shalt  }
0x4b: {  	_ =	shalt  }
0x4c: {  	_ =	shalt  }
0x4d: {  	_ =	shalt  }
0x4e: {  	_ =	shalt  }
0x4f: {  	_ =	shalt  }
0x50: {  	_ =	shalt  }
0x51: {  	_ =	shalt  }
0x52: {  	_ =	shalt  }
0x53: {  	_ =	shalt  }
0x54: {  	_ =	shalt  }
0x55: {  	_ =	shalt  }
0x56: {  	_ =	shalt  }
0x57: {  	_ =	shalt  }
0x58: {  	_ =	shalt  }
0x59: {  	_ =	shalt  }
0x5a: {  	_ =	shalt  }
0x5b: {  	_ =	shalt  }
0x5c: {  	_ =	shalt  }
0x5d: {  	_ =	shalt  }
0x5e: {  	_ =	shalt  }
0x5f: {  	_ =	shalt  }
0x60: {  	_ =	shalt  }
0x61: {  	_ =	shalt  }
0x62: {  	_ =	shalt  }
0x63: {  	_ =	shalt  }
0x64: {  	_ =	shalt  }
0x65: {  	_ =	shalt  }
0x66: {  	_ =	shalt  }
0x67: {  	_ =	shalt  }
0x68: {  	_ =	shalt  }
0x69: {  	_ =	shalt  }
0x6a: {  	_ =	shalt  }
0x6b: {  	_ =	shalt  }
0x6c: {  	_ =	shalt  }
0x6d: {  	_ =	shalt  }
0x6e: {  	_ =	shalt  }
0x6f: {  	_ =	shalt  }
0x70: {  	_ =	shalt  }
0x71: {  	_ =	shalt  }
0x72: {  	_ =	shalt  }
0x73: {  	_ =	shalt  }
0x74: {  	_ =	shalt  }
0x75: {  	_ =	shalt  }
0x76: {  	_ =	shalt  }
0x77: {  	_ =	shalt  }
0x78: {  	_ =	shalt  }
0x79: {  	_ =	shalt  }
0x7a: {  	_ =	shalt  }
0x7b: {  	_ =	shalt  }
0x7c: {  	_ =	shalt  }
0x7d: {  	_ =	shalt  }
0x7e: {  	_ =	shalt  }
0x7f: {  	_ =	shalt  }
0x80: {  	_ =	shalt  }
0x81: {  	_ =	shalt  }
0x82: {  	_ =	shalt  }
0x83: {  	_ =	shalt  }
0x84: {  	_ =	shalt  }
0x85: {  	_ =	shalt  }
0x86: {  	_ =	shalt  }
0x87: {  	_ =	shalt  }
.Lfunc_end0:
.L_simem_size_0:
called_computation_lowered:
.L_overlay_start_0:
0x88: {  	s2 =	sld [smem:$0x3FD9]  }
0x89: {  	s3 =	sld [smem:$0x3FFE];
	_ =	sdelay $0x1  }
0x8a: {  	s1 =	srdreg.scid  }
0x8b: {  	s0 =	sand.u32 $0x1, s1  }
0x8c: {  	s17 =	sshll.u32 s0, $0xA;
	s2 =	sadd.s32 s3, s2  }
0x8d: {  	s2 =	sadd.s32 s2, s17  }
0x8e: {  	[smem:$0x3FC2] =	sst s2  }
0x8f: {  	_ = 	snop  }
0x90: {  	s2 =	sld [smem:$0x3FD0];
	(tm) =	ssettm $0x1  }
0x91: {  	s18 =	sld [smem:$0x3FFB];
	_ =	sdelay $0x3  }
0x92: {  	_ =	strace s18  }
0x93: {  	s3 =	sld [smem:$0x3FFC];
	_ =	sdelay $0x3  }
0x94: {  	_ =	strace s3  }
0x95: {  	s3 =	sld [smem:$0x3FFD];
	_ =	sdelay $0x3  }
0x96: {  	_ =	strace s3  }
0x97: {  	_ =	strace $0x8FFFFFFF  }
0x98: {  	s19 =	sld [smem:$0x3FDB];
	_ =	sdelay $0x1  }
0x99: {  	s4 =	simm.s32 $_scs_section_size  }
0x9a: {  	s5 =	simm.s32 $_size__tile_overlayer_lowered;
	s6 =	simm.s32 $_tile_overlayer_lowered  }
0x9b: {  	s22 =	simm.s32 $0x1BFF;
	s21 =	sshll.u32 s6, $0x1;
	s3 =	sadd.s32 s4, s19  }
0x9c: {  	s7 =	simm.s32 $0x0;
	s20 =	sshll.u32 s5, $0x1;
	s5 =	sadd.s32 s21, s3  }
0x9d: {  	[timem:s7], [sflag:s22] =	dma.local [hbm:s5], s20  }
0x9e: {  	_ =	swait.ge [sflag:s22], s20  }
0x9f: {  	s4 =	ssub.s32 $0x0, s20;
	[sflag:s22] =	ssyncset.done $0x0  }
0xa0: {  	[sflag:s22] =	ssyncadd.s32 s4;
	_ =	sdelay $0x1  }
0xa1: {  	s23 =	simm.s32 $0x1B8B  }
0xa2: {  	_ =	swait.ge [sflag:s23], $0x1  }
0xa3: {  	[sflag:s23] =	ssyncset.done $0x0  }
0xa4: {  	s25 =	simm.s32 $0x1B8E;
	s24 =	sld [smem:$0x3FFE];
	[sflag:s23] =	ssyncadd.s32 $0xFFFFFFFF  }
0xa5: {  	s26 =	simm.s32 $execute0_lowered;
	[smem:$0x3FD2] =	sst s25  }
0xa6: {  	s5 =	sshll.u32 s26, $0x1;
	_ =	strace $0x80000046;
	[dreg:$0x1] =	wrdreg $0xFFFFFFFF  }
0xa7: {  	s28 =	simm.s32 $_size_execute0_lowered;
	s3 =	sadd.s32 s3, s5;
	[dreg:$0x0] =	wrdreg $0x0  }
0xa8: {  	s5 =	sshll.u32 s28, $0x1;
	[dreg:$0x2] =	wrdreg s3  }
0xa9: {  	[dreg:$0x3] =	wrdreg s5  }
0xaa: {  	[dreg:$0x4] =	wrdreg $0xC0  }
0xab: {  	_ =	task [dreg:s7], $0x5FFFF  }
0xac: {  	[dreg:$0x1] =	wrdreg $0xFFFFFFFF  }
0xad: {  	[dreg:$0x0] =	wrdreg $0x60  }
0xae: {  	[dreg:$0x2] =	wrdreg s24  }
0xaf: {  	[dreg:$0x3] =	wrdreg s2  }
0xb0: {  	[dreg:$0x4] =	wrdreg $0x9  }
0xb1: {  	_ =	task.clear_ibuf [dreg:s7], $0x5FFFF;
	_ =	strace $0x90000046  }
0xb2: {  	s29 =	simm.s32 $0x9;
	_ =	strace $0x80000048  }
0xb3: {  	_ =	swait.ge [sflag:s29], $0x1  }
0xb4: {  	[sflag:s29] =	ssyncadd.s32 $0xFFFFFFFF  }
0xb5: {  	_ =	strace $0x90000048  }
0xb6: {  	_ =	sfence  }
0xb7: {  	s30 =	sld [smem:$0x0];
	_ =	sdelay $0x2  }
0xb8: {  	s31 =	sshll.u32 s1, $0xD;
	s1 =	sshrl.u32 s1, $0x2  }
0xb9: {  	s3 =	sand.u32 $0x4000, s31;
	s1 =	sadd.s32 s1, s30  }
0xba: {  	s0 =	sor.u32 s3, s0;
	s1 =	sshll.u32 s1, $0x11  }
0xbb: {  	s0 =	sor.u32 s1, s0  }
0xbc: {  	s0 =	sadd.s32 $0x8F2B, s0  }
0xbd: {  	[sflag:s0] =	ssyncadd.remote.s32 $0x1  }
0xbe: {  	_ =	sfence.sel $0xFFFF  }
0xbf: {  	[dreg:$0x0] =	wrdreg $0xFFFFFFFF;
	(pc) =	sbr.abs _section_cstart, $3  }
0xc0: {  	[dreg:$0x1] =	wrdreg $0xFFFFFFFF  }
0xc1: {  	_ =	task.clear_ibuf [dreg:s7], $0x2FFFF;
	_ =	strace $0x9FFFFFFF  }
0xc2: {  	(tm) =	ssettm $0x7FFFFFFF  }
0xc3: {  	_ =	shalt  }
tec
execute0_lowered:
.L_overlay_start_1:
0x0: {  	(tag) =	ssettag $0x1  }
0x1: {  	vm1 =	vcmask $0x300;
	v0 =	vimm.s32 $0x787  }
0x2: {  	vm0 =	vcmask $0x704;
	v1 =	vimm.s32 $0x14131211;
	v2 =	vimm.s32 $0x18171615  }
0x3: {  	vm2 =	vcmask $0x1F10;
	v3 =	vimm.s32 $0x1C1B1A19;
	v4 =	vimm.s32 $0x1F1E1D  }
0x4: {  	v5 =	vimm.s32 $0x15141312;
	v26 =	vimm.s32 $0x19181716;
	v7 =	vimm.s32 $0x1D1C1B1A  }
0x5: {  	v8 =	vimm.s32 $0x1001F1E;
	v27 =	vimm.s32 $0x16151413;
	v28 =	vimm.s32 $0x1A191817  }
0x6: {  	v10 =	vimm.s32 $0x1E1D1C1B;
	v11 =	vimm.s32 $0x201001F;
	v12 =	vimm.s32 $0x3020100  }
0x7: {  	v13 =	vimm.s32 $0x1F1E1D1C;
	v14 =	vimm.s32 $0x17161514;
	v15 =	vimm.s32 $0x1B1A1918  }
0x8: {  	v16 =	vimm.s32 $0x4030201;
	v29 =	vimm.s32 $0x5040302;
	v30 =	vimm.s32 $0x6050403  }
0x9: {  	v31 =	vimm.s32 $0x32107654;
	v34 =	vimm.s32 $0x43218765;
	v36 =	vimm.s32 $0x54329876  }
0xa: {  	vm13 =	vcmask $0x2F10;
	v37 =	vimm.s32 $0xB0A0908;
	v38 =	vimm.s32 $0x6543A987  }
0xb: {  	v39 =	vimm.s32 $0xC0B0A09;
	v41 =	vimm.s32 $0xD0C0B0A;
	v44 =	vimm.s32 $0xE0D0C0B  }
0xc: {  	vm14 =	vcmask $0x3F30;
	vm15 =	vcmask $0xB08;
	v17 =	vimm.s32 $0xD87  }
0xd: {  	v18 =	vimm.s32 $0xE07;
	v19 =	vimm.s32 $0xE87;
	v20 =	vimm.s32 $0xF07  }
0xe: {  	v21 =	vimm.s32 $0xF87;
	v22 =	vimm.s32 $0x7;
	v23 =	vimm.s32 $0x87  }
0xf: {  	v24 =	vimm.s32 $0x107;
	vm4 =	vcmask $0xF0C;
	vm5 =	vcmask $0x1310  }
0x10: {  	vm6 =	vcmask $0x1714;
	vm7 =	vcmask $0x1B18;
	vm8 =	vcmask $0x1F1C  }
0x11: {  	vm9 =	vcmask $0x2320;
	vm10 =	vcmask $0x2724;
	vm11 =	vcmask $0x2B28  }
0x12: {  	vm12 =	vcmask $0x2F2C;
	v0 =	vsel vm1, $0x0, v0;
	v1 =	vunpack.c.0.s8.s32 v1  }
0x13: {  	v2 =	vunpack.c.0.s8.s32 v2;
	v3 =	vunpack.c.0.s8.s32 v3;
	v6 =	vunpack.c.0.s8.s32 v4  }
0x14: {  	v25 =	vunpack.c.0.s8.s32 v5;
	v5 =	vunpack.c.0.s8.s32 v26;
	v7 =	vunpack.c.0.s8.s32 v7  }
0x15: {  	v8 =	vunpack.c.0.s8.s32 v8;
	v10 =	vunpack.c.0.s8.s32 v10;
	v11 =	vunpack.c.0.s8.s32 v11  }
0x16: {  	v12 =	vunpack.c.0.s8.s32 v12;
	v13 =	vunpack.c.0.s8.s32 v13;
	v14 =	vunpack.c.0.s8.s32 v14  }
0x17: {  	v15 =	vunpack.c.0.s8.s32 v15;
	v16 =	vunpack.c.0.s8.s32 v16;
	v32 =	vunpack.c.0.s8.s32 v30  }
0x18: {  	v33 =	vunpack.c.l.s4.s8 v31;
	v40 =	vunpack.c.0.s8.s32 v39;
	v42 =	vunpack.c.0.s8.s32 v41  }
0x19: {  	v45 =	vunpack.c.0.s8.s32 v44;
	v39 =	vimm.s32 $0xB87;
	v41 =	vimm.s32 $0xC87  }
0x1a: {  	v17 =	vsel vm1, $0x600, v17;
	v18 =	vsel vm1, $0x680, v18;
	v19 =	vsel vm1, $0x700, v19  }
0x1b: {  	v20 =	vsel vm1, $0x780, v20;
	v21 =	vsel vm1, $0x800, v21;
	v22 =	vsel vm1, $0x880, v22  }
0x1c: {  	v23 =	vsel vm1, $0x900, v23;
	v24 =	vsel vm1, $0x980, v24;
	v26 =	vimm.s32 $0x207  }
0x1d: {  	v30 =	vimm.s32 $0x407;
	v31 =	vimm.s32 $0x487;
	v9 =	vsel vm0, $0x81, v0  }
0x1e: {  	v0 =	vunpack.c.0.s8.s32 v27;
	v27 =	vimm.s32 $0x287;
	v26 =	vsel vm1, $0xA80, v26  }
0x1f: {  	v30 =	vsel vm1, $0xC80, v30;
	v31 =	vsel vm1, $0xD00, v31;
	v17 =	vsel vm0, $0x681, v17  }
0x20: {  	v18 =	vsel vm0, $0x701, v18;
	v19 =	vsel vm0, $0x781, v19;
	v20 =	vsel vm0, $0x801, v20  }
0x21: {  	v21 =	vsel vm0, $0x881, v21;
	v22 =	vsel vm0, $0x901, v22;
	v23 =	vsel vm0, $0x981, v23  }
0x22: {  	v24 =	vsel vm0, $0xA01, v24;
	v55 =	vsel vm2, v2, v1;
	v56 =	vsel vm2, v6, v3  }
0x23: {  	v4 =	vsel vm2, v5, v25;
	v59 =	vsel vm2, v8, v7;
	v1 =	vunpack.c.0.s8.s32 v28  }
0x24: {  	v62 =	vsel vm2, v11, v10;
	v48 =	vsel vm2, v12, v13;
	v51 =	vsel vm2, v15, v14  }
0x25: {  	v49 =	vsel vm2, v16, v6;
	v58 =	vsel vm2, v3, v2;
	v57 =	vsel vm2, v7, v5  }
0x26: {  	v52 =	vsel vm2, v32, v11;
	v35 =	vunpack.c.0.s8.s32 v33;
	v53 =	vsel vm2, v13, v15  }
0x27: {  	v5 =	vunpack.c.l.s4.s8 v38;
	v3 =	vunpack.c.0.s8.s32 v37;
	v33 =	vimm.s32 $0x887  }
0x28: {  	v37 =	vimm.s32 $0xA87;
	v38 =	vimm.s32 $0xB07;
	v15 =	vsel vm1, $0x500, v41  }
0x29: {  	v25 =	vimm.s32 $0x187;
	v27 =	vsel vm1, $0xB00, v27;
	v28 =	vimm.s32 $0x307  }
0x2a: {  	v32 =	vimm.s32 $0x507;
	v26 =	vsel vm0, $0xB01, v26;
	v30 =	vsel vm0, $0xD01, v30  }
0x2b: {  	v31 =	vsel vm0, $0xD81, v31;
	v17 =	vsel vm15, $0x702, v17;
	v18 =	vsel vm15, $0x782, v18  }
0x2c: {  	v19 =	vsel vm15, $0x802, v19;
	v20 =	vsel vm15, $0x882, v20;
	v21 =	vsel vm15, $0x902, v21  }
0x2d: {  	v22 =	vsel vm15, $0x982, v22;
	v23 =	vsel vm15, $0xA02, v23;
	v24 =	vsel vm15, $0xA82, v24  }
0x2e: {  	v7 =	vsel vm1, $0x100, v33;
	v12 =	vsel vm1, $0x380, v38;
	v25 =	vsel vm1, $0xA00, v25  }
0x2f: {  	v28 =	vsel vm1, $0xB80, v28;
	v33 =	vimm.s32 $0x587;
	v32 =	vsel vm1, $0xD80, v32  }
0x30: {  	v15 =	vsel vm0, $0x581, v15;
	v27 =	vsel vm0, $0xB81, v27;
	v26 =	vsel vm15, $0xB82, v26  }
0x31: {  	v30 =	vsel vm15, $0xD82, v30;
	v31 =	vsel vm15, $0xE02, v31;
	v17 =	vsel vm4, $0x783, v17  }
0x32: {  	v18 =	vsel vm4, $0x803, v18;
	v19 =	vsel vm4, $0x883, v19;
	v20 =	vsel vm4, $0x903, v20  }
0x33: {  	v21 =	vsel vm4, $0x983, v21;
	v22 =	vsel vm4, $0xA03, v22;
	v23 =	vsel vm4, $0xA83, v23  }
0x34: {  	v24 =	vsel vm4, $0xB03, v24;
	v61 =	vsel vm2, v1, v0;
	v0 =	vunpack.c.0.s8.s32 v29  }
0x35: {  	v54 =	vsel vm2, v10, v1;
	v2 =	vand.u32 $0xF, v35;
	v1 =	vunpack.c.l.s4.s8 v36  }
0x36: {  	v5 =	vunpack.c.0.s8.s32 v5;
	v35 =	vimm.s32 $0x987;
	v36 =	vimm.s32 $0xA07  }
0x37: {  	v29 =	vimm.s32 $0x387;
	v33 =	vsel vm1, $0xE00, v33;
	v7 =	vsel vm0, $0x181, v7  }
0x38: {  	v12 =	vsel vm0, $0x401, v12;
	v25 =	vsel vm0, $0xA81, v25;
	v28 =	vsel vm0, $0xC01, v28  }
0x39: {  	v32 =	vsel vm0, $0xE01, v32;
	v15 =	vsel vm15, $0x602, v15;
	v27 =	vsel vm15, $0xC02, v27  }
0x3a: {  	v26 =	vsel vm4, $0xC03, v26;
	v30 =	vsel vm4, $0xE03, v30;
	v31 =	vsel vm4, $0xE83, v31  }
0x3b: {  	v17 =	vsel vm5, $0x804, v17;
	v18 =	vsel vm5, $0x884, v18;
	v19 =	vsel vm5, $0x904, v19  }
0x3c: {  	v20 =	vsel vm5, $0x984, v20;
	v21 =	vsel vm5, $0xA04, v21;
	v22 =	vsel vm5, $0xA84, v22  }
0x3d: {  	v23 =	vsel vm5, $0xB04, v23;
	v24 =	vsel vm5, $0xB84, v24;
	v2 =	vsel vm13, v2, v13  }
0x3e: {  	v10 =	vsel vm1, $0x280, v36;
	v13 =	vsel vm1, $0x400, v39;
	v29 =	vsel vm1, $0xC00, v29  }
0x3f: {  	v36 =	vimm.s32 $0x707;
	v33 =	vsel vm0, $0xE81, v33;
	v7 =	vsel vm15, $0x202, v7  }
0x40: {  	v12 =	vsel vm15, $0x482, v12;
	v25 =	vsel vm15, $0xB02, v25;
	v28 =	vsel vm15, $0xC82, v28  }
0x41: {  	v32 =	vsel vm15, $0xE82, v32;
	v15 =	vsel vm4, $0x683, v15;
	v27 =	vsel vm4, $0xC83, v27  }
0x42: {  	v26 =	vsel vm5, $0xC84, v26;
	v30 =	vsel vm5, $0xE84, v30;
	v31 =	vsel vm5, $0xF04, v31  }
0x43: {  	v17 =	vsel vm6, $0x885, v17;
	v18 =	vsel vm6, $0x905, v18;
	v19 =	vsel vm6, $0x985, v19  }
0x44: {  	v20 =	vsel vm6, $0xA05, v20;
	v21 =	vsel vm6, $0xA85, v21;
	v22 =	vsel vm6, $0xB05, v22  }
0x45: {  	v23 =	vsel vm6, $0xB85, v23;
	v24 =	vsel vm6, $0xC05, v24;
	v50 =	vsel vm2, v0, v8  }
0x46: {  	v0 =	vunpack.c.l.s4.s8 v34;
	v1 =	vunpack.c.0.s8.s32 v1;
	v43 =	vand.u32 $0xF, v5  }
0x47: {  	v46 =	vsel vm14, v3, v2;
	v2 =	vsel vm15, $0x102, v9;
	v34 =	vimm.s32 $0x907  }
0x48: {  	v9 =	vsel vm1, $0x200, v35;
	v35 =	vimm.s32 $0x687;
	v36 =	vsel vm1, $0xF80, v36  }
0x49: {  	v10 =	vsel vm0, $0x301, v10;
	v13 =	vsel vm0, $0x481, v13;
	v29 =	vsel vm0, $0xC81, v29  }
0x4a: {  	v33 =	vsel vm15, $0xF02, v33;
	v7 =	vsel vm4, $0x283, v7;
	v12 =	vsel vm4, $0x503, v12  }
0x4b: {  	v25 =	vsel vm4, $0xB83, v25;
	v28 =	vsel vm4, $0xD03, v28;
	v32 =	vsel vm4, $0xF03, v32  }
0x4c: {  	v15 =	vsel vm5, $0x704, v15;
	v27 =	vsel vm5, $0xD04, v27;
	v26 =	vsel vm6, $0xD05, v26  }
0x4d: {  	v30 =	vsel vm6, $0xF05, v30;
	v31 =	vsel vm6, $0xF85, v31;
	v17 =	vsel vm7, $0x906, v17  }
0x4e: {  	v18 =	vsel vm7, $0x986, v18;
	v19 =	vsel vm7, $0xA06, v19;
	v20 =	vsel vm7, $0xA86, v20  }
0x4f: {  	v21 =	vsel vm7, $0xB06, v21;
	v22 =	vsel vm7, $0xB86, v22;
	v23 =	vsel vm7, $0xC06, v23  }
0x50: {  	v24 =	vsel vm7, $0xC86, v24;
	v5 =	vsel vm13, v43, v11;
	v11 =	vsel vm1, $0x300, v37  }
0x51: {  	v35 =	vsel vm1, $0xF00, v35;
	v9 =	vsel vm0, $0x281, v9;
	v36 =	vsel vm0, $0x1, v36  }
0x52: {  	v10 =	vsel vm15, $0x382, v10;
	v13 =	vsel vm15, $0x502, v13;
	v29 =	vsel vm15, $0xD02, v29  }
0x53: {  	v33 =	vsel vm4, $0xF83, v33;
	v7 =	vsel vm5, $0x304, v7;
	v12 =	vsel vm5, $0x584, v12  }
0x54: {  	v25 =	vsel vm5, $0xC04, v25;
	v28 =	vsel vm5, $0xD84, v28;
	v32 =	vsel vm5, $0xF84, v32  }
0x55: {  	v15 =	vsel vm6, $0x785, v15;
	v27 =	vsel vm6, $0xD85, v27;
	v26 =	vsel vm7, $0xD86, v26  }
0x56: {  	v30 =	vsel vm7, $0xF86, v30;
	v31 =	vsel vm7, $0x6, v31;
	v17 =	vsel vm8, $0x987, v17  }
0x57: {  	v18 =	vsel vm8, $0xA07, v18;
	v19 =	vsel vm8, $0xA87, v19;
	v20 =	vsel vm8, $0xB07, v20  }
0x58: {  	v21 =	vsel vm8, $0xB87, v21;
	v22 =	vsel vm8, $0xC07, v22;
	v23 =	vsel vm8, $0xC87, v23  }
0x59: {  	v24 =	vsel vm8, $0xD07, v24;
	v0 =	vunpack.c.0.s8.s32 v0;
	v1 =	vand.u32 $0xF, v1  }
0x5a: {  	v63 =	vsel vm14, v45, v5;
	v11 =	vsel vm0, $0x381, v11;
	v35 =	vsel vm0, $0xF81, v35  }
0x5b: {  	v9 =	vsel vm15, $0x302, v9;
	v36 =	vsel vm15, $0x82, v36;
	v10 =	vsel vm4, $0x403, v10  }
0x5c: {  	v13 =	vsel vm4, $0x583, v13;
	v29 =	vsel vm4, $0xD83, v29;
	v33 =	vsel vm5, $0x4, v33  }
0x5d: {  	v7 =	vsel vm6, $0x385, v7;
	v12 =	vsel vm6, $0x605, v12;
	v25 =	vsel vm6, $0xC85, v25  }
0x5e: {  	v28 =	vsel vm6, $0xE05, v28;
	v32 =	vsel vm6, $0x5, v32;
	v15 =	vsel vm7, $0x806, v15  }
0x5f: {  	v27 =	vsel vm7, $0xE06, v27;
	v26 =	vsel vm8, $0xE07, v26;
	v30 =	vsel vm8, $0x7, v30  }
0x60: {  	v31 =	vsel vm8, $0x87, v31;
	v17 =	vsel vm9, $0xA00, v17;
	v18 =	vsel vm9, $0xA80, v18  }
0x61: {  	v19 =	vsel vm9, $0xB00, v19;
	v20 =	vsel vm9, $0xB80, v20;
	v21 =	vsel vm9, $0xC00, v21  }
0x62: {  	v22 =	vsel vm9, $0xC80, v22;
	v23 =	vsel vm9, $0xD00, v23;
	v24 =	vsel vm9, $0xD80, v24  }
0x63: {  	v8 =	vsel vm13, v1, v8;
	v1 =	vimm.s32 $0x807;
	v11 =	vsel vm15, $0x402, v11  }
0x64: {  	v35 =	vsel vm15, $0x2, v35;
	v9 =	vsel vm4, $0x383, v9;
	v36 =	vsel vm4, $0x103, v36  }
0x65: {  	v10 =	vsel vm5, $0x484, v10;
	v13 =	vsel vm5, $0x604, v13;
	v29 =	vsel vm5, $0xE04, v29  }
0x66: {  	v33 =	vsel vm6, $0x85, v33;
	v7 =	vsel vm7, $0x406, v7;
	v12 =	vsel vm7, $0x686, v12  }
0x67: {  	v25 =	vsel vm7, $0xD06, v25;
	v28 =	vsel vm7, $0xE86, v28;
	v32 =	vsel vm7, $0x86, v32  }
0x68: {  	v15 =	vsel vm8, $0x887, v15;
	v27 =	vsel vm8, $0xE87, v27;
	v26 =	vsel vm9, $0xE80, v26  }
0x69: {  	v30 =	vsel vm9, $0x80, v30;
	v31 =	vsel vm9, $0x100, v31;
	v17 =	vsel vm10, $0xA81, v17  }
0x6a: {  	v18 =	vsel vm10, $0xB01, v18;
	v19 =	vsel vm10, $0xB81, v19;
	v20 =	vsel vm10, $0xC01, v20  }
0x6b: {  	v21 =	vsel vm10, $0xC81, v21;
	v22 =	vsel vm10, $0xD01, v22;
	v23 =	vsel vm10, $0xD81, v23  }
0x6c: {  	v24 =	vsel vm10, $0xE01, v24;
	v0 =	vand.u32 $0xF, v0;
	v60 =	vsel vm14, v42, v8  }
0x6d: {  	v5 =	vsel vm1, $0x80, v1;
	v8 =	vsel vm1, $0x180, v34;
	v42 =	vimm.s32 $0xD07  }
0x6e: {  	v34 =	vimm.s32 $0x607;
	v11 =	vsel vm4, $0x483, v11;
	v35 =	vsel vm4, $0x83, v35  }
0x6f: {  	v9 =	vsel vm5, $0x404, v9;
	v36 =	vsel vm5, $0x184, v36;
	v10 =	vsel vm6, $0x505, v10  }
0x70: {  	v13 =	vsel vm6, $0x685, v13;
	v29 =	vsel vm6, $0xE85, v29;
	v33 =	vsel vm7, $0x106, v33  }
0x71: {  	v7 =	vsel vm8, $0x487, v7;
	v12 =	vsel vm8, $0x707, v12;
	v25 =	vsel vm8, $0xD87, v25  }
0x72: {  	v28 =	vsel vm8, $0xF07, v28;
	v32 =	vsel vm8, $0x107, v32;
	v15 =	vsel vm9, $0x900, v15  }
0x73: {  	v27 =	vsel vm9, $0xF00, v27;
	v26 =	vsel vm10, $0xF01, v26;
	v30 =	vsel vm10, $0x101, v30  }
0x74: {  	v31 =	vsel vm10, $0x181, v31;
	v17 =	vsel vm11, $0xB02, v17;
	v18 =	vsel vm11, $0xB82, v18  }
0x75: {  	v19 =	vsel vm11, $0xC02, v19;
	v20 =	vsel vm11, $0xC82, v20;
	v21 =	vsel vm11, $0xD02, v21  }
0x76: {  	v22 =	vsel vm11, $0xD82, v22;
	v23 =	vsel vm11, $0xE02, v23;
	v24 =	vsel vm11, $0xE82, v24  }
0x77: {  	v6 =	vsel vm13, v0, v6;
	v16 =	vsel vm1, $0x580, v42;
	v34 =	vsel vm1, $0xE80, v34  }
0x78: {  	v5 =	vsel vm0, $0x101, v5;
	v8 =	vsel vm0, $0x201, v8;
	v11 =	vsel vm5, $0x504, v11  }
0x79: {  	v35 =	vsel vm5, $0x104, v35;
	v9 =	vsel vm6, $0x485, v9;
	v36 =	vsel vm6, $0x205, v36  }
0x7a: {  	v10 =	vsel vm7, $0x586, v10;
	v13 =	vsel vm7, $0x706, v13;
	v29 =	vsel vm7, $0xF06, v29  }
0x7b: {  	v33 =	vsel vm8, $0x187, v33;
	v7 =	vsel vm9, $0x500, v7;
	v12 =	vsel vm9, $0x780, v12  }
0x7c: {  	v25 =	vsel vm9, $0xE00, v25;
	v28 =	vsel vm9, $0xF80, v28;
	v32 =	vsel vm9, $0x180, v32  }
0x7d: {  	v15 =	vsel vm10, $0x981, v15;
	v27 =	vsel vm10, $0xF81, v27;
	vm13 =	vcmask $0x3330  }
0x7e: {  	v26 =	vsel vm11, $0xF82, v26;
	v30 =	vsel vm11, $0x182, v30;
	v31 =	vsel vm11, $0x202, v31  }
0x7f: {  	v17 =	vsel vm12, $0xB83, v17;
	v18 =	vsel vm12, $0xC03, v18;
	v19 =	vsel vm12, $0xC83, v19  }
0x80: {  	v20 =	vsel vm12, $0xD03, v20;
	v21 =	vsel vm12, $0xD83, v21;
	v22 =	vsel vm12, $0xE03, v22  }
0x81: {  	v23 =	vsel vm12, $0xE83, v23;
	v24 =	vsel vm12, $0xF03, v24;
	v47 =	vsel vm14, v40, v6  }
0x82: {  	v40 =	vimm.s32 $0xC07;
	v6 =	vsel vm4, $0x183, v2;
	v16 =	vsel vm0, $0x601, v16  }
0x83: {  	v34 =	vsel vm0, $0xF01, v34;
	v5 =	vsel vm15, $0x182, v5;
	v8 =	vsel vm15, $0x282, v8  }
0x84: {  	v11 =	vsel vm6, $0x585, v11;
	v35 =	vsel vm6, $0x185, v35;
	v9 =	vsel vm7, $0x506, v9  }
0x85: {  	v36 =	vsel vm7, $0x286, v36;
	v10 =	vsel vm8, $0x607, v10;
	v13 =	vsel vm8, $0x787, v13  }
0x86: {  	v29 =	vsel vm8, $0xF87, v29;
	v33 =	vsel vm9, $0x200, v33;
	v7 =	vsel vm10, $0x581, v7  }
0x87: {  	v12 =	vsel vm10, $0x801, v12;
	v25 =	vsel vm10, $0xE81, v25;
	v28 =	vsel vm10, $0x1, v28  }
0x88: {  	v32 =	vsel vm10, $0x201, v32;
	v15 =	vsel vm11, $0xA02, v15;
	v27 =	vsel vm11, $0x2, v27  }
0x89: {  	vm14 =	vcmask $0x3734;
	v26 =	vsel vm12, $0x3, v26;
	v30 =	vsel vm12, $0x203, v30  }
0x8a: {  	v31 =	vsel vm12, $0x283, v31;
	v17 =	vsel vm13, $0xC04, v17;
	v18 =	vsel vm13, $0xC84, v18  }
0x8b: {  	v19 =	vsel vm13, $0xD04, v19;
	v20 =	vsel vm13, $0xD84, v20;
	v21 =	vsel vm13, $0xE04, v21  }
0x8c: {  	v22 =	vsel vm13, $0xE84, v22;
	v23 =	vsel vm13, $0xF04, v23;
	v24 =	vsel vm13, $0xF84, v24  }
0x8d: {  	v14 =	vsel vm1, $0x480, v40;
	v6 =	vsel vm5, $0x204, v6;
	v16 =	vsel vm15, $0x682, v16  }
0x8e: {  	v34 =	vsel vm15, $0xF82, v34;
	v5 =	vsel vm4, $0x203, v5;
	v8 =	vsel vm4, $0x303, v8  }
0x8f: {  	v11 =	vsel vm7, $0x606, v11;
	v35 =	vsel vm7, $0x206, v35;
	v9 =	vsel vm8, $0x587, v9  }
0x90: {  	v36 =	vsel vm8, $0x307, v36;
	v10 =	vsel vm9, $0x680, v10;
	v13 =	vsel vm9, $0x800, v13  }
0x91: {  	v29 =	vsel vm9, $0x0, v29;
	v33 =	vsel vm10, $0x281, v33;
	v7 =	vsel vm11, $0x602, v7  }
0x92: {  	v12 =	vsel vm11, $0x882, v12;
	v25 =	vsel vm11, $0xF02, v25;
	v28 =	vsel vm11, $0x82, v28  }
0x93: {  	v15 =	vsel vm12, $0xA83, v15;
	v27 =	vsel vm12, $0x83, v27;
	v26 =	vsel vm13, $0x84, v26  }
0x94: {  	v30 =	vsel vm13, $0x284, v30;
	v31 =	vsel vm13, $0x304, v31;
	v17 =	vsel vm14, $0xC85, v17  }
0x95: {  	v18 =	vsel vm14, $0xD05, v18;
	v19 =	vsel vm14, $0xD85, v19;
	v20 =	vsel vm14, $0xE05, v20  }
0x96: {  	v21 =	vsel vm14, $0xE85, v21;
	v22 =	vsel vm14, $0xF05, v22;
	v24 =	vsel vm14, $0x5, v24  }
0x97: {  	v40 =	vcombine.low v51, v48;
	v14 =	vsel vm0, $0x501, v14;
	v6 =	vsel vm6, $0x285, v6  }
0x98: {  	v16 =	vsel vm4, $0x703, v16;
	v34 =	vsel vm4, $0x3, v34;
	v5 =	vsel vm5, $0x284, v5  }
0x99: {  	v8 =	vsel vm5, $0x384, v8;
	v11 =	vsel vm8, $0x687, v11;
	v35 =	vsel vm8, $0x287, v35  }
0x9a: {  	v9 =	vsel vm9, $0x600, v9;
	v36 =	vsel vm9, $0x380, v36;
	v10 =	vsel vm10, $0x701, v10  }
0x9b: {  	v13 =	vsel vm10, $0x881, v13;
	v29 =	vsel vm10, $0x81, v29;
	v33 =	vsel vm11, $0x302, v33  }
0x9c: {  	v7 =	vsel vm12, $0x683, v7;
	v12 =	vsel vm12, $0x903, v12;
	v25 =	vsel vm12, $0xF83, v25  }
0x9d: {  	v28 =	vsel vm12, $0x103, v28;
	v15 =	vsel vm13, $0xB04, v15;
	v27 =	vsel vm13, $0x104, v27  }
0x9e: {  	v26 =	vsel vm14, $0x105, v26;
	v30 =	vsel vm14, $0x305, v30;
	v31 =	vsel vm14, $0x385, v31  }
0x9f: {  	v14 =	vsel vm15, $0x582, v14;
	v6 =	vsel vm7, $0x306, v6;
	v16 =	vsel vm5, $0x784, v16  }
0xa0: {  	v34 =	vsel vm5, $0x84, v34;
	v5 =	vsel vm6, $0x305, v5;
	v8 =	vsel vm6, $0x405, v8  }
0xa1: {  	v11 =	vsel vm9, $0x700, v11;
	v35 =	vsel vm9, $0x300, v35;
	v9 =	vsel vm10, $0x681, v9  }
0xa2: {  	v36 =	vsel vm10, $0x401, v36;
	v10 =	vsel vm11, $0x782, v10;
	v13 =	vsel vm11, $0x902, v13  }
0xa3: {  	v29 =	vsel vm11, $0x102, v29;
	v33 =	vsel vm12, $0x383, v33;
	v7 =	vsel vm13, $0x704, v7  }
0xa4: {  	v12 =	vsel vm13, $0x984, v12;
	v25 =	vsel vm13, $0x4, v25;
	v28 =	vsel vm13, $0x184, v28  }
0xa5: {  	vm15 =	vcmask $0x3B38;
	v15 =	vsel vm14, $0xB85, v15;
	v27 =	vsel vm14, $0x185, v27  }
0xa6: {  	[tilespmem:$0x1FC10] =	vst v46;
	v14 =	vsel vm4, $0x603, v14;
	v6 =	vsel vm8, $0x387, v6;
	v16 =	vsel vm6, $0x805, v16  }
0xa7: {  	[tilespmem:$0x1FC40] =	vst v63;
	v34 =	vsel vm6, $0x105, v34;
	v5 =	vsel vm7, $0x386, v5;
	v8 =	vsel vm7, $0x486, v8  }
0xa8: {  	[tilespmem:$0x1FC30] =	vst v60;
	v11 =	vsel vm10, $0x781, v11;
	v35 =	vsel vm10, $0x381, v35;
	v9 =	vsel vm11, $0x702, v9  }
0xa9: {  	[tilespmem:$0x1FC20] =	vst v47;
	v36 =	vsel vm11, $0x482, v36;
	v10 =	vsel vm12, $0x803, v10;
	v13 =	vsel vm12, $0x983, v13  }
0xaa: {  	[tilespmem:$0x1FEF0] =	vst v40;
	v29 =	vsel vm12, $0x183, v29;
	v33 =	vsel vm13, $0x404, v33;
	v1 =	vsel vm15, $0xC06, v15  }
0xab: {  	v7 =	vsel vm14, $0x785, v7;
	v12 =	vsel vm14, $0xA05, v12;
	v15 =	vsel vm15, $0x86, v24;
	[tilespmem:$0x1FCF0] =	vst v1  }
0xac: {  	v25 =	vsel vm14, $0x85, v25;
	v28 =	vsel vm14, $0x205, v28;
	v43 =	vsel vm15, $0x806, v7;
	[tilespmem:$0x1FD80] =	vst v15  }
0xad: {  	v14 =	vsel vm5, $0x684, v14;
	v6 =	vsel vm9, $0x400, v6;
	v60 =	vsel vm15, $0xA86, v12;
	[tilespmem:$0x1FC70] =	vst v43  }
0xae: {  	v16 =	vsel vm7, $0x886, v16;
	v34 =	vsel vm7, $0x186, v34;
	v12 =	vsel vm15, $0xF06, v21;
	[tilespmem:$0x1FCC0] =	vst v60  }
0xaf: {  	v10 =	vsel vm13, $0x884, v10;
	v33 =	vsel vm14, $0x485, v33;
	v21 =	vsel vm15, $0x386, v30;
	[tilespmem:$0x1FD50] =	vst v12  }
0xb0: {  	v13 =	vsel vm13, $0xA04, v13;
	v10 =	vsel vm14, $0x905, v10;
	[tilespmem:$0x1FDE0] =	vst v21;
	v24 =	vsel vm15, $0x506, v33  }
0xb1: {  	v5 =	vsel vm8, $0x407, v5;
	v13 =	vsel vm14, $0xA85, v13;
	v46 =	vsel vm15, $0x986, v10;
	[tilespmem:$0x1FE10] =	vst v24  }
0xb2: {  	v8 =	vsel vm8, $0x507, v8;
	v11 =	vsel vm11, $0x802, v11;
	v63 =	vsel vm15, $0xB06, v13;
	[tilespmem:$0x1FCA0] =	vst v46  }
0xb3: {  	v35 =	vsel vm11, $0x402, v35;
	v9 =	vsel vm12, $0x783, v9;
	v10 =	vsel vm15, $0xE06, v19;
	[tilespmem:$0x1FCD0] =	vst v63  }
0xb4: {  	v36 =	vsel vm12, $0x503, v36;
	v29 =	vsel vm13, $0x204, v29;
	v13 =	vsel vm15, $0xF86, v22;
	[tilespmem:$0x1FD30] =	vst v10  }
0xb5: {  	v14 =	vsel vm6, $0x705, v14;
	v9 =	vsel vm13, $0x804, v9;
	v19 =	vsel vm15, $0x286, v28;
	[tilespmem:$0x1FD60] =	vst v13  }
0xb6: {  	v6 =	vsel vm10, $0x481, v6;
	v9 =	vsel vm14, $0x885, v9;
	v22 =	vsel vm15, $0x406, v31;
	[tilespmem:$0x1FDC0] =	vst v19  }
0xb7: {  	v16 =	vsel vm8, $0x907, v16;
	v34 =	vsel vm8, $0x207, v34;
	v45 =	vsel vm15, $0x906, v9;
	[tilespmem:$0x1FDF0] =	vst v22  }
0xb8: {  	v5 =	vsel vm9, $0x480, v5;
	v36 =	vsel vm13, $0x584, v36;
	v9 =	vsel vm15, $0xD86, v18;
	[tilespmem:$0x1FC90] =	vst v45  }
0xb9: {  	v8 =	vsel vm9, $0x580, v8;
	v36 =	vsel vm14, $0x605, v36;
	v18 =	vsel vm15, $0x206, v27;
	[tilespmem:$0x1FD20] =	vst v9  }
0xba: {  	v11 =	vsel vm12, $0x883, v11;
	v28 =	vlaneseq.u32;
	v27 =	vsel vm15, $0x686, v36;
	[tilespmem:$0x1FDB0] =	vst v18  }
0xbb: {  	v35 =	vsel vm12, $0x483, v35;
	v29 =	vsel vm14, $0x285, v29;
	v30 =	vadd.s32 $0x2, v28;
	[tilespmem:$0x1FE40] =	vst v27  }
0xbc: {  	v14 =	vsel vm7, $0x786, v14;
	v6 =	vsel vm11, $0x502, v6;
	v31 =	vadd.s32 $0x3, v28;
	[tilespmem:$0x1FE60] =	vst v30  }
0xbd: {  	v16 =	vsel vm9, $0x980, v16;
	v34 =	vsel vm9, $0x280, v34;
	v33 =	vadd.s32 $0x5, v28;
	[tilespmem:$0x1FE70] =	vst v31  }
0xbe: {  	v5 =	vsel vm10, $0x501, v5;
	v8 =	vsel vm10, $0x601, v8;
	v37 =	vadd.s32 $0x8, v28;
	[tilespmem:$0x1FE90] =	vst v33  }
0xbf: {  	v11 =	vsel vm13, $0x904, v11;
	v35 =	vsel vm13, $0x504, v35;
	v38 =	vadd.s32 $0x9, v28;
	[tilespmem:$0x1FEC0] =	vst v37  }
0xc0: {  	v14 =	vsel vm8, $0x807, v14;
	v11 =	vsel vm14, $0x985, v11;
	v39 =	vadd.s32 $0xA, v28;
	[tilespmem:$0x1FED0] =	vst v38  }
0xc1: {  	v6 =	vsel vm12, $0x583, v6;
	v5 =	vsel vm11, $0x582, v5;
	v47 =	vsel vm15, $0xA06, v11;
	[tilespmem:$0x1FEE0] =	vst v39  }
0xc2: {  	v8 =	vsel vm11, $0x682, v8;
	v6 =	vsel vm13, $0x604, v6;
	v11 =	vsel vm15, $0xE86, v20;
	[tilespmem:$0x1FCB0] =	vst v47  }
0xc3: {  	v5 =	vsel vm12, $0x603, v5;
	v8 =	vsel vm12, $0x703, v8;
	v20 =	vsel vm15, $0x306, v29;
	[tilespmem:$0x1FD40] =	vst v11  }
0xc4: {  	v29 =	vadd.s32 $0x1, v28;
	v6 =	vsel vm14, $0x685, v6;
	v5 =	vsel vm13, $0x684, v5;
	[tilespmem:$0x1FDD0] =	vst v20  }
0xc5: {  	v8 =	vsel vm13, $0x784, v8;
	[tilespmem:$0x1FE50] =	vst v29;
	v5 =	vsel vm14, $0x705, v5;
	v6 =	vsel vm15, $0x706, v6  }
0xc6: {  	v16 =	vsel vm10, $0xA01, v16;
	v8 =	vsel vm14, $0x805, v8;
	[tilespmem:$0x1FC50] =	vst v6;
	v5 =	vsel vm15, $0x786, v5  }
0xc7: {  	v34 =	vsel vm10, $0x301, v34;
	v35 =	vsel vm14, $0x585, v35;
	v44 =	vsel vm15, $0x886, v8;
	[tilespmem:$0x1FC60] =	vst v5  }
0xc8: {  	v14 =	vsel vm9, $0x880, v14;
	v16 =	vsel vm11, $0xA82, v16;
	v8 =	vsel vm15, $0xD06, v17;
	[tilespmem:$0x1FC80] =	vst v44  }
0xc9: {  	v34 =	vsel vm11, $0x382, v34;
	v16 =	vsel vm12, $0xB03, v16;
	v17 =	vsel vm15, $0x186, v26;
	[tilespmem:$0x1FD10] =	vst v8  }
0xca: {  	v14 =	vsel vm10, $0x901, v14;
	v16 =	vsel vm13, $0xB84, v16;
	v26 =	vsel vm15, $0x606, v35;
	[tilespmem:$0x1FDA0] =	vst v17  }
0xcb: {  	v34 =	vsel vm12, $0x403, v34;
	v16 =	vsel vm14, $0xC05, v16;
	v35 =	vadd.s32 $0x7, v28;
	[tilespmem:$0x1FE30] =	vst v26  }
0xcc: {  	v14 =	vsel vm11, $0x982, v14;
	v34 =	vsel vm13, $0x484, v34;
	v2 =	vsel vm15, $0xC86, v16;
	[tilespmem:$0x1FEB0] =	vst v35  }
0xcd: {  	v14 =	vsel vm12, $0xA03, v14;
	v34 =	vsel vm14, $0x505, v34;
	v16 =	vsel vm15, $0x106, v25;
	[tilespmem:$0x1FD00] =	vst v2  }
0xce: {  	v32 =	vsel vm11, $0x282, v32;
	v14 =	vsel vm13, $0xA84, v14;
	v25 =	vsel vm15, $0x586, v34;
	[tilespmem:$0x1FD90] =	vst v16  }
0xcf: {  	v32 =	vsel vm12, $0x303, v32;
	v34 =	vadd.s32 $0x6, v28;
	v14 =	vsel vm14, $0xB05, v14;
	[tilespmem:$0x1FE20] =	vst v25  }
0xd0: {  	v23 =	vsel vm14, $0xF85, v23;
	v32 =	vsel vm13, $0x384, v32;
	[tilespmem:$0x1FEA0] =	vst v34;
	v0 =	vsel vm15, $0xB86, v14  }
0xd1: {  	v32 =	vsel vm14, $0x405, v32;
	v14 =	vsel vm15, $0x6, v23;
	[tilespmem:$0x1FCE0] =	vst v0  }
0xd2: {  	v23 =	vsel vm15, $0x486, v32;
	[tilespmem:$0x1FD70] =	vst v14  }
0xd3: {  	s0 =	rddreg [dreg:$0x0];
	s3 =	simm.s32 $0x0;
	v42 =	vcombine.low v58, v49;
	v32 =	vadd.s32 $0x4, v28;
	[tilespmem:$0x1FE00] =	vst v23  }
0xd4: {  	[smem:$0x7FF] =	sst s3;
	v44 =	vcombine.low v57, v50;
	[tilespmem:$0x1FE80] =	vst v32  }
0xd5: {  	s1 =	rddreg [dreg:$0x1];
	_ =	strace $0x80000047;
	[tilespmem:$0x1FF00] =	vst v42  }
0xd6: {  	v46 =	vadd.s32 $0xB, v28;
	v47 =	vcombine.low v54, v52;
	[tilespmem:$0x1FF10] =	vst v44  }
0xd7: {  	v41 =	vimm.s32 $0x76543210;
	v43 =	vimm.s32 $0x87654321;
	v52 =	vadd.s32 $0xC, v28;
	[tilespmem:$0x1FF20] =	vst v46  }
0xd8: {  	v6 =	vunpack.c.l.s4.s8 v43;
	v5 =	vunpack.c.l.s4.s8 v41;
	v57 =	vcombine.low v4, v59;
	[tilespmem:$0x1FF30] =	vst v47  }
0xd9: {  	v48 =	vimm.s32 $0xA9876543;
	v60 =	vcombine.low v61, v62;
	[tilespmem:$0x1FF50] =	vst v52  }
0xda: {  	s2 =	srdreg.scid;
	s4 =	stileid.u32;
	s13 =	simm.s32 $0x16C00;
	v45 =	vimm.s32 $0x98765432;
	v6 =	vunpack.c.0.s8.s32 v6;
	v5 =	vunpack.c.0.s8.s32 v5;
	[tilespmem:$0x1FF90] =	vst v57  }
0xdb: {  	s14 =	simm.s32 $0x5;
	s15 =	simm.s32 $0x80;
	s16 =	simm.s32 $0x1000;
	v51 =	vunpack.c.l.s4.s8 v48;
	v63 =	vadd.s32 $0xF, v28;
	v7 =	vunpack.c.l.s4.s8 v45;
	[tilespmem:$0x1FFC0] =	vst v60  }
0xdc: {  	s18 =	simm.s32 $0x12C00;
	s19 =	simm.s32 $0x13C00;
	s20 =	simm.s32 $0x1;
	v6 =	vand.u32 $0xF, v6;
	v0 =	vor.u32 $0x10, v28;
	v49 =	vcombine.low v53, v5;
	[tilespmem:$0x1FFE0] =	vst v63  }
0xdd: {  	s21 =	simm.s32 $0x14C00;
	s22 =	simm.s32 $0x2;
	s23 =	simm.s32 $0x15C00;
	v53 =	vcombine.low v55, v56;
	v54 =	vcombine.low v56, v6;
	v56 =	vadd.s32 $0xD, v28;
	[tilespmem:$0x1FFF0] =	vst v0  }
0xde: {  	s24 =	simm.s32 $0x3;
	s25 =	simm.s32 $0x4;
	s2 =	sand.u32 $0x1, s2;
	v50 =	vunpack.c.0.s8.s32 v7;
	[tilespmem:$0x1FF80] =	vst v56  }
0xdf: {  	s26 =	simm.s32 $0x0;
	s4 =	sshll.u32 s4, $0x8;
	s5 =	sshll.u32 s2, $0x7;
	v55 =	vunpack.c.0.s8.s32 v51;
	[tilespmem:$0x1FF40] =	vst v49  }
0xe0: {  	s6 =	sadd.s32 $0x4BE00, s0;
	s2 =	ssub.s32 $0x2, s2;
	s4 =	sor.u32 s5, s4;
	v5 =	vand.u32 $0xF, v50;
	[tilespmem:$0x1FF60] =	vst v53  }
0xe1: {  	s7 =	sadd.s32 $0x1E9400, s0;
	s30 =	sshrl.u32 s2, $0x1;
	s9 =	sshrl.u32 s4, $0x3;
	v58 =	vcombine.low v59, v5;
	v59 =	vadd.s32 $0xE, v28;
	[tilespmem:$0x1FF70] =	vst v54;
	v61 =	vand.u32 $0xF, v55  }
0xe2: {  	s5 =	sadd.s32 $0x187800, s0;
	s10 =	sadd.s32 s9, s0;
	s0 =	ssub.s32 s2, s30;
	[tilespmem:$0x1FFB0] =	vst v59;
	v62 =	vcombine.low v62, v61  }
0xe3: {  	s31 =	sadd.s32 s9, s7;
	s8 =	sadd.s32 $0x32E00, s10;
	s9 =	sadd.s32 $0x19E00, s10;
	[tilespmem:$0x1FFA0] =	vst v58  }
0xe4: {  	s10 =	sadd.s32 $0xE00, s10;
	s11 =	sadd.s32 $0x31C000, s31;
	s12 =	smax.u32 s0, $0x1;
	v36 =	vimm.f32 $0.0e+00;
	[tilespmem:$0x1FFD0] =	vst v62  }
.LBB2_1:
0xe5: {  	[tilespmem:s13], [sflag:$0x5] =	stream.linear.gather [hbm4b:s6+s3], $0x7D00, $0x38;
	[tilespmem:$0x1E900] =	vst v63  }
0xe6: {  	_ =	swait.ge [sflag:s14], $0x7D00  }
0xe7: {  	[sflag:s14] =	ssyncset.done $0x0  }
0xe8: {  	[sflag:s14] =	ssyncadd.s32 $0xFFFF8300  }
0xe9: {  	[tilespmem:s3], [sflag:$0x5] =	stream.strided.gather [hbm4b:s8+s15], $0x6400, s16, s15, $0x38;
	[tilespmem:$0x1E900] =	vst v63  }
0xea: {  	_ =	swait.ge [sflag:s14], $0x6400  }
0xeb: {  	[sflag:s14] =	ssyncset.done $0x0  }
0xec: {  	s0 =	simm.s32 $0x6400;
	[sflag:s14] =	ssyncadd.s32 $0xFFFF9C00  }
0xed: {  	[tilespmem:s0], [sflag:$0x5] =	stream.strided.gather [hbm4b:s9+s15], $0x6400, s16, s15, $0x38;
	[tilespmem:$0x1E900] =	vst v63  }
0xee: {  	_ =	swait.ge [sflag:s14], $0x6400  }
0xef: {  	[sflag:s14] =	ssyncset.done $0x0  }
0xf0: {  	s28 =	simm.s32 $0xC800;
	[sflag:s14] =	ssyncadd.s32 $0xFFFF9C00  }
0xf1: {  	[tilespmem:s28], [sflag:$0x5] =	stream.strided.gather [hbm4b:s10+s15], $0x6400, s16, s15, $0x38;
	[tilespmem:$0x1E900] =	vst v63  }
0xf2: {  	_ =	swait.ge [sflag:s14], $0x6400  }
0xf3: {  	[sflag:s14] =	ssyncset.done $0x0  }
0xf4: {  	s17 =	simm.s32 $0xC780;
	s30 =	simm.s32 $0x0;
	[sflag:s14] =	ssyncadd.s32 $0xFFFF9C00  }
.LBB2_2:
0xf5: {  	p0 =	seq.s32 s30, $0x0  }
0xf6: {  	s2 =	simm.s32 @!p0 $0x3  }
0xf7: {  	_ =	swait.ge @!p0 [sflag:s2], $0x1000  }
0xf8: {  	v14 =	vld [tilespmem:$0x1FDD0]  }
0xf9: {  	v15 =	vld [tilespmem:$0x1FDE0]  }
0xfa: {  	v16 =	vld [tilespmem:$0x1FDF0]  }
0xfb: {  	v17 =	vld [tilespmem:$0x1FE00]  }
0xfc: {  	v18 =	vld [tilespmem:$0x1FE10]  }
0xfd: {  	v19 =	vld [tilespmem:$0x1FE20]  }
0xfe: {  	v20 =	vld [tilespmem:$0x1FE30]  }
0xff: {  	v21 =	vld [tilespmem:$0x1FE40]  }
0x100: {  	v46 =	vld [tilespmem:$0x1FE50]  }
0x101: {  	v47 =	vld [tilespmem:$0x1FE60]  }
0x102: {  	v58 =	vld [tilespmem:$0x1FF10]  }
0x103: {  	s0 =	sshll.u32 s30, $0x1;
	[sflag:s2] =	ssyncset.done @!p0 $0x0;
	v60 =	vld [tilespmem:$0x1FF30]  }
0x104: {  	s29 =	simm.s32 $0x200;
	v45 =	vlaneseq.u32;
	v63 =	vld [tilespmem:$0x1FF60];
	[sflag:s2] =	ssyncadd.s32 @!p0 $0xFFFFF000;
	s2 =	simm.s32 $0x0  }
.LBB2_3:
0x105: {  	p1 =	sne.s32 s29, $0x3E00;
	[tilespmem:s2+$0x12C70] =	vst v36  }
0x106: {  	[tilespmem:s2+$0x12C00] =	vst v36  }
0x107: {  	[tilespmem:s2+$0x12C10] =	vst v36  }
.Ltmp0:
0x108: {  	[tilespmem:s2+$0x12C20] =	vst v36;
	(pc) =	sbr.rel @p1 .LBB2_3-.Ltmp0, $4  }
0x109: {  	[tilespmem:s2+$0x12C30] =	vst v36  }
0x10a: {  	[tilespmem:s2+$0x12C40] =	vst v36  }
0x10b: {  	[tilespmem:s2+$0x12C50] =	vst v36  }
0x10c: {  	[tilespmem:s2+$0x12C60] =	vst v36;
	s2 =	sshra.s32 s29, $0x2;
	s29 =	sadd.s32 $0x200, s29  }
0x10d: {  	v48 =	vld [tilespmem:$0x1FE70]  }
0x10e: {  	v49 =	vld [tilespmem:$0x1FE80]  }
0x10f: {  	v50 =	vld [tilespmem:$0x1FE90]  }
0x110: {  	[tilespmem:s2+$0x12C70] =	vst v36;
	v51 =	vld [tilespmem:$0x1FEA0]  }
0x111: {  	[tilespmem:s2+$0x12C00] =	vst v36;
	v52 =	vld [tilespmem:$0x1FEB0]  }
0x112: {  	[tilespmem:s2+$0x12C10] =	vst v36;
	v53 =	vld [tilespmem:$0x1FEC0]  }
0x113: {  	[tilespmem:s2+$0x12C20] =	vst v36;
	v54 =	vld [tilespmem:$0x1FED0]  }
0x114: {  	[tilespmem:s2+$0x12C30] =	vst v36;
	v55 =	vld [tilespmem:$0x1FEE0]  }
0x115: {  	[tilespmem:s2+$0x12C40] =	vst v36;
	v56 =	vld [tilespmem:$0x1FEF0]  }
.Ltmp1:
0x116: {  	[tilespmem:s2+$0x12C50] =	vst v36;
	v57 =	vld [tilespmem:$0x1FF00];
	(pc) =	sbr.rel @p0 .LBB2_8-.Ltmp1, $4  }
0x117: {  	[tilespmem:s2+$0x12C60] =	vst v36;
	s31 =	sshll.u32 s30, $0x8;
	v59 =	vld [tilespmem:$0x1FF20]  }
0x118: {  	v61 =	vld [tilespmem:$0x1FF40];
	[tilespmem:s18], [sflag:$0x1] =	stream.indirect.gather.add.f32 [hbm:s5], $0x20, s31, s15, $0xb8  }
0x119: {  	v62 =	vld [tilespmem:$0x1FF50];
	s29 =	sadd.s32 $0x6400, s31  }
0x11a: {  	v4 =	vld [tilespmem:$0x1FF70];
	[tilespmem:s18], [sflag:$0x1] =	stream.indirect.gather.add.f32 [hbm:s1], $0x20, s29, s15, $0xb8  }
0x11b: {  	_ =	swait.ge [sflag:s22], $0x1000  }
0x11c: {  	[sflag:s22] =	ssyncset.done $0x0  }
0x11d: {  	[sflag:s22] =	ssyncadd.s32 $0xFFFFF000  }
0x11e: {  	_ =	swait.ge [sflag:s22], $0x1000  }
0x11f: {  	v22 =	vld [tilespmem:$0x1FCE0]  }
0x120: {  	v23 =	vld [tilespmem:$0x1FCF0]  }
0x121: {  	v24 =	vld [tilespmem:$0x1FD00]  }
0x122: {  	v25 =	vld [tilespmem:$0x1FD10]  }
0x123: {  	v26 =	vld [tilespmem:$0x1FD20]  }
0x124: {  	v27 =	vld [tilespmem:$0x1FD30]  }
0x125: {  	v28 =	vld [tilespmem:$0x1FD40]  }
0x126: {  	v29 =	vld [tilespmem:$0x1FD50]  }
0x127: {  	v30 =	vld [tilespmem:$0x1FD60]  }
0x128: {  	v31 =	vld [tilespmem:$0x1FD70]  }
0x129: {  	v32 =	vld [tilespmem:$0x1FD80]  }
0x12a: {  	v33 =	vld [tilespmem:$0x1FD90]  }
0x12b: {  	v34 =	vld [tilespmem:$0x1FDA0]  }
0x12c: {  	v35 =	vld [tilespmem:$0x1FDB0]  }
0x12d: {  	v0 =	vld [tilespmem:$0x1FDC0]  }
0x12e: {  	v1 =	vld [tilespmem:$0x1FC10]  }
0x12f: {  	v2 =	vld [tilespmem:$0x1FC20]  }
0x130: {  	v3 =	vld [tilespmem:$0x1FC30]  }
0x131: {  	v13 =	vld [tilespmem:$0x1FC40]  }
0x132: {  	v37 =	vld [tilespmem:$0x1FF80]  }
0x133: {  	v38 =	vld [tilespmem:$0x1FF90]  }
0x134: {  	v39 =	vld [tilespmem:$0x1FFA0]  }
0x135: {  	v40 =	vld [tilespmem:$0x1FFB0]  }
0x136: {  	v41 =	vld [tilespmem:$0x1FFC0]  }
0x137: {  	v42 =	vld [tilespmem:$0x1FFD0]  }
0x138: {  	s0 =	sadd.s32 $0xFFFFFFFF, s0;
	[sflag:s22] =	ssyncset.done $0x0;
	v43 =	vld [tilespmem:$0x1FFE0]  }
0x139: {  	s2 =	simm.s32 $0x0;
	s29 =	smov.u32 s17;
	v44 =	vld [tilespmem:$0x1FFF0];
	[sflag:s22] =	ssyncadd.s32 $0xFFFFF000  }
.LBB2_6:
0x13a: {  	v6 =	vld [tilespmem:s29+$0x0];
	_ =	sdelay $0x4  }
0x13b: {  	v7 =	vshll.u32 v6, $0x5  }
0x13c: {  	v6 =	vor.u32 v45, v7;
	_ =	sdelay $0x1  }
0x13d: {  	v8 =	vor.u32 s2, v45  }
0x13e: {  	v5 =	vshll.u32 v8, $0x5  }
0x13f: {  	v9 =	vor.u32 v45, v5  }
0x140: {  	v10 =	vld.idx.msk [tilespmem:v6+s13+$0x0], $0xffff  }
0x141: {  	v6 =	vand.u32 $0x78, v8;
	v8 =	vld [tilespmem:$0x1FC50];
	_ =	sdelay $0x2  }
0x142: {  	v9 =	vld.idx.msk [tilespmem:v9+s19+$0x0], $0xffff;
	_ =	sdelay $0x1  }
0x143: {  	v8 =	vor.u32 v8, v6  }
0x144: {  	v11 =	vor.u32 v46, v5  }
0x145: {  	v12 =	vor.u32 v46, v7  }
0x146: {  	v9 =	vadd.f32 v10, v9  }
0x147: {  	v10 =	vld [tilespmem:$0x1FC60]  }
0x148: {  	[tilespmem:v8+s23+$0x0] =	vst.idx.msk $0xffff, v9  }
0x149: {  	v8 =	vld.idx.msk [tilespmem:v11+s19+$0x0], $0xffff  }
0x14a: {  	v9 =	vld.idx.msk [tilespmem:v12+s13+$0x0], $0xffff;
	_ =	sdelay $0x1  }
0x14b: {  	v10 =	vor.u32 v10, v6;
	_ =	sdelay $0x1  }
0x14c: {  	v11 =	vor.u32 v47, v5  }
0x14d: {  	v12 =	vor.u32 v47, v7;
	v8 =	vadd.f32 v9, v8;
	_ =	sdelay $0x1  }
0x14e: {  	[tilespmem:v10+s23+$0x0] =	vst.idx.msk $0xffff, v8;
	v10 =	vld [tilespmem:$0x1FC70];
	_ =	sdelay $0x1  }
0x14f: {  	v8 =	vld.idx.msk [tilespmem:v11+s19+$0x0], $0xffff  }
0x150: {  	v9 =	vld.idx.msk [tilespmem:v12+s13+$0x0], $0xffff;
	_ =	sdelay $0x1  }
0x151: {  	v10 =	vor.u32 v10, v6;
	_ =	sdelay $0x1  }
0x152: {  	v11 =	vor.u32 v48, v5  }
0x153: {  	v12 =	vor.u32 v48, v7;
	v8 =	vadd.f32 v9, v8;
	_ =	sdelay $0x1  }
0x154: {  	[tilespmem:v10+s23+$0x0] =	vst.idx.msk $0xffff, v8;
	v10 =	vld [tilespmem:$0x1FC80];
	_ =	sdelay $0x1  }
0x155: {  	v8 =	vld.idx.msk [tilespmem:v11+s19+$0x0], $0xffff  }
0x156: {  	v9 =	vld.idx.msk [tilespmem:v12+s13+$0x0], $0xffff;
	_ =	sdelay $0x1  }
0x157: {  	v10 =	vor.u32 v10, v6;
	_ =	sdelay $0x1  }
0x158: {  	v11 =	vor.u32 v49, v5  }
0x159: {  	v12 =	vor.u32 v49, v7;
	v8 =	vadd.f32 v9, v8;
	_ =	sdelay $0x1  }
0x15a: {  	[tilespmem:v10+s23+$0x0] =	vst.idx.msk $0xffff, v8;
	v10 =	vld [tilespmem:$0x1FC90];
	_ =	sdelay $0x1  }
0x15b: {  	v8 =	vld.idx.msk [tilespmem:v11+s19+$0x0], $0xffff  }
0x15c: {  	v9 =	vld.idx.msk [tilespmem:v12+s13+$0x0], $0xffff;
	_ =	sdelay $0x1  }
0x15d: {  	v10 =	vor.u32 v10, v6;
	_ =	sdelay $0x1  }
0x15e: {  	v11 =	vor.u32 v50, v5  }
0x15f: {  	v12 =	vor.u32 v50, v7;
	v8 =	vadd.f32 v9, v8;
	_ =	sdelay $0x1  }
0x160: {  	[tilespmem:v10+s23+$0x0] =	vst.idx.msk $0xffff, v8;
	v10 =	vld [tilespmem:$0x1FCA0];
	_ =	sdelay $0x1  }
0x161: {  	v8 =	vld.idx.msk [tilespmem:v11+s19+$0x0], $0xffff  }
0x162: {  	v9 =	vld.idx.msk [tilespmem:v12+s13+$0x0], $0xffff;
	_ =	sdelay $0x1  }
0x163: {  	v10 =	vor.u32 v10, v6;
	_ =	sdelay $0x1  }
0x164: {  	v11 =	vor.u32 v51, v5  }
0x165: {  	v12 =	vor.u32 v51, v7;
	v8 =	vadd.f32 v9, v8;
	_ =	sdelay $0x1  }
0x166: {  	[tilespmem:v10+s23+$0x0] =	vst.idx.msk $0xffff, v8;
	v10 =	vld [tilespmem:$0x1FCB0];
	_ =	sdelay $0x1  }
0x167: {  	v8 =	vld.idx.msk [tilespmem:v11+s19+$0x0], $0xffff  }
0x168: {  	v9 =	vld.idx.msk [tilespmem:v12+s13+$0x0], $0xffff;
	_ =	sdelay $0x1  }
0x169: {  	v10 =	vor.u32 v10, v6;
	_ =	sdelay $0x1  }
0x16a: {  	v11 =	vor.u32 v52, v5  }
0x16b: {  	v12 =	vor.u32 v52, v7;
	v8 =	vadd.f32 v9, v8;
	_ =	sdelay $0x1  }
0x16c: {  	[tilespmem:v10+s23+$0x0] =	vst.idx.msk $0xffff, v8;
	v10 =	vld [tilespmem:$0x1FCC0];
	_ =	sdelay $0x1  }
0x16d: {  	v8 =	vld.idx.msk [tilespmem:v11+s19+$0x0], $0xffff  }
0x16e: {  	v9 =	vld.idx.msk [tilespmem:v12+s13+$0x0], $0xffff;
	_ =	sdelay $0x1  }
0x16f: {  	v10 =	vor.u32 v10, v6;
	_ =	sdelay $0x1  }
0x170: {  	v11 =	vor.u32 v53, v5  }
0x171: {  	v12 =	vor.u32 v53, v7;
	v8 =	vadd.f32 v9, v8;
	_ =	sdelay $0x1  }
0x172: {  	[tilespmem:v10+s23+$0x0] =	vst.idx.msk $0xffff, v8;
	v10 =	vld [tilespmem:$0x1FCD0];
	_ =	sdelay $0x1  }
0x173: {  	v8 =	vld.idx.msk [tilespmem:v11+s19+$0x0], $0xffff  }
0x174: {  	v9 =	vld.idx.msk [tilespmem:v12+s13+$0x0], $0xffff;
	_ =	sdelay $0x1  }
0x175: {  	v10 =	vor.u32 v10, v6  }
0x176: {  	v11 =	vor.u32 v54, v5  }
0x177: {  	v12 =	vor.u32 v54, v7  }
0x178: {  	v8 =	vadd.f32 v9, v8;
	_ =	sdelay $0x1  }
0x179: {  	[tilespmem:v10+s23+$0x0] =	vst.idx.msk $0xffff, v8  }
0x17a: {  	v8 =	vld.idx.msk [tilespmem:v11+s19+$0x0], $0xffff  }
0x17b: {  	v9 =	vld.idx.msk [tilespmem:v12+s13+$0x0], $0xffff;
	_ =	sdelay $0x1  }
0x17c: {  	v10 =	vor.u32 v22, v6  }
0x17d: {  	v11 =	vor.u32 v55, v5  }
0x17e: {  	v12 =	vor.u32 v55, v7  }
0x17f: {  	v8 =	vadd.f32 v9, v8;
	_ =	sdelay $0x1  }
0x180: {  	[tilespmem:v10+s23+$0x0] =	vst.idx.msk $0xffff, v8  }
0x181: {  	v8 =	vld.idx.msk [tilespmem:v11+s19+$0x0], $0xffff  }
0x182: {  	v9 =	vld.idx.msk [tilespmem:v12+s13+$0x0], $0xffff;
	_ =	sdelay $0x1  }
0x183: {  	v10 =	vor.u32 v23, v6  }
0x184: {  	v11 =	vor.u32 v59, v5  }
0x185: {  	v12 =	vor.u32 v59, v7  }
0x186: {  	v8 =	vadd.f32 v9, v8;
	_ =	sdelay $0x1  }
0x187: {  	[tilespmem:v10+s23+$0x0] =	vst.idx.msk $0xffff, v8  }
0x188: {  	v8 =	vld.idx.msk [tilespmem:v11+s19+$0x0], $0xffff  }
0x189: {  	v9 =	vld.idx.msk [tilespmem:v12+s13+$0x0], $0xffff;
	_ =	sdelay $0x1  }
0x18a: {  	v10 =	vor.u32 v24, v6  }
0x18b: {  	v11 =	vor.u32 v62, v5  }
0x18c: {  	v12 =	vor.u32 v62, v7  }
0x18d: {  	v8 =	vadd.f32 v9, v8;
	_ =	sdelay $0x1  }
0x18e: {  	[tilespmem:v10+s23+$0x0] =	vst.idx.msk $0xffff, v8  }
0x18f: {  	v8 =	vld.idx.msk [tilespmem:v11+s19+$0x0], $0xffff  }
0x190: {  	v9 =	vld.idx.msk [tilespmem:v12+s13+$0x0], $0xffff;
	_ =	sdelay $0x1  }
0x191: {  	v10 =	vor.u32 v25, v6  }
0x192: {  	v11 =	vor.u32 v37, v5  }
0x193: {  	v12 =	vor.u32 v37, v7  }
0x194: {  	v8 =	vadd.f32 v9, v8;
	_ =	sdelay $0x1  }
0x195: {  	[tilespmem:v10+s23+$0x0] =	vst.idx.msk $0xffff, v8  }
0x196: {  	v8 =	vld.idx.msk [tilespmem:v11+s19+$0x0], $0xffff  }
0x197: {  	v9 =	vld.idx.msk [tilespmem:v12+s13+$0x0], $0xffff;
	_ =	sdelay $0x1  }
0x198: {  	v10 =	vor.u32 v26, v6  }
0x199: {  	v11 =	vor.u32 v40, v5  }
0x19a: {  	v12 =	vor.u32 v40, v7  }
0x19b: {  	v8 =	vadd.f32 v9, v8;
	_ =	sdelay $0x1  }
0x19c: {  	[tilespmem:v10+s23+$0x0] =	vst.idx.msk $0xffff, v8  }
0x19d: {  	v8 =	vld.idx.msk [tilespmem:v11+s19+$0x0], $0xffff  }
0x19e: {  	v9 =	vld.idx.msk [tilespmem:v12+s13+$0x0], $0xffff;
	_ =	sdelay $0x1  }
0x19f: {  	v10 =	vor.u32 v27, v6  }
0x1a0: {  	v11 =	vor.u32 v43, v5  }
0x1a1: {  	v12 =	vor.u32 v43, v7  }
0x1a2: {  	v8 =	vadd.f32 v9, v8;
	_ =	sdelay $0x1  }
0x1a3: {  	[tilespmem:v10+s23+$0x0] =	vst.idx.msk $0xffff, v8  }
0x1a4: {  	v8 =	vld.idx.msk [tilespmem:v11+s19+$0x0], $0xffff  }
0x1a5: {  	v9 =	vld.idx.msk [tilespmem:v12+s13+$0x0], $0xffff;
	_ =	sdelay $0x1  }
0x1a6: {  	v10 =	vor.u32 v28, v6  }
0x1a7: {  	v11 =	vor.u32 v44, v5  }
0x1a8: {  	v12 =	vor.u32 v44, v7  }
0x1a9: {  	v8 =	vadd.f32 v9, v8;
	_ =	sdelay $0x1  }
0x1aa: {  	[tilespmem:v10+s23+$0x0] =	vst.idx.msk $0xffff, v8  }
0x1ab: {  	v8 =	vld.idx.msk [tilespmem:v11+s19+$0x0], $0xffff  }
0x1ac: {  	v9 =	vld.idx.msk [tilespmem:v12+s13+$0x0], $0xffff;
	_ =	sdelay $0x1  }
0x1ad: {  	v10 =	vor.u32 v29, v6  }
0x1ae: {  	v11 =	vor.u32 v63, v5  }
0x1af: {  	v12 =	vor.u32 v63, v7  }
0x1b0: {  	v8 =	vadd.f32 v9, v8;
	_ =	sdelay $0x1  }
0x1b1: {  	[tilespmem:v10+s23+$0x0] =	vst.idx.msk $0xffff, v8  }
0x1b2: {  	v8 =	vld.idx.msk [tilespmem:v11+s19+$0x0], $0xffff  }
0x1b3: {  	v9 =	vld.idx.msk [tilespmem:v12+s13+$0x0], $0xffff;
	_ =	sdelay $0x1  }
0x1b4: {  	v10 =	vor.u32 v30, v6  }
0x1b5: {  	v11 =	vor.u32 v38, v5  }
0x1b6: {  	v12 =	vor.u32 v38, v7  }
0x1b7: {  	v8 =	vadd.f32 v9, v8;
	_ =	sdelay $0x1  }
0x1b8: {  	[tilespmem:v10+s23+$0x0] =	vst.idx.msk $0xffff, v8  }
0x1b9: {  	v8 =	vld.idx.msk [tilespmem:v11+s19+$0x0], $0xffff  }
0x1ba: {  	v9 =	vld.idx.msk [tilespmem:v12+s13+$0x0], $0xffff;
	_ =	sdelay $0x1  }
0x1bb: {  	v10 =	vor.u32 v31, v6  }
0x1bc: {  	v11 =	vor.u32 v41, v5  }
0x1bd: {  	v12 =	vor.u32 v41, v7  }
0x1be: {  	v8 =	vadd.f32 v9, v8;
	_ =	sdelay $0x1  }
0x1bf: {  	[tilespmem:v10+s23+$0x0] =	vst.idx.msk $0xffff, v8  }
0x1c0: {  	v8 =	vld.idx.msk [tilespmem:v11+s19+$0x0], $0xffff  }
0x1c1: {  	v9 =	vld.idx.msk [tilespmem:v12+s13+$0x0], $0xffff;
	_ =	sdelay $0x1  }
0x1c2: {  	v10 =	vor.u32 v32, v6  }
0x1c3: {  	v11 =	vor.u32 v56, v5  }
0x1c4: {  	v12 =	vor.u32 v56, v7  }
0x1c5: {  	v8 =	vadd.f32 v9, v8;
	_ =	sdelay $0x1  }
0x1c6: {  	[tilespmem:v10+s23+$0x0] =	vst.idx.msk $0xffff, v8  }
0x1c7: {  	v8 =	vld.idx.msk [tilespmem:v11+s19+$0x0], $0xffff  }
0x1c8: {  	v9 =	vld.idx.msk [tilespmem:v12+s13+$0x0], $0xffff;
	_ =	sdelay $0x1  }
0x1c9: {  	v10 =	vor.u32 v33, v6  }
0x1ca: {  	v11 =	vor.u32 v57, v5  }
0x1cb: {  	v12 =	vor.u32 v57, v7  }
0x1cc: {  	v8 =	vadd.f32 v9, v8;
	_ =	sdelay $0x1  }
0x1cd: {  	[tilespmem:v10+s23+$0x0] =	vst.idx.msk $0xffff, v8  }
0x1ce: {  	v8 =	vld.idx.msk [tilespmem:v11+s19+$0x0], $0xffff  }
0x1cf: {  	v9 =	vld.idx.msk [tilespmem:v12+s13+$0x0], $0xffff;
	_ =	sdelay $0x1  }
0x1d0: {  	v10 =	vor.u32 v34, v6  }
0x1d1: {  	v11 =	vor.u32 v58, v5  }
0x1d2: {  	v12 =	vor.u32 v58, v7  }
0x1d3: {  	v8 =	vadd.f32 v9, v8;
	_ =	sdelay $0x1  }
0x1d4: {  	[tilespmem:v10+s23+$0x0] =	vst.idx.msk $0xffff, v8  }
0x1d5: {  	v8 =	vld.idx.msk [tilespmem:v11+s19+$0x0], $0xffff  }
0x1d6: {  	v9 =	vld.idx.msk [tilespmem:v12+s13+$0x0], $0xffff;
	_ =	sdelay $0x1  }
0x1d7: {  	v10 =	vor.u32 v35, v6  }
0x1d8: {  	v11 =	vor.u32 v60, v5  }
0x1d9: {  	v12 =	vor.u32 v60, v7  }
0x1da: {  	v8 =	vadd.f32 v9, v8;
	_ =	sdelay $0x1  }
0x1db: {  	[tilespmem:v10+s23+$0x0] =	vst.idx.msk $0xffff, v8  }
0x1dc: {  	v8 =	vld.idx.msk [tilespmem:v11+s19+$0x0], $0xffff  }
0x1dd: {  	v9 =	vld.idx.msk [tilespmem:v12+s13+$0x0], $0xffff;
	_ =	sdelay $0x1  }
0x1de: {  	v10 =	vor.u32 v0, v6  }
0x1df: {  	v11 =	vor.u32 v61, v5  }
0x1e0: {  	v12 =	vor.u32 v61, v7  }
0x1e1: {  	v8 =	vadd.f32 v9, v8;
	_ =	sdelay $0x1  }
0x1e2: {  	[tilespmem:v10+s23+$0x0] =	vst.idx.msk $0xffff, v8  }
0x1e3: {  	v8 =	vld.idx.msk [tilespmem:v11+s19+$0x0], $0xffff  }
0x1e4: {  	v9 =	vld.idx.msk [tilespmem:v12+s13+$0x0], $0xffff;
	_ =	sdelay $0x1  }
0x1e5: {  	v10 =	vor.u32 v14, v6  }
0x1e6: {  	v11 =	vor.u32 v4, v5  }
0x1e7: {  	v12 =	vor.u32 v4, v7  }
0x1e8: {  	v8 =	vadd.f32 v9, v8;
	_ =	sdelay $0x1  }
0x1e9: {  	[tilespmem:v10+s23+$0x0] =	vst.idx.msk $0xffff, v8  }
0x1ea: {  	v8 =	vld.idx.msk [tilespmem:v11+s19+$0x0], $0xffff  }
0x1eb: {  	v9 =	vld.idx.msk [tilespmem:v12+s13+$0x0], $0xffff;
	_ =	sdelay $0x1  }
0x1ec: {  	v10 =	vor.u32 v15, v6  }
0x1ed: {  	v11 =	vor.u32 v39, v5  }
0x1ee: {  	v12 =	vor.u32 v39, v7  }
0x1ef: {  	v8 =	vadd.f32 v9, v8;
	_ =	sdelay $0x1  }
0x1f0: {  	[tilespmem:v10+s23+$0x0] =	vst.idx.msk $0xffff, v8  }
0x1f1: {  	v8 =	vld.idx.msk [tilespmem:v11+s19+$0x0], $0xffff  }
0x1f2: {  	v9 =	vld.idx.msk [tilespmem:v12+s13+$0x0], $0xffff;
	_ =	sdelay $0x1  }
0x1f3: {  	v10 =	vor.u32 v16, v6  }
0x1f4: {  	v11 =	vor.u32 v42, v5  }
0x1f5: {  	v12 =	vor.u32 v42, v7  }
0x1f6: {  	v8 =	vadd.f32 v9, v8;
	_ =	sdelay $0x1  }
0x1f7: {  	[tilespmem:v10+s23+$0x0] =	vst.idx.msk $0xffff, v8  }
0x1f8: {  	v8 =	vld.idx.msk [tilespmem:v11+s19+$0x0], $0xffff  }
0x1f9: {  	v9 =	vld.idx.msk [tilespmem:v12+s13+$0x0], $0xffff;
	_ =	sdelay $0x1  }
0x1fa: {  	v10 =	vor.u32 v17, v6  }
0x1fb: {  	v11 =	vor.u32 v1, v5  }
0x1fc: {  	v12 =	vor.u32 v1, v7  }
0x1fd: {  	v8 =	vadd.f32 v9, v8;
	_ =	sdelay $0x1  }
0x1fe: {  	[tilespmem:v10+s23+$0x0] =	vst.idx.msk $0xffff, v8  }
0x1ff: {  	v8 =	vld.idx.msk [tilespmem:v11+s19+$0x0], $0xffff  }
0x200: {  	v9 =	vld.idx.msk [tilespmem:v12+s13+$0x0], $0xffff;
	_ =	sdelay $0x1  }
0x201: {  	v10 =	vor.u32 v18, v6  }
0x202: {  	v11 =	vor.u32 v2, v5  }
0x203: {  	v12 =	vor.u32 v2, v7  }
0x204: {  	v8 =	vadd.f32 v9, v8;
	_ =	sdelay $0x1  }
0x205: {  	[tilespmem:v10+s23+$0x0] =	vst.idx.msk $0xffff, v8  }
0x206: {  	v8 =	vld.idx.msk [tilespmem:v11+s19+$0x0], $0xffff  }
0x207: {  	v9 =	vld.idx.msk [tilespmem:v12+s13+$0x0], $0xffff;
	_ =	sdelay $0x1  }
0x208: {  	v10 =	vor.u32 v19, v6  }
0x209: {  	v11 =	vor.u32 v3, v5  }
0x20a: {  	v12 =	vor.u32 v3, v7  }
0x20b: {  	v8 =	vadd.f32 v9, v8;
	_ =	sdelay $0x1  }
0x20c: {  	[tilespmem:v10+s23+$0x0] =	vst.idx.msk $0xffff, v8  }
0x20d: {  	v8 =	vld.idx.msk [tilespmem:v11+s19+$0x0], $0xffff  }
0x20e: {  	v9 =	vld.idx.msk [tilespmem:v12+s13+$0x0], $0xffff;
	_ =	sdelay $0x1  }
0x20f: {  	v10 =	vor.u32 v20, v6  }
0x210: {  	v5 =	vor.u32 v13, v5  }
0x211: {  	v7 =	vor.u32 v13, v7  }
0x212: {  	v8 =	vadd.f32 v9, v8;
	_ =	sdelay $0x1  }
0x213: {  	[tilespmem:v10+s23+$0x0] =	vst.idx.msk $0xffff, v8  }
0x214: {  	v5 =	vld.idx.msk [tilespmem:v5+s19+$0x0], $0xffff  }
0x215: {  	v7 =	vld.idx.msk [tilespmem:v7+s13+$0x0], $0xffff;
	_ =	sdelay $0x1  }
0x216: {  	p0 =	sne.s32 s2, $0x70;
	v6 =	vor.u32 v21, v6  }
.Ltmp2:
0x217: {  	_ = 	snop;
	(pc) =	sbr.rel @p0 .LBB2_6-.Ltmp2, $3  }
0x218: {  	_ = 	snop  }
0x219: {  	v5 =	vadd.f32 v7, v5;
	_ =	sdelay $0x1  }
0x21a: {  	s29 =	sadd.s32 $0x10, s29;
	s2 =	sadd.s32 $0x10, s2;
	[tilespmem:v6+s23+$0x0] =	vst.idx.msk $0xffff, v5  }
0x21b: {  	s0 =	sshll.u32 s0, $0x11  }
0x21c: {  	s0 =	sor.u32 s4, s0  }
0x21d: {  	s0 =	sshrl.u32 s0, $0x3  }
0x21e: {  	s0 =	sadd.s32 s7, s0  }
0x21f: {  	[hbm4b:s0+s15] =	stream.strided.scatter [tilespmem:s23], [sflag:$0x4], $0x1000, s16, s15, $0x38;
	[tilespmem:$0x1E900] =	vst v63  }
0x220: {  	_ =	swait.ge [sflag:s25], $0x1000  }
0x221: {  	[sflag:s25] =	ssyncset.done $0x0  }
0x222: {  	[sflag:s25] =	ssyncadd.s32 $0xFFFFF000  }
.LBB2_8:
0x223: {  	s0 =	simm.s32 $0x0;
	s2 =	simm.s32 $0x200  }
.LBB2_9:
0x224: {  	p0 =	sne.s32 s2, $0x3E00;
	[tilespmem:s0+$0x13C70] =	vst v36  }
0x225: {  	[tilespmem:s0+$0x13C00] =	vst v36  }
0x226: {  	[tilespmem:s0+$0x13C10] =	vst v36  }
.Ltmp3:
0x227: {  	[tilespmem:s0+$0x13C20] =	vst v36;
	(pc) =	sbr.rel @p0 .LBB2_9-.Ltmp3, $4  }
0x228: {  	[tilespmem:s0+$0x13C30] =	vst v36  }
0x229: {  	[tilespmem:s0+$0x13C40] =	vst v36  }
0x22a: {  	[tilespmem:s0+$0x13C50] =	vst v36  }
0x22b: {  	[tilespmem:s0+$0x13C60] =	vst v36;
	s0 =	sshra.s32 s2, $0x2;
	s2 =	sadd.s32 $0x200, s2  }
0x22c: {  	[tilespmem:s0+$0x13C70] =	vst v36  }
0x22d: {  	[tilespmem:s0+$0x13C00] =	vst v36  }
0x22e: {  	[tilespmem:s0+$0x13C10] =	vst v36  }
0x22f: {  	[tilespmem:s0+$0x13C20] =	vst v36  }
0x230: {  	[tilespmem:s0+$0x13C30] =	vst v36  }
0x231: {  	[tilespmem:s0+$0x13C40] =	vst v36  }
0x232: {  	[tilespmem:s0+$0x13C50] =	vst v36  }
0x233: {  	[tilespmem:s0+$0x13C60] =	vst v36;
	s29 =	sor.u32 $0x80, s31  }
0x234: {  	[tilespmem:s19], [sflag:$0x2] =	stream.indirect.gather.add.f32 [hbm:s5], $0x20, s29, s15, $0xb8;
	[tilespmem:$0x1E900] =	vst v63  }
0x235: {  	s31 =	sadd.s32 $0x6480, s31  }
0x236: {  	[tilespmem:s19], [sflag:$0x2] =	stream.indirect.gather.add.f32 [hbm:s1], $0x20, s31, s15, $0xb8;
	[tilespmem:$0x1E900] =	vst v63  }
0x237: {  	_ =	swait.ge [sflag:s20], $0x1000  }
0x238: {  	[sflag:s20] =	ssyncset.done $0x0  }
0x239: {  	[sflag:s20] =	ssyncadd.s32 $0xFFFFF000  }
0x23a: {  	_ =	swait.ge [sflag:s20], $0x1000  }
0x23b: {  	v22 =	vld [tilespmem:$0x1FCE0]  }
0x23c: {  	v23 =	vld [tilespmem:$0x1FCF0]  }
0x23d: {  	v24 =	vld [tilespmem:$0x1FD00]  }
0x23e: {  	v25 =	vld [tilespmem:$0x1FD10]  }
0x23f: {  	v26 =	vld [tilespmem:$0x1FD20]  }
0x240: {  	v27 =	vld [tilespmem:$0x1FD30]  }
0x241: {  	v28 =	vld [tilespmem:$0x1FD40]  }
0x242: {  	v29 =	vld [tilespmem:$0x1FD50]  }
0x243: {  	v30 =	vld [tilespmem:$0x1FD60]  }
0x244: {  	v31 =	vld [tilespmem:$0x1FD70]  }
0x245: {  	v32 =	vld [tilespmem:$0x1FD80]  }
0x246: {  	v33 =	vld [tilespmem:$0x1FD90]  }
0x247: {  	v34 =	vld [tilespmem:$0x1FDA0]  }
0x248: {  	v35 =	vld [tilespmem:$0x1FDB0]  }
0x249: {  	v0 =	vld [tilespmem:$0x1FDC0]  }
0x24a: {  	v1 =	vld [tilespmem:$0x1FC10]  }
0x24b: {  	v2 =	vld [tilespmem:$0x1FC20]  }
0x24c: {  	v3 =	vld [tilespmem:$0x1FC30]  }
0x24d: {  	v37 =	vld [tilespmem:$0x1FC40]  }
0x24e: {  	v38 =	vld [tilespmem:$0x1FDD0]  }
0x24f: {  	v39 =	vld [tilespmem:$0x1FDE0]  }
0x250: {  	v40 =	vld [tilespmem:$0x1FDF0]  }
0x251: {  	v41 =	vld [tilespmem:$0x1FE00]  }
0x252: {  	v42 =	vld [tilespmem:$0x1FE10]  }
0x253: {  	v43 =	vld [tilespmem:$0x1FE20]  }
0x254: {  	v44 =	vld [tilespmem:$0x1FE30]  }
0x255: {  	v45 =	vld [tilespmem:$0x1FE40]  }
0x256: {  	v47 =	vld [tilespmem:$0x1FE50]  }
0x257: {  	v48 =	vld [tilespmem:$0x1FE60]  }
0x258: {  	v49 =	vld [tilespmem:$0x1FE70]  }
0x259: {  	v50 =	vld [tilespmem:$0x1FE80]  }
0x25a: {  	v51 =	vld [tilespmem:$0x1FE90]  }
0x25b: {  	v52 =	vld [tilespmem:$0x1FEA0]  }
0x25c: {  	v53 =	vld [tilespmem:$0x1FEB0]  }
0x25d: {  	v54 =	vld [tilespmem:$0x1FEC0]  }
0x25e: {  	v55 =	vld [tilespmem:$0x1FED0]  }
0x25f: {  	v56 =	vld [tilespmem:$0x1FEE0]  }
0x260: {  	v57 =	vld [tilespmem:$0x1FEF0]  }
0x261: {  	v58 =	vld [tilespmem:$0x1FF00]  }
0x262: {  	v59 =	vld [tilespmem:$0x1FF10]  }
0x263: {  	v60 =	vld [tilespmem:$0x1FF20]  }
0x264: {  	v61 =	vld [tilespmem:$0x1FF30]  }
0x265: {  	v62 =	vld [tilespmem:$0x1FF40]  }
0x266: {  	v63 =	vld [tilespmem:$0x1FF50]  }
0x267: {  	v4 =	vld [tilespmem:$0x1FF60]  }
0x268: {  	v13 =	vld [tilespmem:$0x1FF70]  }
0x269: {  	v14 =	vld [tilespmem:$0x1FF80]  }
0x26a: {  	v15 =	vld [tilespmem:$0x1FF90]  }
0x26b: {  	v16 =	vld [tilespmem:$0x1FFA0]  }
0x26c: {  	v17 =	vld [tilespmem:$0x1FFB0]  }
0x26d: {  	v18 =	vld [tilespmem:$0x1FFC0]  }
0x26e: {  	v19 =	vld [tilespmem:$0x1FFD0]  }
0x26f: {  	[sflag:s20] =	ssyncset.done $0x0;
	v20 =	vld [tilespmem:$0x1FFE0]  }
0x270: {  	s0 =	simm.s32 $0x0;
	s2 =	smov.u32 s28;
	v46 =	vlaneseq.u32;
	v21 =	vld [tilespmem:$0x1FFF0];
	[sflag:s20] =	ssyncadd.s32 $0xFFFFF000  }
.LBB2_11:
0x271: {  	v6 =	vld [tilespmem:s2+$0x0];
	_ =	sdelay $0x4  }
0x272: {  	v7 =	vshll.u32 v6, $0x5  }
0x273: {  	v6 =	vor.u32 v46, v7;
	_ =	sdelay $0x1  }
0x274: {  	v8 =	vor.u32 s0, v46  }
0x275: {  	v5 =	vshll.u32 v8, $0x5  }
0x276: {  	v9 =	vor.u32 v46, v5  }
0x277: {  	v10 =	vld.idx.msk [tilespmem:v6+s13+$0x0], $0xffff  }
0x278: {  	v6 =	vand.u32 $0x78, v8;
	v8 =	vld [tilespmem:$0x1FC50];
	_ =	sdelay $0x2  }
0x279: {  	v9 =	vld.idx.msk [tilespmem:v9+s18+$0x0], $0xffff;
	_ =	sdelay $0x1  }
0x27a: {  	v8 =	vor.u32 v8, v6  }
0x27b: {  	v11 =	vor.u32 v47, v5  }
0x27c: {  	v12 =	vor.u32 v47, v7  }
0x27d: {  	v9 =	vadd.f32 v10, v9  }
0x27e: {  	v10 =	vld [tilespmem:$0x1FC60]  }
0x27f: {  	[tilespmem:v8+s21+$0x0] =	vst.idx.msk $0xffff, v9  }
0x280: {  	v8 =	vld.idx.msk [tilespmem:v11+s18+$0x0], $0xffff  }
0x281: {  	v9 =	vld.idx.msk [tilespmem:v12+s13+$0x0], $0xffff;
	_ =	sdelay $0x1  }
0x282: {  	v10 =	vor.u32 v10, v6;
	_ =	sdelay $0x1  }
0x283: {  	v11 =	vor.u32 v48, v5  }
0x284: {  	v12 =	vor.u32 v48, v7;
	v8 =	vadd.f32 v9, v8;
	_ =	sdelay $0x1  }
0x285: {  	[tilespmem:v10+s21+$0x0] =	vst.idx.msk $0xffff, v8;
	v10 =	vld [tilespmem:$0x1FC70];
	_ =	sdelay $0x1  }
0x286: {  	v8 =	vld.idx.msk [tilespmem:v11+s18+$0x0], $0xffff  }
0x287: {  	v9 =	vld.idx.msk [tilespmem:v12+s13+$0x0], $0xffff;
	_ =	sdelay $0x1  }
0x288: {  	v10 =	vor.u32 v10, v6;
	_ =	sdelay $0x1  }
0x289: {  	v11 =	vor.u32 v49, v5  }
0x28a: {  	v12 =	vor.u32 v49, v7;
	v8 =	vadd.f32 v9, v8;
	_ =	sdelay $0x1  }
0x28b: {  	[tilespmem:v10+s21+$0x0] =	vst.idx.msk $0xffff, v8;
	v10 =	vld [tilespmem:$0x1FC80];
	_ =	sdelay $0x1  }
0x28c: {  	v8 =	vld.idx.msk [tilespmem:v11+s18+$0x0], $0xffff  }
0x28d: {  	v9 =	vld.idx.msk [tilespmem:v12+s13+$0x0], $0xffff;
	_ =	sdelay $0x1  }
0x28e: {  	v10 =	vor.u32 v10, v6;
	_ =	sdelay $0x1  }
0x28f: {  	v11 =	vor.u32 v50, v5  }
0x290: {  	v12 =	vor.u32 v50, v7;
	v8 =	vadd.f32 v9, v8;
	_ =	sdelay $0x1  }
0x291: {  	[tilespmem:v10+s21+$0x0] =	vst.idx.msk $0xffff, v8;
	v10 =	vld [tilespmem:$0x1FC90];
	_ =	sdelay $0x1  }
0x292: {  	v8 =	vld.idx.msk [tilespmem:v11+s18+$0x0], $0xffff  }
0x293: {  	v9 =	vld.idx.msk [tilespmem:v12+s13+$0x0], $0xffff;
	_ =	sdelay $0x1  }
0x294: {  	v10 =	vor.u32 v10, v6;
	_ =	sdelay $0x1  }
0x295: {  	v11 =	vor.u32 v51, v5  }
0x296: {  	v12 =	vor.u32 v51, v7;
	v8 =	vadd.f32 v9, v8;
	_ =	sdelay $0x1  }
0x297: {  	[tilespmem:v10+s21+$0x0] =	vst.idx.msk $0xffff, v8;
	v10 =	vld [tilespmem:$0x1FCA0];
	_ =	sdelay $0x1  }
0x298: {  	v8 =	vld.idx.msk [tilespmem:v11+s18+$0x0], $0xffff  }
0x299: {  	v9 =	vld.idx.msk [tilespmem:v12+s13+$0x0], $0xffff;
	_ =	sdelay $0x1  }
0x29a: {  	v10 =	vor.u32 v10, v6;
	_ =	sdelay $0x1  }
0x29b: {  	v11 =	vor.u32 v52, v5  }
0x29c: {  	v12 =	vor.u32 v52, v7;
	v8 =	vadd.f32 v9, v8;
	_ =	sdelay $0x1  }
0x29d: {  	[tilespmem:v10+s21+$0x0] =	vst.idx.msk $0xffff, v8;
	v10 =	vld [tilespmem:$0x1FCB0];
	_ =	sdelay $0x1  }
0x29e: {  	v8 =	vld.idx.msk [tilespmem:v11+s18+$0x0], $0xffff  }
0x29f: {  	v9 =	vld.idx.msk [tilespmem:v12+s13+$0x0], $0xffff;
	_ =	sdelay $0x1  }
0x2a0: {  	v10 =	vor.u32 v10, v6;
	_ =	sdelay $0x1  }
0x2a1: {  	v11 =	vor.u32 v53, v5  }
0x2a2: {  	v12 =	vor.u32 v53, v7;
	v8 =	vadd.f32 v9, v8;
	_ =	sdelay $0x1  }
0x2a3: {  	[tilespmem:v10+s21+$0x0] =	vst.idx.msk $0xffff, v8;
	v10 =	vld [tilespmem:$0x1FCC0];
	_ =	sdelay $0x1  }
0x2a4: {  	v8 =	vld.idx.msk [tilespmem:v11+s18+$0x0], $0xffff  }
0x2a5: {  	v9 =	vld.idx.msk [tilespmem:v12+s13+$0x0], $0xffff;
	_ =	sdelay $0x1  }
0x2a6: {  	v10 =	vor.u32 v10, v6;
	_ =	sdelay $0x1  }
0x2a7: {  	v11 =	vor.u32 v54, v5  }
0x2a8: {  	v12 =	vor.u32 v54, v7;
	v8 =	vadd.f32 v9, v8;
	_ =	sdelay $0x1  }
0x2a9: {  	[tilespmem:v10+s21+$0x0] =	vst.idx.msk $0xffff, v8;
	v10 =	vld [tilespmem:$0x1FCD0];
	_ =	sdelay $0x1  }
0x2aa: {  	v8 =	vld.idx.msk [tilespmem:v11+s18+$0x0], $0xffff  }
0x2ab: {  	v9 =	vld.idx.msk [tilespmem:v12+s13+$0x0], $0xffff;
	_ =	sdelay $0x1  }
0x2ac: {  	v10 =	vor.u32 v10, v6  }
0x2ad: {  	v11 =	vor.u32 v55, v5  }
0x2ae: {  	v12 =	vor.u32 v55, v7  }
0x2af: {  	v8 =	vadd.f32 v9, v8;
	_ =	sdelay $0x1  }
0x2b0: {  	[tilespmem:v10+s21+$0x0] =	vst.idx.msk $0xffff, v8  }
0x2b1: {  	v8 =	vld.idx.msk [tilespmem:v11+s18+$0x0], $0xffff  }
0x2b2: {  	v9 =	vld.idx.msk [tilespmem:v12+s13+$0x0], $0xffff;
	_ =	sdelay $0x1  }
0x2b3: {  	v10 =	vor.u32 v22, v6  }
0x2b4: {  	v11 =	vor.u32 v56, v5  }
0x2b5: {  	v12 =	vor.u32 v56, v7  }
0x2b6: {  	v8 =	vadd.f32 v9, v8;
	_ =	sdelay $0x1  }
0x2b7: {  	[tilespmem:v10+s21+$0x0] =	vst.idx.msk $0xffff, v8  }
0x2b8: {  	v8 =	vld.idx.msk [tilespmem:v11+s18+$0x0], $0xffff  }
0x2b9: {  	v9 =	vld.idx.msk [tilespmem:v12+s13+$0x0], $0xffff;
	_ =	sdelay $0x1  }
0x2ba: {  	v10 =	vor.u32 v23, v6  }
0x2bb: {  	v11 =	vor.u32 v60, v5  }
0x2bc: {  	v12 =	vor.u32 v60, v7  }
0x2bd: {  	v8 =	vadd.f32 v9, v8;
	_ =	sdelay $0x1  }
0x2be: {  	[tilespmem:v10+s21+$0x0] =	vst.idx.msk $0xffff, v8  }
0x2bf: {  	v8 =	vld.idx.msk [tilespmem:v11+s18+$0x0], $0xffff  }
0x2c0: {  	v9 =	vld.idx.msk [tilespmem:v12+s13+$0x0], $0xffff;
	_ =	sdelay $0x1  }
0x2c1: {  	v10 =	vor.u32 v24, v6  }
0x2c2: {  	v11 =	vor.u32 v63, v5  }
0x2c3: {  	v12 =	vor.u32 v63, v7  }
0x2c4: {  	v8 =	vadd.f32 v9, v8;
	_ =	sdelay $0x1  }
0x2c5: {  	[tilespmem:v10+s21+$0x0] =	vst.idx.msk $0xffff, v8  }
0x2c6: {  	v8 =	vld.idx.msk [tilespmem:v11+s18+$0x0], $0xffff  }
0x2c7: {  	v9 =	vld.idx.msk [tilespmem:v12+s13+$0x0], $0xffff;
	_ =	sdelay $0x1  }
0x2c8: {  	v10 =	vor.u32 v25, v6  }
0x2c9: {  	v11 =	vor.u32 v14, v5  }
0x2ca: {  	v12 =	vor.u32 v14, v7  }
0x2cb: {  	v8 =	vadd.f32 v9, v8;
	_ =	sdelay $0x1  }
0x2cc: {  	[tilespmem:v10+s21+$0x0] =	vst.idx.msk $0xffff, v8  }
0x2cd: {  	v8 =	vld.idx.msk [tilespmem:v11+s18+$0x0], $0xffff  }
0x2ce: {  	v9 =	vld.idx.msk [tilespmem:v12+s13+$0x0], $0xffff;
	_ =	sdelay $0x1  }
0x2cf: {  	v10 =	vor.u32 v26, v6  }
0x2d0: {  	v11 =	vor.u32 v17, v5  }
0x2d1: {  	v12 =	vor.u32 v17, v7  }
0x2d2: {  	v8 =	vadd.f32 v9, v8;
	_ =	sdelay $0x1  }
0x2d3: {  	[tilespmem:v10+s21+$0x0] =	vst.idx.msk $0xffff, v8  }
0x2d4: {  	v8 =	vld.idx.msk [tilespmem:v11+s18+$0x0], $0xffff  }
0x2d5: {  	v9 =	vld.idx.msk [tilespmem:v12+s13+$0x0], $0xffff;
	_ =	sdelay $0x1  }
0x2d6: {  	v10 =	vor.u32 v27, v6  }
0x2d7: {  	v11 =	vor.u32 v20, v5  }
0x2d8: {  	v12 =	vor.u32 v20, v7  }
0x2d9: {  	v8 =	vadd.f32 v9, v8;
	_ =	sdelay $0x1  }
0x2da: {  	[tilespmem:v10+s21+$0x0] =	vst.idx.msk $0xffff, v8  }
0x2db: {  	v8 =	vld.idx.msk [tilespmem:v11+s18+$0x0], $0xffff  }
0x2dc: {  	v9 =	vld.idx.msk [tilespmem:v12+s13+$0x0], $0xffff;
	_ =	sdelay $0x1  }
0x2dd: {  	v10 =	vor.u32 v28, v6  }
0x2de: {  	v11 =	vor.u32 v21, v5  }
0x2df: {  	v12 =	vor.u32 v21, v7  }
0x2e0: {  	v8 =	vadd.f32 v9, v8;
	_ =	sdelay $0x1  }
0x2e1: {  	[tilespmem:v10+s21+$0x0] =	vst.idx.msk $0xffff, v8  }
0x2e2: {  	v8 =	vld.idx.msk [tilespmem:v11+s18+$0x0], $0xffff  }
0x2e3: {  	v9 =	vld.idx.msk [tilespmem:v12+s13+$0x0], $0xffff;
	_ =	sdelay $0x1  }
0x2e4: {  	v10 =	vor.u32 v29, v6  }
0x2e5: {  	v11 =	vor.u32 v4, v5  }
0x2e6: {  	v12 =	vor.u32 v4, v7  }
0x2e7: {  	v8 =	vadd.f32 v9, v8;
	_ =	sdelay $0x1  }
0x2e8: {  	[tilespmem:v10+s21+$0x0] =	vst.idx.msk $0xffff, v8  }
0x2e9: {  	v8 =	vld.idx.msk [tilespmem:v11+s18+$0x0], $0xffff  }
0x2ea: {  	v9 =	vld.idx.msk [tilespmem:v12+s13+$0x0], $0xffff;
	_ =	sdelay $0x1  }
0x2eb: {  	v10 =	vor.u32 v30, v6  }
0x2ec: {  	v11 =	vor.u32 v15, v5  }
0x2ed: {  	v12 =	vor.u32 v15, v7  }
0x2ee: {  	v8 =	vadd.f32 v9, v8;
	_ =	sdelay $0x1  }
0x2ef: {  	[tilespmem:v10+s21+$0x0] =	vst.idx.msk $0xffff, v8  }
0x2f0: {  	v8 =	vld.idx.msk [tilespmem:v11+s18+$0x0], $0xffff  }
0x2f1: {  	v9 =	vld.idx.msk [tilespmem:v12+s13+$0x0], $0xffff;
	_ =	sdelay $0x1  }
0x2f2: {  	v10 =	vor.u32 v31, v6  }
0x2f3: {  	v11 =	vor.u32 v18, v5  }
0x2f4: {  	v12 =	vor.u32 v18, v7  }
0x2f5: {  	v8 =	vadd.f32 v9, v8;
	_ =	sdelay $0x1  }
0x2f6: {  	[tilespmem:v10+s21+$0x0] =	vst.idx.msk $0xffff, v8  }
0x2f7: {  	v8 =	vld.idx.msk [tilespmem:v11+s18+$0x0], $0xffff  }
0x2f8: {  	v9 =	vld.idx.msk [tilespmem:v12+s13+$0x0], $0xffff;
	_ =	sdelay $0x1  }
0x2f9: {  	v10 =	vor.u32 v32, v6  }
0x2fa: {  	v11 =	vor.u32 v57, v5  }
0x2fb: {  	v12 =	vor.u32 v57, v7  }
0x2fc: {  	v8 =	vadd.f32 v9, v8;
	_ =	sdelay $0x1  }
0x2fd: {  	[tilespmem:v10+s21+$0x0] =	vst.idx.msk $0xffff, v8  }
0x2fe: {  	v8 =	vld.idx.msk [tilespmem:v11+s18+$0x0], $0xffff  }
0x2ff: {  	v9 =	vld.idx.msk [tilespmem:v12+s13+$0x0], $0xffff;
	_ =	sdelay $0x1  }
0x300: {  	v10 =	vor.u32 v33, v6  }
0x301: {  	v11 =	vor.u32 v58, v5  }
0x302: {  	v12 =	vor.u32 v58, v7  }
0x303: {  	v8 =	vadd.f32 v9, v8;
	_ =	sdelay $0x1  }
0x304: {  	[tilespmem:v10+s21+$0x0] =	vst.idx.msk $0xffff, v8  }
0x305: {  	v8 =	vld.idx.msk [tilespmem:v11+s18+$0x0], $0xffff  }
0x306: {  	v9 =	vld.idx.msk [tilespmem:v12+s13+$0x0], $0xffff;
	_ =	sdelay $0x1  }
0x307: {  	v10 =	vor.u32 v34, v6  }
0x308: {  	v11 =	vor.u32 v59, v5  }
0x309: {  	v12 =	vor.u32 v59, v7  }
0x30a: {  	v8 =	vadd.f32 v9, v8;
	_ =	sdelay $0x1  }
0x30b: {  	[tilespmem:v10+s21+$0x0] =	vst.idx.msk $0xffff, v8  }
0x30c: {  	v8 =	vld.idx.msk [tilespmem:v11+s18+$0x0], $0xffff  }
0x30d: {  	v9 =	vld.idx.msk [tilespmem:v12+s13+$0x0], $0xffff;
	_ =	sdelay $0x1  }
0x30e: {  	v10 =	vor.u32 v35, v6  }
0x30f: {  	v11 =	vor.u32 v61, v5  }
0x310: {  	v12 =	vor.u32 v61, v7  }
0x311: {  	v8 =	vadd.f32 v9, v8;
	_ =	sdelay $0x1  }
0x312: {  	[tilespmem:v10+s21+$0x0] =	vst.idx.msk $0xffff, v8  }
0x313: {  	v8 =	vld.idx.msk [tilespmem:v11+s18+$0x0], $0xffff  }
0x314: {  	v9 =	vld.idx.msk [tilespmem:v12+s13+$0x0], $0xffff;
	_ =	sdelay $0x1  }
0x315: {  	v10 =	vor.u32 v0, v6  }
0x316: {  	v11 =	vor.u32 v62, v5  }
0x317: {  	v12 =	vor.u32 v62, v7  }
0x318: {  	v8 =	vadd.f32 v9, v8;
	_ =	sdelay $0x1  }
0x319: {  	[tilespmem:v10+s21+$0x0] =	vst.idx.msk $0xffff, v8  }
0x31a: {  	v8 =	vld.idx.msk [tilespmem:v11+s18+$0x0], $0xffff  }
0x31b: {  	v9 =	vld.idx.msk [tilespmem:v12+s13+$0x0], $0xffff;
	_ =	sdelay $0x1  }
0x31c: {  	v10 =	vor.u32 v38, v6  }
0x31d: {  	v11 =	vor.u32 v13, v5  }
0x31e: {  	v12 =	vor.u32 v13, v7  }
0x31f: {  	v8 =	vadd.f32 v9, v8;
	_ =	sdelay $0x1  }
0x320: {  	[tilespmem:v10+s21+$0x0] =	vst.idx.msk $0xffff, v8  }
0x321: {  	v8 =	vld.idx.msk [tilespmem:v11+s18+$0x0], $0xffff  }
0x322: {  	v9 =	vld.idx.msk [tilespmem:v12+s13+$0x0], $0xffff;
	_ =	sdelay $0x1  }
0x323: {  	v10 =	vor.u32 v39, v6  }
0x324: {  	v11 =	vor.u32 v16, v5  }
0x325: {  	v12 =	vor.u32 v16, v7  }
0x326: {  	v8 =	vadd.f32 v9, v8;
	_ =	sdelay $0x1  }
0x327: {  	[tilespmem:v10+s21+$0x0] =	vst.idx.msk $0xffff, v8  }
0x328: {  	v8 =	vld.idx.msk [tilespmem:v11+s18+$0x0], $0xffff  }
0x329: {  	v9 =	vld.idx.msk [tilespmem:v12+s13+$0x0], $0xffff;
	_ =	sdelay $0x1  }
0x32a: {  	v10 =	vor.u32 v40, v6  }
0x32b: {  	v11 =	vor.u32 v19, v5  }
0x32c: {  	v12 =	vor.u32 v19, v7  }
0x32d: {  	v8 =	vadd.f32 v9, v8;
	_ =	sdelay $0x1  }
0x32e: {  	[tilespmem:v10+s21+$0x0] =	vst.idx.msk $0xffff, v8  }
0x32f: {  	v8 =	vld.idx.msk [tilespmem:v11+s18+$0x0], $0xffff  }
0x330: {  	v9 =	vld.idx.msk [tilespmem:v12+s13+$0x0], $0xffff;
	_ =	sdelay $0x1  }
0x331: {  	v10 =	vor.u32 v41, v6  }
0x332: {  	v11 =	vor.u32 v1, v5  }
0x333: {  	v12 =	vor.u32 v1, v7  }
0x334: {  	v8 =	vadd.f32 v9, v8;
	_ =	sdelay $0x1  }
0x335: {  	[tilespmem:v10+s21+$0x0] =	vst.idx.msk $0xffff, v8  }
0x336: {  	v8 =	vld.idx.msk [tilespmem:v11+s18+$0x0], $0xffff  }
0x337: {  	v9 =	vld.idx.msk [tilespmem:v12+s13+$0x0], $0xffff;
	_ =	sdelay $0x1  }
0x338: {  	v10 =	vor.u32 v42, v6  }
0x339: {  	v11 =	vor.u32 v2, v5  }
0x33a: {  	v12 =	vor.u32 v2, v7  }
0x33b: {  	v8 =	vadd.f32 v9, v8;
	_ =	sdelay $0x1  }
0x33c: {  	[tilespmem:v10+s21+$0x0] =	vst.idx.msk $0xffff, v8  }
0x33d: {  	v8 =	vld.idx.msk [tilespmem:v11+s18+$0x0], $0xffff  }
0x33e: {  	v9 =	vld.idx.msk [tilespmem:v12+s13+$0x0], $0xffff;
	_ =	sdelay $0x1  }
0x33f: {  	v10 =	vor.u32 v43, v6  }
0x340: {  	v11 =	vor.u32 v3, v5  }
0x341: {  	v12 =	vor.u32 v3, v7  }
0x342: {  	v8 =	vadd.f32 v9, v8;
	_ =	sdelay $0x1  }
0x343: {  	[tilespmem:v10+s21+$0x0] =	vst.idx.msk $0xffff, v8  }
0x344: {  	v8 =	vld.idx.msk [tilespmem:v11+s18+$0x0], $0xffff  }
0x345: {  	v9 =	vld.idx.msk [tilespmem:v12+s13+$0x0], $0xffff;
	_ =	sdelay $0x1  }
0x346: {  	v10 =	vor.u32 v44, v6  }
0x347: {  	v5 =	vor.u32 v37, v5  }
0x348: {  	v7 =	vor.u32 v37, v7  }
0x349: {  	v8 =	vadd.f32 v9, v8;
	_ =	sdelay $0x1  }
0x34a: {  	[tilespmem:v10+s21+$0x0] =	vst.idx.msk $0xffff, v8  }
0x34b: {  	v5 =	vld.idx.msk [tilespmem:v5+s18+$0x0], $0xffff  }
0x34c: {  	v7 =	vld.idx.msk [tilespmem:v7+s13+$0x0], $0xffff;
	_ =	sdelay $0x1  }
0x34d: {  	p0 =	sne.s32 s0, $0x70;
	v6 =	vor.u32 v45, v6  }
.Ltmp4:
0x34e: {  	_ = 	snop;
	(pc) =	sbr.rel @p0 .LBB2_11-.Ltmp4, $3  }
0x34f: {  	_ = 	snop  }
0x350: {  	v5 =	vadd.f32 v7, v5;
	_ =	sdelay $0x1  }
0x351: {  	s2 =	sadd.s32 $0x10, s2;
	s0 =	sadd.s32 $0x10, s0;
	[tilespmem:v6+s21+$0x0] =	vst.idx.msk $0xffff, v5  }
0x352: {  	s0 =	sshll.u32 s30, $0x12;
	s30 =	sadd.s32 $0x1, s30  }
0x353: {  	p0 =	sne.s32 s30, $0x64  }
.Ltmp5:
0x354: {  	_ = 	snop;
	(pc) =	sbr.rel @p0 .LBB2_2-.Ltmp5, $4  }
0x355: {  	s0 =	sor.u32 s4, s0  }
0x356: {  	s0 =	sshrl.u32 s0, $0x3  }
0x357: {  	s17 =	sadd.s32 $0x100, s17;
	s28 =	sadd.s32 $0x100, s28;
	s0 =	sadd.s32 s7, s0  }
0x358: {  	[hbm4b:s0+s15] =	stream.strided.scatter [tilespmem:s21], [sflag:$0x3], $0x1000, s16, s15, $0x38;
	[tilespmem:$0x1E900] =	vst v63  }
0x359: {  	_ =	swait.ge [sflag:s22], $0x1000  }
0x35a: {  	[sflag:s22] =	ssyncset.done $0x0  }
0x35b: {  	[sflag:s22] =	ssyncadd.s32 $0xFFFFF000  }
0x35c: {  	_ =	swait.ge [sflag:s22], $0x1000  }
0x35d: {  	v22 =	vld [tilespmem:$0x1FCE0]  }
0x35e: {  	v23 =	vld [tilespmem:$0x1FCF0]  }
0x35f: {  	v24 =	vld [tilespmem:$0x1FD00]  }
0x360: {  	v25 =	vld [tilespmem:$0x1FD10]  }
0x361: {  	v26 =	vld [tilespmem:$0x1FD20]  }
0x362: {  	v27 =	vld [tilespmem:$0x1FD30]  }
0x363: {  	v28 =	vld [tilespmem:$0x1FD40]  }
0x364: {  	v29 =	vld [tilespmem:$0x1FD50]  }
0x365: {  	v30 =	vld [tilespmem:$0x1FD60]  }
0x366: {  	v31 =	vld [tilespmem:$0x1FD70]  }
0x367: {  	v32 =	vld [tilespmem:$0x1FD80]  }
0x368: {  	v33 =	vld [tilespmem:$0x1FD90]  }
0x369: {  	v34 =	vld [tilespmem:$0x1FDA0]  }
0x36a: {  	v35 =	vld [tilespmem:$0x1FDB0]  }
0x36b: {  	v0 =	vld [tilespmem:$0x1FDC0]  }
0x36c: {  	v1 =	vld [tilespmem:$0x1FC10]  }
0x36d: {  	v2 =	vld [tilespmem:$0x1FC20]  }
0x36e: {  	v3 =	vld [tilespmem:$0x1FC30]  }
0x36f: {  	v37 =	vld [tilespmem:$0x1FC40]  }
0x370: {  	v38 =	vld [tilespmem:$0x1FDD0]  }
0x371: {  	v39 =	vld [tilespmem:$0x1FDE0]  }
0x372: {  	v40 =	vld [tilespmem:$0x1FDF0]  }
0x373: {  	v41 =	vld [tilespmem:$0x1FE00]  }
0x374: {  	v42 =	vld [tilespmem:$0x1FE10]  }
0x375: {  	v43 =	vld [tilespmem:$0x1FE20]  }
0x376: {  	v44 =	vld [tilespmem:$0x1FE30]  }
0x377: {  	v45 =	vld [tilespmem:$0x1FE40]  }
0x378: {  	v47 =	vld [tilespmem:$0x1FE50]  }
0x379: {  	v48 =	vld [tilespmem:$0x1FE60]  }
0x37a: {  	v49 =	vld [tilespmem:$0x1FE70]  }
0x37b: {  	v50 =	vld [tilespmem:$0x1FE80]  }
0x37c: {  	v51 =	vld [tilespmem:$0x1FE90]  }
0x37d: {  	v52 =	vld [tilespmem:$0x1FEA0]  }
0x37e: {  	v53 =	vld [tilespmem:$0x1FEB0]  }
0x37f: {  	v54 =	vld [tilespmem:$0x1FEC0]  }
0x380: {  	v55 =	vld [tilespmem:$0x1FED0]  }
0x381: {  	v56 =	vld [tilespmem:$0x1FEE0]  }
0x382: {  	v57 =	vld [tilespmem:$0x1FEF0]  }
0x383: {  	v58 =	vld [tilespmem:$0x1FF00]  }
0x384: {  	v59 =	vld [tilespmem:$0x1FF10]  }
0x385: {  	v60 =	vld [tilespmem:$0x1FF20]  }
0x386: {  	v61 =	vld [tilespmem:$0x1FF30]  }
0x387: {  	v62 =	vld [tilespmem:$0x1FF40]  }
0x388: {  	v63 =	vld [tilespmem:$0x1FF50]  }
0x389: {  	v4 =	vld [tilespmem:$0x1FF60]  }
0x38a: {  	v13 =	vld [tilespmem:$0x1FF70]  }
0x38b: {  	v14 =	vld [tilespmem:$0x1FF80]  }
0x38c: {  	v15 =	vld [tilespmem:$0x1FF90]  }
0x38d: {  	v16 =	vld [tilespmem:$0x1FFA0]  }
0x38e: {  	v17 =	vld [tilespmem:$0x1FFB0]  }
0x38f: {  	v18 =	vld [tilespmem:$0x1FFC0]  }
0x390: {  	v19 =	vld [tilespmem:$0x1FFD0]  }
0x391: {  	[sflag:s22] =	ssyncset.done $0x0;
	v20 =	vld [tilespmem:$0x1FFE0]  }
0x392: {  	s0 =	simm.s32 $0x0;
	s2 =	simm.s32 $0x12B80;
	v46 =	vlaneseq.u32;
	v21 =	vld [tilespmem:$0x1FFF0];
	[sflag:s22] =	ssyncadd.s32 $0xFFFFF000  }
.LBB2_14:
0x393: {  	v6 =	vld [tilespmem:s2+$0x0];
	_ =	sdelay $0x4  }
0x394: {  	v7 =	vshll.u32 v6, $0x5  }
0x395: {  	v6 =	vor.u32 v46, v7;
	_ =	sdelay $0x1  }
0x396: {  	v8 =	vor.u32 s0, v46  }
0x397: {  	v5 =	vshll.u32 v8, $0x5  }
0x398: {  	v9 =	vor.u32 v46, v5  }
0x399: {  	v10 =	vld.idx.msk [tilespmem:v6+s13+$0x0], $0xffff  }
0x39a: {  	v6 =	vand.u32 $0x78, v8;
	v8 =	vld [tilespmem:$0x1FC50];
	_ =	sdelay $0x2  }
0x39b: {  	v9 =	vld.idx.msk [tilespmem:v9+s19+$0x0], $0xffff;
	_ =	sdelay $0x1  }
0x39c: {  	v8 =	vor.u32 v8, v6  }
0x39d: {  	v11 =	vor.u32 v47, v5  }
0x39e: {  	v12 =	vor.u32 v47, v7  }
0x39f: {  	v9 =	vadd.f32 v10, v9  }
0x3a0: {  	v10 =	vld [tilespmem:$0x1FC60]  }
0x3a1: {  	[tilespmem:v8+s23+$0x0] =	vst.idx.msk $0xffff, v9  }
0x3a2: {  	v8 =	vld.idx.msk [tilespmem:v11+s19+$0x0], $0xffff  }
0x3a3: {  	v9 =	vld.idx.msk [tilespmem:v12+s13+$0x0], $0xffff;
	_ =	sdelay $0x1  }
0x3a4: {  	v10 =	vor.u32 v10, v6;
	_ =	sdelay $0x1  }
0x3a5: {  	v11 =	vor.u32 v48, v5  }
0x3a6: {  	v12 =	vor.u32 v48, v7;
	v8 =	vadd.f32 v9, v8;
	_ =	sdelay $0x1  }
0x3a7: {  	[tilespmem:v10+s23+$0x0] =	vst.idx.msk $0xffff, v8;
	v10 =	vld [tilespmem:$0x1FC70];
	_ =	sdelay $0x1  }
0x3a8: {  	v8 =	vld.idx.msk [tilespmem:v11+s19+$0x0], $0xffff  }
0x3a9: {  	v9 =	vld.idx.msk [tilespmem:v12+s13+$0x0], $0xffff;
	_ =	sdelay $0x1  }
0x3aa: {  	v10 =	vor.u32 v10, v6;
	_ =	sdelay $0x1  }
0x3ab: {  	v11 =	vor.u32 v49, v5  }
0x3ac: {  	v12 =	vor.u32 v49, v7;
	v8 =	vadd.f32 v9, v8;
	_ =	sdelay $0x1  }
0x3ad: {  	[tilespmem:v10+s23+$0x0] =	vst.idx.msk $0xffff, v8;
	v10 =	vld [tilespmem:$0x1FC80];
	_ =	sdelay $0x1  }
0x3ae: {  	v8 =	vld.idx.msk [tilespmem:v11+s19+$0x0], $0xffff  }
0x3af: {  	v9 =	vld.idx.msk [tilespmem:v12+s13+$0x0], $0xffff;
	_ =	sdelay $0x1  }
0x3b0: {  	v10 =	vor.u32 v10, v6;
	_ =	sdelay $0x1  }
0x3b1: {  	v11 =	vor.u32 v50, v5  }
0x3b2: {  	v12 =	vor.u32 v50, v7;
	v8 =	vadd.f32 v9, v8;
	_ =	sdelay $0x1  }
0x3b3: {  	[tilespmem:v10+s23+$0x0] =	vst.idx.msk $0xffff, v8;
	v10 =	vld [tilespmem:$0x1FC90];
	_ =	sdelay $0x1  }
0x3b4: {  	v8 =	vld.idx.msk [tilespmem:v11+s19+$0x0], $0xffff  }
0x3b5: {  	v9 =	vld.idx.msk [tilespmem:v12+s13+$0x0], $0xffff;
	_ =	sdelay $0x1  }
0x3b6: {  	v10 =	vor.u32 v10, v6;
	_ =	sdelay $0x1  }
0x3b7: {  	v11 =	vor.u32 v51, v5  }
0x3b8: {  	v12 =	vor.u32 v51, v7;
	v8 =	vadd.f32 v9, v8;
	_ =	sdelay $0x1  }
0x3b9: {  	[tilespmem:v10+s23+$0x0] =	vst.idx.msk $0xffff, v8;
	v10 =	vld [tilespmem:$0x1FCA0];
	_ =	sdelay $0x1  }
0x3ba: {  	v8 =	vld.idx.msk [tilespmem:v11+s19+$0x0], $0xffff  }
0x3bb: {  	v9 =	vld.idx.msk [tilespmem:v12+s13+$0x0], $0xffff;
	_ =	sdelay $0x1  }
0x3bc: {  	v10 =	vor.u32 v10, v6;
	_ =	sdelay $0x1  }
0x3bd: {  	v11 =	vor.u32 v52, v5  }
0x3be: {  	v12 =	vor.u32 v52, v7;
	v8 =	vadd.f32 v9, v8;
	_ =	sdelay $0x1  }
0x3bf: {  	[tilespmem:v10+s23+$0x0] =	vst.idx.msk $0xffff, v8;
	v10 =	vld [tilespmem:$0x1FCB0];
	_ =	sdelay $0x1  }
0x3c0: {  	v8 =	vld.idx.msk [tilespmem:v11+s19+$0x0], $0xffff  }
0x3c1: {  	v9 =	vld.idx.msk [tilespmem:v12+s13+$0x0], $0xffff;
	_ =	sdelay $0x1  }
0x3c2: {  	v10 =	vor.u32 v10, v6;
	_ =	sdelay $0x1  }
0x3c3: {  	v11 =	vor.u32 v53, v5  }
0x3c4: {  	v12 =	vor.u32 v53, v7;
	v8 =	vadd.f32 v9, v8;
	_ =	sdelay $0x1  }
0x3c5: {  	[tilespmem:v10+s23+$0x0] =	vst.idx.msk $0xffff, v8;
	v10 =	vld [tilespmem:$0x1FCC0];
	_ =	sdelay $0x1  }
0x3c6: {  	v8 =	vld.idx.msk [tilespmem:v11+s19+$0x0], $0xffff  }
0x3c7: {  	v9 =	vld.idx.msk [tilespmem:v12+s13+$0x0], $0xffff;
	_ =	sdelay $0x1  }
0x3c8: {  	v10 =	vor.u32 v10, v6;
	_ =	sdelay $0x1  }
0x3c9: {  	v11 =	vor.u32 v54, v5  }
0x3ca: {  	v12 =	vor.u32 v54, v7;
	v8 =	vadd.f32 v9, v8;
	_ =	sdelay $0x1  }
0x3cb: {  	[tilespmem:v10+s23+$0x0] =	vst.idx.msk $0xffff, v8;
	v10 =	vld [tilespmem:$0x1FCD0];
	_ =	sdelay $0x1  }
0x3cc: {  	v8 =	vld.idx.msk [tilespmem:v11+s19+$0x0], $0xffff  }
0x3cd: {  	v9 =	vld.idx.msk [tilespmem:v12+s13+$0x0], $0xffff;
	_ =	sdelay $0x1  }
0x3ce: {  	v10 =	vor.u32 v10, v6  }
0x3cf: {  	v11 =	vor.u32 v55, v5  }
0x3d0: {  	v12 =	vor.u32 v55, v7  }
0x3d1: {  	v8 =	vadd.f32 v9, v8;
	_ =	sdelay $0x1  }
0x3d2: {  	[tilespmem:v10+s23+$0x0] =	vst.idx.msk $0xffff, v8  }
0x3d3: {  	v8 =	vld.idx.msk [tilespmem:v11+s19+$0x0], $0xffff  }
0x3d4: {  	v9 =	vld.idx.msk [tilespmem:v12+s13+$0x0], $0xffff;
	_ =	sdelay $0x1  }
0x3d5: {  	v10 =	vor.u32 v22, v6  }
0x3d6: {  	v11 =	vor.u32 v56, v5  }
0x3d7: {  	v12 =	vor.u32 v56, v7  }
0x3d8: {  	v8 =	vadd.f32 v9, v8;
	_ =	sdelay $0x1  }
0x3d9: {  	[tilespmem:v10+s23+$0x0] =	vst.idx.msk $0xffff, v8  }
0x3da: {  	v8 =	vld.idx.msk [tilespmem:v11+s19+$0x0], $0xffff  }
0x3db: {  	v9 =	vld.idx.msk [tilespmem:v12+s13+$0x0], $0xffff;
	_ =	sdelay $0x1  }
0x3dc: {  	v10 =	vor.u32 v23, v6  }
0x3dd: {  	v11 =	vor.u32 v60, v5  }
0x3de: {  	v12 =	vor.u32 v60, v7  }
0x3df: {  	v8 =	vadd.f32 v9, v8;
	_ =	sdelay $0x1  }
0x3e0: {  	[tilespmem:v10+s23+$0x0] =	vst.idx.msk $0xffff, v8  }
0x3e1: {  	v8 =	vld.idx.msk [tilespmem:v11+s19+$0x0], $0xffff  }
0x3e2: {  	v9 =	vld.idx.msk [tilespmem:v12+s13+$0x0], $0xffff;
	_ =	sdelay $0x1  }
0x3e3: {  	v10 =	vor.u32 v24, v6  }
0x3e4: {  	v11 =	vor.u32 v63, v5  }
0x3e5: {  	v12 =	vor.u32 v63, v7  }
0x3e6: {  	v8 =	vadd.f32 v9, v8;
	_ =	sdelay $0x1  }
0x3e7: {  	[tilespmem:v10+s23+$0x0] =	vst.idx.msk $0xffff, v8  }
0x3e8: {  	v8 =	vld.idx.msk [tilespmem:v11+s19+$0x0], $0xffff  }
0x3e9: {  	v9 =	vld.idx.msk [tilespmem:v12+s13+$0x0], $0xffff;
	_ =	sdelay $0x1  }
0x3ea: {  	v10 =	vor.u32 v25, v6  }
0x3eb: {  	v11 =	vor.u32 v14, v5  }
0x3ec: {  	v12 =	vor.u32 v14, v7  }
0x3ed: {  	v8 =	vadd.f32 v9, v8;
	_ =	sdelay $0x1  }
0x3ee: {  	[tilespmem:v10+s23+$0x0] =	vst.idx.msk $0xffff, v8  }
0x3ef: {  	v8 =	vld.idx.msk [tilespmem:v11+s19+$0x0], $0xffff  }
0x3f0: {  	v9 =	vld.idx.msk [tilespmem:v12+s13+$0x0], $0xffff;
	_ =	sdelay $0x1  }
0x3f1: {  	v10 =	vor.u32 v26, v6  }
0x3f2: {  	v11 =	vor.u32 v17, v5  }
0x3f3: {  	v12 =	vor.u32 v17, v7  }
0x3f4: {  	v8 =	vadd.f32 v9, v8;
	_ =	sdelay $0x1  }
0x3f5: {  	[tilespmem:v10+s23+$0x0] =	vst.idx.msk $0xffff, v8  }
0x3f6: {  	v8 =	vld.idx.msk [tilespmem:v11+s19+$0x0], $0xffff  }
0x3f7: {  	v9 =	vld.idx.msk [tilespmem:v12+s13+$0x0], $0xffff;
	_ =	sdelay $0x1  }
0x3f8: {  	v10 =	vor.u32 v27, v6  }
0x3f9: {  	v11 =	vor.u32 v20, v5  }
0x3fa: {  	v12 =	vor.u32 v20, v7  }
0x3fb: {  	v8 =	vadd.f32 v9, v8;
	_ =	sdelay $0x1  }
0x3fc: {  	[tilespmem:v10+s23+$0x0] =	vst.idx.msk $0xffff, v8  }
0x3fd: {  	v8 =	vld.idx.msk [tilespmem:v11+s19+$0x0], $0xffff  }
0x3fe: {  	v9 =	vld.idx.msk [tilespmem:v12+s13+$0x0], $0xffff;
	_ =	sdelay $0x1  }
0x3ff: {  	v10 =	vor.u32 v28, v6  }
0x400: {  	v11 =	vor.u32 v21, v5  }
0x401: {  	v12 =	vor.u32 v21, v7  }
0x402: {  	v8 =	vadd.f32 v9, v8;
	_ =	sdelay $0x1  }
0x403: {  	[tilespmem:v10+s23+$0x0] =	vst.idx.msk $0xffff, v8  }
0x404: {  	v8 =	vld.idx.msk [tilespmem:v11+s19+$0x0], $0xffff  }
0x405: {  	v9 =	vld.idx.msk [tilespmem:v12+s13+$0x0], $0xffff;
	_ =	sdelay $0x1  }
0x406: {  	v10 =	vor.u32 v29, v6  }
0x407: {  	v11 =	vor.u32 v4, v5  }
0x408: {  	v12 =	vor.u32 v4, v7  }
0x409: {  	v8 =	vadd.f32 v9, v8;
	_ =	sdelay $0x1  }
0x40a: {  	[tilespmem:v10+s23+$0x0] =	vst.idx.msk $0xffff, v8  }
0x40b: {  	v8 =	vld.idx.msk [tilespmem:v11+s19+$0x0], $0xffff  }
0x40c: {  	v9 =	vld.idx.msk [tilespmem:v12+s13+$0x0], $0xffff;
	_ =	sdelay $0x1  }
0x40d: {  	v10 =	vor.u32 v30, v6  }
0x40e: {  	v11 =	vor.u32 v15, v5  }
0x40f: {  	v12 =	vor.u32 v15, v7  }
0x410: {  	v8 =	vadd.f32 v9, v8;
	_ =	sdelay $0x1  }
0x411: {  	[tilespmem:v10+s23+$0x0] =	vst.idx.msk $0xffff, v8  }
0x412: {  	v8 =	vld.idx.msk [tilespmem:v11+s19+$0x0], $0xffff  }
0x413: {  	v9 =	vld.idx.msk [tilespmem:v12+s13+$0x0], $0xffff;
	_ =	sdelay $0x1  }
0x414: {  	v10 =	vor.u32 v31, v6  }
0x415: {  	v11 =	vor.u32 v18, v5  }
0x416: {  	v12 =	vor.u32 v18, v7  }
0x417: {  	v8 =	vadd.f32 v9, v8;
	_ =	sdelay $0x1  }
0x418: {  	[tilespmem:v10+s23+$0x0] =	vst.idx.msk $0xffff, v8  }
0x419: {  	v8 =	vld.idx.msk [tilespmem:v11+s19+$0x0], $0xffff  }
0x41a: {  	v9 =	vld.idx.msk [tilespmem:v12+s13+$0x0], $0xffff;
	_ =	sdelay $0x1  }
0x41b: {  	v10 =	vor.u32 v32, v6  }
0x41c: {  	v11 =	vor.u32 v57, v5  }
0x41d: {  	v12 =	vor.u32 v57, v7  }
0x41e: {  	v8 =	vadd.f32 v9, v8;
	_ =	sdelay $0x1  }
0x41f: {  	[tilespmem:v10+s23+$0x0] =	vst.idx.msk $0xffff, v8  }
0x420: {  	v8 =	vld.idx.msk [tilespmem:v11+s19+$0x0], $0xffff  }
0x421: {  	v9 =	vld.idx.msk [tilespmem:v12+s13+$0x0], $0xffff;
	_ =	sdelay $0x1  }
0x422: {  	v10 =	vor.u32 v33, v6  }
0x423: {  	v11 =	vor.u32 v58, v5  }
0x424: {  	v12 =	vor.u32 v58, v7  }
0x425: {  	v8 =	vadd.f32 v9, v8;
	_ =	sdelay $0x1  }
0x426: {  	[tilespmem:v10+s23+$0x0] =	vst.idx.msk $0xffff, v8  }
0x427: {  	v8 =	vld.idx.msk [tilespmem:v11+s19+$0x0], $0xffff  }
0x428: {  	v9 =	vld.idx.msk [tilespmem:v12+s13+$0x0], $0xffff;
	_ =	sdelay $0x1  }
0x429: {  	v10 =	vor.u32 v34, v6  }
0x42a: {  	v11 =	vor.u32 v59, v5  }
0x42b: {  	v12 =	vor.u32 v59, v7  }
0x42c: {  	v8 =	vadd.f32 v9, v8;
	_ =	sdelay $0x1  }
0x42d: {  	[tilespmem:v10+s23+$0x0] =	vst.idx.msk $0xffff, v8  }
0x42e: {  	v8 =	vld.idx.msk [tilespmem:v11+s19+$0x0], $0xffff  }
0x42f: {  	v9 =	vld.idx.msk [tilespmem:v12+s13+$0x0], $0xffff;
	_ =	sdelay $0x1  }
0x430: {  	v10 =	vor.u32 v35, v6  }
0x431: {  	v11 =	vor.u32 v61, v5  }
0x432: {  	v12 =	vor.u32 v61, v7  }
0x433: {  	v8 =	vadd.f32 v9, v8;
	_ =	sdelay $0x1  }
0x434: {  	[tilespmem:v10+s23+$0x0] =	vst.idx.msk $0xffff, v8  }
0x435: {  	v8 =	vld.idx.msk [tilespmem:v11+s19+$0x0], $0xffff  }
0x436: {  	v9 =	vld.idx.msk [tilespmem:v12+s13+$0x0], $0xffff;
	_ =	sdelay $0x1  }
0x437: {  	v10 =	vor.u32 v0, v6  }
0x438: {  	v11 =	vor.u32 v62, v5  }
0x439: {  	v12 =	vor.u32 v62, v7  }
0x43a: {  	v8 =	vadd.f32 v9, v8;
	_ =	sdelay $0x1  }
0x43b: {  	[tilespmem:v10+s23+$0x0] =	vst.idx.msk $0xffff, v8  }
0x43c: {  	v8 =	vld.idx.msk [tilespmem:v11+s19+$0x0], $0xffff  }
0x43d: {  	v9 =	vld.idx.msk [tilespmem:v12+s13+$0x0], $0xffff;
	_ =	sdelay $0x1  }
0x43e: {  	v10 =	vor.u32 v38, v6  }
0x43f: {  	v11 =	vor.u32 v13, v5  }
0x440: {  	v12 =	vor.u32 v13, v7  }
0x441: {  	v8 =	vadd.f32 v9, v8;
	_ =	sdelay $0x1  }
0x442: {  	[tilespmem:v10+s23+$0x0] =	vst.idx.msk $0xffff, v8  }
0x443: {  	v8 =	vld.idx.msk [tilespmem:v11+s19+$0x0], $0xffff  }
0x444: {  	v9 =	vld.idx.msk [tilespmem:v12+s13+$0x0], $0xffff;
	_ =	sdelay $0x1  }
0x445: {  	v10 =	vor.u32 v39, v6  }
0x446: {  	v11 =	vor.u32 v16, v5  }
0x447: {  	v12 =	vor.u32 v16, v7  }
0x448: {  	v8 =	vadd.f32 v9, v8;
	_ =	sdelay $0x1  }
0x449: {  	[tilespmem:v10+s23+$0x0] =	vst.idx.msk $0xffff, v8  }
0x44a: {  	v8 =	vld.idx.msk [tilespmem:v11+s19+$0x0], $0xffff  }
0x44b: {  	v9 =	vld.idx.msk [tilespmem:v12+s13+$0x0], $0xffff;
	_ =	sdelay $0x1  }
0x44c: {  	v10 =	vor.u32 v40, v6  }
0x44d: {  	v11 =	vor.u32 v19, v5  }
0x44e: {  	v12 =	vor.u32 v19, v7  }
0x44f: {  	v8 =	vadd.f32 v9, v8;
	_ =	sdelay $0x1  }
0x450: {  	[tilespmem:v10+s23+$0x0] =	vst.idx.msk $0xffff, v8  }
0x451: {  	v8 =	vld.idx.msk [tilespmem:v11+s19+$0x0], $0xffff  }
0x452: {  	v9 =	vld.idx.msk [tilespmem:v12+s13+$0x0], $0xffff;
	_ =	sdelay $0x1  }
0x453: {  	v10 =	vor.u32 v41, v6  }
0x454: {  	v11 =	vor.u32 v1, v5  }
0x455: {  	v12 =	vor.u32 v1, v7  }
0x456: {  	v8 =	vadd.f32 v9, v8;
	_ =	sdelay $0x1  }
0x457: {  	[tilespmem:v10+s23+$0x0] =	vst.idx.msk $0xffff, v8  }
0x458: {  	v8 =	vld.idx.msk [tilespmem:v11+s19+$0x0], $0xffff  }
0x459: {  	v9 =	vld.idx.msk [tilespmem:v12+s13+$0x0], $0xffff;
	_ =	sdelay $0x1  }
0x45a: {  	v10 =	vor.u32 v42, v6  }
0x45b: {  	v11 =	vor.u32 v2, v5  }
0x45c: {  	v12 =	vor.u32 v2, v7  }
0x45d: {  	v8 =	vadd.f32 v9, v8;
	_ =	sdelay $0x1  }
0x45e: {  	[tilespmem:v10+s23+$0x0] =	vst.idx.msk $0xffff, v8  }
0x45f: {  	v8 =	vld.idx.msk [tilespmem:v11+s19+$0x0], $0xffff  }
0x460: {  	v9 =	vld.idx.msk [tilespmem:v12+s13+$0x0], $0xffff;
	_ =	sdelay $0x1  }
0x461: {  	v10 =	vor.u32 v43, v6  }
0x462: {  	v11 =	vor.u32 v3, v5  }
0x463: {  	v12 =	vor.u32 v3, v7  }
0x464: {  	v8 =	vadd.f32 v9, v8;
	_ =	sdelay $0x1  }
0x465: {  	[tilespmem:v10+s23+$0x0] =	vst.idx.msk $0xffff, v8  }
0x466: {  	v8 =	vld.idx.msk [tilespmem:v11+s19+$0x0], $0xffff  }
0x467: {  	v9 =	vld.idx.msk [tilespmem:v12+s13+$0x0], $0xffff;
	_ =	sdelay $0x1  }
0x468: {  	v10 =	vor.u32 v44, v6  }
0x469: {  	v5 =	vor.u32 v37, v5  }
0x46a: {  	v7 =	vor.u32 v37, v7  }
0x46b: {  	v8 =	vadd.f32 v9, v8;
	_ =	sdelay $0x1  }
0x46c: {  	[tilespmem:v10+s23+$0x0] =	vst.idx.msk $0xffff, v8  }
0x46d: {  	v5 =	vld.idx.msk [tilespmem:v5+s19+$0x0], $0xffff  }
0x46e: {  	v7 =	vld.idx.msk [tilespmem:v7+s13+$0x0], $0xffff;
	_ =	sdelay $0x1  }
0x46f: {  	p0 =	sne.s32 s0, $0x70;
	v6 =	vor.u32 v45, v6  }
.Ltmp6:
0x470: {  	_ = 	snop;
	(pc) =	sbr.rel @p0 .LBB2_14-.Ltmp6, $3  }
0x471: {  	_ = 	snop  }
0x472: {  	v5 =	vadd.f32 v7, v5;
	_ =	sdelay $0x1  }
0x473: {  	s2 =	sadd.s32 $0x10, s2;
	s0 =	sadd.s32 $0x10, s0;
	[tilespmem:v6+s23+$0x0] =	vst.idx.msk $0xffff, v5  }
0x474: {  	[hbm4b:s11+s15] =	stream.strided.scatter [tilespmem:s23], [sflag:$0x4], $0x1000, s16, s15, $0x38;
	[tilespmem:$0x1E900] =	vst v63  }
0x475: {  	s26 =	sadd.s32 $0x1, s26  }
0x476: {  	_ =	swait.ge [sflag:s24], $0x1000;
	p0 =	sne.s32 s26, s12  }
.Ltmp7:
0x477: {  	[sflag:s24] =	ssyncset.done $0x0;
	(pc) =	sbr.rel @p0 .LBB2_1-.Ltmp7, $4  }
0x478: {  	[sflag:s24] =	ssyncadd.s32 $0xFFFFF000  }
0x479: {  	_ =	swait.ge [sflag:s25], $0x1000  }
0x47a: {  	[sflag:s25] =	ssyncset.done $0x0  }
0x47b: {  	[sflag:s25] =	ssyncadd.s32 $0xFFFFF000  }
0x47c: {  	_ =	sfence.sel $0x180000  }
0x47d: {  	[bflag:$0x0] =	sbarrier.arrive $0xFFFF  }
0x47e: {  	_ =	strace $0x90000047  }
0x47f: {  	s0 =	stileid.u32;
	[bflag:$0x2] =	sbarrier.arrive $0xFFFF  }
0x480: {  	p0 =	sne.s32 s0, $0x0;
	s0 =	rddreg [dreg:$0x2]  }
0x481: {  	s0 =	sadd.s32 @!p0 $0x100000, s0  }
0x482: {  	[sflag:s0] =	ssyncadd.tile.s32 @!p0 $0x1;
	_ =	shalt  }
.Lfunc_end2:
_tile_overlayer_lowered:
.L_overlay_start_2:
0x483: {  	(tag) =	ssettag $0x2  }
0x484: {  	s0 =	rddreg [dreg:$0x0];
	s2 =	stileid.u32  }
0x485: {  	s1 =	rddreg [dreg:$0x1];
	p0 =	sne.s32 s2, $0x0  }
0x486: {  	s3 =	rddreg [dreg:$0x2];
	[bflag:$0x3] =	sbarrier.arrive $0xFFFF;
	s2 =	simm.s32 @!p0 $0x1C05  }
0x487: {  	[timem:s3], [sflag:s2] =	dma.local @!p0 [hbm:s0], s1  }
0x488: {  	s0 =	simm.s32 @!p0 $0x5  }
0x489: {  	_ =	swait.ge @!p0 [sflag:s0], s1  }
0x48a: {  	s1 =	ssub.s32 @!p0 $0x0, s1;
	[sflag:s0] =	ssyncset.done @!p0 $0x0  }
0x48b: {  	[sflag:s0] =	ssyncadd.s32 @!p0 s1  }
0x48c: {  	[bflag:$0x3] =	sbarrier.arrive $0xFFFF  }
0x48d: {  	_ =	shalt  }

</sc_bundles>
